<compile_context>
chip_gen: v7x
topology: tpu7x:2x2x1
jax: 0.10.2.dev20260603
libtpu: 0.0.44.dev20260713+nightly
codegen_flags: <defaults>
</compile_context>

<pallas_src>
import functools

import jax
import jax.numpy as jnp
from jax import lax
from jax.experimental import pallas as pl
from jax.experimental.pallas import tpu as pltpu
from jax.experimental.pallas import tpu_sc as plsc

LANES = 16
BLK = 64
HALF = 32
SUP = 40
NC, NS = 2, 16
NW = NC * NS


def _mm_body(h_ref, wl_ref, bl_ref, wh_ref, bth_ref, h3_ref, p_ref):
    hb = h_ref[...]
    h3_ref[...] = jnp.dot(hb, wl_ref[...],
                          preferred_element_type=jnp.float32) + bl_ref[...]
    p_ref[...] = (jnp.dot(hb, wh_ref[...],
                          preferred_element_type=jnp.float32)
                  + bth_ref[...]).astype(jnp.bfloat16)


def _combine_body(n, h3_ref, parts_ref, eps_ref, out_ref):
    scale = 1.0 + eps_ref[0]
    sl = pl.ds(0, n)
    out_ref[...] = h3_ref[...] + scale * (parts_ref[0, sl] + parts_ref[1, sl])


def _make_sc_kernel(n_nodes, d, n_blocks_per_worker, n_acc_rows, zrows):
    mesh = plsc.VectorSubcoreMesh(core_axis_name="c", subcore_axis_name="s")
    nsup = n_blocks_per_worker // SUP
    npair = SUP // 2
    nch = d // LANES

    @functools.partial(
        pl.kernel,
        out_type=jax.ShapeDtypeStruct((NC, n_acc_rows, d), jnp.float32),
        mesh=mesh,
        scratch_types=[
            pltpu.VMEM((SUP, BLK), jnp.int32),
            pltpu.VMEM((SUP, BLK), jnp.int32),
            pltpu.VMEM((SUP * 2, HALF), jnp.int32),
            pltpu.VMEM((3, SUP * BLK), jnp.float32),
            pltpu.VMEM((2 * BLK, d // 2), jnp.int32),
            pltpu.VMEM((2 * BLK, d // 2), jnp.int32),
            pltpu.VMEM((2 * HALF, d), jnp.float32),
            pltpu.VMEM((3, d), jnp.float32),
            pltpu.VMEM_SHARED((n_acc_rows, d), jnp.float32),
            pltpu.SemaphoreType.DMA,
            pltpu.SemaphoreType.DMA((2,)),
            pltpu.SemaphoreType.DMA((2,)),
        ],
        compiler_params=pltpu.CompilerParams(use_tc_tiling_on_sc=False),
    )
    def sc_kernel(p_hbm, p0_hbm, p1_hbm, si_hbm, ds_hbm, wd_hbm, z_hbm,
                  out_hbm, idx0_v, idx1_v, sidx_v, dsum_v,
                  r0buf, r1buf, out_v, wd_v, acc, sem_i, gsem, ssem):
        c = lax.axis_index("c")
        s = lax.axis_index("s")
        wid = c * NS + s

        pltpu.sync_copy(z_hbm, acc.at[pl.ds(s * zrows, zrows)])
        pltpu.sync_copy(wd_hbm, wd_v)
        plsc.subcore_barrier()

        def gathers(j, ph):
            sl = pl.ds(ph * BLK, BLK)
            pltpu.async_copy(p_hbm.at[idx0_v.at[j]], r0buf.at[sl],
                             gsem.at[ph])
            pltpu.async_copy(p_hbm.at[idx1_v.at[j]], r1buf.at[sl],
                             gsem.at[ph])

        def wait_gathers(j, ph):
            sl = pl.ds(ph * BLK, BLK)
            pltpu.make_async_copy(p_hbm.at[idx0_v.at[j]], r0buf.at[sl],
                                  gsem.at[ph]).wait()
            pltpu.make_async_copy(p_hbm.at[idx1_v.at[j]], r1buf.at[sl],
                                  gsem.at[ph]).wait()

        def wait_scatter(h, hj):
            pltpu.make_async_copy(out_v.at[pl.ds(h * HALF, HALF)],
                                  acc.at[sidx_v.at[hj]],
                                  ssem.at[h]).wait()

        def compute_half(t, h, ph):
            @plsc.parallel_loop(0, HALF // LANES)
            def group(g):
                wch = [[wd_v[k, pl.ds(ch * LANES, LANES)]
                        for ch in range(nch)] for k in range(3)]
                goff = t * BLK + h * HALF + g * LANES
                dsv = [dsum_v[k, pl.ds(goff, LANES)] for k in range(3)]
                for el in range(LANES):
                    e = ph * BLK + h * HALF + g * LANES + el
                    o = h * HALF + g * LANES + el
                    ds0, ds1, ds2 = dsv[0][el], dsv[1][el], dsv[2][el]
                    for c2 in range(nch // 2):
                        x0 = r0buf[e, pl.ds(c2 * LANES, LANES)]
                        x1 = r1buf[e, pl.ds(c2 * LANES, LANES)]
                        bc = lax.bitcast_convert_type
                        a0 = bc(x0 << 16, jnp.float32)
                        b0 = bc(x0 & jnp.int32(-65536), jnp.float32)
                        a1 = bc(x1 << 16, jnp.float32)
                        b1 = bc(x1 & jnp.int32(-65536), jnp.float32)
                        va = a0 + a1
                        va = va + ds0 * wch[0][2 * c2]
                        va = va + ds1 * wch[1][2 * c2]
                        va = va + ds2 * wch[2][2 * c2]
                        vb = b0 + b1
                        vb = vb + ds0 * wch[0][2 * c2 + 1]
                        vb = vb + ds1 * wch[1][2 * c2 + 1]
                        vb = vb + ds2 * wch[2][2 * c2 + 1]
                        out_v[o, pl.ds(c2 * 2 * LANES, LANES)] = (
                            jnp.maximum(va, 0.0))
                        out_v[o, pl.ds(c2 * 2 * LANES + LANES, LANES)] = (
                            jnp.maximum(vb, 0.0))

        def superblock(sb, carry):
            @pl.when(sb > 0)
            def _():
                wait_scatter(0, 2 * SUP - 2)
                wait_scatter(1, 2 * SUP - 1)

            row0 = (wid * n_blocks_per_worker) + sb * SUP
            sb_global = wid * nsup + sb
            cps = [
                pltpu.async_copy(p0_hbm.at[pl.ds(row0, SUP)], idx0_v, sem_i),
                pltpu.async_copy(p1_hbm.at[pl.ds(row0, SUP)], idx1_v, sem_i),
                pltpu.async_copy(si_hbm.at[pl.ds(row0 * 2, SUP * 2)], sidx_v,
                                 sem_i),
                pltpu.async_copy(ds_hbm.at[sb_global], dsum_v, sem_i),
            ]
            for cp in cps:
                cp.wait()
            gathers(0, 0)

            def blk(t, carry2):
                ph = t % 2

                @pl.when(t < SUP - 1)
                def _():
                    gathers(t + 1, 1 - ph)

                wait_gathers(t, ph)

                def half(h, carry3):
                    @pl.when(t > 0)
                    def _():
                        wait_scatter(h, 2 * t + h - 2)

                    compute_half(t, h, ph)
                    pltpu.async_copy(
                        out_v.at[pl.ds(h * HALF, HALF)],
                        acc.at[sidx_v.at[2 * t + h]],
                        ssem.at[h], add=True)
                    return carry3

                lax.fori_loop(0, 2, half, 0, unroll=False)
                return carry2

            lax.fori_loop(0, SUP, blk, 0, unroll=False)
            return carry

        lax.fori_loop(0, nsup, superblock, 0, unroll=False)
        wait_scatter(0, 2 * SUP - 2)
        wait_scatter(1, 2 * SUP - 1)

        plsc.subcore_barrier()
        pltpu.sync_copy(acc.at[pl.ds(s * zrows, zrows)],
                        out_hbm.at[c, pl.ds(s * zrows, zrows)])

    return sc_kernel


def kernel(h, pairs_0, pairs_1, degrees_0, degrees_1, scatter_idx,
           W_lin, b_lin, W_t, b_t, eps):
    n, d_in = h.shape
    d_out = W_lin.shape[1]
    e = pairs_0.shape[0]

    iperm = jnp.arange(d_out).reshape(d_out // 32, 2, 16).transpose(
        0, 2, 1).reshape(d_out)
    w_h = W_t[:d_in][:, iperm]
    w_d = W_t[d_in:]
    h3, p_tab = pl.pallas_call(
        _mm_body,
        out_shape=(jax.ShapeDtypeStruct((n, d_out), jnp.float32),
                   jax.ShapeDtypeStruct((n, d_out), jnp.bfloat16)),
    )(h, W_lin, b_lin.reshape(1, d_out),
      w_h, (0.5 * b_t)[iperm].reshape(1, d_out))
    p_i32 = lax.bitcast_convert_type(
        p_tab.reshape(n, d_out // 2, 2), jnp.int32)

    chunk = NW * SUP * BLK
    e_pad = -(-e // chunk) * chunk
    pad = e_pad - e
    zrows = -(-(n + 1) // (NS * 8)) * 8
    n_dump = NS * zrows
    p0 = jnp.pad(pairs_0, (0, pad)).reshape(e_pad // BLK, BLK)
    p1 = jnp.pad(pairs_1, (0, pad)).reshape(e_pad // BLK, BLK)
    si = jnp.pad(scatter_idx, (0, pad), constant_values=n).reshape(
        e_pad // HALF, HALF)
    nsb = e_pad // (SUP * BLK)
    dsum = jnp.pad(degrees_0 + degrees_1, ((0, pad), (0, 0))).T.reshape(
        3, nsb, SUP * BLK).transpose(1, 0, 2)
    zeros = jnp.zeros((zrows, d_out), jnp.float32)

    sc = _make_sc_kernel(n, d_out, e_pad // BLK // NW, n_dump, zrows)
    partials = sc(p_i32, p0, p1, si, dsum, w_d, zeros)

    out = pl.pallas_call(
        functools.partial(_combine_body, n),
        in_specs=[pl.BlockSpec(memory_space=pltpu.VMEM),
                  pl.BlockSpec(memory_space=pltpu.VMEM),
                  pl.BlockSpec(memory_space=pltpu.SMEM)],
        out_shape=jax.ShapeDtypeStruct((n, d_out), jnp.float32),
    )(h3, partials, eps)
    return out

# --- scband reference (transcript-rebuilt; emitter-appended) ---
"""Pipeline reference for scband-gnnlayer-78039555768490 (READ-ONLY COPY).

The authoritative reference and input builder live on the scoring server;
editing this copy changes nothing except your own understanding.
"""

import jax, jax.numpy as jnp
import numpy as np

N = 10000
E = 320000
D_IN = 128
D_OUT = 128
ONE_HOT = 3  # assumed subgraph.one_hot_length(t=2) == 3


def setup_inputs(seed: int = 0) -> dict:
    key = jax.random.key(seed)
    ks = jax.random.split(key, 12)
    h = jax.random.normal(ks[0], (N, D_IN), dtype=jnp.float32)
    pairs_0 = jax.random.randint(ks[1], (E,), 0, N, dtype=jnp.int32)
    pairs_1 = jax.random.randint(ks[2], (E,), 0, N, dtype=jnp.int32)
    degrees_0 = jax.random.uniform(ks[3], (E, ONE_HOT), dtype=jnp.float32)
    degrees_1 = jax.random.uniform(ks[4], (E, ONE_HOT), dtype=jnp.float32)
    scatter_idx = jax.random.randint(ks[5], (E,), 0, N, dtype=jnp.int32)
    # learned parameters
    W_lin = jax.random.normal(ks[6], (D_IN, D_OUT), dtype=jnp.float32) * 0.05
    b_lin = jnp.zeros((D_OUT,), dtype=jnp.float32)
    W_t = jax.random.normal(ks[7], (D_IN + ONE_HOT, D_OUT), dtype=jnp.float32) * 0.05
    b_t = jnp.zeros((D_OUT,), dtype=jnp.float32)
    eps = jnp.zeros((1,), dtype=jnp.float32)  # nn.Parameter init to 0
    return {"h": h, "pairs_0": pairs_0, "pairs_1": pairs_1,
            "degrees_0": degrees_0, "degrees_1": degrees_1,
            "scatter_idx": scatter_idx,
            "W_lin": W_lin, "b_lin": b_lin, "W_t": W_t, "b_t": b_t, "eps": eps}


def reference(h, pairs_0, pairs_1, degrees_0, degrees_1, scatter_idx,
              W_lin, b_lin, W_t, b_t, eps):
    # h3 = self.linear(h)
    h3 = h @ W_lin + b_lin
    # combination == 'sum', single key, t=2:
    # h_temp = sum_i hstack(h[pairs[key][i]], degrees[key][i])
    h_t0 = jnp.concatenate([jnp.take(h, pairs_0, axis=0), degrees_0], axis=1)
    h_t1 = jnp.concatenate([jnp.take(h, pairs_1, axis=0), degrees_1], axis=1)
    h_temp = h_t0 + h_t1
    # transform: Linear + ReLU
    h_temp = jax.nn.relu(h_temp @ W_t + b_t)
    # scatter_add into per-node accumulator
    h_sum = jnp.zeros((h.shape[0], D_OUT), dtype=h.dtype).at[scatter_idx].add(h_temp)
    # scalar: (1 + eps) * h_sum
    h_sum = (1.0 + eps[0]) * h_sum
    return h3 + h_sum

if __name__ == "__main__":
    import jax
    _d = setup_inputs()
    print(jax.jit(kernel)(*tuple(_d.values())))

</pallas_src>

<mosaic_0001>
#map = affine_map<(d0, d1) -> (0, 0)>
#map1 = affine_map<(d0, d1) -> (0, 0, 0)>
module attributes {stable_mosaic.version = 14 : i64} {
  func.func @sc_kernel(%arg0: i32, %arg1: i32, %arg2: memref<10000x64xi32, #tpu.memory_space<hbm>>, %arg3: memref<5120x64xi32, #tpu.memory_space<hbm>>, %arg4: memref<5120x64xi32, #tpu.memory_space<hbm>>, %arg5: memref<10240x32xi32, #tpu.memory_space<hbm>>, %arg6: memref<128x3x2560xf32, #tpu.memory_space<hbm>>, %arg7: memref<3x128xf32, #tpu.memory_space<hbm>>, %arg8: memref<632x128xf32, #tpu.memory_space<hbm>>, %arg9: memref<2x10112x128xf32, #tpu.memory_space<hbm>>, %arg10: memref<40x64xi32, #tpu.memory_space<vmem>>, %arg11: memref<40x64xi32, #tpu.memory_space<vmem>>, %arg12: memref<80x32xi32, #tpu.memory_space<vmem>>, %arg13: memref<3x2560xf32, #tpu.memory_space<vmem>>, %arg14: memref<128x64xi32, #tpu.memory_space<vmem>>, %arg15: memref<128x64xi32, #tpu.memory_space<vmem>>, %arg16: memref<64x128xf32, #tpu.memory_space<vmem>>, %arg17: memref<3x128xf32, #tpu.memory_space<vmem>>, %arg18: memref<10112x128xf32, #tpu.memory_space<vmem_shared>>, %arg19: memref<!tpu.dma_semaphore, #tpu.memory_space<semaphore_mem>>, %arg20: memref<2x!tpu.dma_semaphore, #tpu.memory_space<semaphore_mem>>, %arg21: memref<2x!tpu.dma_semaphore, #tpu.memory_space<semaphore_mem>>) attributes {dimension_semantics = [#tpu.dimension_semantics<core_parallel>, #tpu.dimension_semantics<subcore_parallel>], iteration_bounds = array<i64: 2, 16>, scalar_prefetch = 0 : i64, scratch_operands = 12 : i64, tpu.core_type = #tpu.core_type<sc_vector_subcore>, window_params = [{transform_indices = #map}, {transform_indices = #map}, {transform_indices = #map}, {transform_indices = #map}, {transform_indices = #map1}, {transform_indices = #map}, {transform_indices = #map}, {transform_indices = #map1}]} {
    %mul3A = arith.constant 16 : i32
    %mul3A_0 = arith.muli %arg0, %mul3A : i32
    %add3A = arith.addi %mul3A_0, %arg1 : i32
    %mul3A_1 = arith.constant 632 : i32
    %mul3A_2 = arith.muli %arg1, %mul3A_1 : i32
    "tpu.region"() ({
      %run_scoped3A = tpu.sem_alloc : memref<!tpu.dma_semaphore, #tpu.memory_space<semaphore_mem>>
      %dma_start3A = arith.constant 0 : i32
      %dma_start3A_38 = tpu.memref_slice %arg18[%mul3A_2, %dma_start3A] : memref<10112x128xf32, #tpu.memory_space<vmem_shared>> -> memref<632x128xf32, #tpu.memory_space<vmem_shared>>
      tpu.enqueue_dma source(%arg8 : memref<632x128xf32, #tpu.memory_space<hbm>>) target(%dma_start3A_38 : memref<632x128xf32, #tpu.memory_space<vmem_shared>>) target_semaphore(%run_scoped3A : memref<!tpu.dma_semaphore, #tpu.memory_space<semaphore_mem>>)
      %dma_wait3A_39 = arith.constant 0 : i32
      %dma_wait3A_40 = tpu.memref_slice %arg18[%mul3A_2, %dma_wait3A_39] : memref<10112x128xf32, #tpu.memory_space<vmem_shared>> -> memref<632x128xf32, #tpu.memory_space<vmem_shared>>
      tpu.wait_dma2 semaphore(%run_scoped3A : memref<!tpu.dma_semaphore, #tpu.memory_space<semaphore_mem>>) src(%arg8 : memref<632x128xf32, #tpu.memory_space<hbm>>) dst(%dma_wait3A_40 : memref<632x128xf32, #tpu.memory_space<vmem_shared>>)
      tpu.yield
    }) : () -> ()
    "tpu.region"() ({
      %run_scoped3A = tpu.sem_alloc : memref<!tpu.dma_semaphore, #tpu.memory_space<semaphore_mem>>
      tpu.enqueue_dma source(%arg7 : memref<3x128xf32, #tpu.memory_space<hbm>>) target(%arg17 : memref<3x128xf32, #tpu.memory_space<vmem>>) target_semaphore(%run_scoped3A : memref<!tpu.dma_semaphore, #tpu.memory_space<semaphore_mem>>)
      tpu.wait_dma2 semaphore(%run_scoped3A : memref<!tpu.dma_semaphore, #tpu.memory_space<semaphore_mem>>) src(%arg7 : memref<3x128xf32, #tpu.memory_space<hbm>>) dst(%arg17 : memref<3x128xf32, #tpu.memory_space<vmem>>)
      tpu.yield
    }) : () -> ()
    %barrier3A = arith.constant 0 : index
    tpu.barrier barrier_id(%barrier3A)
    %scan3A = arith.constant 0 : i32
    %scan3A_3 = arith.constant 0 : i32
    %scan3A_4 = arith.constant 4 : i32
    %scan3A_5 = arith.addi %scan3A_3, %scan3A_4 : i32
    %scan3A_6 = arith.constant 1 : i32
    scf.for %scan3A_38 = %scan3A_3 to %scan3A_5 step %scan3A_6  : i32 {
      %gt3A = arith.constant 0 : i32
      %gt3A_39 = arith.cmpi sgt, %scan3A_38, %gt3A : i32
      %convert_element_type3A = arith.extui %gt3A_39 : i1 to i32
      %cond3A = arith.constant 0 : i32
      %cond3A_40 = arith.cmpi ne, %convert_element_type3A, %cond3A : i32
      scf.if %cond3A_40 {
        %dma_wait3A_122 = arith.constant 78 : i32
        %dma_wait3A_123 = arith.constant 0 : i32
        %dma_wait3A_124 = arith.constant 0 : i32
        %dma_wait3A_125 = arith.constant 0 : i32
        %dma_wait3A_126 = tpu.memref_slice %arg16[%dma_wait3A_124, %dma_wait3A_125] : memref<64x128xf32, #tpu.memory_space<vmem>> -> memref<32x128xf32, #tpu.memory_space<vmem>>
        %dma_wait3A_127 = arith.constant 0 : i32
        %dma_wait3A_128 = tpu.memref_slice %arg12[%dma_wait3A_122, %dma_wait3A_127] : memref<80x32xi32, #tpu.memory_space<vmem>> -> memref<1x32xi32, #tpu.memory_space<vmem>>
        %dma_wait3A_129 = tpu.memref_squeeze %dma_wait3A_128 : memref<1x32xi32, #tpu.memory_space<vmem>> -> memref<32xi32, #tpu.memory_space<vmem>>
        %dma_wait3A_130 = arith.constant 0 : i32
        %dma_wait3A_131 = arith.constant 0 : i32
        %dma_wait3A_132 = tpu.memref_slice %arg18[%dma_wait3A_130, %dma_wait3A_131] : memref<10112x128xf32, #tpu.memory_space<vmem_shared>> -> memref<10112x128xf32, #tpu.memory_space<vmem_shared>>
        %dma_wait3A_133 = tpu.memref_slice %arg21[%dma_wait3A_123] : memref<2x!tpu.dma_semaphore, #tpu.memory_space<semaphore_mem>> -> memref<1x!tpu.dma_semaphore, #tpu.memory_space<semaphore_mem>>
        %dma_wait3A_134 = tpu.memref_squeeze %dma_wait3A_133 : memref<1x!tpu.dma_semaphore, #tpu.memory_space<semaphore_mem>> -> memref<!tpu.dma_semaphore, #tpu.memory_space<semaphore_mem>>
        tpu.wait_indirect_dma semaphore(%dma_wait3A_134 : memref<!tpu.dma_semaphore, #tpu.memory_space<semaphore_mem>>) src(%dma_wait3A_126 : memref<32x128xf32, #tpu.memory_space<vmem>>) dst(%dma_wait3A_132 : memref<10112x128xf32, #tpu.memory_space<vmem_shared>>)
        %dma_wait3A_135 = arith.constant 79 : i32
        %dma_wait3A_136 = arith.constant 1 : i32
        %dma_wait3A_137 = arith.constant 32 : i32
        %dma_wait3A_138 = arith.constant 0 : i32
        %dma_wait3A_139 = tpu.memref_slice %arg16[%dma_wait3A_137, %dma_wait3A_138] : memref<64x128xf32, #tpu.memory_space<vmem>> -> memref<32x128xf32, #tpu.memory_space<vmem>>
        %dma_wait3A_140 = arith.constant 0 : i32
        %dma_wait3A_141 = tpu.memref_slice %arg12[%dma_wait3A_135, %dma_wait3A_140] : memref<80x32xi32, #tpu.memory_space<vmem>> -> memref<1x32xi32, #tpu.memory_space<vmem>>
        %dma_wait3A_142 = tpu.memref_squeeze %dma_wait3A_141 : memref<1x32xi32, #tpu.memory_space<vmem>> -> memref<32xi32, #tpu.memory_space<vmem>>
        %dma_wait3A_143 = arith.constant 0 : i32
        %dma_wait3A_144 = arith.constant 0 : i32
        %dma_wait3A_145 = tpu.memref_slice %arg18[%dma_wait3A_143, %dma_wait3A_144] : memref<10112x128xf32, #tpu.memory_space<vmem_shared>> -> memref<10112x128xf32, #tpu.memory_space<vmem_shared>>
        %dma_wait3A_146 = tpu.memref_slice %arg21[%dma_wait3A_136] : memref<2x!tpu.dma_semaphore, #tpu.memory_space<semaphore_mem>> -> memref<1x!tpu.dma_semaphore, #tpu.memory_space<semaphore_mem>>
        %dma_wait3A_147 = tpu.memref_squeeze %dma_wait3A_146 : memref<1x!tpu.dma_semaphore, #tpu.memory_space<semaphore_mem>> -> memref<!tpu.dma_semaphore, #tpu.memory_space<semaphore_mem>>
        tpu.wait_indirect_dma semaphore(%dma_wait3A_147 : memref<!tpu.dma_semaphore, #tpu.memory_space<semaphore_mem>>) src(%dma_wait3A_139 : memref<32x128xf32, #tpu.memory_space<vmem>>) dst(%dma_wait3A_145 : memref<10112x128xf32, #tpu.memory_space<vmem_shared>>)
      } else {
      }
      %mul3A_41 = arith.constant 160 : i32
      %mul3A_42 = arith.muli %add3A, %mul3A_41 : i32
      %mul3A_43 = arith.constant 40 : i32
      %mul3A_44 = arith.muli %scan3A_38, %mul3A_43 : i32
      %add3A_45 = arith.addi %mul3A_42, %mul3A_44 : i32
      %mul3A_46 = arith.constant 4 : i32
      %mul3A_47 = arith.muli %add3A, %mul3A_46 : i32
      %add3A_48 = arith.addi %mul3A_47, %scan3A_38 : i32
      %dma_start3A = arith.constant 0 : i32
      %dma_start3A_49 = tpu.memref_slice %arg3[%add3A_45, %dma_start3A] : memref<5120x64xi32, #tpu.memory_space<hbm>> -> memref<40x64xi32, #tpu.memory_space<hbm>>
      %dma_start3A_50 = arith.constant 0 : i32
      %dma_start3A_51 = tpu.memref_slice %arg3[%add3A_45, %dma_start3A_50] : memref<5120x64xi32, #tpu.memory_space<hbm>> -> memref<40x64xi32, #tpu.memory_space<hbm>>
      tpu.enqueue_dma source(%dma_start3A_51 : memref<40x64xi32, #tpu.memory_space<hbm>>) target(%arg10 : memref<40x64xi32, #tpu.memory_space<vmem>>) target_semaphore(%arg19 : memref<!tpu.dma_semaphore, #tpu.memory_space<semaphore_mem>>)
      %dma_start3A_52 = arith.constant 0 : i32
      %dma_start3A_53 = tpu.memref_slice %arg4[%add3A_45, %dma_start3A_52] : memref<5120x64xi32, #tpu.memory_space<hbm>> -> memref<40x64xi32, #tpu.memory_space<hbm>>
      %dma_start3A_54 = arith.constant 0 : i32
      %dma_start3A_55 = tpu.memref_slice %arg4[%add3A_45, %dma_start3A_54] : memref<5120x64xi32, #tpu.memory_space<hbm>> -> memref<40x64xi32, #tpu.memory_space<hbm>>
      tpu.enqueue_dma source(%dma_start3A_55 : memref<40x64xi32, #tpu.memory_space<hbm>>) target(%arg11 : memref<40x64xi32, #tpu.memory_space<vmem>>) target_semaphore(%arg19 : memref<!tpu.dma_semaphore, #tpu.memory_space<semaphore_mem>>)
      %mul3A_56 = arith.constant 2 : i32
      %mul3A_57 = arith.muli %add3A_45, %mul3A_56 : i32
      %dma_start3A_58 = arith.constant 0 : i32
      %dma_start3A_59 = tpu.memref_slice %arg5[%mul3A_57, %dma_start3A_58] : memref<10240x32xi32, #tpu.memory_space<hbm>> -> memref<80x32xi32, #tpu.memory_space<hbm>>
      %dma_start3A_60 = arith.constant 0 : i32
      %dma_start3A_61 = tpu.memref_slice %arg5[%mul3A_57, %dma_start3A_60] : memref<10240x32xi32, #tpu.memory_space<hbm>> -> memref<80x32xi32, #tpu.memory_space<hbm>>
      tpu.enqueue_dma source(%dma_start3A_61 : memref<80x32xi32, #tpu.memory_space<hbm>>) target(%arg12 : memref<80x32xi32, #tpu.memory_space<vmem>>) target_semaphore(%arg19 : memref<!tpu.dma_semaphore, #tpu.memory_space<semaphore_mem>>)
      %dma_start3A_62 = arith.constant 0 : i32
      %dma_start3A_63 = arith.constant 0 : i32
      %dma_start3A_64 = tpu.memref_slice %arg6[%add3A_48, %dma_start3A_62, %dma_start3A_63] : memref<128x3x2560xf32, #tpu.memory_space<hbm>> -> memref<1x3x2560xf32, #tpu.memory_space<hbm>>
      %dma_start3A_65 = tpu.memref_squeeze %dma_start3A_64 : memref<1x3x2560xf32, #tpu.memory_space<hbm>> -> memref<3x2560xf32, #tpu.memory_space<hbm>>
      %dma_start3A_66 = arith.constant 0 : i32
      %dma_start3A_67 = arith.constant 0 : i32
      %dma_start3A_68 = tpu.memref_slice %arg6[%add3A_48, %dma_start3A_66, %dma_start3A_67] : memref<128x3x2560xf32, #tpu.memory_space<hbm>> -> memref<1x3x2560xf32, #tpu.memory_space<hbm>>
      %dma_start3A_69 = tpu.memref_squeeze %dma_start3A_68 : memref<1x3x2560xf32, #tpu.memory_space<hbm>> -> memref<3x2560xf32, #tpu.memory_space<hbm>>
      tpu.enqueue_dma source(%dma_start3A_69 : memref<3x2560xf32, #tpu.memory_space<hbm>>) target(%arg13 : memref<3x2560xf32, #tpu.memory_space<vmem>>) target_semaphore(%arg19 : memref<!tpu.dma_semaphore, #tpu.memory_space<semaphore_mem>>)
      %dma_wait3A_70 = arith.constant 0 : i32
      %dma_wait3A_71 = tpu.memref_slice %arg3[%add3A_45, %dma_wait3A_70] : memref<5120x64xi32, #tpu.memory_space<hbm>> -> memref<40x64xi32, #tpu.memory_space<hbm>>
      %dma_wait3A_72 = arith.constant 0 : i32
      %dma_wait3A_73 = tpu.memref_slice %arg3[%add3A_45, %dma_wait3A_72] : memref<5120x64xi32, #tpu.memory_space<hbm>> -> memref<40x64xi32, #tpu.memory_space<hbm>>
      tpu.wait_dma2 semaphore(%arg19 : memref<!tpu.dma_semaphore, #tpu.memory_space<semaphore_mem>>) src(%dma_wait3A_73 : memref<40x64xi32, #tpu.memory_space<hbm>>) dst(%arg10 : memref<40x64xi32, #tpu.memory_space<vmem>>)
      %dma_wait3A_74 = arith.constant 0 : i32
      %dma_wait3A_75 = tpu.memref_slice %arg4[%add3A_45, %dma_wait3A_74] : memref<5120x64xi32, #tpu.memory_space<hbm>> -> memref<40x64xi32, #tpu.memory_space<hbm>>
      %dma_wait3A_76 = arith.constant 0 : i32
      %dma_wait3A_77 = tpu.memref_slice %arg4[%add3A_45, %dma_wait3A_76] : memref<5120x64xi32, #tpu.memory_space<hbm>> -> memref<40x64xi32, #tpu.memory_space<hbm>>
      tpu.wait_dma2 semaphore(%arg19 : memref<!tpu.dma_semaphore, #tpu.memory_space<semaphore_mem>>) src(%dma_wait3A_77 : memref<40x64xi32, #tpu.memory_space<hbm>>) dst(%arg11 : memref<40x64xi32, #tpu.memory_space<vmem>>)
      %dma_wait3A_78 = arith.constant 0 : i32
      %dma_wait3A_79 = tpu.memref_slice %arg5[%mul3A_57, %dma_wait3A_78] : memref<10240x32xi32, #tpu.memory_space<hbm>> -> memref<80x32xi32, #tpu.memory_space<hbm>>
      %dma_wait3A_80 = arith.constant 0 : i32
      %dma_wait3A_81 = tpu.memref_slice %arg5[%mul3A_57, %dma_wait3A_80] : memref<10240x32xi32, #tpu.memory_space<hbm>> -> memref<80x32xi32, #tpu.memory_space<hbm>>
      tpu.wait_dma2 semaphore(%arg19 : memref<!tpu.dma_semaphore, #tpu.memory_space<semaphore_mem>>) src(%dma_wait3A_81 : memref<80x32xi32, #tpu.memory_space<hbm>>) dst(%arg12 : memref<80x32xi32, #tpu.memory_space<vmem>>)
      %dma_wait3A_82 = arith.constant 0 : i32
      %dma_wait3A_83 = arith.constant 0 : i32
      %dma_wait3A_84 = tpu.memref_slice %arg6[%add3A_48, %dma_wait3A_82, %dma_wait3A_83] : memref<128x3x2560xf32, #tpu.memory_space<hbm>> -> memref<1x3x2560xf32, #tpu.memory_space<hbm>>
      %dma_wait3A_85 = tpu.memref_squeeze %dma_wait3A_84 : memref<1x3x2560xf32, #tpu.memory_space<hbm>> -> memref<3x2560xf32, #tpu.memory_space<hbm>>
      %dma_wait3A_86 = arith.constant 0 : i32
      %dma_wait3A_87 = arith.constant 0 : i32
      %dma_wait3A_88 = tpu.memref_slice %arg6[%add3A_48, %dma_wait3A_86, %dma_wait3A_87] : memref<128x3x2560xf32, #tpu.memory_space<hbm>> -> memref<1x3x2560xf32, #tpu.memory_space<hbm>>
      %dma_wait3A_89 = tpu.memref_squeeze %dma_wait3A_88 : memref<1x3x2560xf32, #tpu.memory_space<hbm>> -> memref<3x2560xf32, #tpu.memory_space<hbm>>
      tpu.wait_dma2 semaphore(%arg19 : memref<!tpu.dma_semaphore, #tpu.memory_space<semaphore_mem>>) src(%dma_wait3A_89 : memref<3x2560xf32, #tpu.memory_space<hbm>>) dst(%arg13 : memref<3x2560xf32, #tpu.memory_space<vmem>>)
      %dma_start3A_90 = arith.constant 0 : i32
      %dma_start3A_91 = arith.constant 0 : i32
      %dma_start3A_92 = arith.constant 0 : i32
      %dma_start3A_93 = arith.constant 0 : i32
      %dma_start3A_94 = tpu.memref_slice %arg14[%dma_start3A_92, %dma_start3A_93] : memref<128x64xi32, #tpu.memory_space<vmem>> -> memref<64x64xi32, #tpu.memory_space<vmem>>
      %dma_start3A_95 = arith.constant 0 : i32
      %dma_start3A_96 = tpu.memref_slice %arg10[%dma_start3A_90, %dma_start3A_95] : memref<40x64xi32, #tpu.memory_space<vmem>> -> memref<1x64xi32, #tpu.memory_space<vmem>>
      %dma_start3A_97 = tpu.memref_squeeze %dma_start3A_96 : memref<1x64xi32, #tpu.memory_space<vmem>> -> memref<64xi32, #tpu.memory_space<vmem>>
      %dma_start3A_98 = arith.constant 0 : i32
      %dma_start3A_99 = arith.constant 0 : i32
      %dma_start3A_100 = tpu.memref_slice %arg2[%dma_start3A_98, %dma_start3A_99] : memref<10000x64xi32, #tpu.memory_space<hbm>> -> memref<10000x64xi32, #tpu.memory_space<hbm>>
      %dma_start3A_101 = tpu.memref_slice %arg20[%dma_start3A_91] : memref<2x!tpu.dma_semaphore, #tpu.memory_space<semaphore_mem>> -> memref<1x!tpu.dma_semaphore, #tpu.memory_space<semaphore_mem>>
      %dma_start3A_102 = tpu.memref_squeeze %dma_start3A_101 : memref<1x!tpu.dma_semaphore, #tpu.memory_space<semaphore_mem>> -> memref<!tpu.dma_semaphore, #tpu.memory_space<semaphore_mem>>
      tpu.enqueue_indirect_dma source(%dma_start3A_100 : memref<10000x64xi32, #tpu.memory_space<hbm>>) target(%dma_start3A_94 : memref<64x64xi32, #tpu.memory_space<vmem>>) offsets(%dma_start3A_97 : memref<64xi32, #tpu.memory_space<vmem>>) semaphore(%dma_start3A_102 : memref<!tpu.dma_semaphore, #tpu.memory_space<semaphore_mem>>)
      %dma_start3A_103 = arith.constant 0 : i32
      %dma_start3A_104 = arith.constant 0 : i32
      %dma_start3A_105 = arith.constant 0 : i32
      %dma_start3A_106 = arith.constant 0 : i32
      %dma_start3A_107 = tpu.memref_slice %arg15[%dma_start3A_105, %dma_start3A_106] : memref<128x64xi32, #tpu.memory_space<vmem>> -> memref<64x64xi32, #tpu.memory_space<vmem>>
      %dma_start3A_108 = arith.constant 0 : i32
      %dma_start3A_109 = tpu.memref_slice %arg11[%dma_start3A_103, %dma_start3A_108] : memref<40x64xi32, #tpu.memory_space<vmem>> -> memref<1x64xi32, #tpu.memory_space<vmem>>
      %dma_start3A_110 = tpu.memref_squeeze %dma_start3A_109 : memref<1x64xi32, #tpu.memory_space<vmem>> -> memref<64xi32, #tpu.memory_space<vmem>>
      %dma_start3A_111 = arith.constant 0 : i32
      %dma_start3A_112 = arith.constant 0 : i32
      %dma_start3A_113 = tpu.memref_slice %arg2[%dma_start3A_111, %dma_start3A_112] : memref<10000x64xi32, #tpu.memory_space<hbm>> -> memref<10000x64xi32, #tpu.memory_space<hbm>>
      %dma_start3A_114 = tpu.memref_slice %arg20[%dma_start3A_104] : memref<2x!tpu.dma_semaphore, #tpu.memory_space<semaphore_mem>> -> memref<1x!tpu.dma_semaphore, #tpu.memory_space<semaphore_mem>>
      %dma_start3A_115 = tpu.memref_squeeze %dma_start3A_114 : memref<1x!tpu.dma_semaphore, #tpu.memory_space<semaphore_mem>> -> memref<!tpu.dma_semaphore, #tpu.memory_space<semaphore_mem>>
      tpu.enqueue_indirect_dma source(%dma_start3A_113 : memref<10000x64xi32, #tpu.memory_space<hbm>>) target(%dma_start3A_107 : memref<64x64xi32, #tpu.memory_space<vmem>>) offsets(%dma_start3A_110 : memref<64xi32, #tpu.memory_space<vmem>>) semaphore(%dma_start3A_115 : memref<!tpu.dma_semaphore, #tpu.memory_space<semaphore_mem>>)
      %scan3A_116 = arith.constant 0 : i32
      %scan3A_117 = arith.constant 0 : i32
      %scan3A_118 = arith.constant 40 : i32
      %scan3A_119 = arith.addi %scan3A_117, %scan3A_118 : i32
      %scan3A_120 = arith.constant 1 : i32
      scf.for %scan3A_122 = %scan3A_117 to %scan3A_119 step %scan3A_120  : i32 {
        %jit3A = arith.constant 2 : i32
        %eq3A = arith.constant 0 : i32
        %eq3A_123 = arith.cmpi eq, %jit3A, %eq3A : i32
        %jit3A_124 = arith.constant 1 : i32
        %select_n3A = arith.select %eq3A_123, %jit3A_124, %jit3A : i32
        %rem3A = arith.remsi %scan3A_122, %select_n3A : i32
        %ne3A = arith.constant 0 : i32
        %ne3A_125 = arith.cmpi ne, %rem3A, %ne3A : i32
        %lt3A = arith.constant 0 : i32
        %lt3A_126 = arith.cmpi slt, %rem3A, %lt3A : i32
        %lt3A_127 = arith.constant 0 : i32
        %lt3A_128 = arith.cmpi slt, %select_n3A, %lt3A_127 : i32
        %ne3A_129 = arith.xori %lt3A_126, %lt3A_128 : i1
        %and3A = arith.andi %ne3A_129, %ne3A_125 : i1
        %add3A_130 = arith.addi %rem3A, %select_n3A : i32
        %select_n3A_131 = arith.select %and3A, %add3A_130, %rem3A : i32
        %lt3A_132 = arith.constant 39 : i32
        %lt3A_133 = arith.cmpi slt, %scan3A_122, %lt3A_132 : i32
        %convert_element_type3A_134 = arith.extui %lt3A_133 : i1 to i32
        %cond3A_135 = arith.constant 0 : i32
        %cond3A_136 = arith.cmpi ne, %convert_element_type3A_134, %cond3A_135 : i32
        scf.if %cond3A_136 {
          %add3A_165 = arith.constant 1 : i32
          %add3A_166 = arith.addi %scan3A_122, %add3A_165 : i32
          %sub3A = arith.constant 1 : i32
          %sub3A_167 = arith.subi %sub3A, %select_n3A_131 : i32
          %mul3A_168 = arith.constant 64 : i32
          %mul3A_169 = arith.muli %sub3A_167, %mul3A_168 : i32
          %dma_start3A_170 = arith.constant 0 : i32
          %dma_start3A_171 = tpu.memref_slice %arg14[%mul3A_169, %dma_start3A_170] : memref<128x64xi32, #tpu.memory_space<vmem>> -> memref<64x64xi32, #tpu.memory_space<vmem>>
          %dma_start3A_172 = arith.constant 0 : i32
          %dma_start3A_173 = tpu.memref_slice %arg10[%add3A_166, %dma_start3A_172] : memref<40x64xi32, #tpu.memory_space<vmem>> -> memref<1x64xi32, #tpu.memory_space<vmem>>
          %dma_start3A_174 = tpu.memref_squeeze %dma_start3A_173 : memref<1x64xi32, #tpu.memory_space<vmem>> -> memref<64xi32, #tpu.memory_space<vmem>>
          %dma_start3A_175 = arith.constant 0 : i32
          %dma_start3A_176 = arith.constant 0 : i32
          %dma_start3A_177 = tpu.memref_slice %arg2[%dma_start3A_175, %dma_start3A_176] : memref<10000x64xi32, #tpu.memory_space<hbm>> -> memref<10000x64xi32, #tpu.memory_space<hbm>>
          %dma_start3A_178 = tpu.memref_slice %arg20[%sub3A_167] : memref<2x!tpu.dma_semaphore, #tpu.memory_space<semaphore_mem>> -> memref<1x!tpu.dma_semaphore, #tpu.memory_space<semaphore_mem>>
          %dma_start3A_179 = tpu.memref_squeeze %dma_start3A_178 : memref<1x!tpu.dma_semaphore, #tpu.memory_space<semaphore_mem>> -> memref<!tpu.dma_semaphore, #tpu.memory_space<semaphore_mem>>
          tpu.enqueue_indirect_dma source(%dma_start3A_177 : memref<10000x64xi32, #tpu.memory_space<hbm>>) target(%dma_start3A_171 : memref<64x64xi32, #tpu.memory_space<vmem>>) offsets(%dma_start3A_174 : memref<64xi32, #tpu.memory_space<vmem>>) semaphore(%dma_start3A_179 : memref<!tpu.dma_semaphore, #tpu.memory_space<semaphore_mem>>)
          %dma_start3A_180 = arith.constant 0 : i32
          %dma_start3A_181 = tpu.memref_slice %arg15[%mul3A_169, %dma_start3A_180] : memref<128x64xi32, #tpu.memory_space<vmem>> -> memref<64x64xi32, #tpu.memory_space<vmem>>
          %dma_start3A_182 = arith.constant 0 : i32
          %dma_start3A_183 = tpu.memref_slice %arg11[%add3A_166, %dma_start3A_182] : memref<40x64xi32, #tpu.memory_space<vmem>> -> memref<1x64xi32, #tpu.memory_space<vmem>>
          %dma_start3A_184 = tpu.memref_squeeze %dma_start3A_183 : memref<1x64xi32, #tpu.memory_space<vmem>> -> memref<64xi32, #tpu.memory_space<vmem>>
          %dma_start3A_185 = arith.constant 0 : i32
          %dma_start3A_186 = arith.constant 0 : i32
          %dma_start3A_187 = tpu.memref_slice %arg2[%dma_start3A_185, %dma_start3A_186] : memref<10000x64xi32, #tpu.memory_space<hbm>> -> memref<10000x64xi32, #tpu.memory_space<hbm>>
          %dma_start3A_188 = tpu.memref_slice %arg20[%sub3A_167] : memref<2x!tpu.dma_semaphore, #tpu.memory_space<semaphore_mem>> -> memref<1x!tpu.dma_semaphore, #tpu.memory_space<semaphore_mem>>
          %dma_start3A_189 = tpu.memref_squeeze %dma_start3A_188 : memref<1x!tpu.dma_semaphore, #tpu.memory_space<semaphore_mem>> -> memref<!tpu.dma_semaphore, #tpu.memory_space<semaphore_mem>>
          tpu.enqueue_indirect_dma source(%dma_start3A_187 : memref<10000x64xi32, #tpu.memory_space<hbm>>) target(%dma_start3A_181 : memref<64x64xi32, #tpu.memory_space<vmem>>) offsets(%dma_start3A_184 : memref<64xi32, #tpu.memory_space<vmem>>) semaphore(%dma_start3A_189 : memref<!tpu.dma_semaphore, #tpu.memory_space<semaphore_mem>>)
        } else {
        }
        %mul3A_137 = arith.constant 64 : i32
        %mul3A_138 = arith.muli %select_n3A_131, %mul3A_137 : i32
        %dma_wait3A_139 = arith.constant 0 : i32
        %dma_wait3A_140 = tpu.memref_slice %arg14[%mul3A_138, %dma_wait3A_139] : memref<128x64xi32, #tpu.memory_space<vmem>> -> memref<64x64xi32, #tpu.memory_space<vmem>>
        %dma_wait3A_141 = arith.constant 0 : i32
        %dma_wait3A_142 = tpu.memref_slice %arg10[%scan3A_122, %dma_wait3A_141] : memref<40x64xi32, #tpu.memory_space<vmem>> -> memref<1x64xi32, #tpu.memory_space<vmem>>
        %dma_wait3A_143 = tpu.memref_squeeze %dma_wait3A_142 : memref<1x64xi32, #tpu.memory_space<vmem>> -> memref<64xi32, #tpu.memory_space<vmem>>
        %dma_wait3A_144 = arith.constant 0 : i32
        %dma_wait3A_145 = arith.constant 0 : i32
        %dma_wait3A_146 = tpu.memref_slice %arg2[%dma_wait3A_144, %dma_wait3A_145] : memref<10000x64xi32, #tpu.memory_space<hbm>> -> memref<10000x64xi32, #tpu.memory_space<hbm>>
        %dma_wait3A_147 = tpu.memref_slice %arg20[%select_n3A_131] : memref<2x!tpu.dma_semaphore, #tpu.memory_space<semaphore_mem>> -> memref<1x!tpu.dma_semaphore, #tpu.memory_space<semaphore_mem>>
        %dma_wait3A_148 = tpu.memref_squeeze %dma_wait3A_147 : memref<1x!tpu.dma_semaphore, #tpu.memory_space<semaphore_mem>> -> memref<!tpu.dma_semaphore, #tpu.memory_space<semaphore_mem>>
        tpu.wait_indirect_dma semaphore(%dma_wait3A_148 : memref<!tpu.dma_semaphore, #tpu.memory_space<semaphore_mem>>) src(%dma_wait3A_146 : memref<10000x64xi32, #tpu.memory_space<hbm>>) dst(%dma_wait3A_140 : memref<64x64xi32, #tpu.memory_space<vmem>>)
        %dma_wait3A_149 = arith.constant 0 : i32
        %dma_wait3A_150 = tpu.memref_slice %arg15[%mul3A_138, %dma_wait3A_149] : memref<128x64xi32, #tpu.memory_space<vmem>> -> memref<64x64xi32, #tpu.memory_space<vmem>>
        %dma_wait3A_151 = arith.constant 0 : i32
        %dma_wait3A_152 = tpu.memref_slice %arg11[%scan3A_122, %dma_wait3A_151] : memref<40x64xi32, #tpu.memory_space<vmem>> -> memref<1x64xi32, #tpu.memory_space<vmem>>
        %dma_wait3A_153 = tpu.memref_squeeze %dma_wait3A_152 : memref<1x64xi32, #tpu.memory_space<vmem>> -> memref<64xi32, #tpu.memory_space<vmem>>
        %dma_wait3A_154 = arith.constant 0 : i32
        %dma_wait3A_155 = arith.constant 0 : i32
        %dma_wait3A_156 = tpu.memref_slice %arg2[%dma_wait3A_154, %dma_wait3A_155] : memref<10000x64xi32, #tpu.memory_space<hbm>> -> memref<10000x64xi32, #tpu.memory_space<hbm>>
        %dma_wait3A_157 = tpu.memref_slice %arg20[%select_n3A_131] : memref<2x!tpu.dma_semaphore, #tpu.memory_space<semaphore_mem>> -> memref<1x!tpu.dma_semaphore, #tpu.memory_space<semaphore_mem>>
        %dma_wait3A_158 = tpu.memref_squeeze %dma_wait3A_157 : memref<1x!tpu.dma_semaphore, #tpu.memory_space<semaphore_mem>> -> memref<!tpu.dma_semaphore, #tpu.memory_space<semaphore_mem>>
        tpu.wait_indirect_dma semaphore(%dma_wait3A_158 : memref<!tpu.dma_semaphore, #tpu.memory_space<semaphore_mem>>) src(%dma_wait3A_156 : memref<10000x64xi32, #tpu.memory_space<hbm>>) dst(%dma_wait3A_150 : memref<64x64xi32, #tpu.memory_space<vmem>>)
        %scan3A_159 = arith.constant 0 : i32
        %scan3A_160 = arith.constant 0 : i32
        %scan3A_161 = arith.constant 2 : i32
        %scan3A_162 = arith.addi %scan3A_160, %scan3A_161 : i32
        %scan3A_163 = arith.constant 1 : i32
        scf.for %scan3A_165 = %scan3A_160 to %scan3A_162 step %scan3A_163  : i32 {
          %gt3A_166 = arith.constant 0 : i32
          %gt3A_167 = arith.cmpi sgt, %scan3A_122, %gt3A_166 : i32
          %convert_element_type3A_168 = arith.extui %gt3A_167 : i1 to i32
          %cond3A_169 = arith.constant 0 : i32
          %cond3A_170 = arith.cmpi ne, %convert_element_type3A_168, %cond3A_169 : i32
          scf.if %cond3A_170 {
            %mul3A_188 = arith.constant 2 : i32
            %mul3A_189 = arith.muli %mul3A_188, %scan3A_122 : i32
            %add3A_190 = arith.addi %mul3A_189, %scan3A_165 : i32
            %sub3A = arith.constant 2 : i32
            %sub3A_191 = arith.subi %add3A_190, %sub3A : i32
            %mul3A_192 = arith.constant 32 : i32
            %mul3A_193 = arith.muli %scan3A_165, %mul3A_192 : i32
            %dma_wait3A_194 = arith.constant 0 : i32
            %dma_wait3A_195 = tpu.memref_slice %arg16[%mul3A_193, %dma_wait3A_194] : memref<64x128xf32, #tpu.memory_space<vmem>> -> memref<32x128xf32, #tpu.memory_space<vmem>>
            %dma_wait3A_196 = arith.constant 0 : i32
            %dma_wait3A_197 = tpu.memref_slice %arg12[%sub3A_191, %dma_wait3A_196] : memref<80x32xi32, #tpu.memory_space<vmem>> -> memref<1x32xi32, #tpu.memory_space<vmem>>
            %dma_wait3A_198 = tpu.memref_squeeze %dma_wait3A_197 : memref<1x32xi32, #tpu.memory_space<vmem>> -> memref<32xi32, #tpu.memory_space<vmem>>
            %dma_wait3A_199 = arith.constant 0 : i32
            %dma_wait3A_200 = arith.constant 0 : i32
            %dma_wait3A_201 = tpu.memref_slice %arg18[%dma_wait3A_199, %dma_wait3A_200] : memref<10112x128xf32, #tpu.memory_space<vmem_shared>> -> memref<10112x128xf32, #tpu.memory_space<vmem_shared>>
            %dma_wait3A_202 = tpu.memref_slice %arg21[%scan3A_165] : memref<2x!tpu.dma_semaphore, #tpu.memory_space<semaphore_mem>> -> memref<1x!tpu.dma_semaphore, #tpu.memory_space<semaphore_mem>>
            %dma_wait3A_203 = tpu.memref_squeeze %dma_wait3A_202 : memref<1x!tpu.dma_semaphore, #tpu.memory_space<semaphore_mem>> -> memref<!tpu.dma_semaphore, #tpu.memory_space<semaphore_mem>>
            tpu.wait_indirect_dma semaphore(%dma_wait3A_203 : memref<!tpu.dma_semaphore, #tpu.memory_space<semaphore_mem>>) src(%dma_wait3A_195 : memref<32x128xf32, #tpu.memory_space<vmem>>) dst(%dma_wait3A_201 : memref<10112x128xf32, #tpu.memory_space<vmem_shared>>)
          } else {
          }
          %parallel_loop3A = arith.constant 0 : i32
          %parallel_loop3A_171 = arith.constant 2 : i32
          %parallel_loop3A_172 = arith.constant 1 : i32
          scf.for %parallel_loop3A_188 = %parallel_loop3A to %parallel_loop3A_171 step %parallel_loop3A_172  : i32 {
            %parallel_loop3A_189 = arith.constant 0 : i32
            %parallel_loop3A_190 = arith.index_cast %parallel_loop3A_189 : i32 to index
            %parallel_loop3A_191 = arith.constant 0 : index
            %parallel_loop3A_192 = tpu.vector_load %arg17[%parallel_loop3A_190, %parallel_loop3A_191] {strides = array<i32>} : memref<3x128xf32, #tpu.memory_space<vmem>>, vector<1x16xf32>,
            %parallel_loop3A_193 = vector.shape_cast %parallel_loop3A_192 : vector<1x16xf32> to vector<16xf32>
            %parallel_loop3A_194 = arith.constant 0 : i32
            %parallel_loop3A_195 = arith.index_cast %parallel_loop3A_194 : i32 to index
            %parallel_loop3A_196 = arith.constant 16 : index
            %parallel_loop3A_197 = tpu.vector_load %arg17[%parallel_loop3A_195, %parallel_loop3A_196] {strides = array<i32>} : memref<3x128xf32, #tpu.memory_space<vmem>>, vector<1x16xf32>,
            %parallel_loop3A_198 = vector.shape_cast %parallel_loop3A_197 : vector<1x16xf32> to vector<16xf32>
            %parallel_loop3A_199 = arith.constant 0 : i32
            %parallel_loop3A_200 = arith.index_cast %parallel_loop3A_199 : i32 to index
            %parallel_loop3A_201 = arith.constant 32 : index
            %parallel_loop3A_202 = tpu.vector_load %arg17[%parallel_loop3A_200, %parallel_loop3A_201] {strides = array<i32>} : memref<3x128xf32, #tpu.memory_space<vmem>>, vector<1x16xf32>,
            %parallel_loop3A_203 = vector.shape_cast %parallel_loop3A_202 : vector<1x16xf32> to vector<16xf32>
            %parallel_loop3A_204 = arith.constant 0 : i32
            %parallel_loop3A_205 = arith.index_cast %parallel_loop3A_204 : i32 to index
            %parallel_loop3A_206 = arith.constant 48 : index
            %parallel_loop3A_207 = tpu.vector_load %arg17[%parallel_loop3A_205, %parallel_loop3A_206] {strides = array<i32>} : memref<3x128xf32, #tpu.memory_space<vmem>>, vector<1x16xf32>,
            %parallel_loop3A_208 = vector.shape_cast %parallel_loop3A_207 : vector<1x16xf32> to vector<16xf32>
            %parallel_loop3A_209 = arith.constant 0 : i32
            %parallel_loop3A_210 = arith.index_cast %parallel_loop3A_209 : i32 to index
            %parallel_loop3A_211 = arith.constant 64 : index
            %parallel_loop3A_212 = tpu.vector_load %arg17[%parallel_loop3A_210, %parallel_loop3A_211] {strides = array<i32>} : memref<3x128xf32, #tpu.memory_space<vmem>>, vector<1x16xf32>,
            %parallel_loop3A_213 = vector.shape_cast %parallel_loop3A_212 : vector<1x16xf32> to vector<16xf32>
            %parallel_loop3A_214 = arith.constant 0 : i32
            %parallel_loop3A_215 = arith.index_cast %parallel_loop3A_214 : i32 to index
            %parallel_loop3A_216 = arith.constant 80 : index
            %parallel_loop3A_217 = tpu.vector_load %arg17[%parallel_loop3A_215, %parallel_loop3A_216] {strides = array<i32>} : memref<3x128xf32, #tpu.memory_space<vmem>>, vector<1x16xf32>,
            %parallel_loop3A_218 = vector.shape_cast %parallel_loop3A_217 : vector<1x16xf32> to vector<16xf32>
            %parallel_loop3A_219 = arith.constant 0 : i32
            %parallel_loop3A_220 = arith.index_cast %parallel_loop3A_219 : i32 to index
            %parallel_loop3A_221 = arith.constant 96 : index
            %parallel_loop3A_222 = tpu.vector_load %arg17[%parallel_loop3A_220, %parallel_loop3A_221] {strides = array<i32>} : memref<3x128xf32, #tpu.memory_space<vmem>>, vector<1x16xf32>,
            %parallel_loop3A_223 = vector.shape_cast %parallel_loop3A_222 : vector<1x16xf32> to vector<16xf32>
            %parallel_loop3A_224 = arith.constant 0 : i32
            %parallel_loop3A_225 = arith.index_cast %parallel_loop3A_224 : i32 to index
            %parallel_loop3A_226 = arith.constant 112 : index
            %parallel_loop3A_227 = tpu.vector_load %arg17[%parallel_loop3A_225, %parallel_loop3A_226] {strides = array<i32>} : memref<3x128xf32, #tpu.memory_space<vmem>>, vector<1x16xf32>,
            %parallel_loop3A_228 = vector.shape_cast %parallel_loop3A_227 : vector<1x16xf32> to vector<16xf32>
            %parallel_loop3A_229 = arith.constant 1 : i32
            %parallel_loop3A_230 = arith.index_cast %parallel_loop3A_229 : i32 to index
            %parallel_loop3A_231 = arith.constant 0 : index
            %parallel_loop3A_232 = tpu.vector_load %arg17[%parallel_loop3A_230, %parallel_loop3A_231] {strides = array<i32>} : memref<3x128xf32, #tpu.memory_space<vmem>>, vector<1x16xf32>,
            %parallel_loop3A_233 = vector.shape_cast %parallel_loop3A_232 : vector<1x16xf32> to vector<16xf32>
            %parallel_loop3A_234 = arith.constant 1 : i32
            %parallel_loop3A_235 = arith.index_cast %parallel_loop3A_234 : i32 to index
            %parallel_loop3A_236 = arith.constant 16 : index
            %parallel_loop3A_237 = tpu.vector_load %arg17[%parallel_loop3A_235, %parallel_loop3A_236] {strides = array<i32>} : memref<3x128xf32, #tpu.memory_space<vmem>>, vector<1x16xf32>,
            %parallel_loop3A_238 = vector.shape_cast %parallel_loop3A_237 : vector<1x16xf32> to vector<16xf32>
            %parallel_loop3A_239 = arith.constant 1 : i32
            %parallel_loop3A_240 = arith.index_cast %parallel_loop3A_239 : i32 to index
            %parallel_loop3A_241 = arith.constant 32 : index
            %parallel_loop3A_242 = tpu.vector_load %arg17[%parallel_loop3A_240, %parallel_loop3A_241] {strides = array<i32>} : memref<3x128xf32, #tpu.memory_space<vmem>>, vector<1x16xf32>,
            %parallel_loop3A_243 = vector.shape_cast %parallel_loop3A_242 : vector<1x16xf32> to vector<16xf32>
            %parallel_loop3A_244 = arith.constant 1 : i32
            %parallel_loop3A_245 = arith.index_cast %parallel_loop3A_244 : i32 to index
            %parallel_loop3A_246 = arith.constant 48 : index
            %parallel_loop3A_247 = tpu.vector_load %arg17[%parallel_loop3A_245, %parallel_loop3A_246] {strides = array<i32>} : memref<3x128xf32, #tpu.memory_space<vmem>>, vector<1x16xf32>,
            %parallel_loop3A_248 = vector.shape_cast %parallel_loop3A_247 : vector<1x16xf32> to vector<16xf32>
            %parallel_loop3A_249 = arith.constant 1 : i32
            %parallel_loop3A_250 = arith.index_cast %parallel_loop3A_249 : i32 to index
            %parallel_loop3A_251 = arith.constant 64 : index
            %parallel_loop3A_252 = tpu.vector_load %arg17[%parallel_loop3A_250, %parallel_loop3A_251] {strides = array<i32>} : memref<3x128xf32, #tpu.memory_space<vmem>>, vector<1x16xf32>,
            %parallel_loop3A_253 = vector.shape_cast %parallel_loop3A_252 : vector<1x16xf32> to vector<16xf32>
            %parallel_loop3A_254 = arith.constant 1 : i32
            %parallel_loop3A_255 = arith.index_cast %parallel_loop3A_254 : i32 to index
            %parallel_loop3A_256 = arith.constant 80 : index
            %parallel_loop3A_257 = tpu.vector_load %arg17[%parallel_loop3A_255, %parallel_loop3A_256] {strides = array<i32>} : memref<3x128xf32, #tpu.memory_space<vmem>>, vector<1x16xf32>,
            %parallel_loop3A_258 = vector.shape_cast %parallel_loop3A_257 : vector<1x16xf32> to vector<16xf32>
            %parallel_loop3A_259 = arith.constant 1 : i32
            %parallel_loop3A_260 = arith.index_cast %parallel_loop3A_259 : i32 to index
            %parallel_loop3A_261 = arith.constant 96 : index
            %parallel_loop3A_262 = tpu.vector_load %arg17[%parallel_loop3A_260, %parallel_loop3A_261] {strides = array<i32>} : memref<3x128xf32, #tpu.memory_space<vmem>>, vector<1x16xf32>,
            %parallel_loop3A_263 = vector.shape_cast %parallel_loop3A_262 : vector<1x16xf32> to vector<16xf32>
            %parallel_loop3A_264 = arith.constant 1 : i32
            %parallel_loop3A_265 = arith.index_cast %parallel_loop3A_264 : i32 to index
            %parallel_loop3A_266 = arith.constant 112 : index
            %parallel_loop3A_267 = tpu.vector_load %arg17[%parallel_loop3A_265, %parallel_loop3A_266] {strides = array<i32>} : memref<3x128xf32, #tpu.memory_space<vmem>>, vector<1x16xf32>,
            %parallel_loop3A_268 = vector.shape_cast %parallel_loop3A_267 : vector<1x16xf32> to vector<16xf32>
            %parallel_loop3A_269 = arith.constant 2 : i32
            %parallel_loop3A_270 = arith.index_cast %parallel_loop3A_269 : i32 to index
            %parallel_loop3A_271 = arith.constant 0 : index
            %parallel_loop3A_272 = tpu.vector_load %arg17[%parallel_loop3A_270, %parallel_loop3A_271] {strides = array<i32>} : memref<3x128xf32, #tpu.memory_space<vmem>>, vector<1x16xf32>,
            %parallel_loop3A_273 = vector.shape_cast %parallel_loop3A_272 : vector<1x16xf32> to vector<16xf32>
            %parallel_loop3A_274 = arith.constant 2 : i32
            %parallel_loop3A_275 = arith.index_cast %parallel_loop3A_274 : i32 to index
            %parallel_loop3A_276 = arith.constant 16 : index
            %parallel_loop3A_277 = tpu.vector_load %arg17[%parallel_loop3A_275, %parallel_loop3A_276] {strides = array<i32>} : memref<3x128xf32, #tpu.memory_space<vmem>>, vector<1x16xf32>,
            %parallel_loop3A_278 = vector.shape_cast %parallel_loop3A_277 : vector<1x16xf32> to vector<16xf32>
            %parallel_loop3A_279 = arith.constant 2 : i32
            %parallel_loop3A_280 = arith.index_cast %parallel_loop3A_279 : i32 to index
            %parallel_loop3A_281 = arith.constant 32 : index
            %parallel_loop3A_282 = tpu.vector_load %arg17[%parallel_loop3A_280, %parallel_loop3A_281] {strides = array<i32>} : memref<3x128xf32, #tpu.memory_space<vmem>>, vector<1x16xf32>,
            %parallel_loop3A_283 = vector.shape_cast %parallel_loop3A_282 : vector<1x16xf32> to vector<16xf32>
            %parallel_loop3A_284 = arith.constant 2 : i32
            %parallel_loop3A_285 = arith.index_cast %parallel_loop3A_284 : i32 to index
            %parallel_loop3A_286 = arith.constant 48 : index
            %parallel_loop3A_287 = tpu.vector_load %arg17[%parallel_loop3A_285, %parallel_loop3A_286] {strides = array<i32>} : memref<3x128xf32, #tpu.memory_space<vmem>>, vector<1x16xf32>,
            %parallel_loop3A_288 = vector.shape_cast %parallel_loop3A_287 : vector<1x16xf32> to vector<16xf32>
            %parallel_loop3A_289 = arith.constant 2 : i32
            %parallel_loop3A_290 = arith.index_cast %parallel_loop3A_289 : i32 to index
            %parallel_loop3A_291 = arith.constant 64 : index
            %parallel_loop3A_292 = tpu.vector_load %arg17[%parallel_loop3A_290, %parallel_loop3A_291] {strides = array<i32>} : memref<3x128xf32, #tpu.memory_space<vmem>>, vector<1x16xf32>,
            %parallel_loop3A_293 = vector.shape_cast %parallel_loop3A_292 : vector<1x16xf32> to vector<16xf32>
            %parallel_loop3A_294 = arith.constant 2 : i32
            %parallel_loop3A_295 = arith.index_cast %parallel_loop3A_294 : i32 to index
            %parallel_loop3A_296 = arith.constant 80 : index
            %parallel_loop3A_297 = tpu.vector_load %arg17[%parallel_loop3A_295, %parallel_loop3A_296] {strides = array<i32>} : memref<3x128xf32, #tpu.memory_space<vmem>>, vector<1x16xf32>,
            %parallel_loop3A_298 = vector.shape_cast %parallel_loop3A_297 : vector<1x16xf32> to vector<16xf32>
            %parallel_loop3A_299 = arith.constant 2 : i32
            %parallel_loop3A_300 = arith.index_cast %parallel_loop3A_299 : i32 to index
            %parallel_loop3A_301 = arith.constant 96 : index
            %parallel_loop3A_302 = tpu.vector_load %arg17[%parallel_loop3A_300, %parallel_loop3A_301] {strides = array<i32>} : memref<3x128xf32, #tpu.memory_space<vmem>>, vector<1x16xf32>,
            %parallel_loop3A_303 = vector.shape_cast %parallel_loop3A_302 : vector<1x16xf32> to vector<16xf32>
            %parallel_loop3A_304 = arith.constant 2 : i32
            %parallel_loop3A_305 = arith.index_cast %parallel_loop3A_304 : i32 to index
            %parallel_loop3A_306 = arith.constant 112 : index
            %parallel_loop3A_307 = tpu.vector_load %arg17[%parallel_loop3A_305, %parallel_loop3A_306] {strides = array<i32>} : memref<3x128xf32, #tpu.memory_space<vmem>>, vector<1x16xf32>,
            %parallel_loop3A_308 = vector.shape_cast %parallel_loop3A_307 : vector<1x16xf32> to vector<16xf32>
            %parallel_loop3A_309 = arith.constant 64 : i32
            %parallel_loop3A_310 = arith.muli %scan3A_122, %parallel_loop3A_309 : i32
            %parallel_loop3A_311 = arith.constant 32 : i32
            %parallel_loop3A_312 = arith.muli %scan3A_165, %parallel_loop3A_311 : i32
            %parallel_loop3A_313 = arith.addi %parallel_loop3A_310, %parallel_loop3A_312 : i32
            %parallel_loop3A_314 = arith.constant 16 : i32
            %parallel_loop3A_315 = arith.muli %parallel_loop3A_188, %parallel_loop3A_314 : i32
            %parallel_loop3A_316 = arith.addi %parallel_loop3A_313, %parallel_loop3A_315 : i32
            %parallel_loop3A_317 = arith.constant 0 : i32
            %parallel_loop3A_318 = arith.index_cast %parallel_loop3A_317 : i32 to index
            %parallel_loop3A_319 = arith.index_cast %parallel_loop3A_316 : i32 to index
            %parallel_loop3A_320 = tpu.vector_load %arg13[%parallel_loop3A_318, %parallel_loop3A_319] {strides = array<i32>} : memref<3x2560xf32, #tpu.memory_space<vmem>>, vector<1x16xf32>,
            %parallel_loop3A_321 = vector.shape_cast %parallel_loop3A_320 : vector<1x16xf32> to vector<16xf32>
            %parallel_loop3A_322 = arith.constant 1 : i32
            %parallel_loop3A_323 = arith.index_cast %parallel_loop3A_322 : i32 to index
            %parallel_loop3A_324 = arith.index_cast %parallel_loop3A_316 : i32 to index
            %parallel_loop3A_325 = tpu.vector_load %arg13[%parallel_loop3A_323, %parallel_loop3A_324] {strides = array<i32>} : memref<3x2560xf32, #tpu.memory_space<vmem>>, vector<1x16xf32>,
            %parallel_loop3A_326 = vector.shape_cast %parallel_loop3A_325 : vector<1x16xf32> to vector<16xf32>
            %parallel_loop3A_327 = arith.constant 2 : i32
            %parallel_loop3A_328 = arith.index_cast %parallel_loop3A_327 : i32 to index
            %parallel_loop3A_329 = arith.index_cast %parallel_loop3A_316 : i32 to index
            %parallel_loop3A_330 = tpu.vector_load %arg13[%parallel_loop3A_328, %parallel_loop3A_329] {strides = array<i32>} : memref<3x2560xf32, #tpu.memory_space<vmem>>, vector<1x16xf32>,
            %parallel_loop3A_331 = vector.shape_cast %parallel_loop3A_330 : vector<1x16xf32> to vector<16xf32>
            %parallel_loop3A_332 = arith.constant 64 : i32
            %parallel_loop3A_333 = arith.muli %select_n3A_131, %parallel_loop3A_332 : i32
            %parallel_loop3A_334 = arith.constant 32 : i32
            %parallel_loop3A_335 = arith.muli %scan3A_165, %parallel_loop3A_334 : i32
            %parallel_loop3A_336 = arith.addi %parallel_loop3A_333, %parallel_loop3A_335 : i32
            %parallel_loop3A_337 = arith.constant 16 : i32
            %parallel_loop3A_338 = arith.muli %parallel_loop3A_188, %parallel_loop3A_337 : i32
            %parallel_loop3A_339 = arith.addi %parallel_loop3A_336, %parallel_loop3A_338 : i32
            %parallel_loop3A_340 = arith.constant 0 : i32
            %parallel_loop3A_341 = arith.addi %parallel_loop3A_339, %parallel_loop3A_340 : i32
            %parallel_loop3A_342 = arith.constant 32 : i32
            %parallel_loop3A_343 = arith.muli %scan3A_165, %parallel_loop3A_342 : i32
            %parallel_loop3A_344 = arith.constant 16 : i32
            %parallel_loop3A_345 = arith.muli %parallel_loop3A_188, %parallel_loop3A_344 : i32
            %parallel_loop3A_346 = arith.addi %parallel_loop3A_343, %parallel_loop3A_345 : i32
            %parallel_loop3A_347 = arith.constant 0 : i32
            %parallel_loop3A_348 = arith.addi %parallel_loop3A_346, %parallel_loop3A_347 : i32
            %parallel_loop3A_349 = vector.extract_strided_slice %parallel_loop3A_321 {offsets = [0], sizes = [1], strides = [1]} : vector<16xf32> to vector<1xf32>
            %parallel_loop3A_350 = vector.extract %parallel_loop3A_349[0] : f32 from vector<1xf32>
            %parallel_loop3A_351 = vector.extract_strided_slice %parallel_loop3A_326 {offsets = [0], sizes = [1], strides = [1]} : vector<16xf32> to vector<1xf32>
            %parallel_loop3A_352 = vector.extract %parallel_loop3A_351[0] : f32 from vector<1xf32>
            %parallel_loop3A_353 = vector.extract_strided_slice %parallel_loop3A_331 {offsets = [0], sizes = [1], strides = [1]} : vector<16xf32> to vector<1xf32>
            %parallel_loop3A_354 = vector.extract %parallel_loop3A_353[0] : f32 from vector<1xf32>
            %parallel_loop3A_355 = arith.index_cast %parallel_loop3A_341 : i32 to index
            %parallel_loop3A_356 = arith.constant 0 : index
            %parallel_loop3A_357 = tpu.vector_load %arg14[%parallel_loop3A_355, %parallel_loop3A_356] {strides = array<i32>} : memref<128x64xi32, #tpu.memory_space<vmem>>, vector<1x16xi32>,
            %parallel_loop3A_358 = vector.shape_cast %parallel_loop3A_357 : vector<1x16xi32> to vector<16xi32>
            %parallel_loop3A_359 = arith.index_cast %parallel_loop3A_341 : i32 to index
            %parallel_loop3A_360 = arith.constant 0 : index
            %parallel_loop3A_361 = tpu.vector_load %arg15[%parallel_loop3A_359, %parallel_loop3A_360] {strides = array<i32>} : memref<128x64xi32, #tpu.memory_space<vmem>>, vector<1x16xi32>,
            %parallel_loop3A_362 = vector.shape_cast %parallel_loop3A_361 : vector<1x16xi32> to vector<16xi32>
            %parallel_loop3A_363 = arith.constant 16 : i32
            %parallel_loop3A_364 = vector.broadcast %parallel_loop3A_363 : i32 to vector<16xi32>
            %parallel_loop3A_365 = arith.shli %parallel_loop3A_358, %parallel_loop3A_364 : vector<16xi32>
            %parallel_loop3A_366 = tpu.bitcast %parallel_loop3A_365 : vector<16xi32> -> vector<16xf32>
            %parallel_loop3A_367 = arith.constant -65536 : i32
            %parallel_loop3A_368 = vector.broadcast %parallel_loop3A_367 : i32 to vector<16xi32>
            %parallel_loop3A_369 = arith.andi %parallel_loop3A_358, %parallel_loop3A_368 : vector<16xi32>
            %parallel_loop3A_370 = tpu.bitcast %parallel_loop3A_369 : vector<16xi32> -> vector<16xf32>
            %parallel_loop3A_371 = arith.constant 16 : i32
            %parallel_loop3A_372 = vector.broadcast %parallel_loop3A_371 : i32 to vector<16xi32>
            %parallel_loop3A_373 = arith.shli %parallel_loop3A_362, %parallel_loop3A_372 : vector<16xi32>
            %parallel_loop3A_374 = tpu.bitcast %parallel_loop3A_373 : vector<16xi32> -> vector<16xf32>
            %parallel_loop3A_375 = arith.constant -65536 : i32
            %parallel_loop3A_376 = vector.broadcast %parallel_loop3A_375 : i32 to vector<16xi32>
            %parallel_loop3A_377 = arith.andi %parallel_loop3A_362, %parallel_loop3A_376 : vector<16xi32>
            %parallel_loop3A_378 = tpu.bitcast %parallel_loop3A_377 : vector<16xi32> -> vector<16xf32>
            %parallel_loop3A_379 = arith.addf %parallel_loop3A_366, %parallel_loop3A_374 : vector<16xf32>
            %parallel_loop3A_380 = vector.broadcast %parallel_loop3A_350 : f32 to vector<16xf32>
            %parallel_loop3A_381 = arith.mulf %parallel_loop3A_380, %parallel_loop3A_193 : vector<16xf32>
            %parallel_loop3A_382 = arith.addf %parallel_loop3A_379, %parallel_loop3A_381 : vector<16xf32>
            %parallel_loop3A_383 = vector.broadcast %parallel_loop3A_352 : f32 to vector<16xf32>
            %parallel_loop3A_384 = arith.mulf %parallel_loop3A_383, %parallel_loop3A_233 : vector<16xf32>
            %parallel_loop3A_385 = arith.addf %parallel_loop3A_382, %parallel_loop3A_384 : vector<16xf32>
            %parallel_loop3A_386 = vector.broadcast %parallel_loop3A_354 : f32 to vector<16xf32>
            %parallel_loop3A_387 = arith.mulf %parallel_loop3A_386, %parallel_loop3A_273 : vector<16xf32>
            %parallel_loop3A_388 = arith.addf %parallel_loop3A_385, %parallel_loop3A_387 : vector<16xf32>
            %parallel_loop3A_389 = arith.addf %parallel_loop3A_370, %parallel_loop3A_378 : vector<16xf32>
            %parallel_loop3A_390 = vector.broadcast %parallel_loop3A_350 : f32 to vector<16xf32>
            %parallel_loop3A_391 = arith.mulf %parallel_loop3A_390, %parallel_loop3A_198 : vector<16xf32>
            %parallel_loop3A_392 = arith.addf %parallel_loop3A_389, %parallel_loop3A_391 : vector<16xf32>
            %parallel_loop3A_393 = vector.broadcast %parallel_loop3A_352 : f32 to vector<16xf32>
            %parallel_loop3A_394 = arith.mulf %parallel_loop3A_393, %parallel_loop3A_238 : vector<16xf32>
            %parallel_loop3A_395 = arith.addf %parallel_loop3A_392, %parallel_loop3A_394 : vector<16xf32>
            %parallel_loop3A_396 = vector.broadcast %parallel_loop3A_354 : f32 to vector<16xf32>
            %parallel_loop3A_397 = arith.mulf %parallel_loop3A_396, %parallel_loop3A_278 : vector<16xf32>
            %parallel_loop3A_398 = arith.addf %parallel_loop3A_395, %parallel_loop3A_397 : vector<16xf32>
            %parallel_loop3A_399 = arith.constant 0.000000e+00 : f32
            %parallel_loop3A_400 = vector.broadcast %parallel_loop3A_399 : f32 to vector<16xf32>
            %parallel_loop3A_401 = arith.maximumf %parallel_loop3A_388, %parallel_loop3A_400 : vector<16xf32>
            %parallel_loop3A_402 = arith.index_cast %parallel_loop3A_348 : i32 to index
            %parallel_loop3A_403 = arith.constant 0 : index
            %parallel_loop3A_404 = tpu.vector_load %arg16[%parallel_loop3A_402, %parallel_loop3A_403] {strides = array<i32>} : memref<64x128xf32, #tpu.memory_space<vmem>>, vector<1x16xf32>,
            %parallel_loop3A_405 = vector.shape_cast %parallel_loop3A_404 : vector<1x16xf32> to vector<16xf32>
            %parallel_loop3A_406 = vector.shape_cast %parallel_loop3A_401 : vector<16xf32> to vector<1x16xf32>
            tpu.vector_store %arg16[%parallel_loop3A_402, %parallel_loop3A_403], %parallel_loop3A_406 {strides = array<i32>} : memref<64x128xf32, #tpu.memory_space<vmem>>, vector<1x16xf32>,
            %parallel_loop3A_407 = arith.constant 0.000000e+00 : f32
            %parallel_loop3A_408 = vector.broadcast %parallel_loop3A_407 : f32 to vector<16xf32>
            %parallel_loop3A_409 = arith.maximumf %parallel_loop3A_398, %parallel_loop3A_408 : vector<16xf32>
            %parallel_loop3A_410 = arith.index_cast %parallel_loop3A_348 : i32 to index
            %parallel_loop3A_411 = arith.constant 16 : index
            %parallel_loop3A_412 = tpu.vector_load %arg16[%parallel_loop3A_410, %parallel_loop3A_411] {strides = array<i32>} : memref<64x128xf32, #tpu.memory_space<vmem>>, vector<1x16xf32>,
            %parallel_loop3A_413 = vector.shape_cast %parallel_loop3A_412 : vector<1x16xf32> to vector<16xf32>
            %parallel_loop3A_414 = vector.shape_cast %parallel_loop3A_409 : vector<16xf32> to vector<1x16xf32>
            tpu.vector_store %arg16[%parallel_loop3A_410, %parallel_loop3A_411], %parallel_loop3A_414 {strides = array<i32>} : memref<64x128xf32, #tpu.memory_space<vmem>>, vector<1x16xf32>,
            %parallel_loop3A_415 = arith.index_cast %parallel_loop3A_341 : i32 to index
            %parallel_loop3A_416 = arith.constant 16 : index
            %parallel_loop3A_417 = tpu.vector_load %arg14[%parallel_loop3A_415, %parallel_loop3A_416] {strides = array<i32>} : memref<128x64xi32, #tpu.memory_space<vmem>>, vector<1x16xi32>,
            %parallel_loop3A_418 = vector.shape_cast %parallel_loop3A_417 : vector<1x16xi32> to vector<16xi32>
            %parallel_loop3A_419 = arith.index_cast %parallel_loop3A_341 : i32 to index
            %parallel_loop3A_420 = arith.constant 16 : index
            %parallel_loop3A_421 = tpu.vector_load %arg15[%parallel_loop3A_419, %parallel_loop3A_420] {strides = array<i32>} : memref<128x64xi32, #tpu.memory_space<vmem>>, vector<1x16xi32>,
            %parallel_loop3A_422 = vector.shape_cast %parallel_loop3A_421 : vector<1x16xi32> to vector<16xi32>
            %parallel_loop3A_423 = arith.constant 16 : i32
            %parallel_loop3A_424 = vector.broadcast %parallel_loop3A_423 : i32 to vector<16xi32>
            %parallel_loop3A_425 = arith.shli %parallel_loop3A_418, %parallel_loop3A_424 : vector<16xi32>
            %parallel_loop3A_426 = tpu.bitcast %parallel_loop3A_425 : vector<16xi32> -> vector<16xf32>
            %parallel_loop3A_427 = arith.constant -65536 : i32
            %parallel_loop3A_428 = vector.broadcast %parallel_loop3A_427 : i32 to vector<16xi32>
            %parallel_loop3A_429 = arith.andi %parallel_loop3A_418, %parallel_loop3A_428 : vector<16xi32>
            %parallel_loop3A_430 = tpu.bitcast %parallel_loop3A_429 : vector<16xi32> -> vector<16xf32>
            %parallel_loop3A_431 = arith.constant 16 : i32
            %parallel_loop3A_432 = vector.broadcast %parallel_loop3A_431 : i32 to vector<16xi32>
            %parallel_loop3A_433 = arith.shli %parallel_loop3A_422, %parallel_loop3A_432 : vector<16xi32>
            %parallel_loop3A_434 = tpu.bitcast %parallel_loop3A_433 : vector<16xi32> -> vector<16xf32>
            %parallel_loop3A_435 = arith.constant -65536 : i32
            %parallel_loop3A_436 = vector.broadcast %parallel_loop3A_435 : i32 to vector<16xi32>
            %parallel_loop3A_437 = arith.andi %parallel_loop3A_422, %parallel_loop3A_436 : vector<16xi32>
            %parallel_loop3A_438 = tpu.bitcast %parallel_loop3A_437 : vector<16xi32> -> vector<16xf32>
            %parallel_loop3A_439 = arith.addf %parallel_loop3A_426, %parallel_loop3A_434 : vector<16xf32>
            %parallel_loop3A_440 = vector.broadcast %parallel_loop3A_350 : f32 to vector<16xf32>
            %parallel_loop3A_441 = arith.mulf %parallel_loop3A_440, %parallel_loop3A_203 : vector<16xf32>
            %parallel_loop3A_442 = arith.addf %parallel_loop3A_439, %parallel_loop3A_441 : vector<16xf32>
            %parallel_loop3A_443 = vector.broadcast %parallel_loop3A_352 : f32 to vector<16xf32>
            %parallel_loop3A_444 = arith.mulf %parallel_loop3A_443, %parallel_loop3A_243 : vector<16xf32>
            %parallel_loop3A_445 = arith.addf %parallel_loop3A_442, %parallel_loop3A_444 : vector<16xf32>
            %parallel_loop3A_446 = vector.broadcast %parallel_loop3A_354 : f32 to vector<16xf32>
            %parallel_loop3A_447 = arith.mulf %parallel_loop3A_446, %parallel_loop3A_283 : vector<16xf32>
            %parallel_loop3A_448 = arith.addf %parallel_loop3A_445, %parallel_loop3A_447 : vector<16xf32>
            %parallel_loop3A_449 = arith.addf %parallel_loop3A_430, %parallel_loop3A_438 : vector<16xf32>
            %parallel_loop3A_450 = vector.broadcast %parallel_loop3A_350 : f32 to vector<16xf32>
            %parallel_loop3A_451 = arith.mulf %parallel_loop3A_450, %parallel_loop3A_208 : vector<16xf32>
            %parallel_loop3A_452 = arith.addf %parallel_loop3A_449, %parallel_loop3A_451 : vector<16xf32>
            %parallel_loop3A_453 = vector.broadcast %parallel_loop3A_352 : f32 to vector<16xf32>
            %parallel_loop3A_454 = arith.mulf %parallel_loop3A_453, %parallel_loop3A_248 : vector<16xf32>
            %parallel_loop3A_455 = arith.addf %parallel_loop3A_452, %parallel_loop3A_454 : vector<16xf32>
            %parallel_loop3A_456 = vector.broadcast %parallel_loop3A_354 : f32 to vector<16xf32>
            %parallel_loop3A_457 = arith.mulf %parallel_loop3A_456, %parallel_loop3A_288 : vector<16xf32>
            %parallel_loop3A_458 = arith.addf %parallel_loop3A_455, %parallel_loop3A_457 : vector<16xf32>
            %parallel_loop3A_459 = arith.constant 0.000000e+00 : f32
            %parallel_loop3A_460 = vector.broadcast %parallel_loop3A_459 : f32 to vector<16xf32>
            %parallel_loop3A_461 = arith.maximumf %parallel_loop3A_448, %parallel_loop3A_460 : vector<16xf32>
            %parallel_loop3A_462 = arith.index_cast %parallel_loop3A_348 : i32 to index
            %parallel_loop3A_463 = arith.constant 32 : index
            %parallel_loop3A_464 = tpu.vector_load %arg16[%parallel_loop3A_462, %parallel_loop3A_463] {strides = array<i32>} : memref<64x128xf32, #tpu.memory_space<vmem>>, vector<1x16xf32>,
            %parallel_loop3A_465 = vector.shape_cast %parallel_loop3A_464 : vector<1x16xf32> to vector<16xf32>
            %parallel_loop3A_466 = vector.shape_cast %parallel_loop3A_461 : vector<16xf32> to vector<1x16xf32>
            tpu.vector_store %arg16[%parallel_loop3A_462, %parallel_loop3A_463], %parallel_loop3A_466 {strides = array<i32>} : memref<64x128xf32, #tpu.memory_space<vmem>>, vector<1x16xf32>,
            %parallel_loop3A_467 = arith.constant 0.000000e+00 : f32
            %parallel_loop3A_468 = vector.broadcast %parallel_loop3A_467 : f32 to vector<16xf32>
            %parallel_loop3A_469 = arith.maximumf %parallel_loop3A_458, %parallel_loop3A_468 : vector<16xf32>
            %parallel_loop3A_470 = arith.index_cast %parallel_loop3A_348 : i32 to index
            %parallel_loop3A_471 = arith.constant 48 : index
            %parallel_loop3A_472 = tpu.vector_load %arg16[%parallel_loop3A_470, %parallel_loop3A_471] {strides = array<i32>} : memref<64x128xf32, #tpu.memory_space<vmem>>, vector<1x16xf32>,
            %parallel_loop3A_473 = vector.shape_cast %parallel_loop3A_472 : vector<1x16xf32> to vector<16xf32>
            %parallel_loop3A_474 = vector.shape_cast %parallel_loop3A_469 : vector<16xf32> to vector<1x16xf32>
            tpu.vector_store %arg16[%parallel_loop3A_470, %parallel_loop3A_471], %parallel_loop3A_474 {strides = array<i32>} : memref<64x128xf32, #tpu.memory_space<vmem>>, vector<1x16xf32>,
            %parallel_loop3A_475 = arith.index_cast %parallel_loop3A_341 : i32 to index
            %parallel_loop3A_476 = arith.constant 32 : index
            %parallel_loop3A_477 = tpu.vector_load %arg14[%parallel_loop3A_475, %parallel_loop3A_476] {strides = array<i32>} : memref<128x64xi32, #tpu.memory_space<vmem>>, vector<1x16xi32>,
            %parallel_loop3A_478 = vector.shape_cast %parallel_loop3A_477 : vector<1x16xi32> to vector<16xi32>
            %parallel_loop3A_479 = arith.index_cast %parallel_loop3A_341 : i32 to index
            %parallel_loop3A_480 = arith.constant 32 : index
            %parallel_loop3A_481 = tpu.vector_load %arg15[%parallel_loop3A_479, %parallel_loop3A_480] {strides = array<i32>} : memref<128x64xi32, #tpu.memory_space<vmem>>, vector<1x16xi32>,
            %parallel_loop3A_482 = vector.shape_cast %parallel_loop3A_481 : vector<1x16xi32> to vector<16xi32>
            %parallel_loop3A_483 = arith.constant 16 : i32
            %parallel_loop3A_484 = vector.broadcast %parallel_loop3A_483 : i32 to vector<16xi32>
            %parallel_loop3A_485 = arith.shli %parallel_loop3A_478, %parallel_loop3A_484 : vector<16xi32>
            %parallel_loop3A_486 = tpu.bitcast %parallel_loop3A_485 : vector<16xi32> -> vector<16xf32>
            %parallel_loop3A_487 = arith.constant -65536 : i32
            %parallel_loop3A_488 = vector.broadcast %parallel_loop3A_487 : i32 to vector<16xi32>
            %parallel_loop3A_489 = arith.andi %parallel_loop3A_478, %parallel_loop3A_488 : vector<16xi32>
            %parallel_loop3A_490 = tpu.bitcast %parallel_loop3A_489 : vector<16xi32> -> vector<16xf32>
            %parallel_loop3A_491 = arith.constant 16 : i32
            %parallel_loop3A_492 = vector.broadcast %parallel_loop3A_491 : i32 to vector<16xi32>
            %parallel_loop3A_493 = arith.shli %parallel_loop3A_482, %parallel_loop3A_492 : vector<16xi32>
            %parallel_loop3A_494 = tpu.bitcast %parallel_loop3A_493 : vector<16xi32> -> vector<16xf32>
            %parallel_loop3A_495 = arith.constant -65536 : i32
            %parallel_loop3A_496 = vector.broadcast %parallel_loop3A_495 : i32 to vector<16xi32>
            %parallel_loop3A_497 = arith.andi %parallel_loop3A_482, %parallel_loop3A_496 : vector<16xi32>
            %parallel_loop3A_498 = tpu.bitcast %parallel_loop3A_497 : vector<16xi32> -> vector<16xf32>
            %parallel_loop3A_499 = arith.addf %parallel_loop3A_486, %parallel_loop3A_494 : vector<16xf32>
            %parallel_loop3A_500 = vector.broadcast %parallel_loop3A_350 : f32 to vector<16xf32>
            %parallel_loop3A_501 = arith.mulf %parallel_loop3A_500, %parallel_loop3A_213 : vector<16xf32>
            %parallel_loop3A_502 = arith.addf %parallel_loop3A_499, %parallel_loop3A_501 : vector<16xf32>
            %parallel_loop3A_503 = vector.broadcast %parallel_loop3A_352 : f32 to vector<16xf32>
            %parallel_loop3A_504 = arith.mulf %parallel_loop3A_503, %parallel_loop3A_253 : vector<16xf32>
            %parallel_loop3A_505 = arith.addf %parallel_loop3A_502, %parallel_loop3A_504 : vector<16xf32>
            %parallel_loop3A_506 = vector.broadcast %parallel_loop3A_354 : f32 to vector<16xf32>
            %parallel_loop3A_507 = arith.mulf %parallel_loop3A_506, %parallel_loop3A_293 : vector<16xf32>
            %parallel_loop3A_508 = arith.addf %parallel_loop3A_505, %parallel_loop3A_507 : vector<16xf32>
            %parallel_loop3A_509 = arith.addf %parallel_loop3A_490, %parallel_loop3A_498 : vector<16xf32>
            %parallel_loop3A_510 = vector.broadcast %parallel_loop3A_350 : f32 to vector<16xf32>
            %parallel_loop3A_511 = arith.mulf %parallel_loop3A_510, %parallel_loop3A_218 : vector<16xf32>
            %parallel_loop3A_512 = arith.addf %parallel_loop3A_509, %parallel_loop3A_511 : vector<16xf32>
            %parallel_loop3A_513 = vector.broadcast %parallel_loop3A_352 : f32 to vector<16xf32>
            %parallel_loop3A_514 = arith.mulf %parallel_loop3A_513, %parallel_loop3A_258 : vector<16xf32>
            %parallel_loop3A_515 = arith.addf %parallel_loop3A_512, %parallel_loop3A_514 : vector<16xf32>
            %parallel_loop3A_516 = vector.broadcast %parallel_loop3A_354 : f32 to vector<16xf32>
            %parallel_loop3A_517 = arith.mulf %parallel_loop3A_516, %parallel_loop3A_298 : vector<16xf32>
            %parallel_loop3A_518 = arith.addf %parallel_loop3A_515, %parallel_loop3A_517 : vector<16xf32>
            %parallel_loop3A_519 = arith.constant 0.000000e+00 : f32
            %parallel_loop3A_520 = vector.broadcast %parallel_loop3A_519 : f32 to vector<16xf32>
            %parallel_loop3A_521 = arith.maximumf %parallel_loop3A_508, %parallel_loop3A_520 : vector<16xf32>
            %parallel_loop3A_522 = arith.index_cast %parallel_loop3A_348 : i32 to index
            %parallel_loop3A_523 = arith.constant 64 : index
            %parallel_loop3A_524 = tpu.vector_load %arg16[%parallel_loop3A_522, %parallel_loop3A_523] {strides = array<i32>} : memref<64x128xf32, #tpu.memory_space<vmem>>, vector<1x16xf32>,
            %parallel_loop3A_525 = vector.shape_cast %parallel_loop3A_524 : vector<1x16xf32> to vector<16xf32>
            %parallel_loop3A_526 = vector.shape_cast %parallel_loop3A_521 : vector<16xf32> to vector<1x16xf32>
            tpu.vector_store %arg16[%parallel_loop3A_522, %parallel_loop3A_523], %parallel_loop3A_526 {strides = array<i32>} : memref<64x128xf32, #tpu.memory_space<vmem>>, vector<1x16xf32>,
            %parallel_loop3A_527 = arith.constant 0.000000e+00 : f32
            %parallel_loop3A_528 = vector.broadcast %parallel_loop3A_527 : f32 to vector<16xf32>
            %parallel_loop3A_529 = arith.maximumf %parallel_loop3A_518, %parallel_loop3A_528 : vector<16xf32>
            %parallel_loop3A_530 = arith.index_cast %parallel_loop3A_348 : i32 to index
            %parallel_loop3A_531 = arith.constant 80 : index
            %parallel_loop3A_532 = tpu.vector_load %arg16[%parallel_loop3A_530, %parallel_loop3A_531] {strides = array<i32>} : memref<64x128xf32, #tpu.memory_space<vmem>>, vector<1x16xf32>,
            %parallel_loop3A_533 = vector.shape_cast %parallel_loop3A_532 : vector<1x16xf32> to vector<16xf32>
            %parallel_loop3A_534 = vector.shape_cast %parallel_loop3A_529 : vector<16xf32> to vector<1x16xf32>
            tpu.vector_store %arg16[%parallel_loop3A_530, %parallel_loop3A_531], %parallel_loop3A_534 {strides = array<i32>} : memref<64x128xf32, #tpu.memory_space<vmem>>, vector<1x16xf32>,
            %parallel_loop3A_535 = arith.index_cast %parallel_loop3A_341 : i32 to index
            %parallel_loop3A_536 = arith.constant 48 : index
            %parallel_loop3A_537 = tpu.vector_load %arg14[%parallel_loop3A_535, %parallel_loop3A_536] {strides = array<i32>} : memref<128x64xi32, #tpu.memory_space<vmem>>, vector<1x16xi32>,
            %parallel_loop3A_538 = vector.shape_cast %parallel_loop3A_537 : vector<1x16xi32> to vector<16xi32>
            %parallel_loop3A_539 = arith.index_cast %parallel_loop3A_341 : i32 to index
            %parallel_loop3A_540 = arith.constant 48 : index
            %parallel_loop3A_541 = tpu.vector_load %arg15[%parallel_loop3A_539, %parallel_loop3A_540] {strides = array<i32>} : memref<128x64xi32, #tpu.memory_space<vmem>>, vector<1x16xi32>,
            %parallel_loop3A_542 = vector.shape_cast %parallel_loop3A_541 : vector<1x16xi32> to vector<16xi32>
            %parallel_loop3A_543 = arith.constant 16 : i32
            %parallel_loop3A_544 = vector.broadcast %parallel_loop3A_543 : i32 to vector<16xi32>
            %parallel_loop3A_545 = arith.shli %parallel_loop3A_538, %parallel_loop3A_544 : vector<16xi32>
            %parallel_loop3A_546 = tpu.bitcast %parallel_loop3A_545 : vector<16xi32> -> vector<16xf32>
            %parallel_loop3A_547 = arith.constant -65536 : i32
            %parallel_loop3A_548 = vector.broadcast %parallel_loop3A_547 : i32 to vector<16xi32>
            %parallel_loop3A_549 = arith.andi %parallel_loop3A_538, %parallel_loop3A_548 : vector<16xi32>
            %parallel_loop3A_550 = tpu.bitcast %parallel_loop3A_549 : vector<16xi32> -> vector<16xf32>
            %parallel_loop3A_551 = arith.constant 16 : i32
            %parallel_loop3A_552 = vector.broadcast %parallel_loop3A_551 : i32 to vector<16xi32>
            %parallel_loop3A_553 = arith.shli %parallel_loop3A_542, %parallel_loop3A_552 : vector<16xi32>
            %parallel_loop3A_554 = tpu.bitcast %parallel_loop3A_553 : vector<16xi32> -> vector<16xf32>
            %parallel_loop3A_555 = arith.constant -65536 : i32
            %parallel_loop3A_556 = vector.broadcast %parallel_loop3A_555 : i32 to vector<16xi32>
            %parallel_loop3A_557 = arith.andi %parallel_loop3A_542, %parallel_loop3A_556 : vector<16xi32>
            %parallel_loop3A_558 = tpu.bitcast %parallel_loop3A_557 : vector<16xi32> -> vector<16xf32>
            %parallel_loop3A_559 = arith.addf %parallel_loop3A_546, %parallel_loop3A_554 : vector<16xf32>
            %parallel_loop3A_560 = vector.broadcast %parallel_loop3A_350 : f32 to vector<16xf32>
            %parallel_loop3A_561 = arith.mulf %parallel_loop3A_560, %parallel_loop3A_223 : vector<16xf32>
            %parallel_loop3A_562 = arith.addf %parallel_loop3A_559, %parallel_loop3A_561 : vector<16xf32>
            %parallel_loop3A_563 = vector.broadcast %parallel_loop3A_352 : f32 to vector<16xf32>
            %parallel_loop3A_564 = arith.mulf %parallel_loop3A_563, %parallel_loop3A_263 : vector<16xf32>
            %parallel_loop3A_565 = arith.addf %parallel_loop3A_562, %parallel_loop3A_564 : vector<16xf32>
            %parallel_loop3A_566 = vector.broadcast %parallel_loop3A_354 : f32 to vector<16xf32>
            %parallel_loop3A_567 = arith.mulf %parallel_loop3A_566, %parallel_loop3A_303 : vector<16xf32>
            %parallel_loop3A_568 = arith.addf %parallel_loop3A_565, %parallel_loop3A_567 : vector<16xf32>
            %parallel_loop3A_569 = arith.addf %parallel_loop3A_550, %parallel_loop3A_558 : vector<16xf32>
            %parallel_loop3A_570 = vector.broadcast %parallel_loop3A_350 : f32 to vector<16xf32>
            %parallel_loop3A_571 = arith.mulf %parallel_loop3A_570, %parallel_loop3A_228 : vector<16xf32>
            %parallel_loop3A_572 = arith.addf %parallel_loop3A_569, %parallel_loop3A_571 : vector<16xf32>
            %parallel_loop3A_573 = vector.broadcast %parallel_loop3A_352 : f32 to vector<16xf32>
            %parallel_loop3A_574 = arith.mulf %parallel_loop3A_573, %parallel_loop3A_268 : vector<16xf32>
            %parallel_loop3A_575 = arith.addf %parallel_loop3A_572, %parallel_loop3A_574 : vector<16xf32>
            %parallel_loop3A_576 = vector.broadcast %parallel_loop3A_354 : f32 to vector<16xf32>
            %parallel_loop3A_577 = arith.mulf %parallel_loop3A_576, %parallel_loop3A_308 : vector<16xf32>
            %parallel_loop3A_578 = arith.addf %parallel_loop3A_575, %parallel_loop3A_577 : vector<16xf32>
            %parallel_loop3A_579 = arith.constant 0.000000e+00 : f32
            %parallel_loop3A_580 = vector.broadcast %parallel_loop3A_579 : f32 to vector<16xf32>
            %parallel_loop3A_581 = arith.maximumf %parallel_loop3A_568, %parallel_loop3A_580 : vector<16xf32>
            %parallel_loop3A_582 = arith.index_cast %parallel_loop3A_348 : i32 to index
            %parallel_loop3A_583 = arith.constant 96 : index
            %parallel_loop3A_584 = tpu.vector_load %arg16[%parallel_loop3A_582, %parallel_loop3A_583] {strides = array<i32>} : memref<64x128xf32, #tpu.memory_space<vmem>>, vector<1x16xf32>,
            %parallel_loop3A_585 = vector.shape_cast %parallel_loop3A_584 : vector<1x16xf32> to vector<16xf32>
            %parallel_loop3A_586 = vector.shape_cast %parallel_loop3A_581 : vector<16xf32> to vector<1x16xf32>
            tpu.vector_store %arg16[%parallel_loop3A_582, %parallel_loop3A_583], %parallel_loop3A_586 {strides = array<i32>} : memref<64x128xf32, #tpu.memory_space<vmem>>, vector<1x16xf32>,
            %parallel_loop3A_587 = arith.constant 0.000000e+00 : f32
            %parallel_loop3A_588 = vector.broadcast %parallel_loop3A_587 : f32 to vector<16xf32>
            %parallel_loop3A_589 = arith.maximumf %parallel_loop3A_578, %parallel_loop3A_588 : vector<16xf32>
            %parallel_loop3A_590 = arith.index_cast %parallel_loop3A_348 : i32 to index
            %parallel_loop3A_591 = arith.constant 112 : index
            %parallel_loop3A_592 = tpu.vector_load %arg16[%parallel_loop3A_590, %parallel_loop3A_591] {strides = array<i32>} : memref<64x128xf32, #tpu.memory_space<vmem>>, vector<1x16xf32>,
            %parallel_loop3A_593 = vector.shape_cast %parallel_loop3A_592 : vector<1x16xf32> to vector<16xf32>
            %parallel_loop3A_594 = vector.shape_cast %parallel_loop3A_589 : vector<16xf32> to vector<1x16xf32>
            tpu.vector_store %arg16[%parallel_loop3A_590, %parallel_loop3A_591], %parallel_loop3A_594 {strides = array<i32>} : memref<64x128xf32, #tpu.memory_space<vmem>>, vector<1x16xf32>,
            %parallel_loop3A_595 = arith.constant 64 : i32
            %parallel_loop3A_596 = arith.muli %select_n3A_131, %parallel_loop3A_595 : i32
            %parallel_loop3A_597 = arith.constant 32 : i32
            %parallel_loop3A_598 = arith.muli %scan3A_165, %parallel_loop3A_597 : i32
            %parallel_loop3A_599 = arith.addi %parallel_loop3A_596, %parallel_loop3A_598 : i32
            %parallel_loop3A_600 = arith.constant 16 : i32
            %parallel_loop3A_601 = arith.muli %parallel_loop3A_188, %parallel_loop3A_600 : i32
            %parallel_loop3A_602 = arith.addi %parallel_loop3A_599, %parallel_loop3A_601 : i32
            %parallel_loop3A_603 = arith.constant 1 : i32
            %parallel_loop3A_604 = arith.addi %parallel_loop3A_602, %parallel_loop3A_603 : i32
            %parallel_loop3A_605 = arith.constant 32 : i32
            %parallel_loop3A_606 = arith.muli %scan3A_165, %parallel_loop3A_605 : i32
            %parallel_loop3A_607 = arith.constant 16 : i32
            %parallel_loop3A_608 = arith.muli %parallel_loop3A_188, %parallel_loop3A_607 : i32
            %parallel_loop3A_609 = arith.addi %parallel_loop3A_606, %parallel_loop3A_608 : i32
            %parallel_loop3A_610 = arith.constant 1 : i32
            %parallel_loop3A_611 = arith.addi %parallel_loop3A_609, %parallel_loop3A_610 : i32
            %parallel_loop3A_612 = vector.extract_strided_slice %parallel_loop3A_321 {offsets = [1], sizes = [1], strides = [1]} : vector<16xf32> to vector<1xf32>
            %parallel_loop3A_613 = vector.extract %parallel_loop3A_612[0] : f32 from vector<1xf32>
            %parallel_loop3A_614 = vector.extract_strided_slice %parallel_loop3A_326 {offsets = [1], sizes = [1], strides = [1]} : vector<16xf32> to vector<1xf32>
            %parallel_loop3A_615 = vector.extract %parallel_loop3A_614[0] : f32 from vector<1xf32>
            %parallel_loop3A_616 = vector.extract_strided_slice %parallel_loop3A_331 {offsets = [1], sizes = [1], strides = [1]} : vector<16xf32> to vector<1xf32>
            %parallel_loop3A_617 = vector.extract %parallel_loop3A_616[0] : f32 from vector<1xf32>
            %parallel_loop3A_618 = arith.index_cast %parallel_loop3A_604 : i32 to index
            %parallel_loop3A_619 = arith.constant 0 : index
            %parallel_loop3A_620 = tpu.vector_load %arg14[%parallel_loop3A_618, %parallel_loop3A_619] {strides = array<i32>} : memref<128x64xi32, #tpu.memory_space<vmem>>, vector<1x16xi32>,
            %parallel_loop3A_621 = vector.shape_cast %parallel_loop3A_620 : vector<1x16xi32> to vector<16xi32>
            %parallel_loop3A_622 = arith.index_cast %parallel_loop3A_604 : i32 to index
            %parallel_loop3A_623 = arith.constant 0 : index
            %parallel_loop3A_624 = tpu.vector_load %arg15[%parallel_loop3A_622, %parallel_loop3A_623] {strides = array<i32>} : memref<128x64xi32, #tpu.memory_space<vmem>>, vector<1x16xi32>,
            %parallel_loop3A_625 = vector.shape_cast %parallel_loop3A_624 : vector<1x16xi32> to vector<16xi32>
            %parallel_loop3A_626 = arith.constant 16 : i32
            %parallel_loop3A_627 = vector.broadcast %parallel_loop3A_626 : i32 to vector<16xi32>
            %parallel_loop3A_628 = arith.shli %parallel_loop3A_621, %parallel_loop3A_627 : vector<16xi32>
            %parallel_loop3A_629 = tpu.bitcast %parallel_loop3A_628 : vector<16xi32> -> vector<16xf32>
            %parallel_loop3A_630 = arith.constant -65536 : i32
            %parallel_loop3A_631 = vector.broadcast %parallel_loop3A_630 : i32 to vector<16xi32>
            %parallel_loop3A_632 = arith.andi %parallel_loop3A_621, %parallel_loop3A_631 : vector<16xi32>
            %parallel_loop3A_633 = tpu.bitcast %parallel_loop3A_632 : vector<16xi32> -> vector<16xf32>
            %parallel_loop3A_634 = arith.constant 16 : i32
            %parallel_loop3A_635 = vector.broadcast %parallel_loop3A_634 : i32 to vector<16xi32>
            %parallel_loop3A_636 = arith.shli %parallel_loop3A_625, %parallel_loop3A_635 : vector<16xi32>
            %parallel_loop3A_637 = tpu.bitcast %parallel_loop3A_636 : vector<16xi32> -> vector<16xf32>
            %parallel_loop3A_638 = arith.constant -65536 : i32
            %parallel_loop3A_639 = vector.broadcast %parallel_loop3A_638 : i32 to vector<16xi32>
            %parallel_loop3A_640 = arith.andi %parallel_loop3A_625, %parallel_loop3A_639 : vector<16xi32>
            %parallel_loop3A_641 = tpu.bitcast %parallel_loop3A_640 : vector<16xi32> -> vector<16xf32>
            %parallel_loop3A_642 = arith.addf %parallel_loop3A_629, %parallel_loop3A_637 : vector<16xf32>
            %parallel_loop3A_643 = vector.broadcast %parallel_loop3A_613 : f32 to vector<16xf32>
            %parallel_loop3A_644 = arith.mulf %parallel_loop3A_643, %parallel_loop3A_193 : vector<16xf32>
            %parallel_loop3A_645 = arith.addf %parallel_loop3A_642, %parallel_loop3A_644 : vector<16xf32>
            %parallel_loop3A_646 = vector.broadcast %parallel_loop3A_615 : f32 to vector<16xf32>
            %parallel_loop3A_647 = arith.mulf %parallel_loop3A_646, %parallel_loop3A_233 : vector<16xf32>
            %parallel_loop3A_648 = arith.addf %parallel_loop3A_645, %parallel_loop3A_647 : vector<16xf32>
            %parallel_loop3A_649 = vector.broadcast %parallel_loop3A_617 : f32 to vector<16xf32>
            %parallel_loop3A_650 = arith.mulf %parallel_loop3A_649, %parallel_loop3A_273 : vector<16xf32>
            %parallel_loop3A_651 = arith.addf %parallel_loop3A_648, %parallel_loop3A_650 : vector<16xf32>
            %parallel_loop3A_652 = arith.addf %parallel_loop3A_633, %parallel_loop3A_641 : vector<16xf32>
            %parallel_loop3A_653 = vector.broadcast %parallel_loop3A_613 : f32 to vector<16xf32>
            %parallel_loop3A_654 = arith.mulf %parallel_loop3A_653, %parallel_loop3A_198 : vector<16xf32>
            %parallel_loop3A_655 = arith.addf %parallel_loop3A_652, %parallel_loop3A_654 : vector<16xf32>
            %parallel_loop3A_656 = vector.broadcast %parallel_loop3A_615 : f32 to vector<16xf32>
            %parallel_loop3A_657 = arith.mulf %parallel_loop3A_656, %parallel_loop3A_238 : vector<16xf32>
            %parallel_loop3A_658 = arith.addf %parallel_loop3A_655, %parallel_loop3A_657 : vector<16xf32>
            %parallel_loop3A_659 = vector.broadcast %parallel_loop3A_617 : f32 to vector<16xf32>
            %parallel_loop3A_660 = arith.mulf %parallel_loop3A_659, %parallel_loop3A_278 : vector<16xf32>
            %parallel_loop3A_661 = arith.addf %parallel_loop3A_658, %parallel_loop3A_660 : vector<16xf32>
            %parallel_loop3A_662 = arith.constant 0.000000e+00 : f32
            %parallel_loop3A_663 = vector.broadcast %parallel_loop3A_662 : f32 to vector<16xf32>
            %parallel_loop3A_664 = arith.maximumf %parallel_loop3A_651, %parallel_loop3A_663 : vector<16xf32>
            %parallel_loop3A_665 = arith.index_cast %parallel_loop3A_611 : i32 to index
            %parallel_loop3A_666 = arith.constant 0 : index
            %parallel_loop3A_667 = tpu.vector_load %arg16[%parallel_loop3A_665, %parallel_loop3A_666] {strides = array<i32>} : memref<64x128xf32, #tpu.memory_space<vmem>>, vector<1x16xf32>,
            %parallel_loop3A_668 = vector.shape_cast %parallel_loop3A_667 : vector<1x16xf32> to vector<16xf32>
            %parallel_loop3A_669 = vector.shape_cast %parallel_loop3A_664 : vector<16xf32> to vector<1x16xf32>
            tpu.vector_store %arg16[%parallel_loop3A_665, %parallel_loop3A_666], %parallel_loop3A_669 {strides = array<i32>} : memref<64x128xf32, #tpu.memory_space<vmem>>, vector<1x16xf32>,
            %parallel_loop3A_670 = arith.constant 0.000000e+00 : f32
            %parallel_loop3A_671 = vector.broadcast %parallel_loop3A_670 : f32 to vector<16xf32>
            %parallel_loop3A_672 = arith.maximumf %parallel_loop3A_661, %parallel_loop3A_671 : vector<16xf32>
            %parallel_loop3A_673 = arith.index_cast %parallel_loop3A_611 : i32 to index
            %parallel_loop3A_674 = arith.constant 16 : index
            %parallel_loop3A_675 = tpu.vector_load %arg16[%parallel_loop3A_673, %parallel_loop3A_674] {strides = array<i32>} : memref<64x128xf32, #tpu.memory_space<vmem>>, vector<1x16xf32>,
            %parallel_loop3A_676 = vector.shape_cast %parallel_loop3A_675 : vector<1x16xf32> to vector<16xf32>
            %parallel_loop3A_677 = vector.shape_cast %parallel_loop3A_672 : vector<16xf32> to vector<1x16xf32>
            tpu.vector_store %arg16[%parallel_loop3A_673, %parallel_loop3A_674], %parallel_loop3A_677 {strides = array<i32>} : memref<64x128xf32, #tpu.memory_space<vmem>>, vector<1x16xf32>,
            %parallel_loop3A_678 = arith.index_cast %parallel_loop3A_604 : i32 to index
            %parallel_loop3A_679 = arith.constant 16 : index
            %parallel_loop3A_680 = tpu.vector_load %arg14[%parallel_loop3A_678, %parallel_loop3A_679] {strides = array<i32>} : memref<128x64xi32, #tpu.memory_space<vmem>>, vector<1x16xi32>,
            %parallel_loop3A_681 = vector.shape_cast %parallel_loop3A_680 : vector<1x16xi32> to vector<16xi32>
            %parallel_loop3A_682 = arith.index_cast %parallel_loop3A_604 : i32 to index
            %parallel_loop3A_683 = arith.constant 16 : index
            %parallel_loop3A_684 = tpu.vector_load %arg15[%parallel_loop3A_682, %parallel_loop3A_683] {strides = array<i32>} : memref<128x64xi32, #tpu.memory_space<vmem>>, vector<1x16xi32>,
            %parallel_loop3A_685 = vector.shape_cast %parallel_loop3A_684 : vector<1x16xi32> to vector<16xi32>
            %parallel_loop3A_686 = arith.constant 16 : i32
            %parallel_loop3A_687 = vector.broadcast %parallel_loop3A_686 : i32 to vector<16xi32>
            %parallel_loop3A_688 = arith.shli %parallel_loop3A_681, %parallel_loop3A_687 : vector<16xi32>
            %parallel_loop3A_689 = tpu.bitcast %parallel_loop3A_688 : vector<16xi32> -> vector<16xf32>
            %parallel_loop3A_690 = arith.constant -65536 : i32
            %parallel_loop3A_691 = vector.broadcast %parallel_loop3A_690 : i32 to vector<16xi32>
            %parallel_loop3A_692 = arith.andi %parallel_loop3A_681, %parallel_loop3A_691 : vector<16xi32>
            %parallel_loop3A_693 = tpu.bitcast %parallel_loop3A_692 : vector<16xi32> -> vector<16xf32>
            %parallel_loop3A_694 = arith.constant 16 : i32
            %parallel_loop3A_695 = vector.broadcast %parallel_loop3A_694 : i32 to vector<16xi32>
            %parallel_loop3A_696 = arith.shli %parallel_loop3A_685, %parallel_loop3A_695 : vector<16xi32>
            %parallel_loop3A_697 = tpu.bitcast %parallel_loop3A_696 : vector<16xi32> -> vector<16xf32>
            %parallel_loop3A_698 = arith.constant -65536 : i32
            %parallel_loop3A_699 = vector.broadcast %parallel_loop3A_698 : i32 to vector<16xi32>
            %parallel_loop3A_700 = arith.andi %parallel_loop3A_685, %parallel_loop3A_699 : vector<16xi32>
            %parallel_loop3A_701 = tpu.bitcast %parallel_loop3A_700 : vector<16xi32> -> vector<16xf32>
            %parallel_loop3A_702 = arith.addf %parallel_loop3A_689, %parallel_loop3A_697 : vector<16xf32>
            %parallel_loop3A_703 = vector.broadcast %parallel_loop3A_613 : f32 to vector<16xf32>
            %parallel_loop3A_704 = arith.mulf %parallel_loop3A_703, %parallel_loop3A_203 : vector<16xf32>
            %parallel_loop3A_705 = arith.addf %parallel_loop3A_702, %parallel_loop3A_704 : vector<16xf32>
            %parallel_loop3A_706 = vector.broadcast %parallel_loop3A_615 : f32 to vector<16xf32>
            %parallel_loop3A_707 = arith.mulf %parallel_loop3A_706, %parallel_loop3A_243 : vector<16xf32>
            %parallel_loop3A_708 = arith.addf %parallel_loop3A_705, %parallel_loop3A_707 : vector<16xf32>
            %parallel_loop3A_709 = vector.broadcast %parallel_loop3A_617 : f32 to vector<16xf32>
            %parallel_loop3A_710 = arith.mulf %parallel_loop3A_709, %parallel_loop3A_283 : vector<16xf32>
            %parallel_loop3A_711 = arith.addf %parallel_loop3A_708, %parallel_loop3A_710 : vector<16xf32>
            %parallel_loop3A_712 = arith.addf %parallel_loop3A_693, %parallel_loop3A_701 : vector<16xf32>
            %parallel_loop3A_713 = vector.broadcast %parallel_loop3A_613 : f32 to vector<16xf32>
            %parallel_loop3A_714 = arith.mulf %parallel_loop3A_713, %parallel_loop3A_208 : vector<16xf32>
            %parallel_loop3A_715 = arith.addf %parallel_loop3A_712, %parallel_loop3A_714 : vector<16xf32>
            %parallel_loop3A_716 = vector.broadcast %parallel_loop3A_615 : f32 to vector<16xf32>
            %parallel_loop3A_717 = arith.mulf %parallel_loop3A_716, %parallel_loop3A_248 : vector<16xf32>
            %parallel_loop3A_718 = arith.addf %parallel_loop3A_715, %parallel_loop3A_717 : vector<16xf32>
            %parallel_loop3A_719 = vector.broadcast %parallel_loop3A_617 : f32 to vector<16xf32>
            %parallel_loop3A_720 = arith.mulf %parallel_loop3A_719, %parallel_loop3A_288 : vector<16xf32>
            %parallel_loop3A_721 = arith.addf %parallel_loop3A_718, %parallel_loop3A_720 : vector<16xf32>
            %parallel_loop3A_722 = arith.constant 0.000000e+00 : f32
            %parallel_loop3A_723 = vector.broadcast %parallel_loop3A_722 : f32 to vector<16xf32>
            %parallel_loop3A_724 = arith.maximumf %parallel_loop3A_711, %parallel_loop3A_723 : vector<16xf32>
            %parallel_loop3A_725 = arith.index_cast %parallel_loop3A_611 : i32 to index
            %parallel_loop3A_726 = arith.constant 32 : index
            %parallel_loop3A_727 = tpu.vector_load %arg16[%parallel_loop3A_725, %parallel_loop3A_726] {strides = array<i32>} : memref<64x128xf32, #tpu.memory_space<vmem>>, vector<1x16xf32>,
            %parallel_loop3A_728 = vector.shape_cast %parallel_loop3A_727 : vector<1x16xf32> to vector<16xf32>
            %parallel_loop3A_729 = vector.shape_cast %parallel_loop3A_724 : vector<16xf32> to vector<1x16xf32>
            tpu.vector_store %arg16[%parallel_loop3A_725, %parallel_loop3A_726], %parallel_loop3A_729 {strides = array<i32>} : memref<64x128xf32, #tpu.memory_space<vmem>>, vector<1x16xf32>,
            %parallel_loop3A_730 = arith.constant 0.000000e+00 : f32
            %parallel_loop3A_731 = vector.broadcast %parallel_loop3A_730 : f32 to vector<16xf32>
            %parallel_loop3A_732 = arith.maximumf %parallel_loop3A_721, %parallel_loop3A_731 : vector<16xf32>
            %parallel_loop3A_733 = arith.index_cast %parallel_loop3A_611 : i32 to index
            %parallel_loop3A_734 = arith.constant 48 : index
            %parallel_loop3A_735 = tpu.vector_load %arg16[%parallel_loop3A_733, %parallel_loop3A_734] {strides = array<i32>} : memref<64x128xf32, #tpu.memory_space<vmem>>, vector<1x16xf32>,
            %parallel_loop3A_736 = vector.shape_cast %parallel_loop3A_735 : vector<1x16xf32> to vector<16xf32>
            %parallel_loop3A_737 = vector.shape_cast %parallel_loop3A_732 : vector<16xf32> to vector<1x16xf32>
            tpu.vector_store %arg16[%parallel_loop3A_733, %parallel_loop3A_734], %parallel_loop3A_737 {strides = array<i32>} : memref<64x128xf32, #tpu.memory_space<vmem>>, vector<1x16xf32>,
            %parallel_loop3A_738 = arith.index_cast %parallel_loop3A_604 : i32 to index
            %parallel_loop3A_739 = arith.constant 32 : index
            %parallel_loop3A_740 = tpu.vector_load %arg14[%parallel_loop3A_738, %parallel_loop3A_739] {strides = array<i32>} : memref<128x64xi32, #tpu.memory_space<vmem>>, vector<1x16xi32>,
            %parallel_loop3A_741 = vector.shape_cast %parallel_loop3A_740 : vector<1x16xi32> to vector<16xi32>
            %parallel_loop3A_742 = arith.index_cast %parallel_loop3A_604 : i32 to index
            %parallel_loop3A_743 = arith.constant 32 : index
            %parallel_loop3A_744 = tpu.vector_load %arg15[%parallel_loop3A_742, %parallel_loop3A_743] {strides = array<i32>} : memref<128x64xi32, #tpu.memory_space<vmem>>, vector<1x16xi32>,
            %parallel_loop3A_745 = vector.shape_cast %parallel_loop3A_744 : vector<1x16xi32> to vector<16xi32>
            %parallel_loop3A_746 = arith.constant 16 : i32
            %parallel_loop3A_747 = vector.broadcast %parallel_loop3A_746 : i32 to vector<16xi32>
            %parallel_loop3A_748 = arith.shli %parallel_loop3A_741, %parallel_loop3A_747 : vector<16xi32>
            %parallel_loop3A_749 = tpu.bitcast %parallel_loop3A_748 : vector<16xi32> -> vector<16xf32>
            %parallel_loop3A_750 = arith.constant -65536 : i32
            %parallel_loop3A_751 = vector.broadcast %parallel_loop3A_750 : i32 to vector<16xi32>
            %parallel_loop3A_752 = arith.andi %parallel_loop3A_741, %parallel_loop3A_751 : vector<16xi32>
            %parallel_loop3A_753 = tpu.bitcast %parallel_loop3A_752 : vector<16xi32> -> vector<16xf32>
            %parallel_loop3A_754 = arith.constant 16 : i32
            %parallel_loop3A_755 = vector.broadcast %parallel_loop3A_754 : i32 to vector<16xi32>
            %parallel_loop3A_756 = arith.shli %parallel_loop3A_745, %parallel_loop3A_755 : vector<16xi32>
            %parallel_loop3A_757 = tpu.bitcast %parallel_loop3A_756 : vector<16xi32> -> vector<16xf32>
            %parallel_loop3A_758 = arith.constant -65536 : i32
            %parallel_loop3A_759 = vector.broadcast %parallel_loop3A_758 : i32 to vector<16xi32>
            %parallel_loop3A_760 = arith.andi %parallel_loop3A_745, %parallel_loop3A_759 : vector<16xi32>
            %parallel_loop3A_761 = tpu.bitcast %parallel_loop3A_760 : vector<16xi32> -> vector<16xf32>
            %parallel_loop3A_762 = arith.addf %parallel_loop3A_749, %parallel_loop3A_757 : vector<16xf32>
            %parallel_loop3A_763 = vector.broadcast %parallel_loop3A_613 : f32 to vector<16xf32>
            %parallel_loop3A_764 = arith.mulf %parallel_loop3A_763, %parallel_loop3A_213 : vector<16xf32>
            %parallel_loop3A_765 = arith.addf %parallel_loop3A_762, %parallel_loop3A_764 : vector<16xf32>
            %parallel_loop3A_766 = vector.broadcast %parallel_loop3A_615 : f32 to vector<16xf32>
            %parallel_loop3A_767 = arith.mulf %parallel_loop3A_766, %parallel_loop3A_253 : vector<16xf32>
            %parallel_loop3A_768 = arith.addf %parallel_loop3A_765, %parallel_loop3A_767 : vector<16xf32>
            %parallel_loop3A_769 = vector.broadcast %parallel_loop3A_617 : f32 to vector<16xf32>
            %parallel_loop3A_770 = arith.mulf %parallel_loop3A_769, %parallel_loop3A_293 : vector<16xf32>
            %parallel_loop3A_771 = arith.addf %parallel_loop3A_768, %parallel_loop3A_770 : vector<16xf32>
            %parallel_loop3A_772 = arith.addf %parallel_loop3A_753, %parallel_loop3A_761 : vector<16xf32>
            %parallel_loop3A_773 = vector.broadcast %parallel_loop3A_613 : f32 to vector<16xf32>
            %parallel_loop3A_774 = arith.mulf %parallel_loop3A_773, %parallel_loop3A_218 : vector<16xf32>
            %parallel_loop3A_775 = arith.addf %parallel_loop3A_772, %parallel_loop3A_774 : vector<16xf32>
            %parallel_loop3A_776 = vector.broadcast %parallel_loop3A_615 : f32 to vector<16xf32>
            %parallel_loop3A_777 = arith.mulf %parallel_loop3A_776, %parallel_loop3A_258 : vector<16xf32>
            %parallel_loop3A_778 = arith.addf %parallel_loop3A_775, %parallel_loop3A_777 : vector<16xf32>
            %parallel_loop3A_779 = vector.broadcast %parallel_loop3A_617 : f32 to vector<16xf32>
            %parallel_loop3A_780 = arith.mulf %parallel_loop3A_779, %parallel_loop3A_298 : vector<16xf32>
            %parallel_loop3A_781 = arith.addf %parallel_loop3A_778, %parallel_loop3A_780 : vector<16xf32>
            %parallel_loop3A_782 = arith.constant 0.000000e+00 : f32
            %parallel_loop3A_783 = vector.broadcast %parallel_loop3A_782 : f32 to vector<16xf32>
            %parallel_loop3A_784 = arith.maximumf %parallel_loop3A_771, %parallel_loop3A_783 : vector<16xf32>
            %parallel_loop3A_785 = arith.index_cast %parallel_loop3A_611 : i32 to index
            %parallel_loop3A_786 = arith.constant 64 : index
            %parallel_loop3A_787 = tpu.vector_load %arg16[%parallel_loop3A_785, %parallel_loop3A_786] {strides = array<i32>} : memref<64x128xf32, #tpu.memory_space<vmem>>, vector<1x16xf32>,
            %parallel_loop3A_788 = vector.shape_cast %parallel_loop3A_787 : vector<1x16xf32> to vector<16xf32>
            %parallel_loop3A_789 = vector.shape_cast %parallel_loop3A_784 : vector<16xf32> to vector<1x16xf32>
            tpu.vector_store %arg16[%parallel_loop3A_785, %parallel_loop3A_786], %parallel_loop3A_789 {strides = array<i32>} : memref<64x128xf32, #tpu.memory_space<vmem>>, vector<1x16xf32>,
            %parallel_loop3A_790 = arith.constant 0.000000e+00 : f32
            %parallel_loop3A_791 = vector.broadcast %parallel_loop3A_790 : f32 to vector<16xf32>
            %parallel_loop3A_792 = arith.maximumf %parallel_loop3A_781, %parallel_loop3A_791 : vector<16xf32>
            %parallel_loop3A_793 = arith.index_cast %parallel_loop3A_611 : i32 to index
            %parallel_loop3A_794 = arith.constant 80 : index
            %parallel_loop3A_795 = tpu.vector_load %arg16[%parallel_loop3A_793, %parallel_loop3A_794] {strides = array<i32>} : memref<64x128xf32, #tpu.memory_space<vmem>>, vector<1x16xf32>,
            %parallel_loop3A_796 = vector.shape_cast %parallel_loop3A_795 : vector<1x16xf32> to vector<16xf32>
            %parallel_loop3A_797 = vector.shape_cast %parallel_loop3A_792 : vector<16xf32> to vector<1x16xf32>
            tpu.vector_store %arg16[%parallel_loop3A_793, %parallel_loop3A_794], %parallel_loop3A_797 {strides = array<i32>} : memref<64x128xf32, #tpu.memory_space<vmem>>, vector<1x16xf32>,
            %parallel_loop3A_798 = arith.index_cast %parallel_loop3A_604 : i32 to index
            %parallel_loop3A_799 = arith.constant 48 : index
            %parallel_loop3A_800 = tpu.vector_load %arg14[%parallel_loop3A_798, %parallel_loop3A_799] {strides = array<i32>} : memref<128x64xi32, #tpu.memory_space<vmem>>, vector<1x16xi32>,
            %parallel_loop3A_801 = vector.shape_cast %parallel_loop3A_800 : vector<1x16xi32> to vector<16xi32>
            %parallel_loop3A_802 = arith.index_cast %parallel_loop3A_604 : i32 to index
            %parallel_loop3A_803 = arith.constant 48 : index
            %parallel_loop3A_804 = tpu.vector_load %arg15[%parallel_loop3A_802, %parallel_loop3A_803] {strides = array<i32>} : memref<128x64xi32, #tpu.memory_space<vmem>>, vector<1x16xi32>,
            %parallel_loop3A_805 = vector.shape_cast %parallel_loop3A_804 : vector<1x16xi32> to vector<16xi32>
            %parallel_loop3A_806 = arith.constant 16 : i32
            %parallel_loop3A_807 = vector.broadcast %parallel_loop3A_806 : i32 to vector<16xi32>
            %parallel_loop3A_808 = arith.shli %parallel_loop3A_801, %parallel_loop3A_807 : vector<16xi32>
            %parallel_loop3A_809 = tpu.bitcast %parallel_loop3A_808 : vector<16xi32> -> vector<16xf32>
            %parallel_loop3A_810 = arith.constant -65536 : i32
            %parallel_loop3A_811 = vector.broadcast %parallel_loop3A_810 : i32 to vector<16xi32>
            %parallel_loop3A_812 = arith.andi %parallel_loop3A_801, %parallel_loop3A_811 : vector<16xi32>
            %parallel_loop3A_813 = tpu.bitcast %parallel_loop3A_812 : vector<16xi32> -> vector<16xf32>
            %parallel_loop3A_814 = arith.constant 16 : i32
            %parallel_loop3A_815 = vector.broadcast %parallel_loop3A_814 : i32 to vector<16xi32>
            %parallel_loop3A_816 = arith.shli %parallel_loop3A_805, %parallel_loop3A_815 : vector<16xi32>
            %parallel_loop3A_817 = tpu.bitcast %parallel_loop3A_816 : vector<16xi32> -> vector<16xf32>
            %parallel_loop3A_818 = arith.constant -65536 : i32
            %parallel_loop3A_819 = vector.broadcast %parallel_loop3A_818 : i32 to vector<16xi32>
            %parallel_loop3A_820 = arith.andi %parallel_loop3A_805, %parallel_loop3A_819 : vector<16xi32>
            %parallel_loop3A_821 = tpu.bitcast %parallel_loop3A_820 : vector<16xi32> -> vector<16xf32>
            %parallel_loop3A_822 = arith.addf %parallel_loop3A_809, %parallel_loop3A_817 : vector<16xf32>
            %parallel_loop3A_823 = vector.broadcast %parallel_loop3A_613 : f32 to vector<16xf32>
            %parallel_loop3A_824 = arith.mulf %parallel_loop3A_823, %parallel_loop3A_223 : vector<16xf32>
            %parallel_loop3A_825 = arith.addf %parallel_loop3A_822, %parallel_loop3A_824 : vector<16xf32>
            %parallel_loop3A_826 = vector.broadcast %parallel_loop3A_615 : f32 to vector<16xf32>
            %parallel_loop3A_827 = arith.mulf %parallel_loop3A_826, %parallel_loop3A_263 : vector<16xf32>
            %parallel_loop3A_828 = arith.addf %parallel_loop3A_825, %parallel_loop3A_827 : vector<16xf32>
            %parallel_loop3A_829 = vector.broadcast %parallel_loop3A_617 : f32 to vector<16xf32>
            %parallel_loop3A_830 = arith.mulf %parallel_loop3A_829, %parallel_loop3A_303 : vector<16xf32>
            %parallel_loop3A_831 = arith.addf %parallel_loop3A_828, %parallel_loop3A_830 : vector<16xf32>
            %parallel_loop3A_832 = arith.addf %parallel_loop3A_813, %parallel_loop3A_821 : vector<16xf32>
            %parallel_loop3A_833 = vector.broadcast %parallel_loop3A_613 : f32 to vector<16xf32>
            %parallel_loop3A_834 = arith.mulf %parallel_loop3A_833, %parallel_loop3A_228 : vector<16xf32>
            %parallel_loop3A_835 = arith.addf %parallel_loop3A_832, %parallel_loop3A_834 : vector<16xf32>
            %parallel_loop3A_836 = vector.broadcast %parallel_loop3A_615 : f32 to vector<16xf32>
            %parallel_loop3A_837 = arith.mulf %parallel_loop3A_836, %parallel_loop3A_268 : vector<16xf32>
            %parallel_loop3A_838 = arith.addf %parallel_loop3A_835, %parallel_loop3A_837 : vector<16xf32>
            %parallel_loop3A_839 = vector.broadcast %parallel_loop3A_617 : f32 to vector<16xf32>
            %parallel_loop3A_840 = arith.mulf %parallel_loop3A_839, %parallel_loop3A_308 : vector<16xf32>
            %parallel_loop3A_841 = arith.addf %parallel_loop3A_838, %parallel_loop3A_840 : vector<16xf32>
            %parallel_loop3A_842 = arith.constant 0.000000e+00 : f32
            %parallel_loop3A_843 = vector.broadcast %parallel_loop3A_842 : f32 to vector<16xf32>
            %parallel_loop3A_844 = arith.maximumf %parallel_loop3A_831, %parallel_loop3A_843 : vector<16xf32>
            %parallel_loop3A_845 = arith.index_cast %parallel_loop3A_611 : i32 to index
            %parallel_loop3A_846 = arith.constant 96 : index
            %parallel_loop3A_847 = tpu.vector_load %arg16[%parallel_loop3A_845, %parallel_loop3A_846] {strides = array<i32>} : memref<64x128xf32, #tpu.memory_space<vmem>>, vector<1x16xf32>,
            %parallel_loop3A_848 = vector.shape_cast %parallel_loop3A_847 : vector<1x16xf32> to vector<16xf32>
            %parallel_loop3A_849 = vector.shape_cast %parallel_loop3A_844 : vector<16xf32> to vector<1x16xf32>
            tpu.vector_store %arg16[%parallel_loop3A_845, %parallel_loop3A_846], %parallel_loop3A_849 {strides = array<i32>} : memref<64x128xf32, #tpu.memory_space<vmem>>, vector<1x16xf32>,
            %parallel_loop3A_850 = arith.constant 0.000000e+00 : f32
            %parallel_loop3A_851 = vector.broadcast %parallel_loop3A_850 : f32 to vector<16xf32>
            %parallel_loop3A_852 = arith.maximumf %parallel_loop3A_841, %parallel_loop3A_851 : vector<16xf32>
            %parallel_loop3A_853 = arith.index_cast %parallel_loop3A_611 : i32 to index
            %parallel_loop3A_854 = arith.constant 112 : index
            %parallel_loop3A_855 = tpu.vector_load %arg16[%parallel_loop3A_853, %parallel_loop3A_854] {strides = array<i32>} : memref<64x128xf32, #tpu.memory_space<vmem>>, vector<1x16xf32>,
            %parallel_loop3A_856 = vector.shape_cast %parallel_loop3A_855 : vector<1x16xf32> to vector<16xf32>
            %parallel_loop3A_857 = vector.shape_cast %parallel_loop3A_852 : vector<16xf32> to vector<1x16xf32>
            tpu.vector_store %arg16[%parallel_loop3A_853, %parallel_loop3A_854], %parallel_loop3A_857 {strides = array<i32>} : memref<64x128xf32, #tpu.memory_space<vmem>>, vector<1x16xf32>,
            %parallel_loop3A_858 = arith.constant 64 : i32
            %parallel_loop3A_859 = arith.muli %select_n3A_131, %parallel_loop3A_858 : i32
            %parallel_loop3A_860 = arith.constant 32 : i32
            %parallel_loop3A_861 = arith.muli %scan3A_165, %parallel_loop3A_860 : i32
            %parallel_loop3A_862 = arith.addi %parallel_loop3A_859, %parallel_loop3A_861 : i32
            %parallel_loop3A_863 = arith.constant 16 : i32
            %parallel_loop3A_864 = arith.muli %parallel_loop3A_188, %parallel_loop3A_863 : i32
            %parallel_loop3A_865 = arith.addi %parallel_loop3A_862, %parallel_loop3A_864 : i32
            %parallel_loop3A_866 = arith.constant 2 : i32
            %parallel_loop3A_867 = arith.addi %parallel_loop3A_865, %parallel_loop3A_866 : i32
            %parallel_loop3A_868 = arith.constant 32 : i32
            %parallel_loop3A_869 = arith.muli %scan3A_165, %parallel_loop3A_868 : i32
            %parallel_loop3A_870 = arith.constant 16 : i32
            %parallel_loop3A_871 = arith.muli %parallel_loop3A_188, %parallel_loop3A_870 : i32
            %parallel_loop3A_872 = arith.addi %parallel_loop3A_869, %parallel_loop3A_871 : i32
            %parallel_loop3A_873 = arith.constant 2 : i32
            %parallel_loop3A_874 = arith.addi %parallel_loop3A_872, %parallel_loop3A_873 : i32
            %parallel_loop3A_875 = vector.extract_strided_slice %parallel_loop3A_321 {offsets = [2], sizes = [1], strides = [1]} : vector<16xf32> to vector<1xf32>
            %parallel_loop3A_876 = vector.extract %parallel_loop3A_875[0] : f32 from vector<1xf32>
            %parallel_loop3A_877 = vector.extract_strided_slice %parallel_loop3A_326 {offsets = [2], sizes = [1], strides = [1]} : vector<16xf32> to vector<1xf32>
            %parallel_loop3A_878 = vector.extract %parallel_loop3A_877[0] : f32 from vector<1xf32>
            %parallel_loop3A_879 = vector.extract_strided_slice %parallel_loop3A_331 {offsets = [2], sizes = [1], strides = [1]} : vector<16xf32> to vector<1xf32>
            %parallel_loop3A_880 = vector.extract %parallel_loop3A_879[0] : f32 from vector<1xf32>
            %parallel_loop3A_881 = arith.index_cast %parallel_loop3A_867 : i32 to index
            %parallel_loop3A_882 = arith.constant 0 : index
            %parallel_loop3A_883 = tpu.vector_load %arg14[%parallel_loop3A_881, %parallel_loop3A_882] {strides = array<i32>} : memref<128x64xi32, #tpu.memory_space<vmem>>, vector<1x16xi32>,
            %parallel_loop3A_884 = vector.shape_cast %parallel_loop3A_883 : vector<1x16xi32> to vector<16xi32>
            %parallel_loop3A_885 = arith.index_cast %parallel_loop3A_867 : i32 to index
            %parallel_loop3A_886 = arith.constant 0 : index
            %parallel_loop3A_887 = tpu.vector_load %arg15[%parallel_loop3A_885, %parallel_loop3A_886] {strides = array<i32>} : memref<128x64xi32, #tpu.memory_space<vmem>>, vector<1x16xi32>,
            %parallel_loop3A_888 = vector.shape_cast %parallel_loop3A_887 : vector<1x16xi32> to vector<16xi32>
            %parallel_loop3A_889 = arith.constant 16 : i32
            %parallel_loop3A_890 = vector.broadcast %parallel_loop3A_889 : i32 to vector<16xi32>
            %parallel_loop3A_891 = arith.shli %parallel_loop3A_884, %parallel_loop3A_890 : vector<16xi32>
            %parallel_loop3A_892 = tpu.bitcast %parallel_loop3A_891 : vector<16xi32> -> vector<16xf32>
            %parallel_loop3A_893 = arith.constant -65536 : i32
            %parallel_loop3A_894 = vector.broadcast %parallel_loop3A_893 : i32 to vector<16xi32>
            %parallel_loop3A_895 = arith.andi %parallel_loop3A_884, %parallel_loop3A_894 : vector<16xi32>
            %parallel_loop3A_896 = tpu.bitcast %parallel_loop3A_895 : vector<16xi32> -> vector<16xf32>
            %parallel_loop3A_897 = arith.constant 16 : i32
            %parallel_loop3A_898 = vector.broadcast %parallel_loop3A_897 : i32 to vector<16xi32>
            %parallel_loop3A_899 = arith.shli %parallel_loop3A_888, %parallel_loop3A_898 : vector<16xi32>
            %parallel_loop3A_900 = tpu.bitcast %parallel_loop3A_899 : vector<16xi32> -> vector<16xf32>
            %parallel_loop3A_901 = arith.constant -65536 : i32
            %parallel_loop3A_902 = vector.broadcast %parallel_loop3A_901 : i32 to vector<16xi32>
            %parallel_loop3A_903 = arith.andi %parallel_loop3A_888, %parallel_loop3A_902 : vector<16xi32>
            %parallel_loop3A_904 = tpu.bitcast %parallel_loop3A_903 : vector<16xi32> -> vector<16xf32>
            %parallel_loop3A_905 = arith.addf %parallel_loop3A_892, %parallel_loop3A_900 : vector<16xf32>
            %parallel_loop3A_906 = vector.broadcast %parallel_loop3A_876 : f32 to vector<16xf32>
            %parallel_loop3A_907 = arith.mulf %parallel_loop3A_906, %parallel_loop3A_193 : vector<16xf32>
            %parallel_loop3A_908 = arith.addf %parallel_loop3A_905, %parallel_loop3A_907 : vector<16xf32>
            %parallel_loop3A_909 = vector.broadcast %parallel_loop3A_878 : f32 to vector<16xf32>
            %parallel_loop3A_910 = arith.mulf %parallel_loop3A_909, %parallel_loop3A_233 : vector<16xf32>
            %parallel_loop3A_911 = arith.addf %parallel_loop3A_908, %parallel_loop3A_910 : vector<16xf32>
            %parallel_loop3A_912 = vector.broadcast %parallel_loop3A_880 : f32 to vector<16xf32>
            %parallel_loop3A_913 = arith.mulf %parallel_loop3A_912, %parallel_loop3A_273 : vector<16xf32>
            %parallel_loop3A_914 = arith.addf %parallel_loop3A_911, %parallel_loop3A_913 : vector<16xf32>
            %parallel_loop3A_915 = arith.addf %parallel_loop3A_896, %parallel_loop3A_904 : vector<16xf32>
            %parallel_loop3A_916 = vector.broadcast %parallel_loop3A_876 : f32 to vector<16xf32>
            %parallel_loop3A_917 = arith.mulf %parallel_loop3A_916, %parallel_loop3A_198 : vector<16xf32>
            %parallel_loop3A_918 = arith.addf %parallel_loop3A_915, %parallel_loop3A_917 : vector<16xf32>
            %parallel_loop3A_919 = vector.broadcast %parallel_loop3A_878 : f32 to vector<16xf32>
            %parallel_loop3A_920 = arith.mulf %parallel_loop3A_919, %parallel_loop3A_238 : vector<16xf32>
            %parallel_loop3A_921 = arith.addf %parallel_loop3A_918, %parallel_loop3A_920 : vector<16xf32>
            %parallel_loop3A_922 = vector.broadcast %parallel_loop3A_880 : f32 to vector<16xf32>
            %parallel_loop3A_923 = arith.mulf %parallel_loop3A_922, %parallel_loop3A_278 : vector<16xf32>
            %parallel_loop3A_924 = arith.addf %parallel_loop3A_921, %parallel_loop3A_923 : vector<16xf32>
            %parallel_loop3A_925 = arith.constant 0.000000e+00 : f32
            %parallel_loop3A_926 = vector.broadcast %parallel_loop3A_925 : f32 to vector<16xf32>
            %parallel_loop3A_927 = arith.maximumf %parallel_loop3A_914, %parallel_loop3A_926 : vector<16xf32>
            %parallel_loop3A_928 = arith.index_cast %parallel_loop3A_874 : i32 to index
            %parallel_loop3A_929 = arith.constant 0 : index
            %parallel_loop3A_930 = tpu.vector_load %arg16[%parallel_loop3A_928, %parallel_loop3A_929] {strides = array<i32>} : memref<64x128xf32, #tpu.memory_space<vmem>>, vector<1x16xf32>,
            %parallel_loop3A_931 = vector.shape_cast %parallel_loop3A_930 : vector<1x16xf32> to vector<16xf32>
            %parallel_loop3A_932 = vector.shape_cast %parallel_loop3A_927 : vector<16xf32> to vector<1x16xf32>
            tpu.vector_store %arg16[%parallel_loop3A_928, %parallel_loop3A_929], %parallel_loop3A_932 {strides = array<i32>} : memref<64x128xf32, #tpu.memory_space<vmem>>, vector<1x16xf32>,
            %parallel_loop3A_933 = arith.constant 0.000000e+00 : f32
            %parallel_loop3A_934 = vector.broadcast %parallel_loop3A_933 : f32 to vector<16xf32>
            %parallel_loop3A_935 = arith.maximumf %parallel_loop3A_924, %parallel_loop3A_934 : vector<16xf32>
            %parallel_loop3A_936 = arith.index_cast %parallel_loop3A_874 : i32 to index
            %parallel_loop3A_937 = arith.constant 16 : index
            %parallel_loop3A_938 = tpu.vector_load %arg16[%parallel_loop3A_936, %parallel_loop3A_937] {strides = array<i32>} : memref<64x128xf32, #tpu.memory_space<vmem>>, vector<1x16xf32>,
            %parallel_loop3A_939 = vector.shape_cast %parallel_loop3A_938 : vector<1x16xf32> to vector<16xf32>
            %parallel_loop3A_940 = vector.shape_cast %parallel_loop3A_935 : vector<16xf32> to vector<1x16xf32>
            tpu.vector_store %arg16[%parallel_loop3A_936, %parallel_loop3A_937], %parallel_loop3A_940 {strides = array<i32>} : memref<64x128xf32, #tpu.memory_space<vmem>>, vector<1x16xf32>,
            %parallel_loop3A_941 = arith.index_cast %parallel_loop3A_867 : i32 to index
            %parallel_loop3A_942 = arith.constant 16 : index
            %parallel_loop3A_943 = tpu.vector_load %arg14[%parallel_loop3A_941, %parallel_loop3A_942] {strides = array<i32>} : memref<128x64xi32, #tpu.memory_space<vmem>>, vector<1x16xi32>,
            %parallel_loop3A_944 = vector.shape_cast %parallel_loop3A_943 : vector<1x16xi32> to vector<16xi32>
            %parallel_loop3A_945 = arith.index_cast %parallel_loop3A_867 : i32 to index
            %parallel_loop3A_946 = arith.constant 16 : index
            %parallel_loop3A_947 = tpu.vector_load %arg15[%parallel_loop3A_945, %parallel_loop3A_946] {strides = array<i32>} : memref<128x64xi32, #tpu.memory_space<vmem>>, vector<1x16xi32>,
            %parallel_loop3A_948 = vector.shape_cast %parallel_loop3A_947 : vector<1x16xi32> to vector<16xi32>
            %parallel_loop3A_949 = arith.constant 16 : i32
            %parallel_loop3A_950 = vector.broadcast %parallel_loop3A_949 : i32 to vector<16xi32>
            %parallel_loop3A_951 = arith.shli %parallel_loop3A_944, %parallel_loop3A_950 : vector<16xi32>
            %parallel_loop3A_952 = tpu.bitcast %parallel_loop3A_951 : vector<16xi32> -> vector<16xf32>
            %parallel_loop3A_953 = arith.constant -65536 : i32
            %parallel_loop3A_954 = vector.broadcast %parallel_loop3A_953 : i32 to vector<16xi32>
            %parallel_loop3A_955 = arith.andi %parallel_loop3A_944, %parallel_loop3A_954 : vector<16xi32>
            %parallel_loop3A_956 = tpu.bitcast %parallel_loop3A_955 : vector<16xi32> -> vector<16xf32>
            %parallel_loop3A_957 = arith.constant 16 : i32
            %parallel_loop3A_958 = vector.broadcast %parallel_loop3A_957 : i32 to vector<16xi32>
            %parallel_loop3A_959 = arith.shli %parallel_loop3A_948, %parallel_loop3A_958 : vector<16xi32>
            %parallel_loop3A_960 = tpu.bitcast %parallel_loop3A_959 : vector<16xi32> -> vector<16xf32>
            %parallel_loop3A_961 = arith.constant -65536 : i32
            %parallel_loop3A_962 = vector.broadcast %parallel_loop3A_961 : i32 to vector<16xi32>
            %parallel_loop3A_963 = arith.andi %parallel_loop3A_948, %parallel_loop3A_962 : vector<16xi32>
            %parallel_loop3A_964 = tpu.bitcast %parallel_loop3A_963 : vector<16xi32> -> vector<16xf32>
            %parallel_loop3A_965 = arith.addf %parallel_loop3A_952, %parallel_loop3A_960 : vector<16xf32>
            %parallel_loop3A_966 = vector.broadcast %parallel_loop3A_876 : f32 to vector<16xf32>
            %parallel_loop3A_967 = arith.mulf %parallel_loop3A_966, %parallel_loop3A_203 : vector<16xf32>
            %parallel_loop3A_968 = arith.addf %parallel_loop3A_965, %parallel_loop3A_967 : vector<16xf32>
            %parallel_loop3A_969 = vector.broadcast %parallel_loop3A_878 : f32 to vector<16xf32>
            %parallel_loop3A_970 = arith.mulf %parallel_loop3A_969, %parallel_loop3A_243 : vector<16xf32>
            %parallel_loop3A_971 = arith.addf %parallel_loop3A_968, %parallel_loop3A_970 : vector<16xf32>
            %parallel_loop3A_972 = vector.broadcast %parallel_loop3A_880 : f32 to vector<16xf32>
            %parallel_loop3A_973 = arith.mulf %parallel_loop3A_972, %parallel_loop3A_283 : vector<16xf32>
            %parallel_loop3A_974 = arith.addf %parallel_loop3A_971, %parallel_loop3A_973 : vector<16xf32>
            %parallel_loop3A_975 = arith.addf %parallel_loop3A_956, %parallel_loop3A_964 : vector<16xf32>
            %parallel_loop3A_976 = vector.broadcast %parallel_loop3A_876 : f32 to vector<16xf32>
            %parallel_loop3A_977 = arith.mulf %parallel_loop3A_976, %parallel_loop3A_208 : vector<16xf32>
            %parallel_loop3A_978 = arith.addf %parallel_loop3A_975, %parallel_loop3A_977 : vector<16xf32>
            %parallel_loop3A_979 = vector.broadcast %parallel_loop3A_878 : f32 to vector<16xf32>
            %parallel_loop3A_980 = arith.mulf %parallel_loop3A_979, %parallel_loop3A_248 : vector<16xf32>
            %parallel_loop3A_981 = arith.addf %parallel_loop3A_978, %parallel_loop3A_980 : vector<16xf32>
            %parallel_loop3A_982 = vector.broadcast %parallel_loop3A_880 : f32 to vector<16xf32>
            %parallel_loop3A_983 = arith.mulf %parallel_loop3A_982, %parallel_loop3A_288 : vector<16xf32>
            %parallel_loop3A_984 = arith.addf %parallel_loop3A_981, %parallel_loop3A_983 : vector<16xf32>
            %parallel_loop3A_985 = arith.constant 0.000000e+00 : f32
            %parallel_loop3A_986 = vector.broadcast %parallel_loop3A_985 : f32 to vector<16xf32>
            %parallel_loop3A_987 = arith.maximumf %parallel_loop3A_974, %parallel_loop3A_986 : vector<16xf32>
            %parallel_loop3A_988 = arith.index_cast %parallel_loop3A_874 : i32 to index
            %parallel_loop3A_989 = arith.constant 32 : index
            %parallel_loop3A_990 = tpu.vector_load %arg16[%parallel_loop3A_988, %parallel_loop3A_989] {strides = array<i32>} : memref<64x128xf32, #tpu.memory_space<vmem>>, vector<1x16xf32>,
            %parallel_loop3A_991 = vector.shape_cast %parallel_loop3A_990 : vector<1x16xf32> to vector<16xf32>
            %parallel_loop3A_992 = vector.shape_cast %parallel_loop3A_987 : vector<16xf32> to vector<1x16xf32>
            tpu.vector_store %arg16[%parallel_loop3A_988, %parallel_loop3A_989], %parallel_loop3A_992 {strides = array<i32>} : memref<64x128xf32, #tpu.memory_space<vmem>>, vector<1x16xf32>,
            %parallel_loop3A_993 = arith.constant 0.000000e+00 : f32
            %parallel_loop3A_994 = vector.broadcast %parallel_loop3A_993 : f32 to vector<16xf32>
            %parallel_loop3A_995 = arith.maximumf %parallel_loop3A_984, %parallel_loop3A_994 : vector<16xf32>
            %parallel_loop3A_996 = arith.index_cast %parallel_loop3A_874 : i32 to index
            %parallel_loop3A_997 = arith.constant 48 : index
            %parallel_loop3A_998 = tpu.vector_load %arg16[%parallel_loop3A_996, %parallel_loop3A_997] {strides = array<i32>} : memref<64x128xf32, #tpu.memory_space<vmem>>, vector<1x16xf32>,
            %parallel_loop3A_999 = vector.shape_cast %parallel_loop3A_998 : vector<1x16xf32> to vector<16xf32>
            %parallel_loop3A_1000 = vector.shape_cast %parallel_loop3A_995 : vector<16xf32> to vector<1x16xf32>
            tpu.vector_store %arg16[%parallel_loop3A_996, %parallel_loop3A_997], %parallel_loop3A_1000 {strides = array<i32>} : memref<64x128xf32, #tpu.memory_space<vmem>>, vector<1x16xf32>,
            %parallel_loop3A_1001 = arith.index_cast %parallel_loop3A_867 : i32 to index
            %parallel_loop3A_1002 = arith.constant 32 : index
            %parallel_loop3A_1003 = tpu.vector_load %arg14[%parallel_loop3A_1001, %parallel_loop3A_1002] {strides = array<i32>} : memref<128x64xi32, #tpu.memory_space<vmem>>, vector<1x16xi32>,
            %parallel_loop3A_1004 = vector.shape_cast %parallel_loop3A_1003 : vector<1x16xi32> to vector<16xi32>
            %parallel_loop3A_1005 = arith.index_cast %parallel_loop3A_867 : i32 to index
            %parallel_loop3A_1006 = arith.constant 32 : index
            %parallel_loop3A_1007 = tpu.vector_load %arg15[%parallel_loop3A_1005, %parallel_loop3A_1006] {strides = array<i32>} : memref<128x64xi32, #tpu.memory_space<vmem>>, vector<1x16xi32>,
            %parallel_loop3A_1008 = vector.shape_cast %parallel_loop3A_1007 : vector<1x16xi32> to vector<16xi32>
            %parallel_loop3A_1009 = arith.constant 16 : i32
            %parallel_loop3A_1010 = vector.broadcast %parallel_loop3A_1009 : i32 to vector<16xi32>
            %parallel_loop3A_1011 = arith.shli %parallel_loop3A_1004, %parallel_loop3A_1010 : vector<16xi32>
            %parallel_loop3A_1012 = tpu.bitcast %parallel_loop3A_1011 : vector<16xi32> -> vector<16xf32>
            %parallel_loop3A_1013 = arith.constant -65536 : i32
            %parallel_loop3A_1014 = vector.broadcast %parallel_loop3A_1013 : i32 to vector<16xi32>
            %parallel_loop3A_1015 = arith.andi %parallel_loop3A_1004, %parallel_loop3A_1014 : vector<16xi32>
            %parallel_loop3A_1016 = tpu.bitcast %parallel_loop3A_1015 : vector<16xi32> -> vector<16xf32>
            %parallel_loop3A_1017 = arith.constant 16 : i32
            %parallel_loop3A_1018 = vector.broadcast %parallel_loop3A_1017 : i32 to vector<16xi32>
            %parallel_loop3A_1019 = arith.shli %parallel_loop3A_1008, %parallel_loop3A_1018 : vector<16xi32>
            %parallel_loop3A_1020 = tpu.bitcast %parallel_loop3A_1019 : vector<16xi32> -> vector<16xf32>
            %parallel_loop3A_1021 = arith.constant -65536 : i32
            %parallel_loop3A_1022 = vector.broadcast %parallel_loop3A_1021 : i32 to vector<16xi32>
            %parallel_loop3A_1023 = arith.andi %parallel_loop3A_1008, %parallel_loop3A_1022 : vector<16xi32>
            %parallel_loop3A_1024 = tpu.bitcast %parallel_loop3A_1023 : vector<16xi32> -> vector<16xf32>
            %parallel_loop3A_1025 = arith.addf %parallel_loop3A_1012, %parallel_loop3A_1020 : vector<16xf32>
            %parallel_loop3A_1026 = vector.broadcast %parallel_loop3A_876 : f32 to vector<16xf32>
            %parallel_loop3A_1027 = arith.mulf %parallel_loop3A_1026, %parallel_loop3A_213 : vector<16xf32>
            %parallel_loop3A_1028 = arith.addf %parallel_loop3A_1025, %parallel_loop3A_1027 : vector<16xf32>
            %parallel_loop3A_1029 = vector.broadcast %parallel_loop3A_878 : f32 to vector<16xf32>
            %parallel_loop3A_1030 = arith.mulf %parallel_loop3A_1029, %parallel_loop3A_253 : vector<16xf32>
            %parallel_loop3A_1031 = arith.addf %parallel_loop3A_1028, %parallel_loop3A_1030 : vector<16xf32>
            %parallel_loop3A_1032 = vector.broadcast %parallel_loop3A_880 : f32 to vector<16xf32>
            %parallel_loop3A_1033 = arith.mulf %parallel_loop3A_1032, %parallel_loop3A_293 : vector<16xf32>
            %parallel_loop3A_1034 = arith.addf %parallel_loop3A_1031, %parallel_loop3A_1033 : vector<16xf32>
            %parallel_loop3A_1035 = arith.addf %parallel_loop3A_1016, %parallel_loop3A_1024 : vector<16xf32>
            %parallel_loop3A_1036 = vector.broadcast %parallel_loop3A_876 : f32 to vector<16xf32>
            %parallel_loop3A_1037 = arith.mulf %parallel_loop3A_1036, %parallel_loop3A_218 : vector<16xf32>
            %parallel_loop3A_1038 = arith.addf %parallel_loop3A_1035, %parallel_loop3A_1037 : vector<16xf32>
            %parallel_loop3A_1039 = vector.broadcast %parallel_loop3A_878 : f32 to vector<16xf32>
            %parallel_loop3A_1040 = arith.mulf %parallel_loop3A_1039, %parallel_loop3A_258 : vector<16xf32>
            %parallel_loop3A_1041 = arith.addf %parallel_loop3A_1038, %parallel_loop3A_1040 : vector<16xf32>
            %parallel_loop3A_1042 = vector.broadcast %parallel_loop3A_880 : f32 to vector<16xf32>
            %parallel_loop3A_1043 = arith.mulf %parallel_loop3A_1042, %parallel_loop3A_298 : vector<16xf32>
            %parallel_loop3A_1044 = arith.addf %parallel_loop3A_1041, %parallel_loop3A_1043 : vector<16xf32>
            %parallel_loop3A_1045 = arith.constant 0.000000e+00 : f32
            %parallel_loop3A_1046 = vector.broadcast %parallel_loop3A_1045 : f32 to vector<16xf32>
            %parallel_loop3A_1047 = arith.maximumf %parallel_loop3A_1034, %parallel_loop3A_1046 : vector<16xf32>
            %parallel_loop3A_1048 = arith.index_cast %parallel_loop3A_874 : i32 to index
            %parallel_loop3A_1049 = arith.constant 64 : index
            %parallel_loop3A_1050 = tpu.vector_load %arg16[%parallel_loop3A_1048, %parallel_loop3A_1049] {strides = array<i32>} : memref<64x128xf32, #tpu.memory_space<vmem>>, vector<1x16xf32>,
            %parallel_loop3A_1051 = vector.shape_cast %parallel_loop3A_1050 : vector<1x16xf32> to vector<16xf32>
            %parallel_loop3A_1052 = vector.shape_cast %parallel_loop3A_1047 : vector<16xf32> to vector<1x16xf32>
            tpu.vector_store %arg16[%parallel_loop3A_1048, %parallel_loop3A_1049], %parallel_loop3A_1052 {strides = array<i32>} : memref<64x128xf32, #tpu.memory_space<vmem>>, vector<1x16xf32>,
            %parallel_loop3A_1053 = arith.constant 0.000000e+00 : f32
            %parallel_loop3A_1054 = vector.broadcast %parallel_loop3A_1053 : f32 to vector<16xf32>
            %parallel_loop3A_1055 = arith.maximumf %parallel_loop3A_1044, %parallel_loop3A_1054 : vector<16xf32>
            %parallel_loop3A_1056 = arith.index_cast %parallel_loop3A_874 : i32 to index
            %parallel_loop3A_1057 = arith.constant 80 : index
            %parallel_loop3A_1058 = tpu.vector_load %arg16[%parallel_loop3A_1056, %parallel_loop3A_1057] {strides = array<i32>} : memref<64x128xf32, #tpu.memory_space<vmem>>, vector<1x16xf32>,
            %parallel_loop3A_1059 = vector.shape_cast %parallel_loop3A_1058 : vector<1x16xf32> to vector<16xf32>
            %parallel_loop3A_1060 = vector.shape_cast %parallel_loop3A_1055 : vector<16xf32> to vector<1x16xf32>
            tpu.vector_store %arg16[%parallel_loop3A_1056, %parallel_loop3A_1057], %parallel_loop3A_1060 {strides = array<i32>} : memref<64x128xf32, #tpu.memory_space<vmem>>, vector<1x16xf32>,
            %parallel_loop3A_1061 = arith.index_cast %parallel_loop3A_867 : i32 to index
            %parallel_loop3A_1062 = arith.constant 48 : index
            %parallel_loop3A_1063 = tpu.vector_load %arg14[%parallel_loop3A_1061, %parallel_loop3A_1062] {strides = array<i32>} : memref<128x64xi32, #tpu.memory_space<vmem>>, vector<1x16xi32>,
            %parallel_loop3A_1064 = vector.shape_cast %parallel_loop3A_1063 : vector<1x16xi32> to vector<16xi32>
            %parallel_loop3A_1065 = arith.index_cast %parallel_loop3A_867 : i32 to index
            %parallel_loop3A_1066 = arith.constant 48 : index
            %parallel_loop3A_1067 = tpu.vector_load %arg15[%parallel_loop3A_1065, %parallel_loop3A_1066] {strides = array<i32>} : memref<128x64xi32, #tpu.memory_space<vmem>>, vector<1x16xi32>,
            %parallel_loop3A_1068 = vector.shape_cast %parallel_loop3A_1067 : vector<1x16xi32> to vector<16xi32>
            %parallel_loop3A_1069 = arith.constant 16 : i32
            %parallel_loop3A_1070 = vector.broadcast %parallel_loop3A_1069 : i32 to vector<16xi32>
            %parallel_loop3A_1071 = arith.shli %parallel_loop3A_1064, %parallel_loop3A_1070 : vector<16xi32>
            %parallel_loop3A_1072 = tpu.bitcast %parallel_loop3A_1071 : vector<16xi32> -> vector<16xf32>
            %parallel_loop3A_1073 = arith.constant -65536 : i32
            %parallel_loop3A_1074 = vector.broadcast %parallel_loop3A_1073 : i32 to vector<16xi32>
            %parallel_loop3A_1075 = arith.andi %parallel_loop3A_1064, %parallel_loop3A_1074 : vector<16xi32>
            %parallel_loop3A_1076 = tpu.bitcast %parallel_loop3A_1075 : vector<16xi32> -> vector<16xf32>
            %parallel_loop3A_1077 = arith.constant 16 : i32
            %parallel_loop3A_1078 = vector.broadcast %parallel_loop3A_1077 : i32 to vector<16xi32>
            %parallel_loop3A_1079 = arith.shli %parallel_loop3A_1068, %parallel_loop3A_1078 : vector<16xi32>
            %parallel_loop3A_1080 = tpu.bitcast %parallel_loop3A_1079 : vector<16xi32> -> vector<16xf32>
            %parallel_loop3A_1081 = arith.constant -65536 : i32
            %parallel_loop3A_1082 = vector.broadcast %parallel_loop3A_1081 : i32 to vector<16xi32>
            %parallel_loop3A_1083 = arith.andi %parallel_loop3A_1068, %parallel_loop3A_1082 : vector<16xi32>
            %parallel_loop3A_1084 = tpu.bitcast %parallel_loop3A_1083 : vector<16xi32> -> vector<16xf32>
            %parallel_loop3A_1085 = arith.addf %parallel_loop3A_1072, %parallel_loop3A_1080 : vector<16xf32>
            %parallel_loop3A_1086 = vector.broadcast %parallel_loop3A_876 : f32 to vector<16xf32>
            %parallel_loop3A_1087 = arith.mulf %parallel_loop3A_1086, %parallel_loop3A_223 : vector<16xf32>
            %parallel_loop3A_1088 = arith.addf %parallel_loop3A_1085, %parallel_loop3A_1087 : vector<16xf32>
            %parallel_loop3A_1089 = vector.broadcast %parallel_loop3A_878 : f32 to vector<16xf32>
            %parallel_loop3A_1090 = arith.mulf %parallel_loop3A_1089, %parallel_loop3A_263 : vector<16xf32>
            %parallel_loop3A_1091 = arith.addf %parallel_loop3A_1088, %parallel_loop3A_1090 : vector<16xf32>
            %parallel_loop3A_1092 = vector.broadcast %parallel_loop3A_880 : f32 to vector<16xf32>
            %parallel_loop3A_1093 = arith.mulf %parallel_loop3A_1092, %parallel_loop3A_303 : vector<16xf32>
            %parallel_loop3A_1094 = arith.addf %parallel_loop3A_1091, %parallel_loop3A_1093 : vector<16xf32>
            %parallel_loop3A_1095 = arith.addf %parallel_loop3A_1076, %parallel_loop3A_1084 : vector<16xf32>
            %parallel_loop3A_1096 = vector.broadcast %parallel_loop3A_876 : f32 to vector<16xf32>
            %parallel_loop3A_1097 = arith.mulf %parallel_loop3A_1096, %parallel_loop3A_228 : vector<16xf32>
            %parallel_loop3A_1098 = arith.addf %parallel_loop3A_1095, %parallel_loop3A_1097 : vector<16xf32>
            %parallel_loop3A_1099 = vector.broadcast %parallel_loop3A_878 : f32 to vector<16xf32>
            %parallel_loop3A_1100 = arith.mulf %parallel_loop3A_1099, %parallel_loop3A_268 : vector<16xf32>
            %parallel_loop3A_1101 = arith.addf %parallel_loop3A_1098, %parallel_loop3A_1100 : vector<16xf32>
            %parallel_loop3A_1102 = vector.broadcast %parallel_loop3A_880 : f32 to vector<16xf32>
            %parallel_loop3A_1103 = arith.mulf %parallel_loop3A_1102, %parallel_loop3A_308 : vector<16xf32>
            %parallel_loop3A_1104 = arith.addf %parallel_loop3A_1101, %parallel_loop3A_1103 : vector<16xf32>
            %parallel_loop3A_1105 = arith.constant 0.000000e+00 : f32
            %parallel_loop3A_1106 = vector.broadcast %parallel_loop3A_1105 : f32 to vector<16xf32>
            %parallel_loop3A_1107 = arith.maximumf %parallel_loop3A_1094, %parallel_loop3A_1106 : vector<16xf32>
            %parallel_loop3A_1108 = arith.index_cast %parallel_loop3A_874 : i32 to index
            %parallel_loop3A_1109 = arith.constant 96 : index
            %parallel_loop3A_1110 = tpu.vector_load %arg16[%parallel_loop3A_1108, %parallel_loop3A_1109] {strides = array<i32>} : memref<64x128xf32, #tpu.memory_space<vmem>>, vector<1x16xf32>,
            %parallel_loop3A_1111 = vector.shape_cast %parallel_loop3A_1110 : vector<1x16xf32> to vector<16xf32>
            %parallel_loop3A_1112 = vector.shape_cast %parallel_loop3A_1107 : vector<16xf32> to vector<1x16xf32>
            tpu.vector_store %arg16[%parallel_loop3A_1108, %parallel_loop3A_1109], %parallel_loop3A_1112 {strides = array<i32>} : memref<64x128xf32, #tpu.memory_space<vmem>>, vector<1x16xf32>,
            %parallel_loop3A_1113 = arith.constant 0.000000e+00 : f32
            %parallel_loop3A_1114 = vector.broadcast %parallel_loop3A_1113 : f32 to vector<16xf32>
            %parallel_loop3A_1115 = arith.maximumf %parallel_loop3A_1104, %parallel_loop3A_1114 : vector<16xf32>
            %parallel_loop3A_1116 = arith.index_cast %parallel_loop3A_874 : i32 to index
            %parallel_loop3A_1117 = arith.constant 112 : index
            %parallel_loop3A_1118 = tpu.vector_load %arg16[%parallel_loop3A_1116, %parallel_loop3A_1117] {strides = array<i32>} : memref<64x128xf32, #tpu.memory_space<vmem>>, vector<1x16xf32>,
            %parallel_loop3A_1119 = vector.shape_cast %parallel_loop3A_1118 : vector<1x16xf32> to vector<16xf32>
            %parallel_loop3A_1120 = vector.shape_cast %parallel_loop3A_1115 : vector<16xf32> to vector<1x16xf32>
            tpu.vector_store %arg16[%parallel_loop3A_1116, %parallel_loop3A_1117], %parallel_loop3A_1120 {strides = array<i32>} : memref<64x128xf32, #tpu.memory_space<vmem>>, vector<1x16xf32>,
            %parallel_loop3A_1121 = arith.constant 64 : i32
            %parallel_loop3A_1122 = arith.muli %select_n3A_131, %parallel_loop3A_1121 : i32
            %parallel_loop3A_1123 = arith.constant 32 : i32
            %parallel_loop3A_1124 = arith.muli %scan3A_165, %parallel_loop3A_1123 : i32
            %parallel_loop3A_1125 = arith.addi %parallel_loop3A_1122, %parallel_loop3A_1124 : i32
            %parallel_loop3A_1126 = arith.constant 16 : i32
            %parallel_loop3A_1127 = arith.muli %parallel_loop3A_188, %parallel_loop3A_1126 : i32
            %parallel_loop3A_1128 = arith.addi %parallel_loop3A_1125, %parallel_loop3A_1127 : i32
            %parallel_loop3A_1129 = arith.constant 3 : i32
            %parallel_loop3A_1130 = arith.addi %parallel_loop3A_1128, %parallel_loop3A_1129 : i32
            %parallel_loop3A_1131 = arith.constant 32 : i32
            %parallel_loop3A_1132 = arith.muli %scan3A_165, %parallel_loop3A_1131 : i32
            %parallel_loop3A_1133 = arith.constant 16 : i32
            %parallel_loop3A_1134 = arith.muli %parallel_loop3A_188, %parallel_loop3A_1133 : i32
            %parallel_loop3A_1135 = arith.addi %parallel_loop3A_1132, %parallel_loop3A_1134 : i32
            %parallel_loop3A_1136 = arith.constant 3 : i32
            %parallel_loop3A_1137 = arith.addi %parallel_loop3A_1135, %parallel_loop3A_1136 : i32
            %parallel_loop3A_1138 = vector.extract_strided_slice %parallel_loop3A_321 {offsets = [3], sizes = [1], strides = [1]} : vector<16xf32> to vector<1xf32>
            %parallel_loop3A_1139 = vector.extract %parallel_loop3A_1138[0] : f32 from vector<1xf32>
            %parallel_loop3A_1140 = vector.extract_strided_slice %parallel_loop3A_326 {offsets = [3], sizes = [1], strides = [1]} : vector<16xf32> to vector<1xf32>
            %parallel_loop3A_1141 = vector.extract %parallel_loop3A_1140[0] : f32 from vector<1xf32>
            %parallel_loop3A_1142 = vector.extract_strided_slice %parallel_loop3A_331 {offsets = [3], sizes = [1], strides = [1]} : vector<16xf32> to vector<1xf32>
            %parallel_loop3A_1143 = vector.extract %parallel_loop3A_1142[0] : f32 from vector<1xf32>
            %parallel_loop3A_1144 = arith.index_cast %parallel_loop3A_1130 : i32 to index
            %parallel_loop3A_1145 = arith.constant 0 : index
            %parallel_loop3A_1146 = tpu.vector_load %arg14[%parallel_loop3A_1144, %parallel_loop3A_1145] {strides = array<i32>} : memref<128x64xi32, #tpu.memory_space<vmem>>, vector<1x16xi32>,
            %parallel_loop3A_1147 = vector.shape_cast %parallel_loop3A_1146 : vector<1x16xi32> to vector<16xi32>
            %parallel_loop3A_1148 = arith.index_cast %parallel_loop3A_1130 : i32 to index
            %parallel_loop3A_1149 = arith.constant 0 : index
            %parallel_loop3A_1150 = tpu.vector_load %arg15[%parallel_loop3A_1148, %parallel_loop3A_1149] {strides = array<i32>} : memref<128x64xi32, #tpu.memory_space<vmem>>, vector<1x16xi32>,
            %parallel_loop3A_1151 = vector.shape_cast %parallel_loop3A_1150 : vector<1x16xi32> to vector<16xi32>
            %parallel_loop3A_1152 = arith.constant 16 : i32
            %parallel_loop3A_1153 = vector.broadcast %parallel_loop3A_1152 : i32 to vector<16xi32>
            %parallel_loop3A_1154 = arith.shli %parallel_loop3A_1147, %parallel_loop3A_1153 : vector<16xi32>
            %parallel_loop3A_1155 = tpu.bitcast %parallel_loop3A_1154 : vector<16xi32> -> vector<16xf32>
            %parallel_loop3A_1156 = arith.constant -65536 : i32
            %parallel_loop3A_1157 = vector.broadcast %parallel_loop3A_1156 : i32 to vector<16xi32>
            %parallel_loop3A_1158 = arith.andi %parallel_loop3A_1147, %parallel_loop3A_1157 : vector<16xi32>
            %parallel_loop3A_1159 = tpu.bitcast %parallel_loop3A_1158 : vector<16xi32> -> vector<16xf32>
            %parallel_loop3A_1160 = arith.constant 16 : i32
            %parallel_loop3A_1161 = vector.broadcast %parallel_loop3A_1160 : i32 to vector<16xi32>
            %parallel_loop3A_1162 = arith.shli %parallel_loop3A_1151, %parallel_loop3A_1161 : vector<16xi32>
            %parallel_loop3A_1163 = tpu.bitcast %parallel_loop3A_1162 : vector<16xi32> -> vector<16xf32>
            %parallel_loop3A_1164 = arith.constant -65536 : i32
            %parallel_loop3A_1165 = vector.broadcast %parallel_loop3A_1164 : i32 to vector<16xi32>
            %parallel_loop3A_1166 = arith.andi %parallel_loop3A_1151, %parallel_loop3A_1165 : vector<16xi32>
            %parallel_loop3A_1167 = tpu.bitcast %parallel_loop3A_1166 : vector<16xi32> -> vector<16xf32>
            %parallel_loop3A_1168 = arith.addf %parallel_loop3A_1155, %parallel_loop3A_1163 : vector<16xf32>
            %parallel_loop3A_1169 = vector.broadcast %parallel_loop3A_1139 : f32 to vector<16xf32>
            %parallel_loop3A_1170 = arith.mulf %parallel_loop3A_1169, %parallel_loop3A_193 : vector<16xf32>
            %parallel_loop3A_1171 = arith.addf %parallel_loop3A_1168, %parallel_loop3A_1170 : vector<16xf32>
            %parallel_loop3A_1172 = vector.broadcast %parallel_loop3A_1141 : f32 to vector<16xf32>
            %parallel_loop3A_1173 = arith.mulf %parallel_loop3A_1172, %parallel_loop3A_233 : vector<16xf32>
            %parallel_loop3A_1174 = arith.addf %parallel_loop3A_1171, %parallel_loop3A_1173 : vector<16xf32>
            %parallel_loop3A_1175 = vector.broadcast %parallel_loop3A_1143 : f32 to vector<16xf32>
            %parallel_loop3A_1176 = arith.mulf %parallel_loop3A_1175, %parallel_loop3A_273 : vector<16xf32>
            %parallel_loop3A_1177 = arith.addf %parallel_loop3A_1174, %parallel_loop3A_1176 : vector<16xf32>
            %parallel_loop3A_1178 = arith.addf %parallel_loop3A_1159, %parallel_loop3A_1167 : vector<16xf32>
            %parallel_loop3A_1179 = vector.broadcast %parallel_loop3A_1139 : f32 to vector<16xf32>
            %parallel_loop3A_1180 = arith.mulf %parallel_loop3A_1179, %parallel_loop3A_198 : vector<16xf32>
            %parallel_loop3A_1181 = arith.addf %parallel_loop3A_1178, %parallel_loop3A_1180 : vector<16xf32>
            %parallel_loop3A_1182 = vector.broadcast %parallel_loop3A_1141 : f32 to vector<16xf32>
            %parallel_loop3A_1183 = arith.mulf %parallel_loop3A_1182, %parallel_loop3A_238 : vector<16xf32>
            %parallel_loop3A_1184 = arith.addf %parallel_loop3A_1181, %parallel_loop3A_1183 : vector<16xf32>
            %parallel_loop3A_1185 = vector.broadcast %parallel_loop3A_1143 : f32 to vector<16xf32>
            %parallel_loop3A_1186 = arith.mulf %parallel_loop3A_1185, %parallel_loop3A_278 : vector<16xf32>
            %parallel_loop3A_1187 = arith.addf %parallel_loop3A_1184, %parallel_loop3A_1186 : vector<16xf32>
            %parallel_loop3A_1188 = arith.constant 0.000000e+00 : f32
            %parallel_loop3A_1189 = vector.broadcast %parallel_loop3A_1188 : f32 to vector<16xf32>
            %parallel_loop3A_1190 = arith.maximumf %parallel_loop3A_1177, %parallel_loop3A_1189 : vector<16xf32>
            %parallel_loop3A_1191 = arith.index_cast %parallel_loop3A_1137 : i32 to index
            %parallel_loop3A_1192 = arith.constant 0 : index
            %parallel_loop3A_1193 = tpu.vector_load %arg16[%parallel_loop3A_1191, %parallel_loop3A_1192] {strides = array<i32>} : memref<64x128xf32, #tpu.memory_space<vmem>>, vector<1x16xf32>,
            %parallel_loop3A_1194 = vector.shape_cast %parallel_loop3A_1193 : vector<1x16xf32> to vector<16xf32>
            %parallel_loop3A_1195 = vector.shape_cast %parallel_loop3A_1190 : vector<16xf32> to vector<1x16xf32>
            tpu.vector_store %arg16[%parallel_loop3A_1191, %parallel_loop3A_1192], %parallel_loop3A_1195 {strides = array<i32>} : memref<64x128xf32, #tpu.memory_space<vmem>>, vector<1x16xf32>,
            %parallel_loop3A_1196 = arith.constant 0.000000e+00 : f32
            %parallel_loop3A_1197 = vector.broadcast %parallel_loop3A_1196 : f32 to vector<16xf32>
            %parallel_loop3A_1198 = arith.maximumf %parallel_loop3A_1187, %parallel_loop3A_1197 : vector<16xf32>
            %parallel_loop3A_1199 = arith.index_cast %parallel_loop3A_1137 : i32 to index
            %parallel_loop3A_1200 = arith.constant 16 : index
            %parallel_loop3A_1201 = tpu.vector_load %arg16[%parallel_loop3A_1199, %parallel_loop3A_1200] {strides = array<i32>} : memref<64x128xf32, #tpu.memory_space<vmem>>, vector<1x16xf32>,
            %parallel_loop3A_1202 = vector.shape_cast %parallel_loop3A_1201 : vector<1x16xf32> to vector<16xf32>
            %parallel_loop3A_1203 = vector.shape_cast %parallel_loop3A_1198 : vector<16xf32> to vector<1x16xf32>
            tpu.vector_store %arg16[%parallel_loop3A_1199, %parallel_loop3A_1200], %parallel_loop3A_1203 {strides = array<i32>} : memref<64x128xf32, #tpu.memory_space<vmem>>, vector<1x16xf32>,
            %parallel_loop3A_1204 = arith.index_cast %parallel_loop3A_1130 : i32 to index
            %parallel_loop3A_1205 = arith.constant 16 : index
            %parallel_loop3A_1206 = tpu.vector_load %arg14[%parallel_loop3A_1204, %parallel_loop3A_1205] {strides = array<i32>} : memref<128x64xi32, #tpu.memory_space<vmem>>, vector<1x16xi32>,
            %parallel_loop3A_1207 = vector.shape_cast %parallel_loop3A_1206 : vector<1x16xi32> to vector<16xi32>
            %parallel_loop3A_1208 = arith.index_cast %parallel_loop3A_1130 : i32 to index
            %parallel_loop3A_1209 = arith.constant 16 : index
            %parallel_loop3A_1210 = tpu.vector_load %arg15[%parallel_loop3A_1208, %parallel_loop3A_1209] {strides = array<i32>} : memref<128x64xi32, #tpu.memory_space<vmem>>, vector<1x16xi32>,
            %parallel_loop3A_1211 = vector.shape_cast %parallel_loop3A_1210 : vector<1x16xi32> to vector<16xi32>
            %parallel_loop3A_1212 = arith.constant 16 : i32
            %parallel_loop3A_1213 = vector.broadcast %parallel_loop3A_1212 : i32 to vector<16xi32>
            %parallel_loop3A_1214 = arith.shli %parallel_loop3A_1207, %parallel_loop3A_1213 : vector<16xi32>
            %parallel_loop3A_1215 = tpu.bitcast %parallel_loop3A_1214 : vector<16xi32> -> vector<16xf32>
            %parallel_loop3A_1216 = arith.constant -65536 : i32
            %parallel_loop3A_1217 = vector.broadcast %parallel_loop3A_1216 : i32 to vector<16xi32>
            %parallel_loop3A_1218 = arith.andi %parallel_loop3A_1207, %parallel_loop3A_1217 : vector<16xi32>
            %parallel_loop3A_1219 = tpu.bitcast %parallel_loop3A_1218 : vector<16xi32> -> vector<16xf32>
            %parallel_loop3A_1220 = arith.constant 16 : i32
            %parallel_loop3A_1221 = vector.broadcast %parallel_loop3A_1220 : i32 to vector<16xi32>
            %parallel_loop3A_1222 = arith.shli %parallel_loop3A_1211, %parallel_loop3A_1221 : vector<16xi32>
            %parallel_loop3A_1223 = tpu.bitcast %parallel_loop3A_1222 : vector<16xi32> -> vector<16xf32>
            %parallel_loop3A_1224 = arith.constant -65536 : i32
            %parallel_loop3A_1225 = vector.broadcast %parallel_loop3A_1224 : i32 to vector<16xi32>
            %parallel_loop3A_1226 = arith.andi %parallel_loop3A_1211, %parallel_loop3A_1225 : vector<16xi32>
            %parallel_loop3A_1227 = tpu.bitcast %parallel_loop3A_1226 : vector<16xi32> -> vector<16xf32>
            %parallel_loop3A_1228 = arith.addf %parallel_loop3A_1215, %parallel_loop3A_1223 : vector<16xf32>
            %parallel_loop3A_1229 = vector.broadcast %parallel_loop3A_1139 : f32 to vector<16xf32>
            %parallel_loop3A_1230 = arith.mulf %parallel_loop3A_1229, %parallel_loop3A_203 : vector<16xf32>
            %parallel_loop3A_1231 = arith.addf %parallel_loop3A_1228, %parallel_loop3A_1230 : vector<16xf32>
            %parallel_loop3A_1232 = vector.broadcast %parallel_loop3A_1141 : f32 to vector<16xf32>
            %parallel_loop3A_1233 = arith.mulf %parallel_loop3A_1232, %parallel_loop3A_243 : vector<16xf32>
            %parallel_loop3A_1234 = arith.addf %parallel_loop3A_1231, %parallel_loop3A_1233 : vector<16xf32>
            %parallel_loop3A_1235 = vector.broadcast %parallel_loop3A_1143 : f32 to vector<16xf32>
            %parallel_loop3A_1236 = arith.mulf %parallel_loop3A_1235, %parallel_loop3A_283 : vector<16xf32>
            %parallel_loop3A_1237 = arith.addf %parallel_loop3A_1234, %parallel_loop3A_1236 : vector<16xf32>
            %parallel_loop3A_1238 = arith.addf %parallel_loop3A_1219, %parallel_loop3A_1227 : vector<16xf32>
            %parallel_loop3A_1239 = vector.broadcast %parallel_loop3A_1139 : f32 to vector<16xf32>
            %parallel_loop3A_1240 = arith.mulf %parallel_loop3A_1239, %parallel_loop3A_208 : vector<16xf32>
            %parallel_loop3A_1241 = arith.addf %parallel_loop3A_1238, %parallel_loop3A_1240 : vector<16xf32>
            %parallel_loop3A_1242 = vector.broadcast %parallel_loop3A_1141 : f32 to vector<16xf32>
            %parallel_loop3A_1243 = arith.mulf %parallel_loop3A_1242, %parallel_loop3A_248 : vector<16xf32>
            %parallel_loop3A_1244 = arith.addf %parallel_loop3A_1241, %parallel_loop3A_1243 : vector<16xf32>
            %parallel_loop3A_1245 = vector.broadcast %parallel_loop3A_1143 : f32 to vector<16xf32>
            %parallel_loop3A_1246 = arith.mulf %parallel_loop3A_1245, %parallel_loop3A_288 : vector<16xf32>
            %parallel_loop3A_1247 = arith.addf %parallel_loop3A_1244, %parallel_loop3A_1246 : vector<16xf32>
            %parallel_loop3A_1248 = arith.constant 0.000000e+00 : f32
            %parallel_loop3A_1249 = vector.broadcast %parallel_loop3A_1248 : f32 to vector<16xf32>
            %parallel_loop3A_1250 = arith.maximumf %parallel_loop3A_1237, %parallel_loop3A_1249 : vector<16xf32>
            %parallel_loop3A_1251 = arith.index_cast %parallel_loop3A_1137 : i32 to index
            %parallel_loop3A_1252 = arith.constant 32 : index
            %parallel_loop3A_1253 = tpu.vector_load %arg16[%parallel_loop3A_1251, %parallel_loop3A_1252] {strides = array<i32>} : memref<64x128xf32, #tpu.memory_space<vmem>>, vector<1x16xf32>,
            %parallel_loop3A_1254 = vector.shape_cast %parallel_loop3A_1253 : vector<1x16xf32> to vector<16xf32>
            %parallel_loop3A_1255 = vector.shape_cast %parallel_loop3A_1250 : vector<16xf32> to vector<1x16xf32>
            tpu.vector_store %arg16[%parallel_loop3A_1251, %parallel_loop3A_1252], %parallel_loop3A_1255 {strides = array<i32>} : memref<64x128xf32, #tpu.memory_space<vmem>>, vector<1x16xf32>,
            %parallel_loop3A_1256 = arith.constant 0.000000e+00 : f32
            %parallel_loop3A_1257 = vector.broadcast %parallel_loop3A_1256 : f32 to vector<16xf32>
            %parallel_loop3A_1258 = arith.maximumf %parallel_loop3A_1247, %parallel_loop3A_1257 : vector<16xf32>
            %parallel_loop3A_1259 = arith.index_cast %parallel_loop3A_1137 : i32 to index
            %parallel_loop3A_1260 = arith.constant 48 : index
            %parallel_loop3A_1261 = tpu.vector_load %arg16[%parallel_loop3A_1259, %parallel_loop3A_1260] {strides = array<i32>} : memref<64x128xf32, #tpu.memory_space<vmem>>, vector<1x16xf32>,
            %parallel_loop3A_1262 = vector.shape_cast %parallel_loop3A_1261 : vector<1x16xf32> to vector<16xf32>
            %parallel_loop3A_1263 = vector.shape_cast %parallel_loop3A_1258 : vector<16xf32> to vector<1x16xf32>
            tpu.vector_store %arg16[%parallel_loop3A_1259, %parallel_loop3A_1260], %parallel_loop3A_1263 {strides = array<i32>} : memref<64x128xf32, #tpu.memory_space<vmem>>, vector<1x16xf32>,
            %parallel_loop3A_1264 = arith.index_cast %parallel_loop3A_1130 : i32 to index
            %parallel_loop3A_1265 = arith.constant 32 : index
            %parallel_loop3A_1266 = tpu.vector_load %arg14[%parallel_loop3A_1264, %parallel_loop3A_1265] {strides = array<i32>} : memref<128x64xi32, #tpu.memory_space<vmem>>, vector<1x16xi32>,
            %parallel_loop3A_1267 = vector.shape_cast %parallel_loop3A_1266 : vector<1x16xi32> to vector<16xi32>
            %parallel_loop3A_1268 = arith.index_cast %parallel_loop3A_1130 : i32 to index
            %parallel_loop3A_1269 = arith.constant 32 : index
            %parallel_loop3A_1270 = tpu.vector_load %arg15[%parallel_loop3A_1268, %parallel_loop3A_1269] {strides = array<i32>} : memref<128x64xi32, #tpu.memory_space<vmem>>, vector<1x16xi32>,
            %parallel_loop3A_1271 = vector.shape_cast %parallel_loop3A_1270 : vector<1x16xi32> to vector<16xi32>
            %parallel_loop3A_1272 = arith.constant 16 : i32
            %parallel_loop3A_1273 = vector.broadcast %parallel_loop3A_1272 : i32 to vector<16xi32>
            %parallel_loop3A_1274 = arith.shli %parallel_loop3A_1267, %parallel_loop3A_1273 : vector<16xi32>
            %parallel_loop3A_1275 = tpu.bitcast %parallel_loop3A_1274 : vector<16xi32> -> vector<16xf32>
            %parallel_loop3A_1276 = arith.constant -65536 : i32
            %parallel_loop3A_1277 = vector.broadcast %parallel_loop3A_1276 : i32 to vector<16xi32>
            %parallel_loop3A_1278 = arith.andi %parallel_loop3A_1267, %parallel_loop3A_1277 : vector<16xi32>
            %parallel_loop3A_1279 = tpu.bitcast %parallel_loop3A_1278 : vector<16xi32> -> vector<16xf32>
            %parallel_loop3A_1280 = arith.constant 16 : i32
            %parallel_loop3A_1281 = vector.broadcast %parallel_loop3A_1280 : i32 to vector<16xi32>
            %parallel_loop3A_1282 = arith.shli %parallel_loop3A_1271, %parallel_loop3A_1281 : vector<16xi32>
            %parallel_loop3A_1283 = tpu.bitcast %parallel_loop3A_1282 : vector<16xi32> -> vector<16xf32>
            %parallel_loop3A_1284 = arith.constant -65536 : i32
            %parallel_loop3A_1285 = vector.broadcast %parallel_loop3A_1284 : i32 to vector<16xi32>
            %parallel_loop3A_1286 = arith.andi %parallel_loop3A_1271, %parallel_loop3A_1285 : vector<16xi32>
            %parallel_loop3A_1287 = tpu.bitcast %parallel_loop3A_1286 : vector<16xi32> -> vector<16xf32>
            %parallel_loop3A_1288 = arith.addf %parallel_loop3A_1275, %parallel_loop3A_1283 : vector<16xf32>
            %parallel_loop3A_1289 = vector.broadcast %parallel_loop3A_1139 : f32 to vector<16xf32>
            %parallel_loop3A_1290 = arith.mulf %parallel_loop3A_1289, %parallel_loop3A_213 : vector<16xf32>
            %parallel_loop3A_1291 = arith.addf %parallel_loop3A_1288, %parallel_loop3A_1290 : vector<16xf32>
            %parallel_loop3A_1292 = vector.broadcast %parallel_loop3A_1141 : f32 to vector<16xf32>
            %parallel_loop3A_1293 = arith.mulf %parallel_loop3A_1292, %parallel_loop3A_253 : vector<16xf32>
            %parallel_loop3A_1294 = arith.addf %parallel_loop3A_1291, %parallel_loop3A_1293 : vector<16xf32>
            %parallel_loop3A_1295 = vector.broadcast %parallel_loop3A_1143 : f32 to vector<16xf32>
            %parallel_loop3A_1296 = arith.mulf %parallel_loop3A_1295, %parallel_loop3A_293 : vector<16xf32>
            %parallel_loop3A_1297 = arith.addf %parallel_loop3A_1294, %parallel_loop3A_1296 : vector<16xf32>
            %parallel_loop3A_1298 = arith.addf %parallel_loop3A_1279, %parallel_loop3A_1287 : vector<16xf32>
            %parallel_loop3A_1299 = vector.broadcast %parallel_loop3A_1139 : f32 to vector<16xf32>
            %parallel_loop3A_1300 = arith.mulf %parallel_loop3A_1299, %parallel_loop3A_218 : vector<16xf32>
            %parallel_loop3A_1301 = arith.addf %parallel_loop3A_1298, %parallel_loop3A_1300 : vector<16xf32>
            %parallel_loop3A_1302 = vector.broadcast %parallel_loop3A_1141 : f32 to vector<16xf32>
            %parallel_loop3A_1303 = arith.mulf %parallel_loop3A_1302, %parallel_loop3A_258 : vector<16xf32>
            %parallel_loop3A_1304 = arith.addf %parallel_loop3A_1301, %parallel_loop3A_1303 : vector<16xf32>
            %parallel_loop3A_1305 = vector.broadcast %parallel_loop3A_1143 : f32 to vector<16xf32>
            %parallel_loop3A_1306 = arith.mulf %parallel_loop3A_1305, %parallel_loop3A_298 : vector<16xf32>
            %parallel_loop3A_1307 = arith.addf %parallel_loop3A_1304, %parallel_loop3A_1306 : vector<16xf32>
            %parallel_loop3A_1308 = arith.constant 0.000000e+00 : f32
            %parallel_loop3A_1309 = vector.broadcast %parallel_loop3A_1308 : f32 to vector<16xf32>
            %parallel_loop3A_1310 = arith.maximumf %parallel_loop3A_1297, %parallel_loop3A_1309 : vector<16xf32>
            %parallel_loop3A_1311 = arith.index_cast %parallel_loop3A_1137 : i32 to index
            %parallel_loop3A_1312 = arith.constant 64 : index
            %parallel_loop3A_1313 = tpu.vector_load %arg16[%parallel_loop3A_1311, %parallel_loop3A_1312] {strides = array<i32>} : memref<64x128xf32, #tpu.memory_space<vmem>>, vector<1x16xf32>,
            %parallel_loop3A_1314 = vector.shape_cast %parallel_loop3A_1313 : vector<1x16xf32> to vector<16xf32>
            %parallel_loop3A_1315 = vector.shape_cast %parallel_loop3A_1310 : vector<16xf32> to vector<1x16xf32>
            tpu.vector_store %arg16[%parallel_loop3A_1311, %parallel_loop3A_1312], %parallel_loop3A_1315 {strides = array<i32>} : memref<64x128xf32, #tpu.memory_space<vmem>>, vector<1x16xf32>,
            %parallel_loop3A_1316 = arith.constant 0.000000e+00 : f32
            %parallel_loop3A_1317 = vector.broadcast %parallel_loop3A_1316 : f32 to vector<16xf32>
            %parallel_loop3A_1318 = arith.maximumf %parallel_loop3A_1307, %parallel_loop3A_1317 : vector<16xf32>
            %parallel_loop3A_1319 = arith.index_cast %parallel_loop3A_1137 : i32 to index
            %parallel_loop3A_1320 = arith.constant 80 : index
            %parallel_loop3A_1321 = tpu.vector_load %arg16[%parallel_loop3A_1319, %parallel_loop3A_1320] {strides = array<i32>} : memref<64x128xf32, #tpu.memory_space<vmem>>, vector<1x16xf32>,
            %parallel_loop3A_1322 = vector.shape_cast %parallel_loop3A_1321 : vector<1x16xf32> to vector<16xf32>
            %parallel_loop3A_1323 = vector.shape_cast %parallel_loop3A_1318 : vector<16xf32> to vector<1x16xf32>
            tpu.vector_store %arg16[%parallel_loop3A_1319, %parallel_loop3A_1320], %parallel_loop3A_1323 {strides = array<i32>} : memref<64x128xf32, #tpu.memory_space<vmem>>, vector<1x16xf32>,
            %parallel_loop3A_1324 = arith.index_cast %parallel_loop3A_1130 : i32 to index
            %parallel_loop3A_1325 = arith.constant 48 : index
            %parallel_loop3A_1326 = tpu.vector_load %arg14[%parallel_loop3A_1324, %parallel_loop3A_1325] {strides = array<i32>} : memref<128x64xi32, #tpu.memory_space<vmem>>, vector<1x16xi32>,
            %parallel_loop3A_1327 = vector.shape_cast %parallel_loop3A_1326 : vector<1x16xi32> to vector<16xi32>
            %parallel_loop3A_1328 = arith.index_cast %parallel_loop3A_1130 : i32 to index
            %parallel_loop3A_1329 = arith.constant 48 : index
            %parallel_loop3A_1330 = tpu.vector_load %arg15[%parallel_loop3A_1328, %parallel_loop3A_1329] {strides = array<i32>} : memref<128x64xi32, #tpu.memory_space<vmem>>, vector<1x16xi32>,
            %parallel_loop3A_1331 = vector.shape_cast %parallel_loop3A_1330 : vector<1x16xi32> to vector<16xi32>
            %parallel_loop3A_1332 = arith.constant 16 : i32
            %parallel_loop3A_1333 = vector.broadcast %parallel_loop3A_1332 : i32 to vector<16xi32>
            %parallel_loop3A_1334 = arith.shli %parallel_loop3A_1327, %parallel_loop3A_1333 : vector<16xi32>
            %parallel_loop3A_1335 = tpu.bitcast %parallel_loop3A_1334 : vector<16xi32> -> vector<16xf32>
            %parallel_loop3A_1336 = arith.constant -65536 : i32
            %parallel_loop3A_1337 = vector.broadcast %parallel_loop3A_1336 : i32 to vector<16xi32>
            %parallel_loop3A_1338 = arith.andi %parallel_loop3A_1327, %parallel_loop3A_1337 : vector<16xi32>
            %parallel_loop3A_1339 = tpu.bitcast %parallel_loop3A_1338 : vector<16xi32> -> vector<16xf32>
            %parallel_loop3A_1340 = arith.constant 16 : i32
            %parallel_loop3A_1341 = vector.broadcast %parallel_loop3A_1340 : i32 to vector<16xi32>
            %parallel_loop3A_1342 = arith.shli %parallel_loop3A_1331, %parallel_loop3A_1341 : vector<16xi32>
            %parallel_loop3A_1343 = tpu.bitcast %parallel_loop3A_1342 : vector<16xi32> -> vector<16xf32>
            %parallel_loop3A_1344 = arith.constant -65536 : i32
            %parallel_loop3A_1345 = vector.broadcast %parallel_loop3A_1344 : i32 to vector<16xi32>
            %parallel_loop3A_1346 = arith.andi %parallel_loop3A_1331, %parallel_loop3A_1345 : vector<16xi32>
            %parallel_loop3A_1347 = tpu.bitcast %parallel_loop3A_1346 : vector<16xi32> -> vector<16xf32>
            %parallel_loop3A_1348 = arith.addf %parallel_loop3A_1335, %parallel_loop3A_1343 : vector<16xf32>
            %parallel_loop3A_1349 = vector.broadcast %parallel_loop3A_1139 : f32 to vector<16xf32>
            %parallel_loop3A_1350 = arith.mulf %parallel_loop3A_1349, %parallel_loop3A_223 : vector<16xf32>
            %parallel_loop3A_1351 = arith.addf %parallel_loop3A_1348, %parallel_loop3A_1350 : vector<16xf32>
            %parallel_loop3A_1352 = vector.broadcast %parallel_loop3A_1141 : f32 to vector<16xf32>
            %parallel_loop3A_1353 = arith.mulf %parallel_loop3A_1352, %parallel_loop3A_263 : vector<16xf32>
            %parallel_loop3A_1354 = arith.addf %parallel_loop3A_1351, %parallel_loop3A_1353 : vector<16xf32>
            %parallel_loop3A_1355 = vector.broadcast %parallel_loop3A_1143 : f32 to vector<16xf32>
            %parallel_loop3A_1356 = arith.mulf %parallel_loop3A_1355, %parallel_loop3A_303 : vector<16xf32>
            %parallel_loop3A_1357 = arith.addf %parallel_loop3A_1354, %parallel_loop3A_1356 : vector<16xf32>
            %parallel_loop3A_1358 = arith.addf %parallel_loop3A_1339, %parallel_loop3A_1347 : vector<16xf32>
            %parallel_loop3A_1359 = vector.broadcast %parallel_loop3A_1139 : f32 to vector<16xf32>
            %parallel_loop3A_1360 = arith.mulf %parallel_loop3A_1359, %parallel_loop3A_228 : vector<16xf32>
            %parallel_loop3A_1361 = arith.addf %parallel_loop3A_1358, %parallel_loop3A_1360 : vector<16xf32>
            %parallel_loop3A_1362 = vector.broadcast %parallel_loop3A_1141 : f32 to vector<16xf32>
            %parallel_loop3A_1363 = arith.mulf %parallel_loop3A_1362, %parallel_loop3A_268 : vector<16xf32>
            %parallel_loop3A_1364 = arith.addf %parallel_loop3A_1361, %parallel_loop3A_1363 : vector<16xf32>
            %parallel_loop3A_1365 = vector.broadcast %parallel_loop3A_1143 : f32 to vector<16xf32>
            %parallel_loop3A_1366 = arith.mulf %parallel_loop3A_1365, %parallel_loop3A_308 : vector<16xf32>
            %parallel_loop3A_1367 = arith.addf %parallel_loop3A_1364, %parallel_loop3A_1366 : vector<16xf32>
            %parallel_loop3A_1368 = arith.constant 0.000000e+00 : f32
            %parallel_loop3A_1369 = vector.broadcast %parallel_loop3A_1368 : f32 to vector<16xf32>
            %parallel_loop3A_1370 = arith.maximumf %parallel_loop3A_1357, %parallel_loop3A_1369 : vector<16xf32>
            %parallel_loop3A_1371 = arith.index_cast %parallel_loop3A_1137 : i32 to index
            %parallel_loop3A_1372 = arith.constant 96 : index
            %parallel_loop3A_1373 = tpu.vector_load %arg16[%parallel_loop3A_1371, %parallel_loop3A_1372] {strides = array<i32>} : memref<64x128xf32, #tpu.memory_space<vmem>>, vector<1x16xf32>,
            %parallel_loop3A_1374 = vector.shape_cast %parallel_loop3A_1373 : vector<1x16xf32> to vector<16xf32>
            %parallel_loop3A_1375 = vector.shape_cast %parallel_loop3A_1370 : vector<16xf32> to vector<1x16xf32>
            tpu.vector_store %arg16[%parallel_loop3A_1371, %parallel_loop3A_1372], %parallel_loop3A_1375 {strides = array<i32>} : memref<64x128xf32, #tpu.memory_space<vmem>>, vector<1x16xf32>,
            %parallel_loop3A_1376 = arith.constant 0.000000e+00 : f32
            %parallel_loop3A_1377 = vector.broadcast %parallel_loop3A_1376 : f32 to vector<16xf32>
            %parallel_loop3A_1378 = arith.maximumf %parallel_loop3A_1367, %parallel_loop3A_1377 : vector<16xf32>
            %parallel_loop3A_1379 = arith.index_cast %parallel_loop3A_1137 : i32 to index
            %parallel_loop3A_1380 = arith.constant 112 : index
            %parallel_loop3A_1381 = tpu.vector_load %arg16[%parallel_loop3A_1379, %parallel_loop3A_1380] {strides = array<i32>} : memref<64x128xf32, #tpu.memory_space<vmem>>, vector<1x16xf32>,
            %parallel_loop3A_1382 = vector.shape_cast %parallel_loop3A_1381 : vector<1x16xf32> to vector<16xf32>
            %parallel_loop3A_1383 = vector.shape_cast %parallel_loop3A_1378 : vector<16xf32> to vector<1x16xf32>
            tpu.vector_store %arg16[%parallel_loop3A_1379, %parallel_loop3A_1380], %parallel_loop3A_1383 {strides = array<i32>} : memref<64x128xf32, #tpu.memory_space<vmem>>, vector<1x16xf32>,
            %parallel_loop3A_1384 = arith.constant 64 : i32
            %parallel_loop3A_1385 = arith.muli %select_n3A_131, %parallel_loop3A_1384 : i32
            %parallel_loop3A_1386 = arith.constant 32 : i32
            %parallel_loop3A_1387 = arith.muli %scan3A_165, %parallel_loop3A_1386 : i32
            %parallel_loop3A_1388 = arith.addi %parallel_loop3A_1385, %parallel_loop3A_1387 : i32
            %parallel_loop3A_1389 = arith.constant 16 : i32
            %parallel_loop3A_1390 = arith.muli %parallel_loop3A_188, %parallel_loop3A_1389 : i32
            %parallel_loop3A_1391 = arith.addi %parallel_loop3A_1388, %parallel_loop3A_1390 : i32
            %parallel_loop3A_1392 = arith.constant 4 : i32
            %parallel_loop3A_1393 = arith.addi %parallel_loop3A_1391, %parallel_loop3A_1392 : i32
            %parallel_loop3A_1394 = arith.constant 32 : i32
            %parallel_loop3A_1395 = arith.muli %scan3A_165, %parallel_loop3A_1394 : i32
            %parallel_loop3A_1396 = arith.constant 16 : i32
            %parallel_loop3A_1397 = arith.muli %parallel_loop3A_188, %parallel_loop3A_1396 : i32
            %parallel_loop3A_1398 = arith.addi %parallel_loop3A_1395, %parallel_loop3A_1397 : i32
            %parallel_loop3A_1399 = arith.constant 4 : i32
            %parallel_loop3A_1400 = arith.addi %parallel_loop3A_1398, %parallel_loop3A_1399 : i32
            %parallel_loop3A_1401 = vector.extract_strided_slice %parallel_loop3A_321 {offsets = [4], sizes = [1], strides = [1]} : vector<16xf32> to vector<1xf32>
            %parallel_loop3A_1402 = vector.extract %parallel_loop3A_1401[0] : f32 from vector<1xf32>
            %parallel_loop3A_1403 = vector.extract_strided_slice %parallel_loop3A_326 {offsets = [4], sizes = [1], strides = [1]} : vector<16xf32> to vector<1xf32>
            %parallel_loop3A_1404 = vector.extract %parallel_loop3A_1403[0] : f32 from vector<1xf32>
            %parallel_loop3A_1405 = vector.extract_strided_slice %parallel_loop3A_331 {offsets = [4], sizes = [1], strides = [1]} : vector<16xf32> to vector<1xf32>
            %parallel_loop3A_1406 = vector.extract %parallel_loop3A_1405[0] : f32 from vector<1xf32>
            %parallel_loop3A_1407 = arith.index_cast %parallel_loop3A_1393 : i32 to index
            %parallel_loop3A_1408 = arith.constant 0 : index
            %parallel_loop3A_1409 = tpu.vector_load %arg14[%parallel_loop3A_1407, %parallel_loop3A_1408] {strides = array<i32>} : memref<128x64xi32, #tpu.memory_space<vmem>>, vector<1x16xi32>,
            %parallel_loop3A_1410 = vector.shape_cast %parallel_loop3A_1409 : vector<1x16xi32> to vector<16xi32>
            %parallel_loop3A_1411 = arith.index_cast %parallel_loop3A_1393 : i32 to index
            %parallel_loop3A_1412 = arith.constant 0 : index
            %parallel_loop3A_1413 = tpu.vector_load %arg15[%parallel_loop3A_1411, %parallel_loop3A_1412] {strides = array<i32>} : memref<128x64xi32, #tpu.memory_space<vmem>>, vector<1x16xi32>,
            %parallel_loop3A_1414 = vector.shape_cast %parallel_loop3A_1413 : vector<1x16xi32> to vector<16xi32>
            %parallel_loop3A_1415 = arith.constant 16 : i32
            %parallel_loop3A_1416 = vector.broadcast %parallel_loop3A_1415 : i32 to vector<16xi32>
            %parallel_loop3A_1417 = arith.shli %parallel_loop3A_1410, %parallel_loop3A_1416 : vector<16xi32>
            %parallel_loop3A_1418 = tpu.bitcast %parallel_loop3A_1417 : vector<16xi32> -> vector<16xf32>
            %parallel_loop3A_1419 = arith.constant -65536 : i32
            %parallel_loop3A_1420 = vector.broadcast %parallel_loop3A_1419 : i32 to vector<16xi32>
            %parallel_loop3A_1421 = arith.andi %parallel_loop3A_1410, %parallel_loop3A_1420 : vector<16xi32>
            %parallel_loop3A_1422 = tpu.bitcast %parallel_loop3A_1421 : vector<16xi32> -> vector<16xf32>
            %parallel_loop3A_1423 = arith.constant 16 : i32
            %parallel_loop3A_1424 = vector.broadcast %parallel_loop3A_1423 : i32 to vector<16xi32>
            %parallel_loop3A_1425 = arith.shli %parallel_loop3A_1414, %parallel_loop3A_1424 : vector<16xi32>
            %parallel_loop3A_1426 = tpu.bitcast %parallel_loop3A_1425 : vector<16xi32> -> vector<16xf32>
            %parallel_loop3A_1427 = arith.constant -65536 : i32
            %parallel_loop3A_1428 = vector.broadcast %parallel_loop3A_1427 : i32 to vector<16xi32>
            %parallel_loop3A_1429 = arith.andi %parallel_loop3A_1414, %parallel_loop3A_1428 : vector<16xi32>
            %parallel_loop3A_1430 = tpu.bitcast %parallel_loop3A_1429 : vector<16xi32> -> vector<16xf32>
            %parallel_loop3A_1431 = arith.addf %parallel_loop3A_1418, %parallel_loop3A_1426 : vector<16xf32>
            %parallel_loop3A_1432 = vector.broadcast %parallel_loop3A_1402 : f32 to vector<16xf32>
            %parallel_loop3A_1433 = arith.mulf %parallel_loop3A_1432, %parallel_loop3A_193 : vector<16xf32>
            %parallel_loop3A_1434 = arith.addf %parallel_loop3A_1431, %parallel_loop3A_1433 : vector<16xf32>
            %parallel_loop3A_1435 = vector.broadcast %parallel_loop3A_1404 : f32 to vector<16xf32>
            %parallel_loop3A_1436 = arith.mulf %parallel_loop3A_1435, %parallel_loop3A_233 : vector<16xf32>
            %parallel_loop3A_1437 = arith.addf %parallel_loop3A_1434, %parallel_loop3A_1436 : vector<16xf32>
            %parallel_loop3A_1438 = vector.broadcast %parallel_loop3A_1406 : f32 to vector<16xf32>
            %parallel_loop3A_1439 = arith.mulf %parallel_loop3A_1438, %parallel_loop3A_273 : vector<16xf32>
            %parallel_loop3A_1440 = arith.addf %parallel_loop3A_1437, %parallel_loop3A_1439 : vector<16xf32>
            %parallel_loop3A_1441 = arith.addf %parallel_loop3A_1422, %parallel_loop3A_1430 : vector<16xf32>
            %parallel_loop3A_1442 = vector.broadcast %parallel_loop3A_1402 : f32 to vector<16xf32>
            %parallel_loop3A_1443 = arith.mulf %parallel_loop3A_1442, %parallel_loop3A_198 : vector<16xf32>
            %parallel_loop3A_1444 = arith.addf %parallel_loop3A_1441, %parallel_loop3A_1443 : vector<16xf32>
            %parallel_loop3A_1445 = vector.broadcast %parallel_loop3A_1404 : f32 to vector<16xf32>
            %parallel_loop3A_1446 = arith.mulf %parallel_loop3A_1445, %parallel_loop3A_238 : vector<16xf32>
            %parallel_loop3A_1447 = arith.addf %parallel_loop3A_1444, %parallel_loop3A_1446 : vector<16xf32>
            %parallel_loop3A_1448 = vector.broadcast %parallel_loop3A_1406 : f32 to vector<16xf32>
            %parallel_loop3A_1449 = arith.mulf %parallel_loop3A_1448, %parallel_loop3A_278 : vector<16xf32>
            %parallel_loop3A_1450 = arith.addf %parallel_loop3A_1447, %parallel_loop3A_1449 : vector<16xf32>
            %parallel_loop3A_1451 = arith.constant 0.000000e+00 : f32
            %parallel_loop3A_1452 = vector.broadcast %parallel_loop3A_1451 : f32 to vector<16xf32>
            %parallel_loop3A_1453 = arith.maximumf %parallel_loop3A_1440, %parallel_loop3A_1452 : vector<16xf32>
            %parallel_loop3A_1454 = arith.index_cast %parallel_loop3A_1400 : i32 to index
            %parallel_loop3A_1455 = arith.constant 0 : index
            %parallel_loop3A_1456 = tpu.vector_load %arg16[%parallel_loop3A_1454, %parallel_loop3A_1455] {strides = array<i32>} : memref<64x128xf32, #tpu.memory_space<vmem>>, vector<1x16xf32>,
            %parallel_loop3A_1457 = vector.shape_cast %parallel_loop3A_1456 : vector<1x16xf32> to vector<16xf32>
            %parallel_loop3A_1458 = vector.shape_cast %parallel_loop3A_1453 : vector<16xf32> to vector<1x16xf32>
            tpu.vector_store %arg16[%parallel_loop3A_1454, %parallel_loop3A_1455], %parallel_loop3A_1458 {strides = array<i32>} : memref<64x128xf32, #tpu.memory_space<vmem>>, vector<1x16xf32>,
            %parallel_loop3A_1459 = arith.constant 0.000000e+00 : f32
            %parallel_loop3A_1460 = vector.broadcast %parallel_loop3A_1459 : f32 to vector<16xf32>
            %parallel_loop3A_1461 = arith.maximumf %parallel_loop3A_1450, %parallel_loop3A_1460 : vector<16xf32>
            %parallel_loop3A_1462 = arith.index_cast %parallel_loop3A_1400 : i32 to index
            %parallel_loop3A_1463 = arith.constant 16 : index
            %parallel_loop3A_1464 = tpu.vector_load %arg16[%parallel_loop3A_1462, %parallel_loop3A_1463] {strides = array<i32>} : memref<64x128xf32, #tpu.memory_space<vmem>>, vector<1x16xf32>,
            %parallel_loop3A_1465 = vector.shape_cast %parallel_loop3A_1464 : vector<1x16xf32> to vector<16xf32>
            %parallel_loop3A_1466 = vector.shape_cast %parallel_loop3A_1461 : vector<16xf32> to vector<1x16xf32>
            tpu.vector_store %arg16[%parallel_loop3A_1462, %parallel_loop3A_1463], %parallel_loop3A_1466 {strides = array<i32>} : memref<64x128xf32, #tpu.memory_space<vmem>>, vector<1x16xf32>,
            %parallel_loop3A_1467 = arith.index_cast %parallel_loop3A_1393 : i32 to index
            %parallel_loop3A_1468 = arith.constant 16 : index
            %parallel_loop3A_1469 = tpu.vector_load %arg14[%parallel_loop3A_1467, %parallel_loop3A_1468] {strides = array<i32>} : memref<128x64xi32, #tpu.memory_space<vmem>>, vector<1x16xi32>,
            %parallel_loop3A_1470 = vector.shape_cast %parallel_loop3A_1469 : vector<1x16xi32> to vector<16xi32>
            %parallel_loop3A_1471 = arith.index_cast %parallel_loop3A_1393 : i32 to index
            %parallel_loop3A_1472 = arith.constant 16 : index
            %parallel_loop3A_1473 = tpu.vector_load %arg15[%parallel_loop3A_1471, %parallel_loop3A_1472] {strides = array<i32>} : memref<128x64xi32, #tpu.memory_space<vmem>>, vector<1x16xi32>,
            %parallel_loop3A_1474 = vector.shape_cast %parallel_loop3A_1473 : vector<1x16xi32> to vector<16xi32>
            %parallel_loop3A_1475 = arith.constant 16 : i32
            %parallel_loop3A_1476 = vector.broadcast %parallel_loop3A_1475 : i32 to vector<16xi32>
            %parallel_loop3A_1477 = arith.shli %parallel_loop3A_1470, %parallel_loop3A_1476 : vector<16xi32>
            %parallel_loop3A_1478 = tpu.bitcast %parallel_loop3A_1477 : vector<16xi32> -> vector<16xf32>
            %parallel_loop3A_1479 = arith.constant -65536 : i32
            %parallel_loop3A_1480 = vector.broadcast %parallel_loop3A_1479 : i32 to vector<16xi32>
            %parallel_loop3A_1481 = arith.andi %parallel_loop3A_1470, %parallel_loop3A_1480 : vector<16xi32>
            %parallel_loop3A_1482 = tpu.bitcast %parallel_loop3A_1481 : vector<16xi32> -> vector<16xf32>
            %parallel_loop3A_1483 = arith.constant 16 : i32
            %parallel_loop3A_1484 = vector.broadcast %parallel_loop3A_1483 : i32 to vector<16xi32>
            %parallel_loop3A_1485 = arith.shli %parallel_loop3A_1474, %parallel_loop3A_1484 : vector<16xi32>
            %parallel_loop3A_1486 = tpu.bitcast %parallel_loop3A_1485 : vector<16xi32> -> vector<16xf32>
            %parallel_loop3A_1487 = arith.constant -65536 : i32
            %parallel_loop3A_1488 = vector.broadcast %parallel_loop3A_1487 : i32 to vector<16xi32>
            %parallel_loop3A_1489 = arith.andi %parallel_loop3A_1474, %parallel_loop3A_1488 : vector<16xi32>
            %parallel_loop3A_1490 = tpu.bitcast %parallel_loop3A_1489 : vector<16xi32> -> vector<16xf32>
            %parallel_loop3A_1491 = arith.addf %parallel_loop3A_1478, %parallel_loop3A_1486 : vector<16xf32>
            %parallel_loop3A_1492 = vector.broadcast %parallel_loop3A_1402 : f32 to vector<16xf32>
            %parallel_loop3A_1493 = arith.mulf %parallel_loop3A_1492, %parallel_loop3A_203 : vector<16xf32>
            %parallel_loop3A_1494 = arith.addf %parallel_loop3A_1491, %parallel_loop3A_1493 : vector<16xf32>
            %parallel_loop3A_1495 = vector.broadcast %parallel_loop3A_1404 : f32 to vector<16xf32>
            %parallel_loop3A_1496 = arith.mulf %parallel_loop3A_1495, %parallel_loop3A_243 : vector<16xf32>
            %parallel_loop3A_1497 = arith.addf %parallel_loop3A_1494, %parallel_loop3A_1496 : vector<16xf32>
            %parallel_loop3A_1498 = vector.broadcast %parallel_loop3A_1406 : f32 to vector<16xf32>
            %parallel_loop3A_1499 = arith.mulf %parallel_loop3A_1498, %parallel_loop3A_283 : vector<16xf32>
            %parallel_loop3A_1500 = arith.addf %parallel_loop3A_1497, %parallel_loop3A_1499 : vector<16xf32>
            %parallel_loop3A_1501 = arith.addf %parallel_loop3A_1482, %parallel_loop3A_1490 : vector<16xf32>
            %parallel_loop3A_1502 = vector.broadcast %parallel_loop3A_1402 : f32 to vector<16xf32>
            %parallel_loop3A_1503 = arith.mulf %parallel_loop3A_1502, %parallel_loop3A_208 : vector<16xf32>
            %parallel_loop3A_1504 = arith.addf %parallel_loop3A_1501, %parallel_loop3A_1503 : vector<16xf32>
            %parallel_loop3A_1505 = vector.broadcast %parallel_loop3A_1404 : f32 to vector<16xf32>
            %parallel_loop3A_1506 = arith.mulf %parallel_loop3A_1505, %parallel_loop3A_248 : vector<16xf32>
            %parallel_loop3A_1507 = arith.addf %parallel_loop3A_1504, %parallel_loop3A_1506 : vector<16xf32>
            %parallel_loop3A_1508 = vector.broadcast %parallel_loop3A_1406 : f32 to vector<16xf32>
            %parallel_loop3A_1509 = arith.mulf %parallel_loop3A_1508, %parallel_loop3A_288 : vector<16xf32>
            %parallel_loop3A_1510 = arith.addf %parallel_loop3A_1507, %parallel_loop3A_1509 : vector<16xf32>
            %parallel_loop3A_1511 = arith.constant 0.000000e+00 : f32
            %parallel_loop3A_1512 = vector.broadcast %parallel_loop3A_1511 : f32 to vector<16xf32>
            %parallel_loop3A_1513 = arith.maximumf %parallel_loop3A_1500, %parallel_loop3A_1512 : vector<16xf32>
            %parallel_loop3A_1514 = arith.index_cast %parallel_loop3A_1400 : i32 to index
            %parallel_loop3A_1515 = arith.constant 32 : index
            %parallel_loop3A_1516 = tpu.vector_load %arg16[%parallel_loop3A_1514, %parallel_loop3A_1515] {strides = array<i32>} : memref<64x128xf32, #tpu.memory_space<vmem>>, vector<1x16xf32>,
            %parallel_loop3A_1517 = vector.shape_cast %parallel_loop3A_1516 : vector<1x16xf32> to vector<16xf32>
            %parallel_loop3A_1518 = vector.shape_cast %parallel_loop3A_1513 : vector<16xf32> to vector<1x16xf32>
            tpu.vector_store %arg16[%parallel_loop3A_1514, %parallel_loop3A_1515], %parallel_loop3A_1518 {strides = array<i32>} : memref<64x128xf32, #tpu.memory_space<vmem>>, vector<1x16xf32>,
            %parallel_loop3A_1519 = arith.constant 0.000000e+00 : f32
            %parallel_loop3A_1520 = vector.broadcast %parallel_loop3A_1519 : f32 to vector<16xf32>
            %parallel_loop3A_1521 = arith.maximumf %parallel_loop3A_1510, %parallel_loop3A_1520 : vector<16xf32>
            %parallel_loop3A_1522 = arith.index_cast %parallel_loop3A_1400 : i32 to index
            %parallel_loop3A_1523 = arith.constant 48 : index
            %parallel_loop3A_1524 = tpu.vector_load %arg16[%parallel_loop3A_1522, %parallel_loop3A_1523] {strides = array<i32>} : memref<64x128xf32, #tpu.memory_space<vmem>>, vector<1x16xf32>,
            %parallel_loop3A_1525 = vector.shape_cast %parallel_loop3A_1524 : vector<1x16xf32> to vector<16xf32>
            %parallel_loop3A_1526 = vector.shape_cast %parallel_loop3A_1521 : vector<16xf32> to vector<1x16xf32>
            tpu.vector_store %arg16[%parallel_loop3A_1522, %parallel_loop3A_1523], %parallel_loop3A_1526 {strides = array<i32>} : memref<64x128xf32, #tpu.memory_space<vmem>>, vector<1x16xf32>,
            %parallel_loop3A_1527 = arith.index_cast %parallel_loop3A_1393 : i32 to index
            %parallel_loop3A_1528 = arith.constant 32 : index
            %parallel_loop3A_1529 = tpu.vector_load %arg14[%parallel_loop3A_1527, %parallel_loop3A_1528] {strides = array<i32>} : memref<128x64xi32, #tpu.memory_space<vmem>>, vector<1x16xi32>,
            %parallel_loop3A_1530 = vector.shape_cast %parallel_loop3A_1529 : vector<1x16xi32> to vector<16xi32>
            %parallel_loop3A_1531 = arith.index_cast %parallel_loop3A_1393 : i32 to index
            %parallel_loop3A_1532 = arith.constant 32 : index
            %parallel_loop3A_1533 = tpu.vector_load %arg15[%parallel_loop3A_1531, %parallel_loop3A_1532] {strides = array<i32>} : memref<128x64xi32, #tpu.memory_space<vmem>>, vector<1x16xi32>,
            %parallel_loop3A_1534 = vector.shape_cast %parallel_loop3A_1533 : vector<1x16xi32> to vector<16xi32>
            %parallel_loop3A_1535 = arith.constant 16 : i32
            %parallel_loop3A_1536 = vector.broadcast %parallel_loop3A_1535 : i32 to vector<16xi32>
            %parallel_loop3A_1537 = arith.shli %parallel_loop3A_1530, %parallel_loop3A_1536 : vector<16xi32>
            %parallel_loop3A_1538 = tpu.bitcast %parallel_loop3A_1537 : vector<16xi32> -> vector<16xf32>
            %parallel_loop3A_1539 = arith.constant -65536 : i32
            %parallel_loop3A_1540 = vector.broadcast %parallel_loop3A_1539 : i32 to vector<16xi32>
            %parallel_loop3A_1541 = arith.andi %parallel_loop3A_1530, %parallel_loop3A_1540 : vector<16xi32>
            %parallel_loop3A_1542 = tpu.bitcast %parallel_loop3A_1541 : vector<16xi32> -> vector<16xf32>
            %parallel_loop3A_1543 = arith.constant 16 : i32
            %parallel_loop3A_1544 = vector.broadcast %parallel_loop3A_1543 : i32 to vector<16xi32>
            %parallel_loop3A_1545 = arith.shli %parallel_loop3A_1534, %parallel_loop3A_1544 : vector<16xi32>
            %parallel_loop3A_1546 = tpu.bitcast %parallel_loop3A_1545 : vector<16xi32> -> vector<16xf32>
            %parallel_loop3A_1547 = arith.constant -65536 : i32
            %parallel_loop3A_1548 = vector.broadcast %parallel_loop3A_1547 : i32 to vector<16xi32>
            %parallel_loop3A_1549 = arith.andi %parallel_loop3A_1534, %parallel_loop3A_1548 : vector<16xi32>
            %parallel_loop3A_1550 = tpu.bitcast %parallel_loop3A_1549 : vector<16xi32> -> vector<16xf32>
            %parallel_loop3A_1551 = arith.addf %parallel_loop3A_1538, %parallel_loop3A_1546 : vector<16xf32>
            %parallel_loop3A_1552 = vector.broadcast %parallel_loop3A_1402 : f32 to vector<16xf32>
            %parallel_loop3A_1553 = arith.mulf %parallel_loop3A_1552, %parallel_loop3A_213 : vector<16xf32>
            %parallel_loop3A_1554 = arith.addf %parallel_loop3A_1551, %parallel_loop3A_1553 : vector<16xf32>
            %parallel_loop3A_1555 = vector.broadcast %parallel_loop3A_1404 : f32 to vector<16xf32>
            %parallel_loop3A_1556 = arith.mulf %parallel_loop3A_1555, %parallel_loop3A_253 : vector<16xf32>
            %parallel_loop3A_1557 = arith.addf %parallel_loop3A_1554, %parallel_loop3A_1556 : vector<16xf32>
            %parallel_loop3A_1558 = vector.broadcast %parallel_loop3A_1406 : f32 to vector<16xf32>
            %parallel_loop3A_1559 = arith.mulf %parallel_loop3A_1558, %parallel_loop3A_293 : vector<16xf32>
            %parallel_loop3A_1560 = arith.addf %parallel_loop3A_1557, %parallel_loop3A_1559 : vector<16xf32>
            %parallel_loop3A_1561 = arith.addf %parallel_loop3A_1542, %parallel_loop3A_1550 : vector<16xf32>
            %parallel_loop3A_1562 = vector.broadcast %parallel_loop3A_1402 : f32 to vector<16xf32>
            %parallel_loop3A_1563 = arith.mulf %parallel_loop3A_1562, %parallel_loop3A_218 : vector<16xf32>
            %parallel_loop3A_1564 = arith.addf %parallel_loop3A_1561, %parallel_loop3A_1563 : vector<16xf32>
            %parallel_loop3A_1565 = vector.broadcast %parallel_loop3A_1404 : f32 to vector<16xf32>
            %parallel_loop3A_1566 = arith.mulf %parallel_loop3A_1565, %parallel_loop3A_258 : vector<16xf32>
            %parallel_loop3A_1567 = arith.addf %parallel_loop3A_1564, %parallel_loop3A_1566 : vector<16xf32>
            %parallel_loop3A_1568 = vector.broadcast %parallel_loop3A_1406 : f32 to vector<16xf32>
            %parallel_loop3A_1569 = arith.mulf %parallel_loop3A_1568, %parallel_loop3A_298 : vector<16xf32>
            %parallel_loop3A_1570 = arith.addf %parallel_loop3A_1567, %parallel_loop3A_1569 : vector<16xf32>
            %parallel_loop3A_1571 = arith.constant 0.000000e+00 : f32
            %parallel_loop3A_1572 = vector.broadcast %parallel_loop3A_1571 : f32 to vector<16xf32>
            %parallel_loop3A_1573 = arith.maximumf %parallel_loop3A_1560, %parallel_loop3A_1572 : vector<16xf32>
            %parallel_loop3A_1574 = arith.index_cast %parallel_loop3A_1400 : i32 to index
            %parallel_loop3A_1575 = arith.constant 64 : index
            %parallel_loop3A_1576 = tpu.vector_load %arg16[%parallel_loop3A_1574, %parallel_loop3A_1575] {strides = array<i32>} : memref<64x128xf32, #tpu.memory_space<vmem>>, vector<1x16xf32>,
            %parallel_loop3A_1577 = vector.shape_cast %parallel_loop3A_1576 : vector<1x16xf32> to vector<16xf32>
            %parallel_loop3A_1578 = vector.shape_cast %parallel_loop3A_1573 : vector<16xf32> to vector<1x16xf32>
            tpu.vector_store %arg16[%parallel_loop3A_1574, %parallel_loop3A_1575], %parallel_loop3A_1578 {strides = array<i32>} : memref<64x128xf32, #tpu.memory_space<vmem>>, vector<1x16xf32>,
            %parallel_loop3A_1579 = arith.constant 0.000000e+00 : f32
            %parallel_loop3A_1580 = vector.broadcast %parallel_loop3A_1579 : f32 to vector<16xf32>
            %parallel_loop3A_1581 = arith.maximumf %parallel_loop3A_1570, %parallel_loop3A_1580 : vector<16xf32>
            %parallel_loop3A_1582 = arith.index_cast %parallel_loop3A_1400 : i32 to index
            %parallel_loop3A_1583 = arith.constant 80 : index
            %parallel_loop3A_1584 = tpu.vector_load %arg16[%parallel_loop3A_1582, %parallel_loop3A_1583] {strides = array<i32>} : memref<64x128xf32, #tpu.memory_space<vmem>>, vector<1x16xf32>,
            %parallel_loop3A_1585 = vector.shape_cast %parallel_loop3A_1584 : vector<1x16xf32> to vector<16xf32>
            %parallel_loop3A_1586 = vector.shape_cast %parallel_loop3A_1581 : vector<16xf32> to vector<1x16xf32>
            tpu.vector_store %arg16[%parallel_loop3A_1582, %parallel_loop3A_1583], %parallel_loop3A_1586 {strides = array<i32>} : memref<64x128xf32, #tpu.memory_space<vmem>>, vector<1x16xf32>,
            %parallel_loop3A_1587 = arith.index_cast %parallel_loop3A_1393 : i32 to index
            %parallel_loop3A_1588 = arith.constant 48 : index
            %parallel_loop3A_1589 = tpu.vector_load %arg14[%parallel_loop3A_1587, %parallel_loop3A_1588] {strides = array<i32>} : memref<128x64xi32, #tpu.memory_space<vmem>>, vector<1x16xi32>,
            %parallel_loop3A_1590 = vector.shape_cast %parallel_loop3A_1589 : vector<1x16xi32> to vector<16xi32>
            %parallel_loop3A_1591 = arith.index_cast %parallel_loop3A_1393 : i32 to index
            %parallel_loop3A_1592 = arith.constant 48 : index
            %parallel_loop3A_1593 = tpu.vector_load %arg15[%parallel_loop3A_1591, %parallel_loop3A_1592] {strides = array<i32>} : memref<128x64xi32, #tpu.memory_space<vmem>>, vector<1x16xi32>,
            %parallel_loop3A_1594 = vector.shape_cast %parallel_loop3A_1593 : vector<1x16xi32> to vector<16xi32>
            %parallel_loop3A_1595 = arith.constant 16 : i32
            %parallel_loop3A_1596 = vector.broadcast %parallel_loop3A_1595 : i32 to vector<16xi32>
            %parallel_loop3A_1597 = arith.shli %parallel_loop3A_1590, %parallel_loop3A_1596 : vector<16xi32>
            %parallel_loop3A_1598 = tpu.bitcast %parallel_loop3A_1597 : vector<16xi32> -> vector<16xf32>
            %parallel_loop3A_1599 = arith.constant -65536 : i32
            %parallel_loop3A_1600 = vector.broadcast %parallel_loop3A_1599 : i32 to vector<16xi32>
            %parallel_loop3A_1601 = arith.andi %parallel_loop3A_1590, %parallel_loop3A_1600 : vector<16xi32>
            %parallel_loop3A_1602 = tpu.bitcast %parallel_loop3A_1601 : vector<16xi32> -> vector<16xf32>
            %parallel_loop3A_1603 = arith.constant 16 : i32
            %parallel_loop3A_1604 = vector.broadcast %parallel_loop3A_1603 : i32 to vector<16xi32>
            %parallel_loop3A_1605 = arith.shli %parallel_loop3A_1594, %parallel_loop3A_1604 : vector<16xi32>
            %parallel_loop3A_1606 = tpu.bitcast %parallel_loop3A_1605 : vector<16xi32> -> vector<16xf32>
            %parallel_loop3A_1607 = arith.constant -65536 : i32
            %parallel_loop3A_1608 = vector.broadcast %parallel_loop3A_1607 : i32 to vector<16xi32>
            %parallel_loop3A_1609 = arith.andi %parallel_loop3A_1594, %parallel_loop3A_1608 : vector<16xi32>
            %parallel_loop3A_1610 = tpu.bitcast %parallel_loop3A_1609 : vector<16xi32> -> vector<16xf32>
            %parallel_loop3A_1611 = arith.addf %parallel_loop3A_1598, %parallel_loop3A_1606 : vector<16xf32>
            %parallel_loop3A_1612 = vector.broadcast %parallel_loop3A_1402 : f32 to vector<16xf32>
            %parallel_loop3A_1613 = arith.mulf %parallel_loop3A_1612, %parallel_loop3A_223 : vector<16xf32>
            %parallel_loop3A_1614 = arith.addf %parallel_loop3A_1611, %parallel_loop3A_1613 : vector<16xf32>
            %parallel_loop3A_1615 = vector.broadcast %parallel_loop3A_1404 : f32 to vector<16xf32>
            %parallel_loop3A_1616 = arith.mulf %parallel_loop3A_1615, %parallel_loop3A_263 : vector<16xf32>
            %parallel_loop3A_1617 = arith.addf %parallel_loop3A_1614, %parallel_loop3A_1616 : vector<16xf32>
            %parallel_loop3A_1618 = vector.broadcast %parallel_loop3A_1406 : f32 to vector<16xf32>
            %parallel_loop3A_1619 = arith.mulf %parallel_loop3A_1618, %parallel_loop3A_303 : vector<16xf32>
            %parallel_loop3A_1620 = arith.addf %parallel_loop3A_1617, %parallel_loop3A_1619 : vector<16xf32>
            %parallel_loop3A_1621 = arith.addf %parallel_loop3A_1602, %parallel_loop3A_1610 : vector<16xf32>
            %parallel_loop3A_1622 = vector.broadcast %parallel_loop3A_1402 : f32 to vector<16xf32>
            %parallel_loop3A_1623 = arith.mulf %parallel_loop3A_1622, %parallel_loop3A_228 : vector<16xf32>
            %parallel_loop3A_1624 = arith.addf %parallel_loop3A_1621, %parallel_loop3A_1623 : vector<16xf32>
            %parallel_loop3A_1625 = vector.broadcast %parallel_loop3A_1404 : f32 to vector<16xf32>
            %parallel_loop3A_1626 = arith.mulf %parallel_loop3A_1625, %parallel_loop3A_268 : vector<16xf32>
            %parallel_loop3A_1627 = arith.addf %parallel_loop3A_1624, %parallel_loop3A_1626 : vector<16xf32>
            %parallel_loop3A_1628 = vector.broadcast %parallel_loop3A_1406 : f32 to vector<16xf32>
            %parallel_loop3A_1629 = arith.mulf %parallel_loop3A_1628, %parallel_loop3A_308 : vector<16xf32>
            %parallel_loop3A_1630 = arith.addf %parallel_loop3A_1627, %parallel_loop3A_1629 : vector<16xf32>
            %parallel_loop3A_1631 = arith.constant 0.000000e+00 : f32
            %parallel_loop3A_1632 = vector.broadcast %parallel_loop3A_1631 : f32 to vector<16xf32>
            %parallel_loop3A_1633 = arith.maximumf %parallel_loop3A_1620, %parallel_loop3A_1632 : vector<16xf32>
            %parallel_loop3A_1634 = arith.index_cast %parallel_loop3A_1400 : i32 to index
            %parallel_loop3A_1635 = arith.constant 96 : index
            %parallel_loop3A_1636 = tpu.vector_load %arg16[%parallel_loop3A_1634, %parallel_loop3A_1635] {strides = array<i32>} : memref<64x128xf32, #tpu.memory_space<vmem>>, vector<1x16xf32>,
            %parallel_loop3A_1637 = vector.shape_cast %parallel_loop3A_1636 : vector<1x16xf32> to vector<16xf32>
            %parallel_loop3A_1638 = vector.shape_cast %parallel_loop3A_1633 : vector<16xf32> to vector<1x16xf32>
            tpu.vector_store %arg16[%parallel_loop3A_1634, %parallel_loop3A_1635], %parallel_loop3A_1638 {strides = array<i32>} : memref<64x128xf32, #tpu.memory_space<vmem>>, vector<1x16xf32>,
            %parallel_loop3A_1639 = arith.constant 0.000000e+00 : f32
            %parallel_loop3A_1640 = vector.broadcast %parallel_loop3A_1639 : f32 to vector<16xf32>
            %parallel_loop3A_1641 = arith.maximumf %parallel_loop3A_1630, %parallel_loop3A_1640 : vector<16xf32>
            %parallel_loop3A_1642 = arith.index_cast %parallel_loop3A_1400 : i32 to index
            %parallel_loop3A_1643 = arith.constant 112 : index
            %parallel_loop3A_1644 = tpu.vector_load %arg16[%parallel_loop3A_1642, %parallel_loop3A_1643] {strides = array<i32>} : memref<64x128xf32, #tpu.memory_space<vmem>>, vector<1x16xf32>,
            %parallel_loop3A_1645 = vector.shape_cast %parallel_loop3A_1644 : vector<1x16xf32> to vector<16xf32>
            %parallel_loop3A_1646 = vector.shape_cast %parallel_loop3A_1641 : vector<16xf32> to vector<1x16xf32>
            tpu.vector_store %arg16[%parallel_loop3A_1642, %parallel_loop3A_1643], %parallel_loop3A_1646 {strides = array<i32>} : memref<64x128xf32, #tpu.memory_space<vmem>>, vector<1x16xf32>,
            %parallel_loop3A_1647 = arith.constant 64 : i32
            %parallel_loop3A_1648 = arith.muli %select_n3A_131, %parallel_loop3A_1647 : i32
            %parallel_loop3A_1649 = arith.constant 32 : i32
            %parallel_loop3A_1650 = arith.muli %scan3A_165, %parallel_loop3A_1649 : i32
            %parallel_loop3A_1651 = arith.addi %parallel_loop3A_1648, %parallel_loop3A_1650 : i32
            %parallel_loop3A_1652 = arith.constant 16 : i32
            %parallel_loop3A_1653 = arith.muli %parallel_loop3A_188, %parallel_loop3A_1652 : i32
            %parallel_loop3A_1654 = arith.addi %parallel_loop3A_1651, %parallel_loop3A_1653 : i32
            %parallel_loop3A_1655 = arith.constant 5 : i32
            %parallel_loop3A_1656 = arith.addi %parallel_loop3A_1654, %parallel_loop3A_1655 : i32
            %parallel_loop3A_1657 = arith.constant 32 : i32
            %parallel_loop3A_1658 = arith.muli %scan3A_165, %parallel_loop3A_1657 : i32
            %parallel_loop3A_1659 = arith.constant 16 : i32
            %parallel_loop3A_1660 = arith.muli %parallel_loop3A_188, %parallel_loop3A_1659 : i32
            %parallel_loop3A_1661 = arith.addi %parallel_loop3A_1658, %parallel_loop3A_1660 : i32
            %parallel_loop3A_1662 = arith.constant 5 : i32
            %parallel_loop3A_1663 = arith.addi %parallel_loop3A_1661, %parallel_loop3A_1662 : i32
            %parallel_loop3A_1664 = vector.extract_strided_slice %parallel_loop3A_321 {offsets = [5], sizes = [1], strides = [1]} : vector<16xf32> to vector<1xf32>
            %parallel_loop3A_1665 = vector.extract %parallel_loop3A_1664[0] : f32 from vector<1xf32>
            %parallel_loop3A_1666 = vector.extract_strided_slice %parallel_loop3A_326 {offsets = [5], sizes = [1], strides = [1]} : vector<16xf32> to vector<1xf32>
            %parallel_loop3A_1667 = vector.extract %parallel_loop3A_1666[0] : f32 from vector<1xf32>
            %parallel_loop3A_1668 = vector.extract_strided_slice %parallel_loop3A_331 {offsets = [5], sizes = [1], strides = [1]} : vector<16xf32> to vector<1xf32>
            %parallel_loop3A_1669 = vector.extract %parallel_loop3A_1668[0] : f32 from vector<1xf32>
            %parallel_loop3A_1670 = arith.index_cast %parallel_loop3A_1656 : i32 to index
            %parallel_loop3A_1671 = arith.constant 0 : index
            %parallel_loop3A_1672 = tpu.vector_load %arg14[%parallel_loop3A_1670, %parallel_loop3A_1671] {strides = array<i32>} : memref<128x64xi32, #tpu.memory_space<vmem>>, vector<1x16xi32>,
            %parallel_loop3A_1673 = vector.shape_cast %parallel_loop3A_1672 : vector<1x16xi32> to vector<16xi32>
            %parallel_loop3A_1674 = arith.index_cast %parallel_loop3A_1656 : i32 to index
            %parallel_loop3A_1675 = arith.constant 0 : index
            %parallel_loop3A_1676 = tpu.vector_load %arg15[%parallel_loop3A_1674, %parallel_loop3A_1675] {strides = array<i32>} : memref<128x64xi32, #tpu.memory_space<vmem>>, vector<1x16xi32>,
            %parallel_loop3A_1677 = vector.shape_cast %parallel_loop3A_1676 : vector<1x16xi32> to vector<16xi32>
            %parallel_loop3A_1678 = arith.constant 16 : i32
            %parallel_loop3A_1679 = vector.broadcast %parallel_loop3A_1678 : i32 to vector<16xi32>
            %parallel_loop3A_1680 = arith.shli %parallel_loop3A_1673, %parallel_loop3A_1679 : vector<16xi32>
            %parallel_loop3A_1681 = tpu.bitcast %parallel_loop3A_1680 : vector<16xi32> -> vector<16xf32>
            %parallel_loop3A_1682 = arith.constant -65536 : i32
            %parallel_loop3A_1683 = vector.broadcast %parallel_loop3A_1682 : i32 to vector<16xi32>
            %parallel_loop3A_1684 = arith.andi %parallel_loop3A_1673, %parallel_loop3A_1683 : vector<16xi32>
            %parallel_loop3A_1685 = tpu.bitcast %parallel_loop3A_1684 : vector<16xi32> -> vector<16xf32>
            %parallel_loop3A_1686 = arith.constant 16 : i32
            %parallel_loop3A_1687 = vector.broadcast %parallel_loop3A_1686 : i32 to vector<16xi32>
            %parallel_loop3A_1688 = arith.shli %parallel_loop3A_1677, %parallel_loop3A_1687 : vector<16xi32>
            %parallel_loop3A_1689 = tpu.bitcast %parallel_loop3A_1688 : vector<16xi32> -> vector<16xf32>
            %parallel_loop3A_1690 = arith.constant -65536 : i32
            %parallel_loop3A_1691 = vector.broadcast %parallel_loop3A_1690 : i32 to vector<16xi32>
            %parallel_loop3A_1692 = arith.andi %parallel_loop3A_1677, %parallel_loop3A_1691 : vector<16xi32>
            %parallel_loop3A_1693 = tpu.bitcast %parallel_loop3A_1692 : vector<16xi32> -> vector<16xf32>
            %parallel_loop3A_1694 = arith.addf %parallel_loop3A_1681, %parallel_loop3A_1689 : vector<16xf32>
            %parallel_loop3A_1695 = vector.broadcast %parallel_loop3A_1665 : f32 to vector<16xf32>
            %parallel_loop3A_1696 = arith.mulf %parallel_loop3A_1695, %parallel_loop3A_193 : vector<16xf32>
            %parallel_loop3A_1697 = arith.addf %parallel_loop3A_1694, %parallel_loop3A_1696 : vector<16xf32>
            %parallel_loop3A_1698 = vector.broadcast %parallel_loop3A_1667 : f32 to vector<16xf32>
            %parallel_loop3A_1699 = arith.mulf %parallel_loop3A_1698, %parallel_loop3A_233 : vector<16xf32>
            %parallel_loop3A_1700 = arith.addf %parallel_loop3A_1697, %parallel_loop3A_1699 : vector<16xf32>
            %parallel_loop3A_1701 = vector.broadcast %parallel_loop3A_1669 : f32 to vector<16xf32>
            %parallel_loop3A_1702 = arith.mulf %parallel_loop3A_1701, %parallel_loop3A_273 : vector<16xf32>
            %parallel_loop3A_1703 = arith.addf %parallel_loop3A_1700, %parallel_loop3A_1702 : vector<16xf32>
            %parallel_loop3A_1704 = arith.addf %parallel_loop3A_1685, %parallel_loop3A_1693 : vector<16xf32>
            %parallel_loop3A_1705 = vector.broadcast %parallel_loop3A_1665 : f32 to vector<16xf32>
            %parallel_loop3A_1706 = arith.mulf %parallel_loop3A_1705, %parallel_loop3A_198 : vector<16xf32>
            %parallel_loop3A_1707 = arith.addf %parallel_loop3A_1704, %parallel_loop3A_1706 : vector<16xf32>
            %parallel_loop3A_1708 = vector.broadcast %parallel_loop3A_1667 : f32 to vector<16xf32>
            %parallel_loop3A_1709 = arith.mulf %parallel_loop3A_1708, %parallel_loop3A_238 : vector<16xf32>
            %parallel_loop3A_1710 = arith.addf %parallel_loop3A_1707, %parallel_loop3A_1709 : vector<16xf32>
            %parallel_loop3A_1711 = vector.broadcast %parallel_loop3A_1669 : f32 to vector<16xf32>
            %parallel_loop3A_1712 = arith.mulf %parallel_loop3A_1711, %parallel_loop3A_278 : vector<16xf32>
            %parallel_loop3A_1713 = arith.addf %parallel_loop3A_1710, %parallel_loop3A_1712 : vector<16xf32>
            %parallel_loop3A_1714 = arith.constant 0.000000e+00 : f32
            %parallel_loop3A_1715 = vector.broadcast %parallel_loop3A_1714 : f32 to vector<16xf32>
            %parallel_loop3A_1716 = arith.maximumf %parallel_loop3A_1703, %parallel_loop3A_1715 : vector<16xf32>
            %parallel_loop3A_1717 = arith.index_cast %parallel_loop3A_1663 : i32 to index
            %parallel_loop3A_1718 = arith.constant 0 : index
            %parallel_loop3A_1719 = tpu.vector_load %arg16[%parallel_loop3A_1717, %parallel_loop3A_1718] {strides = array<i32>} : memref<64x128xf32, #tpu.memory_space<vmem>>, vector<1x16xf32>,
            %parallel_loop3A_1720 = vector.shape_cast %parallel_loop3A_1719 : vector<1x16xf32> to vector<16xf32>
            %parallel_loop3A_1721 = vector.shape_cast %parallel_loop3A_1716 : vector<16xf32> to vector<1x16xf32>
            tpu.vector_store %arg16[%parallel_loop3A_1717, %parallel_loop3A_1718], %parallel_loop3A_1721 {strides = array<i32>} : memref<64x128xf32, #tpu.memory_space<vmem>>, vector<1x16xf32>,
            %parallel_loop3A_1722 = arith.constant 0.000000e+00 : f32
            %parallel_loop3A_1723 = vector.broadcast %parallel_loop3A_1722 : f32 to vector<16xf32>
            %parallel_loop3A_1724 = arith.maximumf %parallel_loop3A_1713, %parallel_loop3A_1723 : vector<16xf32>
            %parallel_loop3A_1725 = arith.index_cast %parallel_loop3A_1663 : i32 to index
            %parallel_loop3A_1726 = arith.constant 16 : index
            %parallel_loop3A_1727 = tpu.vector_load %arg16[%parallel_loop3A_1725, %parallel_loop3A_1726] {strides = array<i32>} : memref<64x128xf32, #tpu.memory_space<vmem>>, vector<1x16xf32>,
            %parallel_loop3A_1728 = vector.shape_cast %parallel_loop3A_1727 : vector<1x16xf32> to vector<16xf32>
            %parallel_loop3A_1729 = vector.shape_cast %parallel_loop3A_1724 : vector<16xf32> to vector<1x16xf32>
            tpu.vector_store %arg16[%parallel_loop3A_1725, %parallel_loop3A_1726], %parallel_loop3A_1729 {strides = array<i32>} : memref<64x128xf32, #tpu.memory_space<vmem>>, vector<1x16xf32>,
            %parallel_loop3A_1730 = arith.index_cast %parallel_loop3A_1656 : i32 to index
            %parallel_loop3A_1731 = arith.constant 16 : index
            %parallel_loop3A_1732 = tpu.vector_load %arg14[%parallel_loop3A_1730, %parallel_loop3A_1731] {strides = array<i32>} : memref<128x64xi32, #tpu.memory_space<vmem>>, vector<1x16xi32>,
            %parallel_loop3A_1733 = vector.shape_cast %parallel_loop3A_1732 : vector<1x16xi32> to vector<16xi32>
            %parallel_loop3A_1734 = arith.index_cast %parallel_loop3A_1656 : i32 to index
            %parallel_loop3A_1735 = arith.constant 16 : index
            %parallel_loop3A_1736 = tpu.vector_load %arg15[%parallel_loop3A_1734, %parallel_loop3A_1735] {strides = array<i32>} : memref<128x64xi32, #tpu.memory_space<vmem>>, vector<1x16xi32>,
            %parallel_loop3A_1737 = vector.shape_cast %parallel_loop3A_1736 : vector<1x16xi32> to vector<16xi32>
            %parallel_loop3A_1738 = arith.constant 16 : i32
            %parallel_loop3A_1739 = vector.broadcast %parallel_loop3A_1738 : i32 to vector<16xi32>
            %parallel_loop3A_1740 = arith.shli %parallel_loop3A_1733, %parallel_loop3A_1739 : vector<16xi32>
            %parallel_loop3A_1741 = tpu.bitcast %parallel_loop3A_1740 : vector<16xi32> -> vector<16xf32>
            %parallel_loop3A_1742 = arith.constant -65536 : i32
            %parallel_loop3A_1743 = vector.broadcast %parallel_loop3A_1742 : i32 to vector<16xi32>
            %parallel_loop3A_1744 = arith.andi %parallel_loop3A_1733, %parallel_loop3A_1743 : vector<16xi32>
            %parallel_loop3A_1745 = tpu.bitcast %parallel_loop3A_1744 : vector<16xi32> -> vector<16xf32>
            %parallel_loop3A_1746 = arith.constant 16 : i32
            %parallel_loop3A_1747 = vector.broadcast %parallel_loop3A_1746 : i32 to vector<16xi32>
            %parallel_loop3A_1748 = arith.shli %parallel_loop3A_1737, %parallel_loop3A_1747 : vector<16xi32>
            %parallel_loop3A_1749 = tpu.bitcast %parallel_loop3A_1748 : vector<16xi32> -> vector<16xf32>
            %parallel_loop3A_1750 = arith.constant -65536 : i32
            %parallel_loop3A_1751 = vector.broadcast %parallel_loop3A_1750 : i32 to vector<16xi32>
            %parallel_loop3A_1752 = arith.andi %parallel_loop3A_1737, %parallel_loop3A_1751 : vector<16xi32>
            %parallel_loop3A_1753 = tpu.bitcast %parallel_loop3A_1752 : vector<16xi32> -> vector<16xf32>
            %parallel_loop3A_1754 = arith.addf %parallel_loop3A_1741, %parallel_loop3A_1749 : vector<16xf32>
            %parallel_loop3A_1755 = vector.broadcast %parallel_loop3A_1665 : f32 to vector<16xf32>
            %parallel_loop3A_1756 = arith.mulf %parallel_loop3A_1755, %parallel_loop3A_203 : vector<16xf32>
            %parallel_loop3A_1757 = arith.addf %parallel_loop3A_1754, %parallel_loop3A_1756 : vector<16xf32>
            %parallel_loop3A_1758 = vector.broadcast %parallel_loop3A_1667 : f32 to vector<16xf32>
            %parallel_loop3A_1759 = arith.mulf %parallel_loop3A_1758, %parallel_loop3A_243 : vector<16xf32>
            %parallel_loop3A_1760 = arith.addf %parallel_loop3A_1757, %parallel_loop3A_1759 : vector<16xf32>
            %parallel_loop3A_1761 = vector.broadcast %parallel_loop3A_1669 : f32 to vector<16xf32>
            %parallel_loop3A_1762 = arith.mulf %parallel_loop3A_1761, %parallel_loop3A_283 : vector<16xf32>
            %parallel_loop3A_1763 = arith.addf %parallel_loop3A_1760, %parallel_loop3A_1762 : vector<16xf32>
            %parallel_loop3A_1764 = arith.addf %parallel_loop3A_1745, %parallel_loop3A_1753 : vector<16xf32>
            %parallel_loop3A_1765 = vector.broadcast %parallel_loop3A_1665 : f32 to vector<16xf32>
            %parallel_loop3A_1766 = arith.mulf %parallel_loop3A_1765, %parallel_loop3A_208 : vector<16xf32>
            %parallel_loop3A_1767 = arith.addf %parallel_loop3A_1764, %parallel_loop3A_1766 : vector<16xf32>
            %parallel_loop3A_1768 = vector.broadcast %parallel_loop3A_1667 : f32 to vector<16xf32>
            %parallel_loop3A_1769 = arith.mulf %parallel_loop3A_1768, %parallel_loop3A_248 : vector<16xf32>
            %parallel_loop3A_1770 = arith.addf %parallel_loop3A_1767, %parallel_loop3A_1769 : vector<16xf32>
            %parallel_loop3A_1771 = vector.broadcast %parallel_loop3A_1669 : f32 to vector<16xf32>
            %parallel_loop3A_1772 = arith.mulf %parallel_loop3A_1771, %parallel_loop3A_288 : vector<16xf32>
            %parallel_loop3A_1773 = arith.addf %parallel_loop3A_1770, %parallel_loop3A_1772 : vector<16xf32>
            %parallel_loop3A_1774 = arith.constant 0.000000e+00 : f32
            %parallel_loop3A_1775 = vector.broadcast %parallel_loop3A_1774 : f32 to vector<16xf32>
            %parallel_loop3A_1776 = arith.maximumf %parallel_loop3A_1763, %parallel_loop3A_1775 : vector<16xf32>
            %parallel_loop3A_1777 = arith.index_cast %parallel_loop3A_1663 : i32 to index
            %parallel_loop3A_1778 = arith.constant 32 : index
            %parallel_loop3A_1779 = tpu.vector_load %arg16[%parallel_loop3A_1777, %parallel_loop3A_1778] {strides = array<i32>} : memref<64x128xf32, #tpu.memory_space<vmem>>, vector<1x16xf32>,
            %parallel_loop3A_1780 = vector.shape_cast %parallel_loop3A_1779 : vector<1x16xf32> to vector<16xf32>
            %parallel_loop3A_1781 = vector.shape_cast %parallel_loop3A_1776 : vector<16xf32> to vector<1x16xf32>
            tpu.vector_store %arg16[%parallel_loop3A_1777, %parallel_loop3A_1778], %parallel_loop3A_1781 {strides = array<i32>} : memref<64x128xf32, #tpu.memory_space<vmem>>, vector<1x16xf32>,
            %parallel_loop3A_1782 = arith.constant 0.000000e+00 : f32
            %parallel_loop3A_1783 = vector.broadcast %parallel_loop3A_1782 : f32 to vector<16xf32>
            %parallel_loop3A_1784 = arith.maximumf %parallel_loop3A_1773, %parallel_loop3A_1783 : vector<16xf32>
            %parallel_loop3A_1785 = arith.index_cast %parallel_loop3A_1663 : i32 to index
            %parallel_loop3A_1786 = arith.constant 48 : index
            %parallel_loop3A_1787 = tpu.vector_load %arg16[%parallel_loop3A_1785, %parallel_loop3A_1786] {strides = array<i32>} : memref<64x128xf32, #tpu.memory_space<vmem>>, vector<1x16xf32>,
            %parallel_loop3A_1788 = vector.shape_cast %parallel_loop3A_1787 : vector<1x16xf32> to vector<16xf32>
            %parallel_loop3A_1789 = vector.shape_cast %parallel_loop3A_1784 : vector<16xf32> to vector<1x16xf32>
            tpu.vector_store %arg16[%parallel_loop3A_1785, %parallel_loop3A_1786], %parallel_loop3A_1789 {strides = array<i32>} : memref<64x128xf32, #tpu.memory_space<vmem>>, vector<1x16xf32>,
            %parallel_loop3A_1790 = arith.index_cast %parallel_loop3A_1656 : i32 to index
            %parallel_loop3A_1791 = arith.constant 32 : index
            %parallel_loop3A_1792 = tpu.vector_load %arg14[%parallel_loop3A_1790, %parallel_loop3A_1791] {strides = array<i32>} : memref<128x64xi32, #tpu.memory_space<vmem>>, vector<1x16xi32>,
            %parallel_loop3A_1793 = vector.shape_cast %parallel_loop3A_1792 : vector<1x16xi32> to vector<16xi32>
            %parallel_loop3A_1794 = arith.index_cast %parallel_loop3A_1656 : i32 to index
            %parallel_loop3A_1795 = arith.constant 32 : index
            %parallel_loop3A_1796 = tpu.vector_load %arg15[%parallel_loop3A_1794, %parallel_loop3A_1795] {strides = array<i32>} : memref<128x64xi32, #tpu.memory_space<vmem>>, vector<1x16xi32>,
            %parallel_loop3A_1797 = vector.shape_cast %parallel_loop3A_1796 : vector<1x16xi32> to vector<16xi32>
            %parallel_loop3A_1798 = arith.constant 16 : i32
            %parallel_loop3A_1799 = vector.broadcast %parallel_loop3A_1798 : i32 to vector<16xi32>
            %parallel_loop3A_1800 = arith.shli %parallel_loop3A_1793, %parallel_loop3A_1799 : vector<16xi32>
            %parallel_loop3A_1801 = tpu.bitcast %parallel_loop3A_1800 : vector<16xi32> -> vector<16xf32>
            %parallel_loop3A_1802 = arith.constant -65536 : i32
            %parallel_loop3A_1803 = vector.broadcast %parallel_loop3A_1802 : i32 to vector<16xi32>
            %parallel_loop3A_1804 = arith.andi %parallel_loop3A_1793, %parallel_loop3A_1803 : vector<16xi32>
            %parallel_loop3A_1805 = tpu.bitcast %parallel_loop3A_1804 : vector<16xi32> -> vector<16xf32>
            %parallel_loop3A_1806 = arith.constant 16 : i32
            %parallel_loop3A_1807 = vector.broadcast %parallel_loop3A_1806 : i32 to vector<16xi32>
            %parallel_loop3A_1808 = arith.shli %parallel_loop3A_1797, %parallel_loop3A_1807 : vector<16xi32>
            %parallel_loop3A_1809 = tpu.bitcast %parallel_loop3A_1808 : vector<16xi32> -> vector<16xf32>
            %parallel_loop3A_1810 = arith.constant -65536 : i32
            %parallel_loop3A_1811 = vector.broadcast %parallel_loop3A_1810 : i32 to vector<16xi32>
            %parallel_loop3A_1812 = arith.andi %parallel_loop3A_1797, %parallel_loop3A_1811 : vector<16xi32>
            %parallel_loop3A_1813 = tpu.bitcast %parallel_loop3A_1812 : vector<16xi32> -> vector<16xf32>
            %parallel_loop3A_1814 = arith.addf %parallel_loop3A_1801, %parallel_loop3A_1809 : vector<16xf32>
            %parallel_loop3A_1815 = vector.broadcast %parallel_loop3A_1665 : f32 to vector<16xf32>
            %parallel_loop3A_1816 = arith.mulf %parallel_loop3A_1815, %parallel_loop3A_213 : vector<16xf32>
            %parallel_loop3A_1817 = arith.addf %parallel_loop3A_1814, %parallel_loop3A_1816 : vector<16xf32>
            %parallel_loop3A_1818 = vector.broadcast %parallel_loop3A_1667 : f32 to vector<16xf32>
            %parallel_loop3A_1819 = arith.mulf %parallel_loop3A_1818, %parallel_loop3A_253 : vector<16xf32>
            %parallel_loop3A_1820 = arith.addf %parallel_loop3A_1817, %parallel_loop3A_1819 : vector<16xf32>
            %parallel_loop3A_1821 = vector.broadcast %parallel_loop3A_1669 : f32 to vector<16xf32>
            %parallel_loop3A_1822 = arith.mulf %parallel_loop3A_1821, %parallel_loop3A_293 : vector<16xf32>
            %parallel_loop3A_1823 = arith.addf %parallel_loop3A_1820, %parallel_loop3A_1822 : vector<16xf32>
            %parallel_loop3A_1824 = arith.addf %parallel_loop3A_1805, %parallel_loop3A_1813 : vector<16xf32>
            %parallel_loop3A_1825 = vector.broadcast %parallel_loop3A_1665 : f32 to vector<16xf32>
            %parallel_loop3A_1826 = arith.mulf %parallel_loop3A_1825, %parallel_loop3A_218 : vector<16xf32>
            %parallel_loop3A_1827 = arith.addf %parallel_loop3A_1824, %parallel_loop3A_1826 : vector<16xf32>
            %parallel_loop3A_1828 = vector.broadcast %parallel_loop3A_1667 : f32 to vector<16xf32>
            %parallel_loop3A_1829 = arith.mulf %parallel_loop3A_1828, %parallel_loop3A_258 : vector<16xf32>
            %parallel_loop3A_1830 = arith.addf %parallel_loop3A_1827, %parallel_loop3A_1829 : vector<16xf32>
            %parallel_loop3A_1831 = vector.broadcast %parallel_loop3A_1669 : f32 to vector<16xf32>
            %parallel_loop3A_1832 = arith.mulf %parallel_loop3A_1831, %parallel_loop3A_298 : vector<16xf32>
            %parallel_loop3A_1833 = arith.addf %parallel_loop3A_1830, %parallel_loop3A_1832 : vector<16xf32>
            %parallel_loop3A_1834 = arith.constant 0.000000e+00 : f32
            %parallel_loop3A_1835 = vector.broadcast %parallel_loop3A_1834 : f32 to vector<16xf32>
            %parallel_loop3A_1836 = arith.maximumf %parallel_loop3A_1823, %parallel_loop3A_1835 : vector<16xf32>
            %parallel_loop3A_1837 = arith.index_cast %parallel_loop3A_1663 : i32 to index
            %parallel_loop3A_1838 = arith.constant 64 : index
            %parallel_loop3A_1839 = tpu.vector_load %arg16[%parallel_loop3A_1837, %parallel_loop3A_1838] {strides = array<i32>} : memref<64x128xf32, #tpu.memory_space<vmem>>, vector<1x16xf32>,
            %parallel_loop3A_1840 = vector.shape_cast %parallel_loop3A_1839 : vector<1x16xf32> to vector<16xf32>
            %parallel_loop3A_1841 = vector.shape_cast %parallel_loop3A_1836 : vector<16xf32> to vector<1x16xf32>
            tpu.vector_store %arg16[%parallel_loop3A_1837, %parallel_loop3A_1838], %parallel_loop3A_1841 {strides = array<i32>} : memref<64x128xf32, #tpu.memory_space<vmem>>, vector<1x16xf32>,
            %parallel_loop3A_1842 = arith.constant 0.000000e+00 : f32
            %parallel_loop3A_1843 = vector.broadcast %parallel_loop3A_1842 : f32 to vector<16xf32>
            %parallel_loop3A_1844 = arith.maximumf %parallel_loop3A_1833, %parallel_loop3A_1843 : vector<16xf32>
            %parallel_loop3A_1845 = arith.index_cast %parallel_loop3A_1663 : i32 to index
            %parallel_loop3A_1846 = arith.constant 80 : index
            %parallel_loop3A_1847 = tpu.vector_load %arg16[%parallel_loop3A_1845, %parallel_loop3A_1846] {strides = array<i32>} : memref<64x128xf32, #tpu.memory_space<vmem>>, vector<1x16xf32>,
            %parallel_loop3A_1848 = vector.shape_cast %parallel_loop3A_1847 : vector<1x16xf32> to vector<16xf32>
            %parallel_loop3A_1849 = vector.shape_cast %parallel_loop3A_1844 : vector<16xf32> to vector<1x16xf32>
            tpu.vector_store %arg16[%parallel_loop3A_1845, %parallel_loop3A_1846], %parallel_loop3A_1849 {strides = array<i32>} : memref<64x128xf32, #tpu.memory_space<vmem>>, vector<1x16xf32>,
            %parallel_loop3A_1850 = arith.index_cast %parallel_loop3A_1656 : i32 to index
            %parallel_loop3A_1851 = arith.constant 48 : index
            %parallel_loop3A_1852 = tpu.vector_load %arg14[%parallel_loop3A_1850, %parallel_loop3A_1851] {strides = array<i32>} : memref<128x64xi32, #tpu.memory_space<vmem>>, vector<1x16xi32>,
            %parallel_loop3A_1853 = vector.shape_cast %parallel_loop3A_1852 : vector<1x16xi32> to vector<16xi32>
            %parallel_loop3A_1854 = arith.index_cast %parallel_loop3A_1656 : i32 to index
            %parallel_loop3A_1855 = arith.constant 48 : index
            %parallel_loop3A_1856 = tpu.vector_load %arg15[%parallel_loop3A_1854, %parallel_loop3A_1855] {strides = array<i32>} : memref<128x64xi32, #tpu.memory_space<vmem>>, vector<1x16xi32>,
            %parallel_loop3A_1857 = vector.shape_cast %parallel_loop3A_1856 : vector<1x16xi32> to vector<16xi32>
            %parallel_loop3A_1858 = arith.constant 16 : i32
            %parallel_loop3A_1859 = vector.broadcast %parallel_loop3A_1858 : i32 to vector<16xi32>
            %parallel_loop3A_1860 = arith.shli %parallel_loop3A_1853, %parallel_loop3A_1859 : vector<16xi32>
            %parallel_loop3A_1861 = tpu.bitcast %parallel_loop3A_1860 : vector<16xi32> -> vector<16xf32>
            %parallel_loop3A_1862 = arith.constant -65536 : i32
            %parallel_loop3A_1863 = vector.broadcast %parallel_loop3A_1862 : i32 to vector<16xi32>
            %parallel_loop3A_1864 = arith.andi %parallel_loop3A_1853, %parallel_loop3A_1863 : vector<16xi32>
            %parallel_loop3A_1865 = tpu.bitcast %parallel_loop3A_1864 : vector<16xi32> -> vector<16xf32>
            %parallel_loop3A_1866 = arith.constant 16 : i32
            %parallel_loop3A_1867 = vector.broadcast %parallel_loop3A_1866 : i32 to vector<16xi32>
            %parallel_loop3A_1868 = arith.shli %parallel_loop3A_1857, %parallel_loop3A_1867 : vector<16xi32>
            %parallel_loop3A_1869 = tpu.bitcast %parallel_loop3A_1868 : vector<16xi32> -> vector<16xf32>
            %parallel_loop3A_1870 = arith.constant -65536 : i32
            %parallel_loop3A_1871 = vector.broadcast %parallel_loop3A_1870 : i32 to vector<16xi32>
            %parallel_loop3A_1872 = arith.andi %parallel_loop3A_1857, %parallel_loop3A_1871 : vector<16xi32>
            %parallel_loop3A_1873 = tpu.bitcast %parallel_loop3A_1872 : vector<16xi32> -> vector<16xf32>
            %parallel_loop3A_1874 = arith.addf %parallel_loop3A_1861, %parallel_loop3A_1869 : vector<16xf32>
            %parallel_loop3A_1875 = vector.broadcast %parallel_loop3A_1665 : f32 to vector<16xf32>
            %parallel_loop3A_1876 = arith.mulf %parallel_loop3A_1875, %parallel_loop3A_223 : vector<16xf32>
            %parallel_loop3A_1877 = arith.addf %parallel_loop3A_1874, %parallel_loop3A_1876 : vector<16xf32>
            %parallel_loop3A_1878 = vector.broadcast %parallel_loop3A_1667 : f32 to vector<16xf32>
            %parallel_loop3A_1879 = arith.mulf %parallel_loop3A_1878, %parallel_loop3A_263 : vector<16xf32>
            %parallel_loop3A_1880 = arith.addf %parallel_loop3A_1877, %parallel_loop3A_1879 : vector<16xf32>
            %parallel_loop3A_1881 = vector.broadcast %parallel_loop3A_1669 : f32 to vector<16xf32>
            %parallel_loop3A_1882 = arith.mulf %parallel_loop3A_1881, %parallel_loop3A_303 : vector<16xf32>
            %parallel_loop3A_1883 = arith.addf %parallel_loop3A_1880, %parallel_loop3A_1882 : vector<16xf32>
            %parallel_loop3A_1884 = arith.addf %parallel_loop3A_1865, %parallel_loop3A_1873 : vector<16xf32>
            %parallel_loop3A_1885 = vector.broadcast %parallel_loop3A_1665 : f32 to vector<16xf32>
            %parallel_loop3A_1886 = arith.mulf %parallel_loop3A_1885, %parallel_loop3A_228 : vector<16xf32>
            %parallel_loop3A_1887 = arith.addf %parallel_loop3A_1884, %parallel_loop3A_1886 : vector<16xf32>
            %parallel_loop3A_1888 = vector.broadcast %parallel_loop3A_1667 : f32 to vector<16xf32>
            %parallel_loop3A_1889 = arith.mulf %parallel_loop3A_1888, %parallel_loop3A_268 : vector<16xf32>
            %parallel_loop3A_1890 = arith.addf %parallel_loop3A_1887, %parallel_loop3A_1889 : vector<16xf32>
            %parallel_loop3A_1891 = vector.broadcast %parallel_loop3A_1669 : f32 to vector<16xf32>
            %parallel_loop3A_1892 = arith.mulf %parallel_loop3A_1891, %parallel_loop3A_308 : vector<16xf32>
            %parallel_loop3A_1893 = arith.addf %parallel_loop3A_1890, %parallel_loop3A_1892 : vector<16xf32>
            %parallel_loop3A_1894 = arith.constant 0.000000e+00 : f32
            %parallel_loop3A_1895 = vector.broadcast %parallel_loop3A_1894 : f32 to vector<16xf32>
            %parallel_loop3A_1896 = arith.maximumf %parallel_loop3A_1883, %parallel_loop3A_1895 : vector<16xf32>
            %parallel_loop3A_1897 = arith.index_cast %parallel_loop3A_1663 : i32 to index
            %parallel_loop3A_1898 = arith.constant 96 : index
            %parallel_loop3A_1899 = tpu.vector_load %arg16[%parallel_loop3A_1897, %parallel_loop3A_1898] {strides = array<i32>} : memref<64x128xf32, #tpu.memory_space<vmem>>, vector<1x16xf32>,
            %parallel_loop3A_1900 = vector.shape_cast %parallel_loop3A_1899 : vector<1x16xf32> to vector<16xf32>
            %parallel_loop3A_1901 = vector.shape_cast %parallel_loop3A_1896 : vector<16xf32> to vector<1x16xf32>
            tpu.vector_store %arg16[%parallel_loop3A_1897, %parallel_loop3A_1898], %parallel_loop3A_1901 {strides = array<i32>} : memref<64x128xf32, #tpu.memory_space<vmem>>, vector<1x16xf32>,
            %parallel_loop3A_1902 = arith.constant 0.000000e+00 : f32
            %parallel_loop3A_1903 = vector.broadcast %parallel_loop3A_1902 : f32 to vector<16xf32>
            %parallel_loop3A_1904 = arith.maximumf %parallel_loop3A_1893, %parallel_loop3A_1903 : vector<16xf32>
            %parallel_loop3A_1905 = arith.index_cast %parallel_loop3A_1663 : i32 to index
            %parallel_loop3A_1906 = arith.constant 112 : index
            %parallel_loop3A_1907 = tpu.vector_load %arg16[%parallel_loop3A_1905, %parallel_loop3A_1906] {strides = array<i32>} : memref<64x128xf32, #tpu.memory_space<vmem>>, vector<1x16xf32>,
            %parallel_loop3A_1908 = vector.shape_cast %parallel_loop3A_1907 : vector<1x16xf32> to vector<16xf32>
            %parallel_loop3A_1909 = vector.shape_cast %parallel_loop3A_1904 : vector<16xf32> to vector<1x16xf32>
            tpu.vector_store %arg16[%parallel_loop3A_1905, %parallel_loop3A_1906], %parallel_loop3A_1909 {strides = array<i32>} : memref<64x128xf32, #tpu.memory_space<vmem>>, vector<1x16xf32>,
            %parallel_loop3A_1910 = arith.constant 64 : i32
            %parallel_loop3A_1911 = arith.muli %select_n3A_131, %parallel_loop3A_1910 : i32
            %parallel_loop3A_1912 = arith.constant 32 : i32
            %parallel_loop3A_1913 = arith.muli %scan3A_165, %parallel_loop3A_1912 : i32
            %parallel_loop3A_1914 = arith.addi %parallel_loop3A_1911, %parallel_loop3A_1913 : i32
            %parallel_loop3A_1915 = arith.constant 16 : i32
            %parallel_loop3A_1916 = arith.muli %parallel_loop3A_188, %parallel_loop3A_1915 : i32
            %parallel_loop3A_1917 = arith.addi %parallel_loop3A_1914, %parallel_loop3A_1916 : i32
            %parallel_loop3A_1918 = arith.constant 6 : i32
            %parallel_loop3A_1919 = arith.addi %parallel_loop3A_1917, %parallel_loop3A_1918 : i32
            %parallel_loop3A_1920 = arith.constant 32 : i32
            %parallel_loop3A_1921 = arith.muli %scan3A_165, %parallel_loop3A_1920 : i32
            %parallel_loop3A_1922 = arith.constant 16 : i32
            %parallel_loop3A_1923 = arith.muli %parallel_loop3A_188, %parallel_loop3A_1922 : i32
            %parallel_loop3A_1924 = arith.addi %parallel_loop3A_1921, %parallel_loop3A_1923 : i32
            %parallel_loop3A_1925 = arith.constant 6 : i32
            %parallel_loop3A_1926 = arith.addi %parallel_loop3A_1924, %parallel_loop3A_1925 : i32
            %parallel_loop3A_1927 = vector.extract_strided_slice %parallel_loop3A_321 {offsets = [6], sizes = [1], strides = [1]} : vector<16xf32> to vector<1xf32>
            %parallel_loop3A_1928 = vector.extract %parallel_loop3A_1927[0] : f32 from vector<1xf32>
            %parallel_loop3A_1929 = vector.extract_strided_slice %parallel_loop3A_326 {offsets = [6], sizes = [1], strides = [1]} : vector<16xf32> to vector<1xf32>
            %parallel_loop3A_1930 = vector.extract %parallel_loop3A_1929[0] : f32 from vector<1xf32>
            %parallel_loop3A_1931 = vector.extract_strided_slice %parallel_loop3A_331 {offsets = [6], sizes = [1], strides = [1]} : vector<16xf32> to vector<1xf32>
            %parallel_loop3A_1932 = vector.extract %parallel_loop3A_1931[0] : f32 from vector<1xf32>
            %parallel_loop3A_1933 = arith.index_cast %parallel_loop3A_1919 : i32 to index
            %parallel_loop3A_1934 = arith.constant 0 : index
            %parallel_loop3A_1935 = tpu.vector_load %arg14[%parallel_loop3A_1933, %parallel_loop3A_1934] {strides = array<i32>} : memref<128x64xi32, #tpu.memory_space<vmem>>, vector<1x16xi32>,
            %parallel_loop3A_1936 = vector.shape_cast %parallel_loop3A_1935 : vector<1x16xi32> to vector<16xi32>
            %parallel_loop3A_1937 = arith.index_cast %parallel_loop3A_1919 : i32 to index
            %parallel_loop3A_1938 = arith.constant 0 : index
            %parallel_loop3A_1939 = tpu.vector_load %arg15[%parallel_loop3A_1937, %parallel_loop3A_1938] {strides = array<i32>} : memref<128x64xi32, #tpu.memory_space<vmem>>, vector<1x16xi32>,
            %parallel_loop3A_1940 = vector.shape_cast %parallel_loop3A_1939 : vector<1x16xi32> to vector<16xi32>
            %parallel_loop3A_1941 = arith.constant 16 : i32
            %parallel_loop3A_1942 = vector.broadcast %parallel_loop3A_1941 : i32 to vector<16xi32>
            %parallel_loop3A_1943 = arith.shli %parallel_loop3A_1936, %parallel_loop3A_1942 : vector<16xi32>
            %parallel_loop3A_1944 = tpu.bitcast %parallel_loop3A_1943 : vector<16xi32> -> vector<16xf32>
            %parallel_loop3A_1945 = arith.constant -65536 : i32
            %parallel_loop3A_1946 = vector.broadcast %parallel_loop3A_1945 : i32 to vector<16xi32>
            %parallel_loop3A_1947 = arith.andi %parallel_loop3A_1936, %parallel_loop3A_1946 : vector<16xi32>
            %parallel_loop3A_1948 = tpu.bitcast %parallel_loop3A_1947 : vector<16xi32> -> vector<16xf32>
            %parallel_loop3A_1949 = arith.constant 16 : i32
            %parallel_loop3A_1950 = vector.broadcast %parallel_loop3A_1949 : i32 to vector<16xi32>
            %parallel_loop3A_1951 = arith.shli %parallel_loop3A_1940, %parallel_loop3A_1950 : vector<16xi32>
            %parallel_loop3A_1952 = tpu.bitcast %parallel_loop3A_1951 : vector<16xi32> -> vector<16xf32>
            %parallel_loop3A_1953 = arith.constant -65536 : i32
            %parallel_loop3A_1954 = vector.broadcast %parallel_loop3A_1953 : i32 to vector<16xi32>
            %parallel_loop3A_1955 = arith.andi %parallel_loop3A_1940, %parallel_loop3A_1954 : vector<16xi32>
            %parallel_loop3A_1956 = tpu.bitcast %parallel_loop3A_1955 : vector<16xi32> -> vector<16xf32>
            %parallel_loop3A_1957 = arith.addf %parallel_loop3A_1944, %parallel_loop3A_1952 : vector<16xf32>
            %parallel_loop3A_1958 = vector.broadcast %parallel_loop3A_1928 : f32 to vector<16xf32>
            %parallel_loop3A_1959 = arith.mulf %parallel_loop3A_1958, %parallel_loop3A_193 : vector<16xf32>
            %parallel_loop3A_1960 = arith.addf %parallel_loop3A_1957, %parallel_loop3A_1959 : vector<16xf32>
            %parallel_loop3A_1961 = vector.broadcast %parallel_loop3A_1930 : f32 to vector<16xf32>
            %parallel_loop3A_1962 = arith.mulf %parallel_loop3A_1961, %parallel_loop3A_233 : vector<16xf32>
            %parallel_loop3A_1963 = arith.addf %parallel_loop3A_1960, %parallel_loop3A_1962 : vector<16xf32>
            %parallel_loop3A_1964 = vector.broadcast %parallel_loop3A_1932 : f32 to vector<16xf32>
            %parallel_loop3A_1965 = arith.mulf %parallel_loop3A_1964, %parallel_loop3A_273 : vector<16xf32>
            %parallel_loop3A_1966 = arith.addf %parallel_loop3A_1963, %parallel_loop3A_1965 : vector<16xf32>
            %parallel_loop3A_1967 = arith.addf %parallel_loop3A_1948, %parallel_loop3A_1956 : vector<16xf32>
            %parallel_loop3A_1968 = vector.broadcast %parallel_loop3A_1928 : f32 to vector<16xf32>
            %parallel_loop3A_1969 = arith.mulf %parallel_loop3A_1968, %parallel_loop3A_198 : vector<16xf32>
            %parallel_loop3A_1970 = arith.addf %parallel_loop3A_1967, %parallel_loop3A_1969 : vector<16xf32>
            %parallel_loop3A_1971 = vector.broadcast %parallel_loop3A_1930 : f32 to vector<16xf32>
            %parallel_loop3A_1972 = arith.mulf %parallel_loop3A_1971, %parallel_loop3A_238 : vector<16xf32>
            %parallel_loop3A_1973 = arith.addf %parallel_loop3A_1970, %parallel_loop3A_1972 : vector<16xf32>
            %parallel_loop3A_1974 = vector.broadcast %parallel_loop3A_1932 : f32 to vector<16xf32>
            %parallel_loop3A_1975 = arith.mulf %parallel_loop3A_1974, %parallel_loop3A_278 : vector<16xf32>
            %parallel_loop3A_1976 = arith.addf %parallel_loop3A_1973, %parallel_loop3A_1975 : vector<16xf32>
            %parallel_loop3A_1977 = arith.constant 0.000000e+00 : f32
            %parallel_loop3A_1978 = vector.broadcast %parallel_loop3A_1977 : f32 to vector<16xf32>
            %parallel_loop3A_1979 = arith.maximumf %parallel_loop3A_1966, %parallel_loop3A_1978 : vector<16xf32>
            %parallel_loop3A_1980 = arith.index_cast %parallel_loop3A_1926 : i32 to index
            %parallel_loop3A_1981 = arith.constant 0 : index
            %parallel_loop3A_1982 = tpu.vector_load %arg16[%parallel_loop3A_1980, %parallel_loop3A_1981] {strides = array<i32>} : memref<64x128xf32, #tpu.memory_space<vmem>>, vector<1x16xf32>,
            %parallel_loop3A_1983 = vector.shape_cast %parallel_loop3A_1982 : vector<1x16xf32> to vector<16xf32>
            %parallel_loop3A_1984 = vector.shape_cast %parallel_loop3A_1979 : vector<16xf32> to vector<1x16xf32>
            tpu.vector_store %arg16[%parallel_loop3A_1980, %parallel_loop3A_1981], %parallel_loop3A_1984 {strides = array<i32>} : memref<64x128xf32, #tpu.memory_space<vmem>>, vector<1x16xf32>,
            %parallel_loop3A_1985 = arith.constant 0.000000e+00 : f32
            %parallel_loop3A_1986 = vector.broadcast %parallel_loop3A_1985 : f32 to vector<16xf32>
            %parallel_loop3A_1987 = arith.maximumf %parallel_loop3A_1976, %parallel_loop3A_1986 : vector<16xf32>
            %parallel_loop3A_1988 = arith.index_cast %parallel_loop3A_1926 : i32 to index
            %parallel_loop3A_1989 = arith.constant 16 : index
            %parallel_loop3A_1990 = tpu.vector_load %arg16[%parallel_loop3A_1988, %parallel_loop3A_1989] {strides = array<i32>} : memref<64x128xf32, #tpu.memory_space<vmem>>, vector<1x16xf32>,
            %parallel_loop3A_1991 = vector.shape_cast %parallel_loop3A_1990 : vector<1x16xf32> to vector<16xf32>
            %parallel_loop3A_1992 = vector.shape_cast %parallel_loop3A_1987 : vector<16xf32> to vector<1x16xf32>
            tpu.vector_store %arg16[%parallel_loop3A_1988, %parallel_loop3A_1989], %parallel_loop3A_1992 {strides = array<i32>} : memref<64x128xf32, #tpu.memory_space<vmem>>, vector<1x16xf32>,
            %parallel_loop3A_1993 = arith.index_cast %parallel_loop3A_1919 : i32 to index
            %parallel_loop3A_1994 = arith.constant 16 : index
            %parallel_loop3A_1995 = tpu.vector_load %arg14[%parallel_loop3A_1993, %parallel_loop3A_1994] {strides = array<i32>} : memref<128x64xi32, #tpu.memory_space<vmem>>, vector<1x16xi32>,
            %parallel_loop3A_1996 = vector.shape_cast %parallel_loop3A_1995 : vector<1x16xi32> to vector<16xi32>
            %parallel_loop3A_1997 = arith.index_cast %parallel_loop3A_1919 : i32 to index
            %parallel_loop3A_1998 = arith.constant 16 : index
            %parallel_loop3A_1999 = tpu.vector_load %arg15[%parallel_loop3A_1997, %parallel_loop3A_1998] {strides = array<i32>} : memref<128x64xi32, #tpu.memory_space<vmem>>, vector<1x16xi32>,
            %parallel_loop3A_2000 = vector.shape_cast %parallel_loop3A_1999 : vector<1x16xi32> to vector<16xi32>
            %parallel_loop3A_2001 = arith.constant 16 : i32
            %parallel_loop3A_2002 = vector.broadcast %parallel_loop3A_2001 : i32 to vector<16xi32>
            %parallel_loop3A_2003 = arith.shli %parallel_loop3A_1996, %parallel_loop3A_2002 : vector<16xi32>
            %parallel_loop3A_2004 = tpu.bitcast %parallel_loop3A_2003 : vector<16xi32> -> vector<16xf32>
            %parallel_loop3A_2005 = arith.constant -65536 : i32
            %parallel_loop3A_2006 = vector.broadcast %parallel_loop3A_2005 : i32 to vector<16xi32>
            %parallel_loop3A_2007 = arith.andi %parallel_loop3A_1996, %parallel_loop3A_2006 : vector<16xi32>
            %parallel_loop3A_2008 = tpu.bitcast %parallel_loop3A_2007 : vector<16xi32> -> vector<16xf32>
            %parallel_loop3A_2009 = arith.constant 16 : i32
            %parallel_loop3A_2010 = vector.broadcast %parallel_loop3A_2009 : i32 to vector<16xi32>
            %parallel_loop3A_2011 = arith.shli %parallel_loop3A_2000, %parallel_loop3A_2010 : vector<16xi32>
            %parallel_loop3A_2012 = tpu.bitcast %parallel_loop3A_2011 : vector<16xi32> -> vector<16xf32>
            %parallel_loop3A_2013 = arith.constant -65536 : i32
            %parallel_loop3A_2014 = vector.broadcast %parallel_loop3A_2013 : i32 to vector<16xi32>
            %parallel_loop3A_2015 = arith.andi %parallel_loop3A_2000, %parallel_loop3A_2014 : vector<16xi32>
            %parallel_loop3A_2016 = tpu.bitcast %parallel_loop3A_2015 : vector<16xi32> -> vector<16xf32>
            %parallel_loop3A_2017 = arith.addf %parallel_loop3A_2004, %parallel_loop3A_2012 : vector<16xf32>
            %parallel_loop3A_2018 = vector.broadcast %parallel_loop3A_1928 : f32 to vector<16xf32>
            %parallel_loop3A_2019 = arith.mulf %parallel_loop3A_2018, %parallel_loop3A_203 : vector<16xf32>
            %parallel_loop3A_2020 = arith.addf %parallel_loop3A_2017, %parallel_loop3A_2019 : vector<16xf32>
            %parallel_loop3A_2021 = vector.broadcast %parallel_loop3A_1930 : f32 to vector<16xf32>
            %parallel_loop3A_2022 = arith.mulf %parallel_loop3A_2021, %parallel_loop3A_243 : vector<16xf32>
            %parallel_loop3A_2023 = arith.addf %parallel_loop3A_2020, %parallel_loop3A_2022 : vector<16xf32>
            %parallel_loop3A_2024 = vector.broadcast %parallel_loop3A_1932 : f32 to vector<16xf32>
            %parallel_loop3A_2025 = arith.mulf %parallel_loop3A_2024, %parallel_loop3A_283 : vector<16xf32>
            %parallel_loop3A_2026 = arith.addf %parallel_loop3A_2023, %parallel_loop3A_2025 : vector<16xf32>
            %parallel_loop3A_2027 = arith.addf %parallel_loop3A_2008, %parallel_loop3A_2016 : vector<16xf32>
            %parallel_loop3A_2028 = vector.broadcast %parallel_loop3A_1928 : f32 to vector<16xf32>
            %parallel_loop3A_2029 = arith.mulf %parallel_loop3A_2028, %parallel_loop3A_208 : vector<16xf32>
            %parallel_loop3A_2030 = arith.addf %parallel_loop3A_2027, %parallel_loop3A_2029 : vector<16xf32>
            %parallel_loop3A_2031 = vector.broadcast %parallel_loop3A_1930 : f32 to vector<16xf32>
            %parallel_loop3A_2032 = arith.mulf %parallel_loop3A_2031, %parallel_loop3A_248 : vector<16xf32>
            %parallel_loop3A_2033 = arith.addf %parallel_loop3A_2030, %parallel_loop3A_2032 : vector<16xf32>
            %parallel_loop3A_2034 = vector.broadcast %parallel_loop3A_1932 : f32 to vector<16xf32>
            %parallel_loop3A_2035 = arith.mulf %parallel_loop3A_2034, %parallel_loop3A_288 : vector<16xf32>
            %parallel_loop3A_2036 = arith.addf %parallel_loop3A_2033, %parallel_loop3A_2035 : vector<16xf32>
            %parallel_loop3A_2037 = arith.constant 0.000000e+00 : f32
            %parallel_loop3A_2038 = vector.broadcast %parallel_loop3A_2037 : f32 to vector<16xf32>
            %parallel_loop3A_2039 = arith.maximumf %parallel_loop3A_2026, %parallel_loop3A_2038 : vector<16xf32>
            %parallel_loop3A_2040 = arith.index_cast %parallel_loop3A_1926 : i32 to index
            %parallel_loop3A_2041 = arith.constant 32 : index
            %parallel_loop3A_2042 = tpu.vector_load %arg16[%parallel_loop3A_2040, %parallel_loop3A_2041] {strides = array<i32>} : memref<64x128xf32, #tpu.memory_space<vmem>>, vector<1x16xf32>,
            %parallel_loop3A_2043 = vector.shape_cast %parallel_loop3A_2042 : vector<1x16xf32> to vector<16xf32>
            %parallel_loop3A_2044 = vector.shape_cast %parallel_loop3A_2039 : vector<16xf32> to vector<1x16xf32>
            tpu.vector_store %arg16[%parallel_loop3A_2040, %parallel_loop3A_2041], %parallel_loop3A_2044 {strides = array<i32>} : memref<64x128xf32, #tpu.memory_space<vmem>>, vector<1x16xf32>,
            %parallel_loop3A_2045 = arith.constant 0.000000e+00 : f32
            %parallel_loop3A_2046 = vector.broadcast %parallel_loop3A_2045 : f32 to vector<16xf32>
            %parallel_loop3A_2047 = arith.maximumf %parallel_loop3A_2036, %parallel_loop3A_2046 : vector<16xf32>
            %parallel_loop3A_2048 = arith.index_cast %parallel_loop3A_1926 : i32 to index
            %parallel_loop3A_2049 = arith.constant 48 : index
            %parallel_loop3A_2050 = tpu.vector_load %arg16[%parallel_loop3A_2048, %parallel_loop3A_2049] {strides = array<i32>} : memref<64x128xf32, #tpu.memory_space<vmem>>, vector<1x16xf32>,
            %parallel_loop3A_2051 = vector.shape_cast %parallel_loop3A_2050 : vector<1x16xf32> to vector<16xf32>
            %parallel_loop3A_2052 = vector.shape_cast %parallel_loop3A_2047 : vector<16xf32> to vector<1x16xf32>
            tpu.vector_store %arg16[%parallel_loop3A_2048, %parallel_loop3A_2049], %parallel_loop3A_2052 {strides = array<i32>} : memref<64x128xf32, #tpu.memory_space<vmem>>, vector<1x16xf32>,
            %parallel_loop3A_2053 = arith.index_cast %parallel_loop3A_1919 : i32 to index
            %parallel_loop3A_2054 = arith.constant 32 : index
            %parallel_loop3A_2055 = tpu.vector_load %arg14[%parallel_loop3A_2053, %parallel_loop3A_2054] {strides = array<i32>} : memref<128x64xi32, #tpu.memory_space<vmem>>, vector<1x16xi32>,
            %parallel_loop3A_2056 = vector.shape_cast %parallel_loop3A_2055 : vector<1x16xi32> to vector<16xi32>
            %parallel_loop3A_2057 = arith.index_cast %parallel_loop3A_1919 : i32 to index
            %parallel_loop3A_2058 = arith.constant 32 : index
            %parallel_loop3A_2059 = tpu.vector_load %arg15[%parallel_loop3A_2057, %parallel_loop3A_2058] {strides = array<i32>} : memref<128x64xi32, #tpu.memory_space<vmem>>, vector<1x16xi32>,
            %parallel_loop3A_2060 = vector.shape_cast %parallel_loop3A_2059 : vector<1x16xi32> to vector<16xi32>
            %parallel_loop3A_2061 = arith.constant 16 : i32
            %parallel_loop3A_2062 = vector.broadcast %parallel_loop3A_2061 : i32 to vector<16xi32>
            %parallel_loop3A_2063 = arith.shli %parallel_loop3A_2056, %parallel_loop3A_2062 : vector<16xi32>
            %parallel_loop3A_2064 = tpu.bitcast %parallel_loop3A_2063 : vector<16xi32> -> vector<16xf32>
            %parallel_loop3A_2065 = arith.constant -65536 : i32
            %parallel_loop3A_2066 = vector.broadcast %parallel_loop3A_2065 : i32 to vector<16xi32>
            %parallel_loop3A_2067 = arith.andi %parallel_loop3A_2056, %parallel_loop3A_2066 : vector<16xi32>
            %parallel_loop3A_2068 = tpu.bitcast %parallel_loop3A_2067 : vector<16xi32> -> vector<16xf32>
            %parallel_loop3A_2069 = arith.constant 16 : i32
            %parallel_loop3A_2070 = vector.broadcast %parallel_loop3A_2069 : i32 to vector<16xi32>
            %parallel_loop3A_2071 = arith.shli %parallel_loop3A_2060, %parallel_loop3A_2070 : vector<16xi32>
            %parallel_loop3A_2072 = tpu.bitcast %parallel_loop3A_2071 : vector<16xi32> -> vector<16xf32>
            %parallel_loop3A_2073 = arith.constant -65536 : i32
            %parallel_loop3A_2074 = vector.broadcast %parallel_loop3A_2073 : i32 to vector<16xi32>
            %parallel_loop3A_2075 = arith.andi %parallel_loop3A_2060, %parallel_loop3A_2074 : vector<16xi32>
            %parallel_loop3A_2076 = tpu.bitcast %parallel_loop3A_2075 : vector<16xi32> -> vector<16xf32>
            %parallel_loop3A_2077 = arith.addf %parallel_loop3A_2064, %parallel_loop3A_2072 : vector<16xf32>
            %parallel_loop3A_2078 = vector.broadcast %parallel_loop3A_1928 : f32 to vector<16xf32>
            %parallel_loop3A_2079 = arith.mulf %parallel_loop3A_2078, %parallel_loop3A_213 : vector<16xf32>
            %parallel_loop3A_2080 = arith.addf %parallel_loop3A_2077, %parallel_loop3A_2079 : vector<16xf32>
            %parallel_loop3A_2081 = vector.broadcast %parallel_loop3A_1930 : f32 to vector<16xf32>
            %parallel_loop3A_2082 = arith.mulf %parallel_loop3A_2081, %parallel_loop3A_253 : vector<16xf32>
            %parallel_loop3A_2083 = arith.addf %parallel_loop3A_2080, %parallel_loop3A_2082 : vector<16xf32>
            %parallel_loop3A_2084 = vector.broadcast %parallel_loop3A_1932 : f32 to vector<16xf32>
            %parallel_loop3A_2085 = arith.mulf %parallel_loop3A_2084, %parallel_loop3A_293 : vector<16xf32>
            %parallel_loop3A_2086 = arith.addf %parallel_loop3A_2083, %parallel_loop3A_2085 : vector<16xf32>
            %parallel_loop3A_2087 = arith.addf %parallel_loop3A_2068, %parallel_loop3A_2076 : vector<16xf32>
            %parallel_loop3A_2088 = vector.broadcast %parallel_loop3A_1928 : f32 to vector<16xf32>
            %parallel_loop3A_2089 = arith.mulf %parallel_loop3A_2088, %parallel_loop3A_218 : vector<16xf32>
            %parallel_loop3A_2090 = arith.addf %parallel_loop3A_2087, %parallel_loop3A_2089 : vector<16xf32>
            %parallel_loop3A_2091 = vector.broadcast %parallel_loop3A_1930 : f32 to vector<16xf32>
            %parallel_loop3A_2092 = arith.mulf %parallel_loop3A_2091, %parallel_loop3A_258 : vector<16xf32>
            %parallel_loop3A_2093 = arith.addf %parallel_loop3A_2090, %parallel_loop3A_2092 : vector<16xf32>
            %parallel_loop3A_2094 = vector.broadcast %parallel_loop3A_1932 : f32 to vector<16xf32>
            %parallel_loop3A_2095 = arith.mulf %parallel_loop3A_2094, %parallel_loop3A_298 : vector<16xf32>
            %parallel_loop3A_2096 = arith.addf %parallel_loop3A_2093, %parallel_loop3A_2095 : vector<16xf32>
            %parallel_loop3A_2097 = arith.constant 0.000000e+00 : f32
            %parallel_loop3A_2098 = vector.broadcast %parallel_loop3A_2097 : f32 to vector<16xf32>
            %parallel_loop3A_2099 = arith.maximumf %parallel_loop3A_2086, %parallel_loop3A_2098 : vector<16xf32>
            %parallel_loop3A_2100 = arith.index_cast %parallel_loop3A_1926 : i32 to index
            %parallel_loop3A_2101 = arith.constant 64 : index
            %parallel_loop3A_2102 = tpu.vector_load %arg16[%parallel_loop3A_2100, %parallel_loop3A_2101] {strides = array<i32>} : memref<64x128xf32, #tpu.memory_space<vmem>>, vector<1x16xf32>,
            %parallel_loop3A_2103 = vector.shape_cast %parallel_loop3A_2102 : vector<1x16xf32> to vector<16xf32>
            %parallel_loop3A_2104 = vector.shape_cast %parallel_loop3A_2099 : vector<16xf32> to vector<1x16xf32>
            tpu.vector_store %arg16[%parallel_loop3A_2100, %parallel_loop3A_2101], %parallel_loop3A_2104 {strides = array<i32>} : memref<64x128xf32, #tpu.memory_space<vmem>>, vector<1x16xf32>,
            %parallel_loop3A_2105 = arith.constant 0.000000e+00 : f32
            %parallel_loop3A_2106 = vector.broadcast %parallel_loop3A_2105 : f32 to vector<16xf32>
            %parallel_loop3A_2107 = arith.maximumf %parallel_loop3A_2096, %parallel_loop3A_2106 : vector<16xf32>
            %parallel_loop3A_2108 = arith.index_cast %parallel_loop3A_1926 : i32 to index
            %parallel_loop3A_2109 = arith.constant 80 : index
            %parallel_loop3A_2110 = tpu.vector_load %arg16[%parallel_loop3A_2108, %parallel_loop3A_2109] {strides = array<i32>} : memref<64x128xf32, #tpu.memory_space<vmem>>, vector<1x16xf32>,
            %parallel_loop3A_2111 = vector.shape_cast %parallel_loop3A_2110 : vector<1x16xf32> to vector<16xf32>
            %parallel_loop3A_2112 = vector.shape_cast %parallel_loop3A_2107 : vector<16xf32> to vector<1x16xf32>
            tpu.vector_store %arg16[%parallel_loop3A_2108, %parallel_loop3A_2109], %parallel_loop3A_2112 {strides = array<i32>} : memref<64x128xf32, #tpu.memory_space<vmem>>, vector<1x16xf32>,
            %parallel_loop3A_2113 = arith.index_cast %parallel_loop3A_1919 : i32 to index
            %parallel_loop3A_2114 = arith.constant 48 : index
            %parallel_loop3A_2115 = tpu.vector_load %arg14[%parallel_loop3A_2113, %parallel_loop3A_2114] {strides = array<i32>} : memref<128x64xi32, #tpu.memory_space<vmem>>, vector<1x16xi32>,
            %parallel_loop3A_2116 = vector.shape_cast %parallel_loop3A_2115 : vector<1x16xi32> to vector<16xi32>
            %parallel_loop3A_2117 = arith.index_cast %parallel_loop3A_1919 : i32 to index
            %parallel_loop3A_2118 = arith.constant 48 : index
            %parallel_loop3A_2119 = tpu.vector_load %arg15[%parallel_loop3A_2117, %parallel_loop3A_2118] {strides = array<i32>} : memref<128x64xi32, #tpu.memory_space<vmem>>, vector<1x16xi32>,
            %parallel_loop3A_2120 = vector.shape_cast %parallel_loop3A_2119 : vector<1x16xi32> to vector<16xi32>
            %parallel_loop3A_2121 = arith.constant 16 : i32
            %parallel_loop3A_2122 = vector.broadcast %parallel_loop3A_2121 : i32 to vector<16xi32>
            %parallel_loop3A_2123 = arith.shli %parallel_loop3A_2116, %parallel_loop3A_2122 : vector<16xi32>
            %parallel_loop3A_2124 = tpu.bitcast %parallel_loop3A_2123 : vector<16xi32> -> vector<16xf32>
            %parallel_loop3A_2125 = arith.constant -65536 : i32
            %parallel_loop3A_2126 = vector.broadcast %parallel_loop3A_2125 : i32 to vector<16xi32>
            %parallel_loop3A_2127 = arith.andi %parallel_loop3A_2116, %parallel_loop3A_2126 : vector<16xi32>
            %parallel_loop3A_2128 = tpu.bitcast %parallel_loop3A_2127 : vector<16xi32> -> vector<16xf32>
            %parallel_loop3A_2129 = arith.constant 16 : i32
            %parallel_loop3A_2130 = vector.broadcast %parallel_loop3A_2129 : i32 to vector<16xi32>
            %parallel_loop3A_2131 = arith.shli %parallel_loop3A_2120, %parallel_loop3A_2130 : vector<16xi32>
            %parallel_loop3A_2132 = tpu.bitcast %parallel_loop3A_2131 : vector<16xi32> -> vector<16xf32>
            %parallel_loop3A_2133 = arith.constant -65536 : i32
            %parallel_loop3A_2134 = vector.broadcast %parallel_loop3A_2133 : i32 to vector<16xi32>
            %parallel_loop3A_2135 = arith.andi %parallel_loop3A_2120, %parallel_loop3A_2134 : vector<16xi32>
            %parallel_loop3A_2136 = tpu.bitcast %parallel_loop3A_2135 : vector<16xi32> -> vector<16xf32>
            %parallel_loop3A_2137 = arith.addf %parallel_loop3A_2124, %parallel_loop3A_2132 : vector<16xf32>
            %parallel_loop3A_2138 = vector.broadcast %parallel_loop3A_1928 : f32 to vector<16xf32>
            %parallel_loop3A_2139 = arith.mulf %parallel_loop3A_2138, %parallel_loop3A_223 : vector<16xf32>
            %parallel_loop3A_2140 = arith.addf %parallel_loop3A_2137, %parallel_loop3A_2139 : vector<16xf32>
            %parallel_loop3A_2141 = vector.broadcast %parallel_loop3A_1930 : f32 to vector<16xf32>
            %parallel_loop3A_2142 = arith.mulf %parallel_loop3A_2141, %parallel_loop3A_263 : vector<16xf32>
            %parallel_loop3A_2143 = arith.addf %parallel_loop3A_2140, %parallel_loop3A_2142 : vector<16xf32>
            %parallel_loop3A_2144 = vector.broadcast %parallel_loop3A_1932 : f32 to vector<16xf32>
            %parallel_loop3A_2145 = arith.mulf %parallel_loop3A_2144, %parallel_loop3A_303 : vector<16xf32>
            %parallel_loop3A_2146 = arith.addf %parallel_loop3A_2143, %parallel_loop3A_2145 : vector<16xf32>
            %parallel_loop3A_2147 = arith.addf %parallel_loop3A_2128, %parallel_loop3A_2136 : vector<16xf32>
            %parallel_loop3A_2148 = vector.broadcast %parallel_loop3A_1928 : f32 to vector<16xf32>
            %parallel_loop3A_2149 = arith.mulf %parallel_loop3A_2148, %parallel_loop3A_228 : vector<16xf32>
            %parallel_loop3A_2150 = arith.addf %parallel_loop3A_2147, %parallel_loop3A_2149 : vector<16xf32>
            %parallel_loop3A_2151 = vector.broadcast %parallel_loop3A_1930 : f32 to vector<16xf32>
            %parallel_loop3A_2152 = arith.mulf %parallel_loop3A_2151, %parallel_loop3A_268 : vector<16xf32>
            %parallel_loop3A_2153 = arith.addf %parallel_loop3A_2150, %parallel_loop3A_2152 : vector<16xf32>
            %parallel_loop3A_2154 = vector.broadcast %parallel_loop3A_1932 : f32 to vector<16xf32>
            %parallel_loop3A_2155 = arith.mulf %parallel_loop3A_2154, %parallel_loop3A_308 : vector<16xf32>
            %parallel_loop3A_2156 = arith.addf %parallel_loop3A_2153, %parallel_loop3A_2155 : vector<16xf32>
            %parallel_loop3A_2157 = arith.constant 0.000000e+00 : f32
            %parallel_loop3A_2158 = vector.broadcast %parallel_loop3A_2157 : f32 to vector<16xf32>
            %parallel_loop3A_2159 = arith.maximumf %parallel_loop3A_2146, %parallel_loop3A_2158 : vector<16xf32>
            %parallel_loop3A_2160 = arith.index_cast %parallel_loop3A_1926 : i32 to index
            %parallel_loop3A_2161 = arith.constant 96 : index
            %parallel_loop3A_2162 = tpu.vector_load %arg16[%parallel_loop3A_2160, %parallel_loop3A_2161] {strides = array<i32>} : memref<64x128xf32, #tpu.memory_space<vmem>>, vector<1x16xf32>,
            %parallel_loop3A_2163 = vector.shape_cast %parallel_loop3A_2162 : vector<1x16xf32> to vector<16xf32>
            %parallel_loop3A_2164 = vector.shape_cast %parallel_loop3A_2159 : vector<16xf32> to vector<1x16xf32>
            tpu.vector_store %arg16[%parallel_loop3A_2160, %parallel_loop3A_2161], %parallel_loop3A_2164 {strides = array<i32>} : memref<64x128xf32, #tpu.memory_space<vmem>>, vector<1x16xf32>,
            %parallel_loop3A_2165 = arith.constant 0.000000e+00 : f32
            %parallel_loop3A_2166 = vector.broadcast %parallel_loop3A_2165 : f32 to vector<16xf32>
            %parallel_loop3A_2167 = arith.maximumf %parallel_loop3A_2156, %parallel_loop3A_2166 : vector<16xf32>
            %parallel_loop3A_2168 = arith.index_cast %parallel_loop3A_1926 : i32 to index
            %parallel_loop3A_2169 = arith.constant 112 : index
            %parallel_loop3A_2170 = tpu.vector_load %arg16[%parallel_loop3A_2168, %parallel_loop3A_2169] {strides = array<i32>} : memref<64x128xf32, #tpu.memory_space<vmem>>, vector<1x16xf32>,
            %parallel_loop3A_2171 = vector.shape_cast %parallel_loop3A_2170 : vector<1x16xf32> to vector<16xf32>
            %parallel_loop3A_2172 = vector.shape_cast %parallel_loop3A_2167 : vector<16xf32> to vector<1x16xf32>
            tpu.vector_store %arg16[%parallel_loop3A_2168, %parallel_loop3A_2169], %parallel_loop3A_2172 {strides = array<i32>} : memref<64x128xf32, #tpu.memory_space<vmem>>, vector<1x16xf32>,
            %parallel_loop3A_2173 = arith.constant 64 : i32
            %parallel_loop3A_2174 = arith.muli %select_n3A_131, %parallel_loop3A_2173 : i32
            %parallel_loop3A_2175 = arith.constant 32 : i32
            %parallel_loop3A_2176 = arith.muli %scan3A_165, %parallel_loop3A_2175 : i32
            %parallel_loop3A_2177 = arith.addi %parallel_loop3A_2174, %parallel_loop3A_2176 : i32
            %parallel_loop3A_2178 = arith.constant 16 : i32
            %parallel_loop3A_2179 = arith.muli %parallel_loop3A_188, %parallel_loop3A_2178 : i32
            %parallel_loop3A_2180 = arith.addi %parallel_loop3A_2177, %parallel_loop3A_2179 : i32
            %parallel_loop3A_2181 = arith.constant 7 : i32
            %parallel_loop3A_2182 = arith.addi %parallel_loop3A_2180, %parallel_loop3A_2181 : i32
            %parallel_loop3A_2183 = arith.constant 32 : i32
            %parallel_loop3A_2184 = arith.muli %scan3A_165, %parallel_loop3A_2183 : i32
            %parallel_loop3A_2185 = arith.constant 16 : i32
            %parallel_loop3A_2186 = arith.muli %parallel_loop3A_188, %parallel_loop3A_2185 : i32
            %parallel_loop3A_2187 = arith.addi %parallel_loop3A_2184, %parallel_loop3A_2186 : i32
            %parallel_loop3A_2188 = arith.constant 7 : i32
            %parallel_loop3A_2189 = arith.addi %parallel_loop3A_2187, %parallel_loop3A_2188 : i32
            %parallel_loop3A_2190 = vector.extract_strided_slice %parallel_loop3A_321 {offsets = [7], sizes = [1], strides = [1]} : vector<16xf32> to vector<1xf32>
            %parallel_loop3A_2191 = vector.extract %parallel_loop3A_2190[0] : f32 from vector<1xf32>
            %parallel_loop3A_2192 = vector.extract_strided_slice %parallel_loop3A_326 {offsets = [7], sizes = [1], strides = [1]} : vector<16xf32> to vector<1xf32>
            %parallel_loop3A_2193 = vector.extract %parallel_loop3A_2192[0] : f32 from vector<1xf32>
            %parallel_loop3A_2194 = vector.extract_strided_slice %parallel_loop3A_331 {offsets = [7], sizes = [1], strides = [1]} : vector<16xf32> to vector<1xf32>
            %parallel_loop3A_2195 = vector.extract %parallel_loop3A_2194[0] : f32 from vector<1xf32>
            %parallel_loop3A_2196 = arith.index_cast %parallel_loop3A_2182 : i32 to index
            %parallel_loop3A_2197 = arith.constant 0 : index
            %parallel_loop3A_2198 = tpu.vector_load %arg14[%parallel_loop3A_2196, %parallel_loop3A_2197] {strides = array<i32>} : memref<128x64xi32, #tpu.memory_space<vmem>>, vector<1x16xi32>,
            %parallel_loop3A_2199 = vector.shape_cast %parallel_loop3A_2198 : vector<1x16xi32> to vector<16xi32>
            %parallel_loop3A_2200 = arith.index_cast %parallel_loop3A_2182 : i32 to index
            %parallel_loop3A_2201 = arith.constant 0 : index
            %parallel_loop3A_2202 = tpu.vector_load %arg15[%parallel_loop3A_2200, %parallel_loop3A_2201] {strides = array<i32>} : memref<128x64xi32, #tpu.memory_space<vmem>>, vector<1x16xi32>,
            %parallel_loop3A_2203 = vector.shape_cast %parallel_loop3A_2202 : vector<1x16xi32> to vector<16xi32>
            %parallel_loop3A_2204 = arith.constant 16 : i32
            %parallel_loop3A_2205 = vector.broadcast %parallel_loop3A_2204 : i32 to vector<16xi32>
            %parallel_loop3A_2206 = arith.shli %parallel_loop3A_2199, %parallel_loop3A_2205 : vector<16xi32>
            %parallel_loop3A_2207 = tpu.bitcast %parallel_loop3A_2206 : vector<16xi32> -> vector<16xf32>
            %parallel_loop3A_2208 = arith.constant -65536 : i32
            %parallel_loop3A_2209 = vector.broadcast %parallel_loop3A_2208 : i32 to vector<16xi32>
            %parallel_loop3A_2210 = arith.andi %parallel_loop3A_2199, %parallel_loop3A_2209 : vector<16xi32>
            %parallel_loop3A_2211 = tpu.bitcast %parallel_loop3A_2210 : vector<16xi32> -> vector<16xf32>
            %parallel_loop3A_2212 = arith.constant 16 : i32
            %parallel_loop3A_2213 = vector.broadcast %parallel_loop3A_2212 : i32 to vector<16xi32>
            %parallel_loop3A_2214 = arith.shli %parallel_loop3A_2203, %parallel_loop3A_2213 : vector<16xi32>
            %parallel_loop3A_2215 = tpu.bitcast %parallel_loop3A_2214 : vector<16xi32> -> vector<16xf32>
            %parallel_loop3A_2216 = arith.constant -65536 : i32
            %parallel_loop3A_2217 = vector.broadcast %parallel_loop3A_2216 : i32 to vector<16xi32>
            %parallel_loop3A_2218 = arith.andi %parallel_loop3A_2203, %parallel_loop3A_2217 : vector<16xi32>
            %parallel_loop3A_2219 = tpu.bitcast %parallel_loop3A_2218 : vector<16xi32> -> vector<16xf32>
            %parallel_loop3A_2220 = arith.addf %parallel_loop3A_2207, %parallel_loop3A_2215 : vector<16xf32>
            %parallel_loop3A_2221 = vector.broadcast %parallel_loop3A_2191 : f32 to vector<16xf32>
            %parallel_loop3A_2222 = arith.mulf %parallel_loop3A_2221, %parallel_loop3A_193 : vector<16xf32>
            %parallel_loop3A_2223 = arith.addf %parallel_loop3A_2220, %parallel_loop3A_2222 : vector<16xf32>
            %parallel_loop3A_2224 = vector.broadcast %parallel_loop3A_2193 : f32 to vector<16xf32>
            %parallel_loop3A_2225 = arith.mulf %parallel_loop3A_2224, %parallel_loop3A_233 : vector<16xf32>
            %parallel_loop3A_2226 = arith.addf %parallel_loop3A_2223, %parallel_loop3A_2225 : vector<16xf32>
            %parallel_loop3A_2227 = vector.broadcast %parallel_loop3A_2195 : f32 to vector<16xf32>
            %parallel_loop3A_2228 = arith.mulf %parallel_loop3A_2227, %parallel_loop3A_273 : vector<16xf32>
            %parallel_loop3A_2229 = arith.addf %parallel_loop3A_2226, %parallel_loop3A_2228 : vector<16xf32>
            %parallel_loop3A_2230 = arith.addf %parallel_loop3A_2211, %parallel_loop3A_2219 : vector<16xf32>
            %parallel_loop3A_2231 = vector.broadcast %parallel_loop3A_2191 : f32 to vector<16xf32>
            %parallel_loop3A_2232 = arith.mulf %parallel_loop3A_2231, %parallel_loop3A_198 : vector<16xf32>
            %parallel_loop3A_2233 = arith.addf %parallel_loop3A_2230, %parallel_loop3A_2232 : vector<16xf32>
            %parallel_loop3A_2234 = vector.broadcast %parallel_loop3A_2193 : f32 to vector<16xf32>
            %parallel_loop3A_2235 = arith.mulf %parallel_loop3A_2234, %parallel_loop3A_238 : vector<16xf32>
            %parallel_loop3A_2236 = arith.addf %parallel_loop3A_2233, %parallel_loop3A_2235 : vector<16xf32>
            %parallel_loop3A_2237 = vector.broadcast %parallel_loop3A_2195 : f32 to vector<16xf32>
            %parallel_loop3A_2238 = arith.mulf %parallel_loop3A_2237, %parallel_loop3A_278 : vector<16xf32>
            %parallel_loop3A_2239 = arith.addf %parallel_loop3A_2236, %parallel_loop3A_2238 : vector<16xf32>
            %parallel_loop3A_2240 = arith.constant 0.000000e+00 : f32
            %parallel_loop3A_2241 = vector.broadcast %parallel_loop3A_2240 : f32 to vector<16xf32>
            %parallel_loop3A_2242 = arith.maximumf %parallel_loop3A_2229, %parallel_loop3A_2241 : vector<16xf32>
            %parallel_loop3A_2243 = arith.index_cast %parallel_loop3A_2189 : i32 to index
            %parallel_loop3A_2244 = arith.constant 0 : index
            %parallel_loop3A_2245 = tpu.vector_load %arg16[%parallel_loop3A_2243, %parallel_loop3A_2244] {strides = array<i32>} : memref<64x128xf32, #tpu.memory_space<vmem>>, vector<1x16xf32>,
            %parallel_loop3A_2246 = vector.shape_cast %parallel_loop3A_2245 : vector<1x16xf32> to vector<16xf32>
            %parallel_loop3A_2247 = vector.shape_cast %parallel_loop3A_2242 : vector<16xf32> to vector<1x16xf32>
            tpu.vector_store %arg16[%parallel_loop3A_2243, %parallel_loop3A_2244], %parallel_loop3A_2247 {strides = array<i32>} : memref<64x128xf32, #tpu.memory_space<vmem>>, vector<1x16xf32>,
            %parallel_loop3A_2248 = arith.constant 0.000000e+00 : f32
            %parallel_loop3A_2249 = vector.broadcast %parallel_loop3A_2248 : f32 to vector<16xf32>
            %parallel_loop3A_2250 = arith.maximumf %parallel_loop3A_2239, %parallel_loop3A_2249 : vector<16xf32>
            %parallel_loop3A_2251 = arith.index_cast %parallel_loop3A_2189 : i32 to index
            %parallel_loop3A_2252 = arith.constant 16 : index
            %parallel_loop3A_2253 = tpu.vector_load %arg16[%parallel_loop3A_2251, %parallel_loop3A_2252] {strides = array<i32>} : memref<64x128xf32, #tpu.memory_space<vmem>>, vector<1x16xf32>,
            %parallel_loop3A_2254 = vector.shape_cast %parallel_loop3A_2253 : vector<1x16xf32> to vector<16xf32>
            %parallel_loop3A_2255 = vector.shape_cast %parallel_loop3A_2250 : vector<16xf32> to vector<1x16xf32>
            tpu.vector_store %arg16[%parallel_loop3A_2251, %parallel_loop3A_2252], %parallel_loop3A_2255 {strides = array<i32>} : memref<64x128xf32, #tpu.memory_space<vmem>>, vector<1x16xf32>,
            %parallel_loop3A_2256 = arith.index_cast %parallel_loop3A_2182 : i32 to index
            %parallel_loop3A_2257 = arith.constant 16 : index
            %parallel_loop3A_2258 = tpu.vector_load %arg14[%parallel_loop3A_2256, %parallel_loop3A_2257] {strides = array<i32>} : memref<128x64xi32, #tpu.memory_space<vmem>>, vector<1x16xi32>,
            %parallel_loop3A_2259 = vector.shape_cast %parallel_loop3A_2258 : vector<1x16xi32> to vector<16xi32>
            %parallel_loop3A_2260 = arith.index_cast %parallel_loop3A_2182 : i32 to index
            %parallel_loop3A_2261 = arith.constant 16 : index
            %parallel_loop3A_2262 = tpu.vector_load %arg15[%parallel_loop3A_2260, %parallel_loop3A_2261] {strides = array<i32>} : memref<128x64xi32, #tpu.memory_space<vmem>>, vector<1x16xi32>,
            %parallel_loop3A_2263 = vector.shape_cast %parallel_loop3A_2262 : vector<1x16xi32> to vector<16xi32>
            %parallel_loop3A_2264 = arith.constant 16 : i32
            %parallel_loop3A_2265 = vector.broadcast %parallel_loop3A_2264 : i32 to vector<16xi32>
            %parallel_loop3A_2266 = arith.shli %parallel_loop3A_2259, %parallel_loop3A_2265 : vector<16xi32>
            %parallel_loop3A_2267 = tpu.bitcast %parallel_loop3A_2266 : vector<16xi32> -> vector<16xf32>
            %parallel_loop3A_2268 = arith.constant -65536 : i32
            %parallel_loop3A_2269 = vector.broadcast %parallel_loop3A_2268 : i32 to vector<16xi32>
            %parallel_loop3A_2270 = arith.andi %parallel_loop3A_2259, %parallel_loop3A_2269 : vector<16xi32>
            %parallel_loop3A_2271 = tpu.bitcast %parallel_loop3A_2270 : vector<16xi32> -> vector<16xf32>
            %parallel_loop3A_2272 = arith.constant 16 : i32
            %parallel_loop3A_2273 = vector.broadcast %parallel_loop3A_2272 : i32 to vector<16xi32>
            %parallel_loop3A_2274 = arith.shli %parallel_loop3A_2263, %parallel_loop3A_2273 : vector<16xi32>
            %parallel_loop3A_2275 = tpu.bitcast %parallel_loop3A_2274 : vector<16xi32> -> vector<16xf32>
            %parallel_loop3A_2276 = arith.constant -65536 : i32
            %parallel_loop3A_2277 = vector.broadcast %parallel_loop3A_2276 : i32 to vector<16xi32>
            %parallel_loop3A_2278 = arith.andi %parallel_loop3A_2263, %parallel_loop3A_2277 : vector<16xi32>
            %parallel_loop3A_2279 = tpu.bitcast %parallel_loop3A_2278 : vector<16xi32> -> vector<16xf32>
            %parallel_loop3A_2280 = arith.addf %parallel_loop3A_2267, %parallel_loop3A_2275 : vector<16xf32>
            %parallel_loop3A_2281 = vector.broadcast %parallel_loop3A_2191 : f32 to vector<16xf32>
            %parallel_loop3A_2282 = arith.mulf %parallel_loop3A_2281, %parallel_loop3A_203 : vector<16xf32>
            %parallel_loop3A_2283 = arith.addf %parallel_loop3A_2280, %parallel_loop3A_2282 : vector<16xf32>
            %parallel_loop3A_2284 = vector.broadcast %parallel_loop3A_2193 : f32 to vector<16xf32>
            %parallel_loop3A_2285 = arith.mulf %parallel_loop3A_2284, %parallel_loop3A_243 : vector<16xf32>
            %parallel_loop3A_2286 = arith.addf %parallel_loop3A_2283, %parallel_loop3A_2285 : vector<16xf32>
            %parallel_loop3A_2287 = vector.broadcast %parallel_loop3A_2195 : f32 to vector<16xf32>
            %parallel_loop3A_2288 = arith.mulf %parallel_loop3A_2287, %parallel_loop3A_283 : vector<16xf32>
            %parallel_loop3A_2289 = arith.addf %parallel_loop3A_2286, %parallel_loop3A_2288 : vector<16xf32>
            %parallel_loop3A_2290 = arith.addf %parallel_loop3A_2271, %parallel_loop3A_2279 : vector<16xf32>
            %parallel_loop3A_2291 = vector.broadcast %parallel_loop3A_2191 : f32 to vector<16xf32>
            %parallel_loop3A_2292 = arith.mulf %parallel_loop3A_2291, %parallel_loop3A_208 : vector<16xf32>
            %parallel_loop3A_2293 = arith.addf %parallel_loop3A_2290, %parallel_loop3A_2292 : vector<16xf32>
            %parallel_loop3A_2294 = vector.broadcast %parallel_loop3A_2193 : f32 to vector<16xf32>
            %parallel_loop3A_2295 = arith.mulf %parallel_loop3A_2294, %parallel_loop3A_248 : vector<16xf32>
            %parallel_loop3A_2296 = arith.addf %parallel_loop3A_2293, %parallel_loop3A_2295 : vector<16xf32>
            %parallel_loop3A_2297 = vector.broadcast %parallel_loop3A_2195 : f32 to vector<16xf32>
            %parallel_loop3A_2298 = arith.mulf %parallel_loop3A_2297, %parallel_loop3A_288 : vector<16xf32>
            %parallel_loop3A_2299 = arith.addf %parallel_loop3A_2296, %parallel_loop3A_2298 : vector<16xf32>
            %parallel_loop3A_2300 = arith.constant 0.000000e+00 : f32
            %parallel_loop3A_2301 = vector.broadcast %parallel_loop3A_2300 : f32 to vector<16xf32>
            %parallel_loop3A_2302 = arith.maximumf %parallel_loop3A_2289, %parallel_loop3A_2301 : vector<16xf32>
            %parallel_loop3A_2303 = arith.index_cast %parallel_loop3A_2189 : i32 to index
            %parallel_loop3A_2304 = arith.constant 32 : index
            %parallel_loop3A_2305 = tpu.vector_load %arg16[%parallel_loop3A_2303, %parallel_loop3A_2304] {strides = array<i32>} : memref<64x128xf32, #tpu.memory_space<vmem>>, vector<1x16xf32>,
            %parallel_loop3A_2306 = vector.shape_cast %parallel_loop3A_2305 : vector<1x16xf32> to vector<16xf32>
            %parallel_loop3A_2307 = vector.shape_cast %parallel_loop3A_2302 : vector<16xf32> to vector<1x16xf32>
            tpu.vector_store %arg16[%parallel_loop3A_2303, %parallel_loop3A_2304], %parallel_loop3A_2307 {strides = array<i32>} : memref<64x128xf32, #tpu.memory_space<vmem>>, vector<1x16xf32>,
            %parallel_loop3A_2308 = arith.constant 0.000000e+00 : f32
            %parallel_loop3A_2309 = vector.broadcast %parallel_loop3A_2308 : f32 to vector<16xf32>
            %parallel_loop3A_2310 = arith.maximumf %parallel_loop3A_2299, %parallel_loop3A_2309 : vector<16xf32>
            %parallel_loop3A_2311 = arith.index_cast %parallel_loop3A_2189 : i32 to index
            %parallel_loop3A_2312 = arith.constant 48 : index
            %parallel_loop3A_2313 = tpu.vector_load %arg16[%parallel_loop3A_2311, %parallel_loop3A_2312] {strides = array<i32>} : memref<64x128xf32, #tpu.memory_space<vmem>>, vector<1x16xf32>,
            %parallel_loop3A_2314 = vector.shape_cast %parallel_loop3A_2313 : vector<1x16xf32> to vector<16xf32>
            %parallel_loop3A_2315 = vector.shape_cast %parallel_loop3A_2310 : vector<16xf32> to vector<1x16xf32>
            tpu.vector_store %arg16[%parallel_loop3A_2311, %parallel_loop3A_2312], %parallel_loop3A_2315 {strides = array<i32>} : memref<64x128xf32, #tpu.memory_space<vmem>>, vector<1x16xf32>,
            %parallel_loop3A_2316 = arith.index_cast %parallel_loop3A_2182 : i32 to index
            %parallel_loop3A_2317 = arith.constant 32 : index
            %parallel_loop3A_2318 = tpu.vector_load %arg14[%parallel_loop3A_2316, %parallel_loop3A_2317] {strides = array<i32>} : memref<128x64xi32, #tpu.memory_space<vmem>>, vector<1x16xi32>,
            %parallel_loop3A_2319 = vector.shape_cast %parallel_loop3A_2318 : vector<1x16xi32> to vector<16xi32>
            %parallel_loop3A_2320 = arith.index_cast %parallel_loop3A_2182 : i32 to index
            %parallel_loop3A_2321 = arith.constant 32 : index
            %parallel_loop3A_2322 = tpu.vector_load %arg15[%parallel_loop3A_2320, %parallel_loop3A_2321] {strides = array<i32>} : memref<128x64xi32, #tpu.memory_space<vmem>>, vector<1x16xi32>,
            %parallel_loop3A_2323 = vector.shape_cast %parallel_loop3A_2322 : vector<1x16xi32> to vector<16xi32>
            %parallel_loop3A_2324 = arith.constant 16 : i32
            %parallel_loop3A_2325 = vector.broadcast %parallel_loop3A_2324 : i32 to vector<16xi32>
            %parallel_loop3A_2326 = arith.shli %parallel_loop3A_2319, %parallel_loop3A_2325 : vector<16xi32>
            %parallel_loop3A_2327 = tpu.bitcast %parallel_loop3A_2326 : vector<16xi32> -> vector<16xf32>
            %parallel_loop3A_2328 = arith.constant -65536 : i32
            %parallel_loop3A_2329 = vector.broadcast %parallel_loop3A_2328 : i32 to vector<16xi32>
            %parallel_loop3A_2330 = arith.andi %parallel_loop3A_2319, %parallel_loop3A_2329 : vector<16xi32>
            %parallel_loop3A_2331 = tpu.bitcast %parallel_loop3A_2330 : vector<16xi32> -> vector<16xf32>
            %parallel_loop3A_2332 = arith.constant 16 : i32
            %parallel_loop3A_2333 = vector.broadcast %parallel_loop3A_2332 : i32 to vector<16xi32>
            %parallel_loop3A_2334 = arith.shli %parallel_loop3A_2323, %parallel_loop3A_2333 : vector<16xi32>
            %parallel_loop3A_2335 = tpu.bitcast %parallel_loop3A_2334 : vector<16xi32> -> vector<16xf32>
            %parallel_loop3A_2336 = arith.constant -65536 : i32
            %parallel_loop3A_2337 = vector.broadcast %parallel_loop3A_2336 : i32 to vector<16xi32>
            %parallel_loop3A_2338 = arith.andi %parallel_loop3A_2323, %parallel_loop3A_2337 : vector<16xi32>
            %parallel_loop3A_2339 = tpu.bitcast %parallel_loop3A_2338 : vector<16xi32> -> vector<16xf32>
            %parallel_loop3A_2340 = arith.addf %parallel_loop3A_2327, %parallel_loop3A_2335 : vector<16xf32>
            %parallel_loop3A_2341 = vector.broadcast %parallel_loop3A_2191 : f32 to vector<16xf32>
            %parallel_loop3A_2342 = arith.mulf %parallel_loop3A_2341, %parallel_loop3A_213 : vector<16xf32>
            %parallel_loop3A_2343 = arith.addf %parallel_loop3A_2340, %parallel_loop3A_2342 : vector<16xf32>
            %parallel_loop3A_2344 = vector.broadcast %parallel_loop3A_2193 : f32 to vector<16xf32>
            %parallel_loop3A_2345 = arith.mulf %parallel_loop3A_2344, %parallel_loop3A_253 : vector<16xf32>
            %parallel_loop3A_2346 = arith.addf %parallel_loop3A_2343, %parallel_loop3A_2345 : vector<16xf32>
            %parallel_loop3A_2347 = vector.broadcast %parallel_loop3A_2195 : f32 to vector<16xf32>
            %parallel_loop3A_2348 = arith.mulf %parallel_loop3A_2347, %parallel_loop3A_293 : vector<16xf32>
            %parallel_loop3A_2349 = arith.addf %parallel_loop3A_2346, %parallel_loop3A_2348 : vector<16xf32>
            %parallel_loop3A_2350 = arith.addf %parallel_loop3A_2331, %parallel_loop3A_2339 : vector<16xf32>
            %parallel_loop3A_2351 = vector.broadcast %parallel_loop3A_2191 : f32 to vector<16xf32>
            %parallel_loop3A_2352 = arith.mulf %parallel_loop3A_2351, %parallel_loop3A_218 : vector<16xf32>
            %parallel_loop3A_2353 = arith.addf %parallel_loop3A_2350, %parallel_loop3A_2352 : vector<16xf32>
            %parallel_loop3A_2354 = vector.broadcast %parallel_loop3A_2193 : f32 to vector<16xf32>
            %parallel_loop3A_2355 = arith.mulf %parallel_loop3A_2354, %parallel_loop3A_258 : vector<16xf32>
            %parallel_loop3A_2356 = arith.addf %parallel_loop3A_2353, %parallel_loop3A_2355 : vector<16xf32>
            %parallel_loop3A_2357 = vector.broadcast %parallel_loop3A_2195 : f32 to vector<16xf32>
            %parallel_loop3A_2358 = arith.mulf %parallel_loop3A_2357, %parallel_loop3A_298 : vector<16xf32>
            %parallel_loop3A_2359 = arith.addf %parallel_loop3A_2356, %parallel_loop3A_2358 : vector<16xf32>
            %parallel_loop3A_2360 = arith.constant 0.000000e+00 : f32
            %parallel_loop3A_2361 = vector.broadcast %parallel_loop3A_2360 : f32 to vector<16xf32>
            %parallel_loop3A_2362 = arith.maximumf %parallel_loop3A_2349, %parallel_loop3A_2361 : vector<16xf32>
            %parallel_loop3A_2363 = arith.index_cast %parallel_loop3A_2189 : i32 to index
            %parallel_loop3A_2364 = arith.constant 64 : index
            %parallel_loop3A_2365 = tpu.vector_load %arg16[%parallel_loop3A_2363, %parallel_loop3A_2364] {strides = array<i32>} : memref<64x128xf32, #tpu.memory_space<vmem>>, vector<1x16xf32>,
            %parallel_loop3A_2366 = vector.shape_cast %parallel_loop3A_2365 : vector<1x16xf32> to vector<16xf32>
            %parallel_loop3A_2367 = vector.shape_cast %parallel_loop3A_2362 : vector<16xf32> to vector<1x16xf32>
            tpu.vector_store %arg16[%parallel_loop3A_2363, %parallel_loop3A_2364], %parallel_loop3A_2367 {strides = array<i32>} : memref<64x128xf32, #tpu.memory_space<vmem>>, vector<1x16xf32>,
            %parallel_loop3A_2368 = arith.constant 0.000000e+00 : f32
            %parallel_loop3A_2369 = vector.broadcast %parallel_loop3A_2368 : f32 to vector<16xf32>
            %parallel_loop3A_2370 = arith.maximumf %parallel_loop3A_2359, %parallel_loop3A_2369 : vector<16xf32>
            %parallel_loop3A_2371 = arith.index_cast %parallel_loop3A_2189 : i32 to index
            %parallel_loop3A_2372 = arith.constant 80 : index
            %parallel_loop3A_2373 = tpu.vector_load %arg16[%parallel_loop3A_2371, %parallel_loop3A_2372] {strides = array<i32>} : memref<64x128xf32, #tpu.memory_space<vmem>>, vector<1x16xf32>,
            %parallel_loop3A_2374 = vector.shape_cast %parallel_loop3A_2373 : vector<1x16xf32> to vector<16xf32>
            %parallel_loop3A_2375 = vector.shape_cast %parallel_loop3A_2370 : vector<16xf32> to vector<1x16xf32>
            tpu.vector_store %arg16[%parallel_loop3A_2371, %parallel_loop3A_2372], %parallel_loop3A_2375 {strides = array<i32>} : memref<64x128xf32, #tpu.memory_space<vmem>>, vector<1x16xf32>,
            %parallel_loop3A_2376 = arith.index_cast %parallel_loop3A_2182 : i32 to index
            %parallel_loop3A_2377 = arith.constant 48 : index
            %parallel_loop3A_2378 = tpu.vector_load %arg14[%parallel_loop3A_2376, %parallel_loop3A_2377] {strides = array<i32>} : memref<128x64xi32, #tpu.memory_space<vmem>>, vector<1x16xi32>,
            %parallel_loop3A_2379 = vector.shape_cast %parallel_loop3A_2378 : vector<1x16xi32> to vector<16xi32>
            %parallel_loop3A_2380 = arith.index_cast %parallel_loop3A_2182 : i32 to index
            %parallel_loop3A_2381 = arith.constant 48 : index
            %parallel_loop3A_2382 = tpu.vector_load %arg15[%parallel_loop3A_2380, %parallel_loop3A_2381] {strides = array<i32>} : memref<128x64xi32, #tpu.memory_space<vmem>>, vector<1x16xi32>,
            %parallel_loop3A_2383 = vector.shape_cast %parallel_loop3A_2382 : vector<1x16xi32> to vector<16xi32>
            %parallel_loop3A_2384 = arith.constant 16 : i32
            %parallel_loop3A_2385 = vector.broadcast %parallel_loop3A_2384 : i32 to vector<16xi32>
            %parallel_loop3A_2386 = arith.shli %parallel_loop3A_2379, %parallel_loop3A_2385 : vector<16xi32>
            %parallel_loop3A_2387 = tpu.bitcast %parallel_loop3A_2386 : vector<16xi32> -> vector<16xf32>
            %parallel_loop3A_2388 = arith.constant -65536 : i32
            %parallel_loop3A_2389 = vector.broadcast %parallel_loop3A_2388 : i32 to vector<16xi32>
            %parallel_loop3A_2390 = arith.andi %parallel_loop3A_2379, %parallel_loop3A_2389 : vector<16xi32>
            %parallel_loop3A_2391 = tpu.bitcast %parallel_loop3A_2390 : vector<16xi32> -> vector<16xf32>
            %parallel_loop3A_2392 = arith.constant 16 : i32
            %parallel_loop3A_2393 = vector.broadcast %parallel_loop3A_2392 : i32 to vector<16xi32>
            %parallel_loop3A_2394 = arith.shli %parallel_loop3A_2383, %parallel_loop3A_2393 : vector<16xi32>
            %parallel_loop3A_2395 = tpu.bitcast %parallel_loop3A_2394 : vector<16xi32> -> vector<16xf32>
            %parallel_loop3A_2396 = arith.constant -65536 : i32
            %parallel_loop3A_2397 = vector.broadcast %parallel_loop3A_2396 : i32 to vector<16xi32>
            %parallel_loop3A_2398 = arith.andi %parallel_loop3A_2383, %parallel_loop3A_2397 : vector<16xi32>
            %parallel_loop3A_2399 = tpu.bitcast %parallel_loop3A_2398 : vector<16xi32> -> vector<16xf32>
            %parallel_loop3A_2400 = arith.addf %parallel_loop3A_2387, %parallel_loop3A_2395 : vector<16xf32>
            %parallel_loop3A_2401 = vector.broadcast %parallel_loop3A_2191 : f32 to vector<16xf32>
            %parallel_loop3A_2402 = arith.mulf %parallel_loop3A_2401, %parallel_loop3A_223 : vector<16xf32>
            %parallel_loop3A_2403 = arith.addf %parallel_loop3A_2400, %parallel_loop3A_2402 : vector<16xf32>
            %parallel_loop3A_2404 = vector.broadcast %parallel_loop3A_2193 : f32 to vector<16xf32>
            %parallel_loop3A_2405 = arith.mulf %parallel_loop3A_2404, %parallel_loop3A_263 : vector<16xf32>
            %parallel_loop3A_2406 = arith.addf %parallel_loop3A_2403, %parallel_loop3A_2405 : vector<16xf32>
            %parallel_loop3A_2407 = vector.broadcast %parallel_loop3A_2195 : f32 to vector<16xf32>
            %parallel_loop3A_2408 = arith.mulf %parallel_loop3A_2407, %parallel_loop3A_303 : vector<16xf32>
            %parallel_loop3A_2409 = arith.addf %parallel_loop3A_2406, %parallel_loop3A_2408 : vector<16xf32>
            %parallel_loop3A_2410 = arith.addf %parallel_loop3A_2391, %parallel_loop3A_2399 : vector<16xf32>
            %parallel_loop3A_2411 = vector.broadcast %parallel_loop3A_2191 : f32 to vector<16xf32>
            %parallel_loop3A_2412 = arith.mulf %parallel_loop3A_2411, %parallel_loop3A_228 : vector<16xf32>
            %parallel_loop3A_2413 = arith.addf %parallel_loop3A_2410, %parallel_loop3A_2412 : vector<16xf32>
            %parallel_loop3A_2414 = vector.broadcast %parallel_loop3A_2193 : f32 to vector<16xf32>
            %parallel_loop3A_2415 = arith.mulf %parallel_loop3A_2414, %parallel_loop3A_268 : vector<16xf32>
            %parallel_loop3A_2416 = arith.addf %parallel_loop3A_2413, %parallel_loop3A_2415 : vector<16xf32>
            %parallel_loop3A_2417 = vector.broadcast %parallel_loop3A_2195 : f32 to vector<16xf32>
            %parallel_loop3A_2418 = arith.mulf %parallel_loop3A_2417, %parallel_loop3A_308 : vector<16xf32>
            %parallel_loop3A_2419 = arith.addf %parallel_loop3A_2416, %parallel_loop3A_2418 : vector<16xf32>
            %parallel_loop3A_2420 = arith.constant 0.000000e+00 : f32
            %parallel_loop3A_2421 = vector.broadcast %parallel_loop3A_2420 : f32 to vector<16xf32>
            %parallel_loop3A_2422 = arith.maximumf %parallel_loop3A_2409, %parallel_loop3A_2421 : vector<16xf32>
            %parallel_loop3A_2423 = arith.index_cast %parallel_loop3A_2189 : i32 to index
            %parallel_loop3A_2424 = arith.constant 96 : index
            %parallel_loop3A_2425 = tpu.vector_load %arg16[%parallel_loop3A_2423, %parallel_loop3A_2424] {strides = array<i32>} : memref<64x128xf32, #tpu.memory_space<vmem>>, vector<1x16xf32>,
            %parallel_loop3A_2426 = vector.shape_cast %parallel_loop3A_2425 : vector<1x16xf32> to vector<16xf32>
            %parallel_loop3A_2427 = vector.shape_cast %parallel_loop3A_2422 : vector<16xf32> to vector<1x16xf32>
            tpu.vector_store %arg16[%parallel_loop3A_2423, %parallel_loop3A_2424], %parallel_loop3A_2427 {strides = array<i32>} : memref<64x128xf32, #tpu.memory_space<vmem>>, vector<1x16xf32>,
            %parallel_loop3A_2428 = arith.constant 0.000000e+00 : f32
            %parallel_loop3A_2429 = vector.broadcast %parallel_loop3A_2428 : f32 to vector<16xf32>
            %parallel_loop3A_2430 = arith.maximumf %parallel_loop3A_2419, %parallel_loop3A_2429 : vector<16xf32>
            %parallel_loop3A_2431 = arith.index_cast %parallel_loop3A_2189 : i32 to index
            %parallel_loop3A_2432 = arith.constant 112 : index
            %parallel_loop3A_2433 = tpu.vector_load %arg16[%parallel_loop3A_2431, %parallel_loop3A_2432] {strides = array<i32>} : memref<64x128xf32, #tpu.memory_space<vmem>>, vector<1x16xf32>,
            %parallel_loop3A_2434 = vector.shape_cast %parallel_loop3A_2433 : vector<1x16xf32> to vector<16xf32>
            %parallel_loop3A_2435 = vector.shape_cast %parallel_loop3A_2430 : vector<16xf32> to vector<1x16xf32>
            tpu.vector_store %arg16[%parallel_loop3A_2431, %parallel_loop3A_2432], %parallel_loop3A_2435 {strides = array<i32>} : memref<64x128xf32, #tpu.memory_space<vmem>>, vector<1x16xf32>,
            %parallel_loop3A_2436 = arith.constant 64 : i32
            %parallel_loop3A_2437 = arith.muli %select_n3A_131, %parallel_loop3A_2436 : i32
            %parallel_loop3A_2438 = arith.constant 32 : i32
            %parallel_loop3A_2439 = arith.muli %scan3A_165, %parallel_loop3A_2438 : i32
            %parallel_loop3A_2440 = arith.addi %parallel_loop3A_2437, %parallel_loop3A_2439 : i32
            %parallel_loop3A_2441 = arith.constant 16 : i32
            %parallel_loop3A_2442 = arith.muli %parallel_loop3A_188, %parallel_loop3A_2441 : i32
            %parallel_loop3A_2443 = arith.addi %parallel_loop3A_2440, %parallel_loop3A_2442 : i32
            %parallel_loop3A_2444 = arith.constant 8 : i32
            %parallel_loop3A_2445 = arith.addi %parallel_loop3A_2443, %parallel_loop3A_2444 : i32
            %parallel_loop3A_2446 = arith.constant 32 : i32
            %parallel_loop3A_2447 = arith.muli %scan3A_165, %parallel_loop3A_2446 : i32
            %parallel_loop3A_2448 = arith.constant 16 : i32
            %parallel_loop3A_2449 = arith.muli %parallel_loop3A_188, %parallel_loop3A_2448 : i32
            %parallel_loop3A_2450 = arith.addi %parallel_loop3A_2447, %parallel_loop3A_2449 : i32
            %parallel_loop3A_2451 = arith.constant 8 : i32
            %parallel_loop3A_2452 = arith.addi %parallel_loop3A_2450, %parallel_loop3A_2451 : i32
            %parallel_loop3A_2453 = vector.extract_strided_slice %parallel_loop3A_321 {offsets = [8], sizes = [1], strides = [1]} : vector<16xf32> to vector<1xf32>
            %parallel_loop3A_2454 = vector.extract %parallel_loop3A_2453[0] : f32 from vector<1xf32>
            %parallel_loop3A_2455 = vector.extract_strided_slice %parallel_loop3A_326 {offsets = [8], sizes = [1], strides = [1]} : vector<16xf32> to vector<1xf32>
            %parallel_loop3A_2456 = vector.extract %parallel_loop3A_2455[0] : f32 from vector<1xf32>
            %parallel_loop3A_2457 = vector.extract_strided_slice %parallel_loop3A_331 {offsets = [8], sizes = [1], strides = [1]} : vector<16xf32> to vector<1xf32>
            %parallel_loop3A_2458 = vector.extract %parallel_loop3A_2457[0] : f32 from vector<1xf32>
            %parallel_loop3A_2459 = arith.index_cast %parallel_loop3A_2445 : i32 to index
            %parallel_loop3A_2460 = arith.constant 0 : index
            %parallel_loop3A_2461 = tpu.vector_load %arg14[%parallel_loop3A_2459, %parallel_loop3A_2460] {strides = array<i32>} : memref<128x64xi32, #tpu.memory_space<vmem>>, vector<1x16xi32>,
            %parallel_loop3A_2462 = vector.shape_cast %parallel_loop3A_2461 : vector<1x16xi32> to vector<16xi32>
            %parallel_loop3A_2463 = arith.index_cast %parallel_loop3A_2445 : i32 to index
            %parallel_loop3A_2464 = arith.constant 0 : index
            %parallel_loop3A_2465 = tpu.vector_load %arg15[%parallel_loop3A_2463, %parallel_loop3A_2464] {strides = array<i32>} : memref<128x64xi32, #tpu.memory_space<vmem>>, vector<1x16xi32>,
            %parallel_loop3A_2466 = vector.shape_cast %parallel_loop3A_2465 : vector<1x16xi32> to vector<16xi32>
            %parallel_loop3A_2467 = arith.constant 16 : i32
            %parallel_loop3A_2468 = vector.broadcast %parallel_loop3A_2467 : i32 to vector<16xi32>
            %parallel_loop3A_2469 = arith.shli %parallel_loop3A_2462, %parallel_loop3A_2468 : vector<16xi32>
            %parallel_loop3A_2470 = tpu.bitcast %parallel_loop3A_2469 : vector<16xi32> -> vector<16xf32>
            %parallel_loop3A_2471 = arith.constant -65536 : i32
            %parallel_loop3A_2472 = vector.broadcast %parallel_loop3A_2471 : i32 to vector<16xi32>
            %parallel_loop3A_2473 = arith.andi %parallel_loop3A_2462, %parallel_loop3A_2472 : vector<16xi32>
            %parallel_loop3A_2474 = tpu.bitcast %parallel_loop3A_2473 : vector<16xi32> -> vector<16xf32>
            %parallel_loop3A_2475 = arith.constant 16 : i32
            %parallel_loop3A_2476 = vector.broadcast %parallel_loop3A_2475 : i32 to vector<16xi32>
            %parallel_loop3A_2477 = arith.shli %parallel_loop3A_2466, %parallel_loop3A_2476 : vector<16xi32>
            %parallel_loop3A_2478 = tpu.bitcast %parallel_loop3A_2477 : vector<16xi32> -> vector<16xf32>
            %parallel_loop3A_2479 = arith.constant -65536 : i32
            %parallel_loop3A_2480 = vector.broadcast %parallel_loop3A_2479 : i32 to vector<16xi32>
            %parallel_loop3A_2481 = arith.andi %parallel_loop3A_2466, %parallel_loop3A_2480 : vector<16xi32>
            %parallel_loop3A_2482 = tpu.bitcast %parallel_loop3A_2481 : vector<16xi32> -> vector<16xf32>
            %parallel_loop3A_2483 = arith.addf %parallel_loop3A_2470, %parallel_loop3A_2478 : vector<16xf32>
            %parallel_loop3A_2484 = vector.broadcast %parallel_loop3A_2454 : f32 to vector<16xf32>
            %parallel_loop3A_2485 = arith.mulf %parallel_loop3A_2484, %parallel_loop3A_193 : vector<16xf32>
            %parallel_loop3A_2486 = arith.addf %parallel_loop3A_2483, %parallel_loop3A_2485 : vector<16xf32>
            %parallel_loop3A_2487 = vector.broadcast %parallel_loop3A_2456 : f32 to vector<16xf32>
            %parallel_loop3A_2488 = arith.mulf %parallel_loop3A_2487, %parallel_loop3A_233 : vector<16xf32>
            %parallel_loop3A_2489 = arith.addf %parallel_loop3A_2486, %parallel_loop3A_2488 : vector<16xf32>
            %parallel_loop3A_2490 = vector.broadcast %parallel_loop3A_2458 : f32 to vector<16xf32>
            %parallel_loop3A_2491 = arith.mulf %parallel_loop3A_2490, %parallel_loop3A_273 : vector<16xf32>
            %parallel_loop3A_2492 = arith.addf %parallel_loop3A_2489, %parallel_loop3A_2491 : vector<16xf32>
            %parallel_loop3A_2493 = arith.addf %parallel_loop3A_2474, %parallel_loop3A_2482 : vector<16xf32>
            %parallel_loop3A_2494 = vector.broadcast %parallel_loop3A_2454 : f32 to vector<16xf32>
            %parallel_loop3A_2495 = arith.mulf %parallel_loop3A_2494, %parallel_loop3A_198 : vector<16xf32>
            %parallel_loop3A_2496 = arith.addf %parallel_loop3A_2493, %parallel_loop3A_2495 : vector<16xf32>
            %parallel_loop3A_2497 = vector.broadcast %parallel_loop3A_2456 : f32 to vector<16xf32>
            %parallel_loop3A_2498 = arith.mulf %parallel_loop3A_2497, %parallel_loop3A_238 : vector<16xf32>
            %parallel_loop3A_2499 = arith.addf %parallel_loop3A_2496, %parallel_loop3A_2498 : vector<16xf32>
            %parallel_loop3A_2500 = vector.broadcast %parallel_loop3A_2458 : f32 to vector<16xf32>
            %parallel_loop3A_2501 = arith.mulf %parallel_loop3A_2500, %parallel_loop3A_278 : vector<16xf32>
            %parallel_loop3A_2502 = arith.addf %parallel_loop3A_2499, %parallel_loop3A_2501 : vector<16xf32>
            %parallel_loop3A_2503 = arith.constant 0.000000e+00 : f32
            %parallel_loop3A_2504 = vector.broadcast %parallel_loop3A_2503 : f32 to vector<16xf32>
            %parallel_loop3A_2505 = arith.maximumf %parallel_loop3A_2492, %parallel_loop3A_2504 : vector<16xf32>
            %parallel_loop3A_2506 = arith.index_cast %parallel_loop3A_2452 : i32 to index
            %parallel_loop3A_2507 = arith.constant 0 : index
            %parallel_loop3A_2508 = tpu.vector_load %arg16[%parallel_loop3A_2506, %parallel_loop3A_2507] {strides = array<i32>} : memref<64x128xf32, #tpu.memory_space<vmem>>, vector<1x16xf32>,
            %parallel_loop3A_2509 = vector.shape_cast %parallel_loop3A_2508 : vector<1x16xf32> to vector<16xf32>
            %parallel_loop3A_2510 = vector.shape_cast %parallel_loop3A_2505 : vector<16xf32> to vector<1x16xf32>
            tpu.vector_store %arg16[%parallel_loop3A_2506, %parallel_loop3A_2507], %parallel_loop3A_2510 {strides = array<i32>} : memref<64x128xf32, #tpu.memory_space<vmem>>, vector<1x16xf32>,
            %parallel_loop3A_2511 = arith.constant 0.000000e+00 : f32
            %parallel_loop3A_2512 = vector.broadcast %parallel_loop3A_2511 : f32 to vector<16xf32>
            %parallel_loop3A_2513 = arith.maximumf %parallel_loop3A_2502, %parallel_loop3A_2512 : vector<16xf32>
            %parallel_loop3A_2514 = arith.index_cast %parallel_loop3A_2452 : i32 to index
            %parallel_loop3A_2515 = arith.constant 16 : index
            %parallel_loop3A_2516 = tpu.vector_load %arg16[%parallel_loop3A_2514, %parallel_loop3A_2515] {strides = array<i32>} : memref<64x128xf32, #tpu.memory_space<vmem>>, vector<1x16xf32>,
            %parallel_loop3A_2517 = vector.shape_cast %parallel_loop3A_2516 : vector<1x16xf32> to vector<16xf32>
            %parallel_loop3A_2518 = vector.shape_cast %parallel_loop3A_2513 : vector<16xf32> to vector<1x16xf32>
            tpu.vector_store %arg16[%parallel_loop3A_2514, %parallel_loop3A_2515], %parallel_loop3A_2518 {strides = array<i32>} : memref<64x128xf32, #tpu.memory_space<vmem>>, vector<1x16xf32>,
            %parallel_loop3A_2519 = arith.index_cast %parallel_loop3A_2445 : i32 to index
            %parallel_loop3A_2520 = arith.constant 16 : index
            %parallel_loop3A_2521 = tpu.vector_load %arg14[%parallel_loop3A_2519, %parallel_loop3A_2520] {strides = array<i32>} : memref<128x64xi32, #tpu.memory_space<vmem>>, vector<1x16xi32>,
            %parallel_loop3A_2522 = vector.shape_cast %parallel_loop3A_2521 : vector<1x16xi32> to vector<16xi32>
            %parallel_loop3A_2523 = arith.index_cast %parallel_loop3A_2445 : i32 to index
            %parallel_loop3A_2524 = arith.constant 16 : index
            %parallel_loop3A_2525 = tpu.vector_load %arg15[%parallel_loop3A_2523, %parallel_loop3A_2524] {strides = array<i32>} : memref<128x64xi32, #tpu.memory_space<vmem>>, vector<1x16xi32>,
            %parallel_loop3A_2526 = vector.shape_cast %parallel_loop3A_2525 : vector<1x16xi32> to vector<16xi32>
            %parallel_loop3A_2527 = arith.constant 16 : i32
            %parallel_loop3A_2528 = vector.broadcast %parallel_loop3A_2527 : i32 to vector<16xi32>
            %parallel_loop3A_2529 = arith.shli %parallel_loop3A_2522, %parallel_loop3A_2528 : vector<16xi32>
            %parallel_loop3A_2530 = tpu.bitcast %parallel_loop3A_2529 : vector<16xi32> -> vector<16xf32>
            %parallel_loop3A_2531 = arith.constant -65536 : i32
            %parallel_loop3A_2532 = vector.broadcast %parallel_loop3A_2531 : i32 to vector<16xi32>
            %parallel_loop3A_2533 = arith.andi %parallel_loop3A_2522, %parallel_loop3A_2532 : vector<16xi32>
            %parallel_loop3A_2534 = tpu.bitcast %parallel_loop3A_2533 : vector<16xi32> -> vector<16xf32>
            %parallel_loop3A_2535 = arith.constant 16 : i32
            %parallel_loop3A_2536 = vector.broadcast %parallel_loop3A_2535 : i32 to vector<16xi32>
            %parallel_loop3A_2537 = arith.shli %parallel_loop3A_2526, %parallel_loop3A_2536 : vector<16xi32>
            %parallel_loop3A_2538 = tpu.bitcast %parallel_loop3A_2537 : vector<16xi32> -> vector<16xf32>
            %parallel_loop3A_2539 = arith.constant -65536 : i32
            %parallel_loop3A_2540 = vector.broadcast %parallel_loop3A_2539 : i32 to vector<16xi32>
            %parallel_loop3A_2541 = arith.andi %parallel_loop3A_2526, %parallel_loop3A_2540 : vector<16xi32>
            %parallel_loop3A_2542 = tpu.bitcast %parallel_loop3A_2541 : vector<16xi32> -> vector<16xf32>
            %parallel_loop3A_2543 = arith.addf %parallel_loop3A_2530, %parallel_loop3A_2538 : vector<16xf32>
            %parallel_loop3A_2544 = vector.broadcast %parallel_loop3A_2454 : f32 to vector<16xf32>
            %parallel_loop3A_2545 = arith.mulf %parallel_loop3A_2544, %parallel_loop3A_203 : vector<16xf32>
            %parallel_loop3A_2546 = arith.addf %parallel_loop3A_2543, %parallel_loop3A_2545 : vector<16xf32>
            %parallel_loop3A_2547 = vector.broadcast %parallel_loop3A_2456 : f32 to vector<16xf32>
            %parallel_loop3A_2548 = arith.mulf %parallel_loop3A_2547, %parallel_loop3A_243 : vector<16xf32>
            %parallel_loop3A_2549 = arith.addf %parallel_loop3A_2546, %parallel_loop3A_2548 : vector<16xf32>
            %parallel_loop3A_2550 = vector.broadcast %parallel_loop3A_2458 : f32 to vector<16xf32>
            %parallel_loop3A_2551 = arith.mulf %parallel_loop3A_2550, %parallel_loop3A_283 : vector<16xf32>
            %parallel_loop3A_2552 = arith.addf %parallel_loop3A_2549, %parallel_loop3A_2551 : vector<16xf32>
            %parallel_loop3A_2553 = arith.addf %parallel_loop3A_2534, %parallel_loop3A_2542 : vector<16xf32>
            %parallel_loop3A_2554 = vector.broadcast %parallel_loop3A_2454 : f32 to vector<16xf32>
            %parallel_loop3A_2555 = arith.mulf %parallel_loop3A_2554, %parallel_loop3A_208 : vector<16xf32>
            %parallel_loop3A_2556 = arith.addf %parallel_loop3A_2553, %parallel_loop3A_2555 : vector<16xf32>
            %parallel_loop3A_2557 = vector.broadcast %parallel_loop3A_2456 : f32 to vector<16xf32>
            %parallel_loop3A_2558 = arith.mulf %parallel_loop3A_2557, %parallel_loop3A_248 : vector<16xf32>
            %parallel_loop3A_2559 = arith.addf %parallel_loop3A_2556, %parallel_loop3A_2558 : vector<16xf32>
            %parallel_loop3A_2560 = vector.broadcast %parallel_loop3A_2458 : f32 to vector<16xf32>
            %parallel_loop3A_2561 = arith.mulf %parallel_loop3A_2560, %parallel_loop3A_288 : vector<16xf32>
            %parallel_loop3A_2562 = arith.addf %parallel_loop3A_2559, %parallel_loop3A_2561 : vector<16xf32>
            %parallel_loop3A_2563 = arith.constant 0.000000e+00 : f32
            %parallel_loop3A_2564 = vector.broadcast %parallel_loop3A_2563 : f32 to vector<16xf32>
            %parallel_loop3A_2565 = arith.maximumf %parallel_loop3A_2552, %parallel_loop3A_2564 : vector<16xf32>
            %parallel_loop3A_2566 = arith.index_cast %parallel_loop3A_2452 : i32 to index
            %parallel_loop3A_2567 = arith.constant 32 : index
            %parallel_loop3A_2568 = tpu.vector_load %arg16[%parallel_loop3A_2566, %parallel_loop3A_2567] {strides = array<i32>} : memref<64x128xf32, #tpu.memory_space<vmem>>, vector<1x16xf32>,
            %parallel_loop3A_2569 = vector.shape_cast %parallel_loop3A_2568 : vector<1x16xf32> to vector<16xf32>
            %parallel_loop3A_2570 = vector.shape_cast %parallel_loop3A_2565 : vector<16xf32> to vector<1x16xf32>
            tpu.vector_store %arg16[%parallel_loop3A_2566, %parallel_loop3A_2567], %parallel_loop3A_2570 {strides = array<i32>} : memref<64x128xf32, #tpu.memory_space<vmem>>, vector<1x16xf32>,
            %parallel_loop3A_2571 = arith.constant 0.000000e+00 : f32
            %parallel_loop3A_2572 = vector.broadcast %parallel_loop3A_2571 : f32 to vector<16xf32>
            %parallel_loop3A_2573 = arith.maximumf %parallel_loop3A_2562, %parallel_loop3A_2572 : vector<16xf32>
            %parallel_loop3A_2574 = arith.index_cast %parallel_loop3A_2452 : i32 to index
            %parallel_loop3A_2575 = arith.constant 48 : index
            %parallel_loop3A_2576 = tpu.vector_load %arg16[%parallel_loop3A_2574, %parallel_loop3A_2575] {strides = array<i32>} : memref<64x128xf32, #tpu.memory_space<vmem>>, vector<1x16xf32>,
            %parallel_loop3A_2577 = vector.shape_cast %parallel_loop3A_2576 : vector<1x16xf32> to vector<16xf32>
            %parallel_loop3A_2578 = vector.shape_cast %parallel_loop3A_2573 : vector<16xf32> to vector<1x16xf32>
            tpu.vector_store %arg16[%parallel_loop3A_2574, %parallel_loop3A_2575], %parallel_loop3A_2578 {strides = array<i32>} : memref<64x128xf32, #tpu.memory_space<vmem>>, vector<1x16xf32>,
            %parallel_loop3A_2579 = arith.index_cast %parallel_loop3A_2445 : i32 to index
            %parallel_loop3A_2580 = arith.constant 32 : index
            %parallel_loop3A_2581 = tpu.vector_load %arg14[%parallel_loop3A_2579, %parallel_loop3A_2580] {strides = array<i32>} : memref<128x64xi32, #tpu.memory_space<vmem>>, vector<1x16xi32>,
            %parallel_loop3A_2582 = vector.shape_cast %parallel_loop3A_2581 : vector<1x16xi32> to vector<16xi32>
            %parallel_loop3A_2583 = arith.index_cast %parallel_loop3A_2445 : i32 to index
            %parallel_loop3A_2584 = arith.constant 32 : index
            %parallel_loop3A_2585 = tpu.vector_load %arg15[%parallel_loop3A_2583, %parallel_loop3A_2584] {strides = array<i32>} : memref<128x64xi32, #tpu.memory_space<vmem>>, vector<1x16xi32>,
            %parallel_loop3A_2586 = vector.shape_cast %parallel_loop3A_2585 : vector<1x16xi32> to vector<16xi32>
            %parallel_loop3A_2587 = arith.constant 16 : i32
            %parallel_loop3A_2588 = vector.broadcast %parallel_loop3A_2587 : i32 to vector<16xi32>
            %parallel_loop3A_2589 = arith.shli %parallel_loop3A_2582, %parallel_loop3A_2588 : vector<16xi32>
            %parallel_loop3A_2590 = tpu.bitcast %parallel_loop3A_2589 : vector<16xi32> -> vector<16xf32>
            %parallel_loop3A_2591 = arith.constant -65536 : i32
            %parallel_loop3A_2592 = vector.broadcast %parallel_loop3A_2591 : i32 to vector<16xi32>
            %parallel_loop3A_2593 = arith.andi %parallel_loop3A_2582, %parallel_loop3A_2592 : vector<16xi32>
            %parallel_loop3A_2594 = tpu.bitcast %parallel_loop3A_2593 : vector<16xi32> -> vector<16xf32>
            %parallel_loop3A_2595 = arith.constant 16 : i32
            %parallel_loop3A_2596 = vector.broadcast %parallel_loop3A_2595 : i32 to vector<16xi32>
            %parallel_loop3A_2597 = arith.shli %parallel_loop3A_2586, %parallel_loop3A_2596 : vector<16xi32>
            %parallel_loop3A_2598 = tpu.bitcast %parallel_loop3A_2597 : vector<16xi32> -> vector<16xf32>
            %parallel_loop3A_2599 = arith.constant -65536 : i32
            %parallel_loop3A_2600 = vector.broadcast %parallel_loop3A_2599 : i32 to vector<16xi32>
            %parallel_loop3A_2601 = arith.andi %parallel_loop3A_2586, %parallel_loop3A_2600 : vector<16xi32>
            %parallel_loop3A_2602 = tpu.bitcast %parallel_loop3A_2601 : vector<16xi32> -> vector<16xf32>
            %parallel_loop3A_2603 = arith.addf %parallel_loop3A_2590, %parallel_loop3A_2598 : vector<16xf32>
            %parallel_loop3A_2604 = vector.broadcast %parallel_loop3A_2454 : f32 to vector<16xf32>
            %parallel_loop3A_2605 = arith.mulf %parallel_loop3A_2604, %parallel_loop3A_213 : vector<16xf32>
            %parallel_loop3A_2606 = arith.addf %parallel_loop3A_2603, %parallel_loop3A_2605 : vector<16xf32>
            %parallel_loop3A_2607 = vector.broadcast %parallel_loop3A_2456 : f32 to vector<16xf32>
            %parallel_loop3A_2608 = arith.mulf %parallel_loop3A_2607, %parallel_loop3A_253 : vector<16xf32>
            %parallel_loop3A_2609 = arith.addf %parallel_loop3A_2606, %parallel_loop3A_2608 : vector<16xf32>
            %parallel_loop3A_2610 = vector.broadcast %parallel_loop3A_2458 : f32 to vector<16xf32>
            %parallel_loop3A_2611 = arith.mulf %parallel_loop3A_2610, %parallel_loop3A_293 : vector<16xf32>
            %parallel_loop3A_2612 = arith.addf %parallel_loop3A_2609, %parallel_loop3A_2611 : vector<16xf32>
            %parallel_loop3A_2613 = arith.addf %parallel_loop3A_2594, %parallel_loop3A_2602 : vector<16xf32>
            %parallel_loop3A_2614 = vector.broadcast %parallel_loop3A_2454 : f32 to vector<16xf32>
            %parallel_loop3A_2615 = arith.mulf %parallel_loop3A_2614, %parallel_loop3A_218 : vector<16xf32>
            %parallel_loop3A_2616 = arith.addf %parallel_loop3A_2613, %parallel_loop3A_2615 : vector<16xf32>
            %parallel_loop3A_2617 = vector.broadcast %parallel_loop3A_2456 : f32 to vector<16xf32>
            %parallel_loop3A_2618 = arith.mulf %parallel_loop3A_2617, %parallel_loop3A_258 : vector<16xf32>
            %parallel_loop3A_2619 = arith.addf %parallel_loop3A_2616, %parallel_loop3A_2618 : vector<16xf32>
            %parallel_loop3A_2620 = vector.broadcast %parallel_loop3A_2458 : f32 to vector<16xf32>
            %parallel_loop3A_2621 = arith.mulf %parallel_loop3A_2620, %parallel_loop3A_298 : vector<16xf32>
            %parallel_loop3A_2622 = arith.addf %parallel_loop3A_2619, %parallel_loop3A_2621 : vector<16xf32>
            %parallel_loop3A_2623 = arith.constant 0.000000e+00 : f32
            %parallel_loop3A_2624 = vector.broadcast %parallel_loop3A_2623 : f32 to vector<16xf32>
            %parallel_loop3A_2625 = arith.maximumf %parallel_loop3A_2612, %parallel_loop3A_2624 : vector<16xf32>
            %parallel_loop3A_2626 = arith.index_cast %parallel_loop3A_2452 : i32 to index
            %parallel_loop3A_2627 = arith.constant 64 : index
            %parallel_loop3A_2628 = tpu.vector_load %arg16[%parallel_loop3A_2626, %parallel_loop3A_2627] {strides = array<i32>} : memref<64x128xf32, #tpu.memory_space<vmem>>, vector<1x16xf32>,
            %parallel_loop3A_2629 = vector.shape_cast %parallel_loop3A_2628 : vector<1x16xf32> to vector<16xf32>
            %parallel_loop3A_2630 = vector.shape_cast %parallel_loop3A_2625 : vector<16xf32> to vector<1x16xf32>
            tpu.vector_store %arg16[%parallel_loop3A_2626, %parallel_loop3A_2627], %parallel_loop3A_2630 {strides = array<i32>} : memref<64x128xf32, #tpu.memory_space<vmem>>, vector<1x16xf32>,
            %parallel_loop3A_2631 = arith.constant 0.000000e+00 : f32
            %parallel_loop3A_2632 = vector.broadcast %parallel_loop3A_2631 : f32 to vector<16xf32>
            %parallel_loop3A_2633 = arith.maximumf %parallel_loop3A_2622, %parallel_loop3A_2632 : vector<16xf32>
            %parallel_loop3A_2634 = arith.index_cast %parallel_loop3A_2452 : i32 to index
            %parallel_loop3A_2635 = arith.constant 80 : index
            %parallel_loop3A_2636 = tpu.vector_load %arg16[%parallel_loop3A_2634, %parallel_loop3A_2635] {strides = array<i32>} : memref<64x128xf32, #tpu.memory_space<vmem>>, vector<1x16xf32>,
            %parallel_loop3A_2637 = vector.shape_cast %parallel_loop3A_2636 : vector<1x16xf32> to vector<16xf32>
            %parallel_loop3A_2638 = vector.shape_cast %parallel_loop3A_2633 : vector<16xf32> to vector<1x16xf32>
            tpu.vector_store %arg16[%parallel_loop3A_2634, %parallel_loop3A_2635], %parallel_loop3A_2638 {strides = array<i32>} : memref<64x128xf32, #tpu.memory_space<vmem>>, vector<1x16xf32>,
            %parallel_loop3A_2639 = arith.index_cast %parallel_loop3A_2445 : i32 to index
            %parallel_loop3A_2640 = arith.constant 48 : index
            %parallel_loop3A_2641 = tpu.vector_load %arg14[%parallel_loop3A_2639, %parallel_loop3A_2640] {strides = array<i32>} : memref<128x64xi32, #tpu.memory_space<vmem>>, vector<1x16xi32>,
            %parallel_loop3A_2642 = vector.shape_cast %parallel_loop3A_2641 : vector<1x16xi32> to vector<16xi32>
            %parallel_loop3A_2643 = arith.index_cast %parallel_loop3A_2445 : i32 to index
            %parallel_loop3A_2644 = arith.constant 48 : index
            %parallel_loop3A_2645 = tpu.vector_load %arg15[%parallel_loop3A_2643, %parallel_loop3A_2644] {strides = array<i32>} : memref<128x64xi32, #tpu.memory_space<vmem>>, vector<1x16xi32>,
            %parallel_loop3A_2646 = vector.shape_cast %parallel_loop3A_2645 : vector<1x16xi32> to vector<16xi32>
            %parallel_loop3A_2647 = arith.constant 16 : i32
            %parallel_loop3A_2648 = vector.broadcast %parallel_loop3A_2647 : i32 to vector<16xi32>
            %parallel_loop3A_2649 = arith.shli %parallel_loop3A_2642, %parallel_loop3A_2648 : vector<16xi32>
            %parallel_loop3A_2650 = tpu.bitcast %parallel_loop3A_2649 : vector<16xi32> -> vector<16xf32>
            %parallel_loop3A_2651 = arith.constant -65536 : i32
            %parallel_loop3A_2652 = vector.broadcast %parallel_loop3A_2651 : i32 to vector<16xi32>
            %parallel_loop3A_2653 = arith.andi %parallel_loop3A_2642, %parallel_loop3A_2652 : vector<16xi32>
            %parallel_loop3A_2654 = tpu.bitcast %parallel_loop3A_2653 : vector<16xi32> -> vector<16xf32>
            %parallel_loop3A_2655 = arith.constant 16 : i32
            %parallel_loop3A_2656 = vector.broadcast %parallel_loop3A_2655 : i32 to vector<16xi32>
            %parallel_loop3A_2657 = arith.shli %parallel_loop3A_2646, %parallel_loop3A_2656 : vector<16xi32>
            %parallel_loop3A_2658 = tpu.bitcast %parallel_loop3A_2657 : vector<16xi32> -> vector<16xf32>
            %parallel_loop3A_2659 = arith.constant -65536 : i32
            %parallel_loop3A_2660 = vector.broadcast %parallel_loop3A_2659 : i32 to vector<16xi32>
            %parallel_loop3A_2661 = arith.andi %parallel_loop3A_2646, %parallel_loop3A_2660 : vector<16xi32>
            %parallel_loop3A_2662 = tpu.bitcast %parallel_loop3A_2661 : vector<16xi32> -> vector<16xf32>
            %parallel_loop3A_2663 = arith.addf %parallel_loop3A_2650, %parallel_loop3A_2658 : vector<16xf32>
            %parallel_loop3A_2664 = vector.broadcast %parallel_loop3A_2454 : f32 to vector<16xf32>
            %parallel_loop3A_2665 = arith.mulf %parallel_loop3A_2664, %parallel_loop3A_223 : vector<16xf32>
            %parallel_loop3A_2666 = arith.addf %parallel_loop3A_2663, %parallel_loop3A_2665 : vector<16xf32>
            %parallel_loop3A_2667 = vector.broadcast %parallel_loop3A_2456 : f32 to vector<16xf32>
            %parallel_loop3A_2668 = arith.mulf %parallel_loop3A_2667, %parallel_loop3A_263 : vector<16xf32>
            %parallel_loop3A_2669 = arith.addf %parallel_loop3A_2666, %parallel_loop3A_2668 : vector<16xf32>
            %parallel_loop3A_2670 = vector.broadcast %parallel_loop3A_2458 : f32 to vector<16xf32>
            %parallel_loop3A_2671 = arith.mulf %parallel_loop3A_2670, %parallel_loop3A_303 : vector<16xf32>
            %parallel_loop3A_2672 = arith.addf %parallel_loop3A_2669, %parallel_loop3A_2671 : vector<16xf32>
            %parallel_loop3A_2673 = arith.addf %parallel_loop3A_2654, %parallel_loop3A_2662 : vector<16xf32>
            %parallel_loop3A_2674 = vector.broadcast %parallel_loop3A_2454 : f32 to vector<16xf32>
            %parallel_loop3A_2675 = arith.mulf %parallel_loop3A_2674, %parallel_loop3A_228 : vector<16xf32>
            %parallel_loop3A_2676 = arith.addf %parallel_loop3A_2673, %parallel_loop3A_2675 : vector<16xf32>
            %parallel_loop3A_2677 = vector.broadcast %parallel_loop3A_2456 : f32 to vector<16xf32>
            %parallel_loop3A_2678 = arith.mulf %parallel_loop3A_2677, %parallel_loop3A_268 : vector<16xf32>
            %parallel_loop3A_2679 = arith.addf %parallel_loop3A_2676, %parallel_loop3A_2678 : vector<16xf32>
            %parallel_loop3A_2680 = vector.broadcast %parallel_loop3A_2458 : f32 to vector<16xf32>
            %parallel_loop3A_2681 = arith.mulf %parallel_loop3A_2680, %parallel_loop3A_308 : vector<16xf32>
            %parallel_loop3A_2682 = arith.addf %parallel_loop3A_2679, %parallel_loop3A_2681 : vector<16xf32>
            %parallel_loop3A_2683 = arith.constant 0.000000e+00 : f32
            %parallel_loop3A_2684 = vector.broadcast %parallel_loop3A_2683 : f32 to vector<16xf32>
            %parallel_loop3A_2685 = arith.maximumf %parallel_loop3A_2672, %parallel_loop3A_2684 : vector<16xf32>
            %parallel_loop3A_2686 = arith.index_cast %parallel_loop3A_2452 : i32 to index
            %parallel_loop3A_2687 = arith.constant 96 : index
            %parallel_loop3A_2688 = tpu.vector_load %arg16[%parallel_loop3A_2686, %parallel_loop3A_2687] {strides = array<i32>} : memref<64x128xf32, #tpu.memory_space<vmem>>, vector<1x16xf32>,
            %parallel_loop3A_2689 = vector.shape_cast %parallel_loop3A_2688 : vector<1x16xf32> to vector<16xf32>
            %parallel_loop3A_2690 = vector.shape_cast %parallel_loop3A_2685 : vector<16xf32> to vector<1x16xf32>
            tpu.vector_store %arg16[%parallel_loop3A_2686, %parallel_loop3A_2687], %parallel_loop3A_2690 {strides = array<i32>} : memref<64x128xf32, #tpu.memory_space<vmem>>, vector<1x16xf32>,
            %parallel_loop3A_2691 = arith.constant 0.000000e+00 : f32
            %parallel_loop3A_2692 = vector.broadcast %parallel_loop3A_2691 : f32 to vector<16xf32>
            %parallel_loop3A_2693 = arith.maximumf %parallel_loop3A_2682, %parallel_loop3A_2692 : vector<16xf32>
            %parallel_loop3A_2694 = arith.index_cast %parallel_loop3A_2452 : i32 to index
            %parallel_loop3A_2695 = arith.constant 112 : index
            %parallel_loop3A_2696 = tpu.vector_load %arg16[%parallel_loop3A_2694, %parallel_loop3A_2695] {strides = array<i32>} : memref<64x128xf32, #tpu.memory_space<vmem>>, vector<1x16xf32>,
            %parallel_loop3A_2697 = vector.shape_cast %parallel_loop3A_2696 : vector<1x16xf32> to vector<16xf32>
            %parallel_loop3A_2698 = vector.shape_cast %parallel_loop3A_2693 : vector<16xf32> to vector<1x16xf32>
            tpu.vector_store %arg16[%parallel_loop3A_2694, %parallel_loop3A_2695], %parallel_loop3A_2698 {strides = array<i32>} : memref<64x128xf32, #tpu.memory_space<vmem>>, vector<1x16xf32>,
            %parallel_loop3A_2699 = arith.constant 64 : i32
            %parallel_loop3A_2700 = arith.muli %select_n3A_131, %parallel_loop3A_2699 : i32
            %parallel_loop3A_2701 = arith.constant 32 : i32
            %parallel_loop3A_2702 = arith.muli %scan3A_165, %parallel_loop3A_2701 : i32
            %parallel_loop3A_2703 = arith.addi %parallel_loop3A_2700, %parallel_loop3A_2702 : i32
            %parallel_loop3A_2704 = arith.constant 16 : i32
            %parallel_loop3A_2705 = arith.muli %parallel_loop3A_188, %parallel_loop3A_2704 : i32
            %parallel_loop3A_2706 = arith.addi %parallel_loop3A_2703, %parallel_loop3A_2705 : i32
            %parallel_loop3A_2707 = arith.constant 9 : i32
            %parallel_loop3A_2708 = arith.addi %parallel_loop3A_2706, %parallel_loop3A_2707 : i32
            %parallel_loop3A_2709 = arith.constant 32 : i32
            %parallel_loop3A_2710 = arith.muli %scan3A_165, %parallel_loop3A_2709 : i32
            %parallel_loop3A_2711 = arith.constant 16 : i32
            %parallel_loop3A_2712 = arith.muli %parallel_loop3A_188, %parallel_loop3A_2711 : i32
            %parallel_loop3A_2713 = arith.addi %parallel_loop3A_2710, %parallel_loop3A_2712 : i32
            %parallel_loop3A_2714 = arith.constant 9 : i32
            %parallel_loop3A_2715 = arith.addi %parallel_loop3A_2713, %parallel_loop3A_2714 : i32
            %parallel_loop3A_2716 = vector.extract_strided_slice %parallel_loop3A_321 {offsets = [9], sizes = [1], strides = [1]} : vector<16xf32> to vector<1xf32>
            %parallel_loop3A_2717 = vector.extract %parallel_loop3A_2716[0] : f32 from vector<1xf32>
            %parallel_loop3A_2718 = vector.extract_strided_slice %parallel_loop3A_326 {offsets = [9], sizes = [1], strides = [1]} : vector<16xf32> to vector<1xf32>
            %parallel_loop3A_2719 = vector.extract %parallel_loop3A_2718[0] : f32 from vector<1xf32>
            %parallel_loop3A_2720 = vector.extract_strided_slice %parallel_loop3A_331 {offsets = [9], sizes = [1], strides = [1]} : vector<16xf32> to vector<1xf32>
            %parallel_loop3A_2721 = vector.extract %parallel_loop3A_2720[0] : f32 from vector<1xf32>
            %parallel_loop3A_2722 = arith.index_cast %parallel_loop3A_2708 : i32 to index
            %parallel_loop3A_2723 = arith.constant 0 : index
            %parallel_loop3A_2724 = tpu.vector_load %arg14[%parallel_loop3A_2722, %parallel_loop3A_2723] {strides = array<i32>} : memref<128x64xi32, #tpu.memory_space<vmem>>, vector<1x16xi32>,
            %parallel_loop3A_2725 = vector.shape_cast %parallel_loop3A_2724 : vector<1x16xi32> to vector<16xi32>
            %parallel_loop3A_2726 = arith.index_cast %parallel_loop3A_2708 : i32 to index
            %parallel_loop3A_2727 = arith.constant 0 : index
            %parallel_loop3A_2728 = tpu.vector_load %arg15[%parallel_loop3A_2726, %parallel_loop3A_2727] {strides = array<i32>} : memref<128x64xi32, #tpu.memory_space<vmem>>, vector<1x16xi32>,
            %parallel_loop3A_2729 = vector.shape_cast %parallel_loop3A_2728 : vector<1x16xi32> to vector<16xi32>
            %parallel_loop3A_2730 = arith.constant 16 : i32
            %parallel_loop3A_2731 = vector.broadcast %parallel_loop3A_2730 : i32 to vector<16xi32>
            %parallel_loop3A_2732 = arith.shli %parallel_loop3A_2725, %parallel_loop3A_2731 : vector<16xi32>
            %parallel_loop3A_2733 = tpu.bitcast %parallel_loop3A_2732 : vector<16xi32> -> vector<16xf32>
            %parallel_loop3A_2734 = arith.constant -65536 : i32
            %parallel_loop3A_2735 = vector.broadcast %parallel_loop3A_2734 : i32 to vector<16xi32>
            %parallel_loop3A_2736 = arith.andi %parallel_loop3A_2725, %parallel_loop3A_2735 : vector<16xi32>
            %parallel_loop3A_2737 = tpu.bitcast %parallel_loop3A_2736 : vector<16xi32> -> vector<16xf32>
            %parallel_loop3A_2738 = arith.constant 16 : i32
            %parallel_loop3A_2739 = vector.broadcast %parallel_loop3A_2738 : i32 to vector<16xi32>
            %parallel_loop3A_2740 = arith.shli %parallel_loop3A_2729, %parallel_loop3A_2739 : vector<16xi32>
            %parallel_loop3A_2741 = tpu.bitcast %parallel_loop3A_2740 : vector<16xi32> -> vector<16xf32>
            %parallel_loop3A_2742 = arith.constant -65536 : i32
            %parallel_loop3A_2743 = vector.broadcast %parallel_loop3A_2742 : i32 to vector<16xi32>
            %parallel_loop3A_2744 = arith.andi %parallel_loop3A_2729, %parallel_loop3A_2743 : vector<16xi32>
            %parallel_loop3A_2745 = tpu.bitcast %parallel_loop3A_2744 : vector<16xi32> -> vector<16xf32>
            %parallel_loop3A_2746 = arith.addf %parallel_loop3A_2733, %parallel_loop3A_2741 : vector<16xf32>
            %parallel_loop3A_2747 = vector.broadcast %parallel_loop3A_2717 : f32 to vector<16xf32>
            %parallel_loop3A_2748 = arith.mulf %parallel_loop3A_2747, %parallel_loop3A_193 : vector<16xf32>
            %parallel_loop3A_2749 = arith.addf %parallel_loop3A_2746, %parallel_loop3A_2748 : vector<16xf32>
            %parallel_loop3A_2750 = vector.broadcast %parallel_loop3A_2719 : f32 to vector<16xf32>
            %parallel_loop3A_2751 = arith.mulf %parallel_loop3A_2750, %parallel_loop3A_233 : vector<16xf32>
            %parallel_loop3A_2752 = arith.addf %parallel_loop3A_2749, %parallel_loop3A_2751 : vector<16xf32>
            %parallel_loop3A_2753 = vector.broadcast %parallel_loop3A_2721 : f32 to vector<16xf32>
            %parallel_loop3A_2754 = arith.mulf %parallel_loop3A_2753, %parallel_loop3A_273 : vector<16xf32>
            %parallel_loop3A_2755 = arith.addf %parallel_loop3A_2752, %parallel_loop3A_2754 : vector<16xf32>
            %parallel_loop3A_2756 = arith.addf %parallel_loop3A_2737, %parallel_loop3A_2745 : vector<16xf32>
            %parallel_loop3A_2757 = vector.broadcast %parallel_loop3A_2717 : f32 to vector<16xf32>
            %parallel_loop3A_2758 = arith.mulf %parallel_loop3A_2757, %parallel_loop3A_198 : vector<16xf32>
            %parallel_loop3A_2759 = arith.addf %parallel_loop3A_2756, %parallel_loop3A_2758 : vector<16xf32>
            %parallel_loop3A_2760 = vector.broadcast %parallel_loop3A_2719 : f32 to vector<16xf32>
            %parallel_loop3A_2761 = arith.mulf %parallel_loop3A_2760, %parallel_loop3A_238 : vector<16xf32>
            %parallel_loop3A_2762 = arith.addf %parallel_loop3A_2759, %parallel_loop3A_2761 : vector<16xf32>
            %parallel_loop3A_2763 = vector.broadcast %parallel_loop3A_2721 : f32 to vector<16xf32>
            %parallel_loop3A_2764 = arith.mulf %parallel_loop3A_2763, %parallel_loop3A_278 : vector<16xf32>
            %parallel_loop3A_2765 = arith.addf %parallel_loop3A_2762, %parallel_loop3A_2764 : vector<16xf32>
            %parallel_loop3A_2766 = arith.constant 0.000000e+00 : f32
            %parallel_loop3A_2767 = vector.broadcast %parallel_loop3A_2766 : f32 to vector<16xf32>
            %parallel_loop3A_2768 = arith.maximumf %parallel_loop3A_2755, %parallel_loop3A_2767 : vector<16xf32>
            %parallel_loop3A_2769 = arith.index_cast %parallel_loop3A_2715 : i32 to index
            %parallel_loop3A_2770 = arith.constant 0 : index
            %parallel_loop3A_2771 = tpu.vector_load %arg16[%parallel_loop3A_2769, %parallel_loop3A_2770] {strides = array<i32>} : memref<64x128xf32, #tpu.memory_space<vmem>>, vector<1x16xf32>,
            %parallel_loop3A_2772 = vector.shape_cast %parallel_loop3A_2771 : vector<1x16xf32> to vector<16xf32>
            %parallel_loop3A_2773 = vector.shape_cast %parallel_loop3A_2768 : vector<16xf32> to vector<1x16xf32>
            tpu.vector_store %arg16[%parallel_loop3A_2769, %parallel_loop3A_2770], %parallel_loop3A_2773 {strides = array<i32>} : memref<64x128xf32, #tpu.memory_space<vmem>>, vector<1x16xf32>,
            %parallel_loop3A_2774 = arith.constant 0.000000e+00 : f32
            %parallel_loop3A_2775 = vector.broadcast %parallel_loop3A_2774 : f32 to vector<16xf32>
            %parallel_loop3A_2776 = arith.maximumf %parallel_loop3A_2765, %parallel_loop3A_2775 : vector<16xf32>
            %parallel_loop3A_2777 = arith.index_cast %parallel_loop3A_2715 : i32 to index
            %parallel_loop3A_2778 = arith.constant 16 : index
            %parallel_loop3A_2779 = tpu.vector_load %arg16[%parallel_loop3A_2777, %parallel_loop3A_2778] {strides = array<i32>} : memref<64x128xf32, #tpu.memory_space<vmem>>, vector<1x16xf32>,
            %parallel_loop3A_2780 = vector.shape_cast %parallel_loop3A_2779 : vector<1x16xf32> to vector<16xf32>
            %parallel_loop3A_2781 = vector.shape_cast %parallel_loop3A_2776 : vector<16xf32> to vector<1x16xf32>
            tpu.vector_store %arg16[%parallel_loop3A_2777, %parallel_loop3A_2778], %parallel_loop3A_2781 {strides = array<i32>} : memref<64x128xf32, #tpu.memory_space<vmem>>, vector<1x16xf32>,
            %parallel_loop3A_2782 = arith.index_cast %parallel_loop3A_2708 : i32 to index
            %parallel_loop3A_2783 = arith.constant 16 : index
            %parallel_loop3A_2784 = tpu.vector_load %arg14[%parallel_loop3A_2782, %parallel_loop3A_2783] {strides = array<i32>} : memref<128x64xi32, #tpu.memory_space<vmem>>, vector<1x16xi32>,
            %parallel_loop3A_2785 = vector.shape_cast %parallel_loop3A_2784 : vector<1x16xi32> to vector<16xi32>
            %parallel_loop3A_2786 = arith.index_cast %parallel_loop3A_2708 : i32 to index
            %parallel_loop3A_2787 = arith.constant 16 : index
            %parallel_loop3A_2788 = tpu.vector_load %arg15[%parallel_loop3A_2786, %parallel_loop3A_2787] {strides = array<i32>} : memref<128x64xi32, #tpu.memory_space<vmem>>, vector<1x16xi32>,
            %parallel_loop3A_2789 = vector.shape_cast %parallel_loop3A_2788 : vector<1x16xi32> to vector<16xi32>
            %parallel_loop3A_2790 = arith.constant 16 : i32
            %parallel_loop3A_2791 = vector.broadcast %parallel_loop3A_2790 : i32 to vector<16xi32>
            %parallel_loop3A_2792 = arith.shli %parallel_loop3A_2785, %parallel_loop3A_2791 : vector<16xi32>
            %parallel_loop3A_2793 = tpu.bitcast %parallel_loop3A_2792 : vector<16xi32> -> vector<16xf32>
            %parallel_loop3A_2794 = arith.constant -65536 : i32
            %parallel_loop3A_2795 = vector.broadcast %parallel_loop3A_2794 : i32 to vector<16xi32>
            %parallel_loop3A_2796 = arith.andi %parallel_loop3A_2785, %parallel_loop3A_2795 : vector<16xi32>
            %parallel_loop3A_2797 = tpu.bitcast %parallel_loop3A_2796 : vector<16xi32> -> vector<16xf32>
            %parallel_loop3A_2798 = arith.constant 16 : i32
            %parallel_loop3A_2799 = vector.broadcast %parallel_loop3A_2798 : i32 to vector<16xi32>
            %parallel_loop3A_2800 = arith.shli %parallel_loop3A_2789, %parallel_loop3A_2799 : vector<16xi32>
            %parallel_loop3A_2801 = tpu.bitcast %parallel_loop3A_2800 : vector<16xi32> -> vector<16xf32>
            %parallel_loop3A_2802 = arith.constant -65536 : i32
            %parallel_loop3A_2803 = vector.broadcast %parallel_loop3A_2802 : i32 to vector<16xi32>
            %parallel_loop3A_2804 = arith.andi %parallel_loop3A_2789, %parallel_loop3A_2803 : vector<16xi32>
            %parallel_loop3A_2805 = tpu.bitcast %parallel_loop3A_2804 : vector<16xi32> -> vector<16xf32>
            %parallel_loop3A_2806 = arith.addf %parallel_loop3A_2793, %parallel_loop3A_2801 : vector<16xf32>
            %parallel_loop3A_2807 = vector.broadcast %parallel_loop3A_2717 : f32 to vector<16xf32>
            %parallel_loop3A_2808 = arith.mulf %parallel_loop3A_2807, %parallel_loop3A_203 : vector<16xf32>
            %parallel_loop3A_2809 = arith.addf %parallel_loop3A_2806, %parallel_loop3A_2808 : vector<16xf32>
            %parallel_loop3A_2810 = vector.broadcast %parallel_loop3A_2719 : f32 to vector<16xf32>
            %parallel_loop3A_2811 = arith.mulf %parallel_loop3A_2810, %parallel_loop3A_243 : vector<16xf32>
            %parallel_loop3A_2812 = arith.addf %parallel_loop3A_2809, %parallel_loop3A_2811 : vector<16xf32>
            %parallel_loop3A_2813 = vector.broadcast %parallel_loop3A_2721 : f32 to vector<16xf32>
            %parallel_loop3A_2814 = arith.mulf %parallel_loop3A_2813, %parallel_loop3A_283 : vector<16xf32>
            %parallel_loop3A_2815 = arith.addf %parallel_loop3A_2812, %parallel_loop3A_2814 : vector<16xf32>
            %parallel_loop3A_2816 = arith.addf %parallel_loop3A_2797, %parallel_loop3A_2805 : vector<16xf32>
            %parallel_loop3A_2817 = vector.broadcast %parallel_loop3A_2717 : f32 to vector<16xf32>
            %parallel_loop3A_2818 = arith.mulf %parallel_loop3A_2817, %parallel_loop3A_208 : vector<16xf32>
            %parallel_loop3A_2819 = arith.addf %parallel_loop3A_2816, %parallel_loop3A_2818 : vector<16xf32>
            %parallel_loop3A_2820 = vector.broadcast %parallel_loop3A_2719 : f32 to vector<16xf32>
            %parallel_loop3A_2821 = arith.mulf %parallel_loop3A_2820, %parallel_loop3A_248 : vector<16xf32>
            %parallel_loop3A_2822 = arith.addf %parallel_loop3A_2819, %parallel_loop3A_2821 : vector<16xf32>
            %parallel_loop3A_2823 = vector.broadcast %parallel_loop3A_2721 : f32 to vector<16xf32>
            %parallel_loop3A_2824 = arith.mulf %parallel_loop3A_2823, %parallel_loop3A_288 : vector<16xf32>
            %parallel_loop3A_2825 = arith.addf %parallel_loop3A_2822, %parallel_loop3A_2824 : vector<16xf32>
            %parallel_loop3A_2826 = arith.constant 0.000000e+00 : f32
            %parallel_loop3A_2827 = vector.broadcast %parallel_loop3A_2826 : f32 to vector<16xf32>
            %parallel_loop3A_2828 = arith.maximumf %parallel_loop3A_2815, %parallel_loop3A_2827 : vector<16xf32>
            %parallel_loop3A_2829 = arith.index_cast %parallel_loop3A_2715 : i32 to index
            %parallel_loop3A_2830 = arith.constant 32 : index
            %parallel_loop3A_2831 = tpu.vector_load %arg16[%parallel_loop3A_2829, %parallel_loop3A_2830] {strides = array<i32>} : memref<64x128xf32, #tpu.memory_space<vmem>>, vector<1x16xf32>,
            %parallel_loop3A_2832 = vector.shape_cast %parallel_loop3A_2831 : vector<1x16xf32> to vector<16xf32>
            %parallel_loop3A_2833 = vector.shape_cast %parallel_loop3A_2828 : vector<16xf32> to vector<1x16xf32>
            tpu.vector_store %arg16[%parallel_loop3A_2829, %parallel_loop3A_2830], %parallel_loop3A_2833 {strides = array<i32>} : memref<64x128xf32, #tpu.memory_space<vmem>>, vector<1x16xf32>,
            %parallel_loop3A_2834 = arith.constant 0.000000e+00 : f32
            %parallel_loop3A_2835 = vector.broadcast %parallel_loop3A_2834 : f32 to vector<16xf32>
            %parallel_loop3A_2836 = arith.maximumf %parallel_loop3A_2825, %parallel_loop3A_2835 : vector<16xf32>
            %parallel_loop3A_2837 = arith.index_cast %parallel_loop3A_2715 : i32 to index
            %parallel_loop3A_2838 = arith.constant 48 : index
            %parallel_loop3A_2839 = tpu.vector_load %arg16[%parallel_loop3A_2837, %parallel_loop3A_2838] {strides = array<i32>} : memref<64x128xf32, #tpu.memory_space<vmem>>, vector<1x16xf32>,
            %parallel_loop3A_2840 = vector.shape_cast %parallel_loop3A_2839 : vector<1x16xf32> to vector<16xf32>
            %parallel_loop3A_2841 = vector.shape_cast %parallel_loop3A_2836 : vector<16xf32> to vector<1x16xf32>
            tpu.vector_store %arg16[%parallel_loop3A_2837, %parallel_loop3A_2838], %parallel_loop3A_2841 {strides = array<i32>} : memref<64x128xf32, #tpu.memory_space<vmem>>, vector<1x16xf32>,
            %parallel_loop3A_2842 = arith.index_cast %parallel_loop3A_2708 : i32 to index
            %parallel_loop3A_2843 = arith.constant 32 : index
            %parallel_loop3A_2844 = tpu.vector_load %arg14[%parallel_loop3A_2842, %parallel_loop3A_2843] {strides = array<i32>} : memref<128x64xi32, #tpu.memory_space<vmem>>, vector<1x16xi32>,
            %parallel_loop3A_2845 = vector.shape_cast %parallel_loop3A_2844 : vector<1x16xi32> to vector<16xi32>
            %parallel_loop3A_2846 = arith.index_cast %parallel_loop3A_2708 : i32 to index
            %parallel_loop3A_2847 = arith.constant 32 : index
            %parallel_loop3A_2848 = tpu.vector_load %arg15[%parallel_loop3A_2846, %parallel_loop3A_2847] {strides = array<i32>} : memref<128x64xi32, #tpu.memory_space<vmem>>, vector<1x16xi32>,
            %parallel_loop3A_2849 = vector.shape_cast %parallel_loop3A_2848 : vector<1x16xi32> to vector<16xi32>
            %parallel_loop3A_2850 = arith.constant 16 : i32
            %parallel_loop3A_2851 = vector.broadcast %parallel_loop3A_2850 : i32 to vector<16xi32>
            %parallel_loop3A_2852 = arith.shli %parallel_loop3A_2845, %parallel_loop3A_2851 : vector<16xi32>
            %parallel_loop3A_2853 = tpu.bitcast %parallel_loop3A_2852 : vector<16xi32> -> vector<16xf32>
            %parallel_loop3A_2854 = arith.constant -65536 : i32
            %parallel_loop3A_2855 = vector.broadcast %parallel_loop3A_2854 : i32 to vector<16xi32>
            %parallel_loop3A_2856 = arith.andi %parallel_loop3A_2845, %parallel_loop3A_2855 : vector<16xi32>
            %parallel_loop3A_2857 = tpu.bitcast %parallel_loop3A_2856 : vector<16xi32> -> vector<16xf32>
            %parallel_loop3A_2858 = arith.constant 16 : i32
            %parallel_loop3A_2859 = vector.broadcast %parallel_loop3A_2858 : i32 to vector<16xi32>
            %parallel_loop3A_2860 = arith.shli %parallel_loop3A_2849, %parallel_loop3A_2859 : vector<16xi32>
            %parallel_loop3A_2861 = tpu.bitcast %parallel_loop3A_2860 : vector<16xi32> -> vector<16xf32>
            %parallel_loop3A_2862 = arith.constant -65536 : i32
            %parallel_loop3A_2863 = vector.broadcast %parallel_loop3A_2862 : i32 to vector<16xi32>
            %parallel_loop3A_2864 = arith.andi %parallel_loop3A_2849, %parallel_loop3A_2863 : vector<16xi32>
            %parallel_loop3A_2865 = tpu.bitcast %parallel_loop3A_2864 : vector<16xi32> -> vector<16xf32>
            %parallel_loop3A_2866 = arith.addf %parallel_loop3A_2853, %parallel_loop3A_2861 : vector<16xf32>
            %parallel_loop3A_2867 = vector.broadcast %parallel_loop3A_2717 : f32 to vector<16xf32>
            %parallel_loop3A_2868 = arith.mulf %parallel_loop3A_2867, %parallel_loop3A_213 : vector<16xf32>
            %parallel_loop3A_2869 = arith.addf %parallel_loop3A_2866, %parallel_loop3A_2868 : vector<16xf32>
            %parallel_loop3A_2870 = vector.broadcast %parallel_loop3A_2719 : f32 to vector<16xf32>
            %parallel_loop3A_2871 = arith.mulf %parallel_loop3A_2870, %parallel_loop3A_253 : vector<16xf32>
            %parallel_loop3A_2872 = arith.addf %parallel_loop3A_2869, %parallel_loop3A_2871 : vector<16xf32>
            %parallel_loop3A_2873 = vector.broadcast %parallel_loop3A_2721 : f32 to vector<16xf32>
            %parallel_loop3A_2874 = arith.mulf %parallel_loop3A_2873, %parallel_loop3A_293 : vector<16xf32>
            %parallel_loop3A_2875 = arith.addf %parallel_loop3A_2872, %parallel_loop3A_2874 : vector<16xf32>
            %parallel_loop3A_2876 = arith.addf %parallel_loop3A_2857, %parallel_loop3A_2865 : vector<16xf32>
            %parallel_loop3A_2877 = vector.broadcast %parallel_loop3A_2717 : f32 to vector<16xf32>
            %parallel_loop3A_2878 = arith.mulf %parallel_loop3A_2877, %parallel_loop3A_218 : vector<16xf32>
            %parallel_loop3A_2879 = arith.addf %parallel_loop3A_2876, %parallel_loop3A_2878 : vector<16xf32>
            %parallel_loop3A_2880 = vector.broadcast %parallel_loop3A_2719 : f32 to vector<16xf32>
            %parallel_loop3A_2881 = arith.mulf %parallel_loop3A_2880, %parallel_loop3A_258 : vector<16xf32>
            %parallel_loop3A_2882 = arith.addf %parallel_loop3A_2879, %parallel_loop3A_2881 : vector<16xf32>
            %parallel_loop3A_2883 = vector.broadcast %parallel_loop3A_2721 : f32 to vector<16xf32>
            %parallel_loop3A_2884 = arith.mulf %parallel_loop3A_2883, %parallel_loop3A_298 : vector<16xf32>
            %parallel_loop3A_2885 = arith.addf %parallel_loop3A_2882, %parallel_loop3A_2884 : vector<16xf32>
            %parallel_loop3A_2886 = arith.constant 0.000000e+00 : f32
            %parallel_loop3A_2887 = vector.broadcast %parallel_loop3A_2886 : f32 to vector<16xf32>
            %parallel_loop3A_2888 = arith.maximumf %parallel_loop3A_2875, %parallel_loop3A_2887 : vector<16xf32>
            %parallel_loop3A_2889 = arith.index_cast %parallel_loop3A_2715 : i32 to index
            %parallel_loop3A_2890 = arith.constant 64 : index
            %parallel_loop3A_2891 = tpu.vector_load %arg16[%parallel_loop3A_2889, %parallel_loop3A_2890] {strides = array<i32>} : memref<64x128xf32, #tpu.memory_space<vmem>>, vector<1x16xf32>,
            %parallel_loop3A_2892 = vector.shape_cast %parallel_loop3A_2891 : vector<1x16xf32> to vector<16xf32>
            %parallel_loop3A_2893 = vector.shape_cast %parallel_loop3A_2888 : vector<16xf32> to vector<1x16xf32>
            tpu.vector_store %arg16[%parallel_loop3A_2889, %parallel_loop3A_2890], %parallel_loop3A_2893 {strides = array<i32>} : memref<64x128xf32, #tpu.memory_space<vmem>>, vector<1x16xf32>,
            %parallel_loop3A_2894 = arith.constant 0.000000e+00 : f32
            %parallel_loop3A_2895 = vector.broadcast %parallel_loop3A_2894 : f32 to vector<16xf32>
            %parallel_loop3A_2896 = arith.maximumf %parallel_loop3A_2885, %parallel_loop3A_2895 : vector<16xf32>
            %parallel_loop3A_2897 = arith.index_cast %parallel_loop3A_2715 : i32 to index
            %parallel_loop3A_2898 = arith.constant 80 : index
            %parallel_loop3A_2899 = tpu.vector_load %arg16[%parallel_loop3A_2897, %parallel_loop3A_2898] {strides = array<i32>} : memref<64x128xf32, #tpu.memory_space<vmem>>, vector<1x16xf32>,
            %parallel_loop3A_2900 = vector.shape_cast %parallel_loop3A_2899 : vector<1x16xf32> to vector<16xf32>
            %parallel_loop3A_2901 = vector.shape_cast %parallel_loop3A_2896 : vector<16xf32> to vector<1x16xf32>
            tpu.vector_store %arg16[%parallel_loop3A_2897, %parallel_loop3A_2898], %parallel_loop3A_2901 {strides = array<i32>} : memref<64x128xf32, #tpu.memory_space<vmem>>, vector<1x16xf32>,
            %parallel_loop3A_2902 = arith.index_cast %parallel_loop3A_2708 : i32 to index
            %parallel_loop3A_2903 = arith.constant 48 : index
            %parallel_loop3A_2904 = tpu.vector_load %arg14[%parallel_loop3A_2902, %parallel_loop3A_2903] {strides = array<i32>} : memref<128x64xi32, #tpu.memory_space<vmem>>, vector<1x16xi32>,
            %parallel_loop3A_2905 = vector.shape_cast %parallel_loop3A_2904 : vector<1x16xi32> to vector<16xi32>
            %parallel_loop3A_2906 = arith.index_cast %parallel_loop3A_2708 : i32 to index
            %parallel_loop3A_2907 = arith.constant 48 : index
            %parallel_loop3A_2908 = tpu.vector_load %arg15[%parallel_loop3A_2906, %parallel_loop3A_2907] {strides = array<i32>} : memref<128x64xi32, #tpu.memory_space<vmem>>, vector<1x16xi32>,
            %parallel_loop3A_2909 = vector.shape_cast %parallel_loop3A_2908 : vector<1x16xi32> to vector<16xi32>
            %parallel_loop3A_2910 = arith.constant 16 : i32
            %parallel_loop3A_2911 = vector.broadcast %parallel_loop3A_2910 : i32 to vector<16xi32>
            %parallel_loop3A_2912 = arith.shli %parallel_loop3A_2905, %parallel_loop3A_2911 : vector<16xi32>
            %parallel_loop3A_2913 = tpu.bitcast %parallel_loop3A_2912 : vector<16xi32> -> vector<16xf32>
            %parallel_loop3A_2914 = arith.constant -65536 : i32
            %parallel_loop3A_2915 = vector.broadcast %parallel_loop3A_2914 : i32 to vector<16xi32>
            %parallel_loop3A_2916 = arith.andi %parallel_loop3A_2905, %parallel_loop3A_2915 : vector<16xi32>
            %parallel_loop3A_2917 = tpu.bitcast %parallel_loop3A_2916 : vector<16xi32> -> vector<16xf32>
            %parallel_loop3A_2918 = arith.constant 16 : i32
            %parallel_loop3A_2919 = vector.broadcast %parallel_loop3A_2918 : i32 to vector<16xi32>
            %parallel_loop3A_2920 = arith.shli %parallel_loop3A_2909, %parallel_loop3A_2919 : vector<16xi32>
            %parallel_loop3A_2921 = tpu.bitcast %parallel_loop3A_2920 : vector<16xi32> -> vector<16xf32>
            %parallel_loop3A_2922 = arith.constant -65536 : i32
            %parallel_loop3A_2923 = vector.broadcast %parallel_loop3A_2922 : i32 to vector<16xi32>
            %parallel_loop3A_2924 = arith.andi %parallel_loop3A_2909, %parallel_loop3A_2923 : vector<16xi32>
            %parallel_loop3A_2925 = tpu.bitcast %parallel_loop3A_2924 : vector<16xi32> -> vector<16xf32>
            %parallel_loop3A_2926 = arith.addf %parallel_loop3A_2913, %parallel_loop3A_2921 : vector<16xf32>
            %parallel_loop3A_2927 = vector.broadcast %parallel_loop3A_2717 : f32 to vector<16xf32>
            %parallel_loop3A_2928 = arith.mulf %parallel_loop3A_2927, %parallel_loop3A_223 : vector<16xf32>
            %parallel_loop3A_2929 = arith.addf %parallel_loop3A_2926, %parallel_loop3A_2928 : vector<16xf32>
            %parallel_loop3A_2930 = vector.broadcast %parallel_loop3A_2719 : f32 to vector<16xf32>
            %parallel_loop3A_2931 = arith.mulf %parallel_loop3A_2930, %parallel_loop3A_263 : vector<16xf32>
            %parallel_loop3A_2932 = arith.addf %parallel_loop3A_2929, %parallel_loop3A_2931 : vector<16xf32>
            %parallel_loop3A_2933 = vector.broadcast %parallel_loop3A_2721 : f32 to vector<16xf32>
            %parallel_loop3A_2934 = arith.mulf %parallel_loop3A_2933, %parallel_loop3A_303 : vector<16xf32>
            %parallel_loop3A_2935 = arith.addf %parallel_loop3A_2932, %parallel_loop3A_2934 : vector<16xf32>
            %parallel_loop3A_2936 = arith.addf %parallel_loop3A_2917, %parallel_loop3A_2925 : vector<16xf32>
            %parallel_loop3A_2937 = vector.broadcast %parallel_loop3A_2717 : f32 to vector<16xf32>
            %parallel_loop3A_2938 = arith.mulf %parallel_loop3A_2937, %parallel_loop3A_228 : vector<16xf32>
            %parallel_loop3A_2939 = arith.addf %parallel_loop3A_2936, %parallel_loop3A_2938 : vector<16xf32>
            %parallel_loop3A_2940 = vector.broadcast %parallel_loop3A_2719 : f32 to vector<16xf32>
            %parallel_loop3A_2941 = arith.mulf %parallel_loop3A_2940, %parallel_loop3A_268 : vector<16xf32>
            %parallel_loop3A_2942 = arith.addf %parallel_loop3A_2939, %parallel_loop3A_2941 : vector<16xf32>
            %parallel_loop3A_2943 = vector.broadcast %parallel_loop3A_2721 : f32 to vector<16xf32>
            %parallel_loop3A_2944 = arith.mulf %parallel_loop3A_2943, %parallel_loop3A_308 : vector<16xf32>
            %parallel_loop3A_2945 = arith.addf %parallel_loop3A_2942, %parallel_loop3A_2944 : vector<16xf32>
            %parallel_loop3A_2946 = arith.constant 0.000000e+00 : f32
            %parallel_loop3A_2947 = vector.broadcast %parallel_loop3A_2946 : f32 to vector<16xf32>
            %parallel_loop3A_2948 = arith.maximumf %parallel_loop3A_2935, %parallel_loop3A_2947 : vector<16xf32>
            %parallel_loop3A_2949 = arith.index_cast %parallel_loop3A_2715 : i32 to index
            %parallel_loop3A_2950 = arith.constant 96 : index
            %parallel_loop3A_2951 = tpu.vector_load %arg16[%parallel_loop3A_2949, %parallel_loop3A_2950] {strides = array<i32>} : memref<64x128xf32, #tpu.memory_space<vmem>>, vector<1x16xf32>,
            %parallel_loop3A_2952 = vector.shape_cast %parallel_loop3A_2951 : vector<1x16xf32> to vector<16xf32>
            %parallel_loop3A_2953 = vector.shape_cast %parallel_loop3A_2948 : vector<16xf32> to vector<1x16xf32>
            tpu.vector_store %arg16[%parallel_loop3A_2949, %parallel_loop3A_2950], %parallel_loop3A_2953 {strides = array<i32>} : memref<64x128xf32, #tpu.memory_space<vmem>>, vector<1x16xf32>,
            %parallel_loop3A_2954 = arith.constant 0.000000e+00 : f32
            %parallel_loop3A_2955 = vector.broadcast %parallel_loop3A_2954 : f32 to vector<16xf32>
            %parallel_loop3A_2956 = arith.maximumf %parallel_loop3A_2945, %parallel_loop3A_2955 : vector<16xf32>
            %parallel_loop3A_2957 = arith.index_cast %parallel_loop3A_2715 : i32 to index
            %parallel_loop3A_2958 = arith.constant 112 : index
            %parallel_loop3A_2959 = tpu.vector_load %arg16[%parallel_loop3A_2957, %parallel_loop3A_2958] {strides = array<i32>} : memref<64x128xf32, #tpu.memory_space<vmem>>, vector<1x16xf32>,
            %parallel_loop3A_2960 = vector.shape_cast %parallel_loop3A_2959 : vector<1x16xf32> to vector<16xf32>
            %parallel_loop3A_2961 = vector.shape_cast %parallel_loop3A_2956 : vector<16xf32> to vector<1x16xf32>
            tpu.vector_store %arg16[%parallel_loop3A_2957, %parallel_loop3A_2958], %parallel_loop3A_2961 {strides = array<i32>} : memref<64x128xf32, #tpu.memory_space<vmem>>, vector<1x16xf32>,
            %parallel_loop3A_2962 = arith.constant 64 : i32
            %parallel_loop3A_2963 = arith.muli %select_n3A_131, %parallel_loop3A_2962 : i32
            %parallel_loop3A_2964 = arith.constant 32 : i32
            %parallel_loop3A_2965 = arith.muli %scan3A_165, %parallel_loop3A_2964 : i32
            %parallel_loop3A_2966 = arith.addi %parallel_loop3A_2963, %parallel_loop3A_2965 : i32
            %parallel_loop3A_2967 = arith.constant 16 : i32
            %parallel_loop3A_2968 = arith.muli %parallel_loop3A_188, %parallel_loop3A_2967 : i32
            %parallel_loop3A_2969 = arith.addi %parallel_loop3A_2966, %parallel_loop3A_2968 : i32
            %parallel_loop3A_2970 = arith.constant 10 : i32
            %parallel_loop3A_2971 = arith.addi %parallel_loop3A_2969, %parallel_loop3A_2970 : i32
            %parallel_loop3A_2972 = arith.constant 32 : i32
            %parallel_loop3A_2973 = arith.muli %scan3A_165, %parallel_loop3A_2972 : i32
            %parallel_loop3A_2974 = arith.constant 16 : i32
            %parallel_loop3A_2975 = arith.muli %parallel_loop3A_188, %parallel_loop3A_2974 : i32
            %parallel_loop3A_2976 = arith.addi %parallel_loop3A_2973, %parallel_loop3A_2975 : i32
            %parallel_loop3A_2977 = arith.constant 10 : i32
            %parallel_loop3A_2978 = arith.addi %parallel_loop3A_2976, %parallel_loop3A_2977 : i32
            %parallel_loop3A_2979 = vector.extract_strided_slice %parallel_loop3A_321 {offsets = [10], sizes = [1], strides = [1]} : vector<16xf32> to vector<1xf32>
            %parallel_loop3A_2980 = vector.extract %parallel_loop3A_2979[0] : f32 from vector<1xf32>
            %parallel_loop3A_2981 = vector.extract_strided_slice %parallel_loop3A_326 {offsets = [10], sizes = [1], strides = [1]} : vector<16xf32> to vector<1xf32>
            %parallel_loop3A_2982 = vector.extract %parallel_loop3A_2981[0] : f32 from vector<1xf32>
            %parallel_loop3A_2983 = vector.extract_strided_slice %parallel_loop3A_331 {offsets = [10], sizes = [1], strides = [1]} : vector<16xf32> to vector<1xf32>
            %parallel_loop3A_2984 = vector.extract %parallel_loop3A_2983[0] : f32 from vector<1xf32>
            %parallel_loop3A_2985 = arith.index_cast %parallel_loop3A_2971 : i32 to index
            %parallel_loop3A_2986 = arith.constant 0 : index
            %parallel_loop3A_2987 = tpu.vector_load %arg14[%parallel_loop3A_2985, %parallel_loop3A_2986] {strides = array<i32>} : memref<128x64xi32, #tpu.memory_space<vmem>>, vector<1x16xi32>,
            %parallel_loop3A_2988 = vector.shape_cast %parallel_loop3A_2987 : vector<1x16xi32> to vector<16xi32>
            %parallel_loop3A_2989 = arith.index_cast %parallel_loop3A_2971 : i32 to index
            %parallel_loop3A_2990 = arith.constant 0 : index
            %parallel_loop3A_2991 = tpu.vector_load %arg15[%parallel_loop3A_2989, %parallel_loop3A_2990] {strides = array<i32>} : memref<128x64xi32, #tpu.memory_space<vmem>>, vector<1x16xi32>,
            %parallel_loop3A_2992 = vector.shape_cast %parallel_loop3A_2991 : vector<1x16xi32> to vector<16xi32>
            %parallel_loop3A_2993 = arith.constant 16 : i32
            %parallel_loop3A_2994 = vector.broadcast %parallel_loop3A_2993 : i32 to vector<16xi32>
            %parallel_loop3A_2995 = arith.shli %parallel_loop3A_2988, %parallel_loop3A_2994 : vector<16xi32>
            %parallel_loop3A_2996 = tpu.bitcast %parallel_loop3A_2995 : vector<16xi32> -> vector<16xf32>
            %parallel_loop3A_2997 = arith.constant -65536 : i32
            %parallel_loop3A_2998 = vector.broadcast %parallel_loop3A_2997 : i32 to vector<16xi32>
            %parallel_loop3A_2999 = arith.andi %parallel_loop3A_2988, %parallel_loop3A_2998 : vector<16xi32>
            %parallel_loop3A_3000 = tpu.bitcast %parallel_loop3A_2999 : vector<16xi32> -> vector<16xf32>
            %parallel_loop3A_3001 = arith.constant 16 : i32
            %parallel_loop3A_3002 = vector.broadcast %parallel_loop3A_3001 : i32 to vector<16xi32>
            %parallel_loop3A_3003 = arith.shli %parallel_loop3A_2992, %parallel_loop3A_3002 : vector<16xi32>
            %parallel_loop3A_3004 = tpu.bitcast %parallel_loop3A_3003 : vector<16xi32> -> vector<16xf32>
            %parallel_loop3A_3005 = arith.constant -65536 : i32
            %parallel_loop3A_3006 = vector.broadcast %parallel_loop3A_3005 : i32 to vector<16xi32>
            %parallel_loop3A_3007 = arith.andi %parallel_loop3A_2992, %parallel_loop3A_3006 : vector<16xi32>
            %parallel_loop3A_3008 = tpu.bitcast %parallel_loop3A_3007 : vector<16xi32> -> vector<16xf32>
            %parallel_loop3A_3009 = arith.addf %parallel_loop3A_2996, %parallel_loop3A_3004 : vector<16xf32>
            %parallel_loop3A_3010 = vector.broadcast %parallel_loop3A_2980 : f32 to vector<16xf32>
            %parallel_loop3A_3011 = arith.mulf %parallel_loop3A_3010, %parallel_loop3A_193 : vector<16xf32>
            %parallel_loop3A_3012 = arith.addf %parallel_loop3A_3009, %parallel_loop3A_3011 : vector<16xf32>
            %parallel_loop3A_3013 = vector.broadcast %parallel_loop3A_2982 : f32 to vector<16xf32>
            %parallel_loop3A_3014 = arith.mulf %parallel_loop3A_3013, %parallel_loop3A_233 : vector<16xf32>
            %parallel_loop3A_3015 = arith.addf %parallel_loop3A_3012, %parallel_loop3A_3014 : vector<16xf32>
            %parallel_loop3A_3016 = vector.broadcast %parallel_loop3A_2984 : f32 to vector<16xf32>
            %parallel_loop3A_3017 = arith.mulf %parallel_loop3A_3016, %parallel_loop3A_273 : vector<16xf32>
            %parallel_loop3A_3018 = arith.addf %parallel_loop3A_3015, %parallel_loop3A_3017 : vector<16xf32>
            %parallel_loop3A_3019 = arith.addf %parallel_loop3A_3000, %parallel_loop3A_3008 : vector<16xf32>
            %parallel_loop3A_3020 = vector.broadcast %parallel_loop3A_2980 : f32 to vector<16xf32>
            %parallel_loop3A_3021 = arith.mulf %parallel_loop3A_3020, %parallel_loop3A_198 : vector<16xf32>
            %parallel_loop3A_3022 = arith.addf %parallel_loop3A_3019, %parallel_loop3A_3021 : vector<16xf32>
            %parallel_loop3A_3023 = vector.broadcast %parallel_loop3A_2982 : f32 to vector<16xf32>
            %parallel_loop3A_3024 = arith.mulf %parallel_loop3A_3023, %parallel_loop3A_238 : vector<16xf32>
            %parallel_loop3A_3025 = arith.addf %parallel_loop3A_3022, %parallel_loop3A_3024 : vector<16xf32>
            %parallel_loop3A_3026 = vector.broadcast %parallel_loop3A_2984 : f32 to vector<16xf32>
            %parallel_loop3A_3027 = arith.mulf %parallel_loop3A_3026, %parallel_loop3A_278 : vector<16xf32>
            %parallel_loop3A_3028 = arith.addf %parallel_loop3A_3025, %parallel_loop3A_3027 : vector<16xf32>
            %parallel_loop3A_3029 = arith.constant 0.000000e+00 : f32
            %parallel_loop3A_3030 = vector.broadcast %parallel_loop3A_3029 : f32 to vector<16xf32>
            %parallel_loop3A_3031 = arith.maximumf %parallel_loop3A_3018, %parallel_loop3A_3030 : vector<16xf32>
            %parallel_loop3A_3032 = arith.index_cast %parallel_loop3A_2978 : i32 to index
            %parallel_loop3A_3033 = arith.constant 0 : index
            %parallel_loop3A_3034 = tpu.vector_load %arg16[%parallel_loop3A_3032, %parallel_loop3A_3033] {strides = array<i32>} : memref<64x128xf32, #tpu.memory_space<vmem>>, vector<1x16xf32>,
            %parallel_loop3A_3035 = vector.shape_cast %parallel_loop3A_3034 : vector<1x16xf32> to vector<16xf32>
            %parallel_loop3A_3036 = vector.shape_cast %parallel_loop3A_3031 : vector<16xf32> to vector<1x16xf32>
            tpu.vector_store %arg16[%parallel_loop3A_3032, %parallel_loop3A_3033], %parallel_loop3A_3036 {strides = array<i32>} : memref<64x128xf32, #tpu.memory_space<vmem>>, vector<1x16xf32>,
            %parallel_loop3A_3037 = arith.constant 0.000000e+00 : f32
            %parallel_loop3A_3038 = vector.broadcast %parallel_loop3A_3037 : f32 to vector<16xf32>
            %parallel_loop3A_3039 = arith.maximumf %parallel_loop3A_3028, %parallel_loop3A_3038 : vector<16xf32>
            %parallel_loop3A_3040 = arith.index_cast %parallel_loop3A_2978 : i32 to index
            %parallel_loop3A_3041 = arith.constant 16 : index
            %parallel_loop3A_3042 = tpu.vector_load %arg16[%parallel_loop3A_3040, %parallel_loop3A_3041] {strides = array<i32>} : memref<64x128xf32, #tpu.memory_space<vmem>>, vector<1x16xf32>,
            %parallel_loop3A_3043 = vector.shape_cast %parallel_loop3A_3042 : vector<1x16xf32> to vector<16xf32>
            %parallel_loop3A_3044 = vector.shape_cast %parallel_loop3A_3039 : vector<16xf32> to vector<1x16xf32>
            tpu.vector_store %arg16[%parallel_loop3A_3040, %parallel_loop3A_3041], %parallel_loop3A_3044 {strides = array<i32>} : memref<64x128xf32, #tpu.memory_space<vmem>>, vector<1x16xf32>,
            %parallel_loop3A_3045 = arith.index_cast %parallel_loop3A_2971 : i32 to index
            %parallel_loop3A_3046 = arith.constant 16 : index
            %parallel_loop3A_3047 = tpu.vector_load %arg14[%parallel_loop3A_3045, %parallel_loop3A_3046] {strides = array<i32>} : memref<128x64xi32, #tpu.memory_space<vmem>>, vector<1x16xi32>,
            %parallel_loop3A_3048 = vector.shape_cast %parallel_loop3A_3047 : vector<1x16xi32> to vector<16xi32>
            %parallel_loop3A_3049 = arith.index_cast %parallel_loop3A_2971 : i32 to index
            %parallel_loop3A_3050 = arith.constant 16 : index
            %parallel_loop3A_3051 = tpu.vector_load %arg15[%parallel_loop3A_3049, %parallel_loop3A_3050] {strides = array<i32>} : memref<128x64xi32, #tpu.memory_space<vmem>>, vector<1x16xi32>,
            %parallel_loop3A_3052 = vector.shape_cast %parallel_loop3A_3051 : vector<1x16xi32> to vector<16xi32>
            %parallel_loop3A_3053 = arith.constant 16 : i32
            %parallel_loop3A_3054 = vector.broadcast %parallel_loop3A_3053 : i32 to vector<16xi32>
            %parallel_loop3A_3055 = arith.shli %parallel_loop3A_3048, %parallel_loop3A_3054 : vector<16xi32>
            %parallel_loop3A_3056 = tpu.bitcast %parallel_loop3A_3055 : vector<16xi32> -> vector<16xf32>
            %parallel_loop3A_3057 = arith.constant -65536 : i32
            %parallel_loop3A_3058 = vector.broadcast %parallel_loop3A_3057 : i32 to vector<16xi32>
            %parallel_loop3A_3059 = arith.andi %parallel_loop3A_3048, %parallel_loop3A_3058 : vector<16xi32>
            %parallel_loop3A_3060 = tpu.bitcast %parallel_loop3A_3059 : vector<16xi32> -> vector<16xf32>
            %parallel_loop3A_3061 = arith.constant 16 : i32
            %parallel_loop3A_3062 = vector.broadcast %parallel_loop3A_3061 : i32 to vector<16xi32>
            %parallel_loop3A_3063 = arith.shli %parallel_loop3A_3052, %parallel_loop3A_3062 : vector<16xi32>
            %parallel_loop3A_3064 = tpu.bitcast %parallel_loop3A_3063 : vector<16xi32> -> vector<16xf32>
            %parallel_loop3A_3065 = arith.constant -65536 : i32
            %parallel_loop3A_3066 = vector.broadcast %parallel_loop3A_3065 : i32 to vector<16xi32>
            %parallel_loop3A_3067 = arith.andi %parallel_loop3A_3052, %parallel_loop3A_3066 : vector<16xi32>
            %parallel_loop3A_3068 = tpu.bitcast %parallel_loop3A_3067 : vector<16xi32> -> vector<16xf32>
            %parallel_loop3A_3069 = arith.addf %parallel_loop3A_3056, %parallel_loop3A_3064 : vector<16xf32>
            %parallel_loop3A_3070 = vector.broadcast %parallel_loop3A_2980 : f32 to vector<16xf32>
            %parallel_loop3A_3071 = arith.mulf %parallel_loop3A_3070, %parallel_loop3A_203 : vector<16xf32>
            %parallel_loop3A_3072 = arith.addf %parallel_loop3A_3069, %parallel_loop3A_3071 : vector<16xf32>
            %parallel_loop3A_3073 = vector.broadcast %parallel_loop3A_2982 : f32 to vector<16xf32>
            %parallel_loop3A_3074 = arith.mulf %parallel_loop3A_3073, %parallel_loop3A_243 : vector<16xf32>
            %parallel_loop3A_3075 = arith.addf %parallel_loop3A_3072, %parallel_loop3A_3074 : vector<16xf32>
            %parallel_loop3A_3076 = vector.broadcast %parallel_loop3A_2984 : f32 to vector<16xf32>
            %parallel_loop3A_3077 = arith.mulf %parallel_loop3A_3076, %parallel_loop3A_283 : vector<16xf32>
            %parallel_loop3A_3078 = arith.addf %parallel_loop3A_3075, %parallel_loop3A_3077 : vector<16xf32>
            %parallel_loop3A_3079 = arith.addf %parallel_loop3A_3060, %parallel_loop3A_3068 : vector<16xf32>
            %parallel_loop3A_3080 = vector.broadcast %parallel_loop3A_2980 : f32 to vector<16xf32>
            %parallel_loop3A_3081 = arith.mulf %parallel_loop3A_3080, %parallel_loop3A_208 : vector<16xf32>
            %parallel_loop3A_3082 = arith.addf %parallel_loop3A_3079, %parallel_loop3A_3081 : vector<16xf32>
            %parallel_loop3A_3083 = vector.broadcast %parallel_loop3A_2982 : f32 to vector<16xf32>
            %parallel_loop3A_3084 = arith.mulf %parallel_loop3A_3083, %parallel_loop3A_248 : vector<16xf32>
            %parallel_loop3A_3085 = arith.addf %parallel_loop3A_3082, %parallel_loop3A_3084 : vector<16xf32>
            %parallel_loop3A_3086 = vector.broadcast %parallel_loop3A_2984 : f32 to vector<16xf32>
            %parallel_loop3A_3087 = arith.mulf %parallel_loop3A_3086, %parallel_loop3A_288 : vector<16xf32>
            %parallel_loop3A_3088 = arith.addf %parallel_loop3A_3085, %parallel_loop3A_3087 : vector<16xf32>
            %parallel_loop3A_3089 = arith.constant 0.000000e+00 : f32
            %parallel_loop3A_3090 = vector.broadcast %parallel_loop3A_3089 : f32 to vector<16xf32>
            %parallel_loop3A_3091 = arith.maximumf %parallel_loop3A_3078, %parallel_loop3A_3090 : vector<16xf32>
            %parallel_loop3A_3092 = arith.index_cast %parallel_loop3A_2978 : i32 to index
            %parallel_loop3A_3093 = arith.constant 32 : index
            %parallel_loop3A_3094 = tpu.vector_load %arg16[%parallel_loop3A_3092, %parallel_loop3A_3093] {strides = array<i32>} : memref<64x128xf32, #tpu.memory_space<vmem>>, vector<1x16xf32>,
            %parallel_loop3A_3095 = vector.shape_cast %parallel_loop3A_3094 : vector<1x16xf32> to vector<16xf32>
            %parallel_loop3A_3096 = vector.shape_cast %parallel_loop3A_3091 : vector<16xf32> to vector<1x16xf32>
            tpu.vector_store %arg16[%parallel_loop3A_3092, %parallel_loop3A_3093], %parallel_loop3A_3096 {strides = array<i32>} : memref<64x128xf32, #tpu.memory_space<vmem>>, vector<1x16xf32>,
            %parallel_loop3A_3097 = arith.constant 0.000000e+00 : f32
            %parallel_loop3A_3098 = vector.broadcast %parallel_loop3A_3097 : f32 to vector<16xf32>
            %parallel_loop3A_3099 = arith.maximumf %parallel_loop3A_3088, %parallel_loop3A_3098 : vector<16xf32>
            %parallel_loop3A_3100 = arith.index_cast %parallel_loop3A_2978 : i32 to index
            %parallel_loop3A_3101 = arith.constant 48 : index
            %parallel_loop3A_3102 = tpu.vector_load %arg16[%parallel_loop3A_3100, %parallel_loop3A_3101] {strides = array<i32>} : memref<64x128xf32, #tpu.memory_space<vmem>>, vector<1x16xf32>,
            %parallel_loop3A_3103 = vector.shape_cast %parallel_loop3A_3102 : vector<1x16xf32> to vector<16xf32>
            %parallel_loop3A_3104 = vector.shape_cast %parallel_loop3A_3099 : vector<16xf32> to vector<1x16xf32>
            tpu.vector_store %arg16[%parallel_loop3A_3100, %parallel_loop3A_3101], %parallel_loop3A_3104 {strides = array<i32>} : memref<64x128xf32, #tpu.memory_space<vmem>>, vector<1x16xf32>,
            %parallel_loop3A_3105 = arith.index_cast %parallel_loop3A_2971 : i32 to index
            %parallel_loop3A_3106 = arith.constant 32 : index
            %parallel_loop3A_3107 = tpu.vector_load %arg14[%parallel_loop3A_3105, %parallel_loop3A_3106] {strides = array<i32>} : memref<128x64xi32, #tpu.memory_space<vmem>>, vector<1x16xi32>,
            %parallel_loop3A_3108 = vector.shape_cast %parallel_loop3A_3107 : vector<1x16xi32> to vector<16xi32>
            %parallel_loop3A_3109 = arith.index_cast %parallel_loop3A_2971 : i32 to index
            %parallel_loop3A_3110 = arith.constant 32 : index
            %parallel_loop3A_3111 = tpu.vector_load %arg15[%parallel_loop3A_3109, %parallel_loop3A_3110] {strides = array<i32>} : memref<128x64xi32, #tpu.memory_space<vmem>>, vector<1x16xi32>,
            %parallel_loop3A_3112 = vector.shape_cast %parallel_loop3A_3111 : vector<1x16xi32> to vector<16xi32>
            %parallel_loop3A_3113 = arith.constant 16 : i32
            %parallel_loop3A_3114 = vector.broadcast %parallel_loop3A_3113 : i32 to vector<16xi32>
            %parallel_loop3A_3115 = arith.shli %parallel_loop3A_3108, %parallel_loop3A_3114 : vector<16xi32>
            %parallel_loop3A_3116 = tpu.bitcast %parallel_loop3A_3115 : vector<16xi32> -> vector<16xf32>
            %parallel_loop3A_3117 = arith.constant -65536 : i32
            %parallel_loop3A_3118 = vector.broadcast %parallel_loop3A_3117 : i32 to vector<16xi32>
            %parallel_loop3A_3119 = arith.andi %parallel_loop3A_3108, %parallel_loop3A_3118 : vector<16xi32>
            %parallel_loop3A_3120 = tpu.bitcast %parallel_loop3A_3119 : vector<16xi32> -> vector<16xf32>
            %parallel_loop3A_3121 = arith.constant 16 : i32
            %parallel_loop3A_3122 = vector.broadcast %parallel_loop3A_3121 : i32 to vector<16xi32>
            %parallel_loop3A_3123 = arith.shli %parallel_loop3A_3112, %parallel_loop3A_3122 : vector<16xi32>
            %parallel_loop3A_3124 = tpu.bitcast %parallel_loop3A_3123 : vector<16xi32> -> vector<16xf32>
            %parallel_loop3A_3125 = arith.constant -65536 : i32
            %parallel_loop3A_3126 = vector.broadcast %parallel_loop3A_3125 : i32 to vector<16xi32>
            %parallel_loop3A_3127 = arith.andi %parallel_loop3A_3112, %parallel_loop3A_3126 : vector<16xi32>
            %parallel_loop3A_3128 = tpu.bitcast %parallel_loop3A_3127 : vector<16xi32> -> vector<16xf32>
            %parallel_loop3A_3129 = arith.addf %parallel_loop3A_3116, %parallel_loop3A_3124 : vector<16xf32>
            %parallel_loop3A_3130 = vector.broadcast %parallel_loop3A_2980 : f32 to vector<16xf32>
            %parallel_loop3A_3131 = arith.mulf %parallel_loop3A_3130, %parallel_loop3A_213 : vector<16xf32>
            %parallel_loop3A_3132 = arith.addf %parallel_loop3A_3129, %parallel_loop3A_3131 : vector<16xf32>
            %parallel_loop3A_3133 = vector.broadcast %parallel_loop3A_2982 : f32 to vector<16xf32>
            %parallel_loop3A_3134 = arith.mulf %parallel_loop3A_3133, %parallel_loop3A_253 : vector<16xf32>
            %parallel_loop3A_3135 = arith.addf %parallel_loop3A_3132, %parallel_loop3A_3134 : vector<16xf32>
            %parallel_loop3A_3136 = vector.broadcast %parallel_loop3A_2984 : f32 to vector<16xf32>
            %parallel_loop3A_3137 = arith.mulf %parallel_loop3A_3136, %parallel_loop3A_293 : vector<16xf32>
            %parallel_loop3A_3138 = arith.addf %parallel_loop3A_3135, %parallel_loop3A_3137 : vector<16xf32>
            %parallel_loop3A_3139 = arith.addf %parallel_loop3A_3120, %parallel_loop3A_3128 : vector<16xf32>
            %parallel_loop3A_3140 = vector.broadcast %parallel_loop3A_2980 : f32 to vector<16xf32>
            %parallel_loop3A_3141 = arith.mulf %parallel_loop3A_3140, %parallel_loop3A_218 : vector<16xf32>
            %parallel_loop3A_3142 = arith.addf %parallel_loop3A_3139, %parallel_loop3A_3141 : vector<16xf32>
            %parallel_loop3A_3143 = vector.broadcast %parallel_loop3A_2982 : f32 to vector<16xf32>
            %parallel_loop3A_3144 = arith.mulf %parallel_loop3A_3143, %parallel_loop3A_258 : vector<16xf32>
            %parallel_loop3A_3145 = arith.addf %parallel_loop3A_3142, %parallel_loop3A_3144 : vector<16xf32>
            %parallel_loop3A_3146 = vector.broadcast %parallel_loop3A_2984 : f32 to vector<16xf32>
            %parallel_loop3A_3147 = arith.mulf %parallel_loop3A_3146, %parallel_loop3A_298 : vector<16xf32>
            %parallel_loop3A_3148 = arith.addf %parallel_loop3A_3145, %parallel_loop3A_3147 : vector<16xf32>
            %parallel_loop3A_3149 = arith.constant 0.000000e+00 : f32
            %parallel_loop3A_3150 = vector.broadcast %parallel_loop3A_3149 : f32 to vector<16xf32>
            %parallel_loop3A_3151 = arith.maximumf %parallel_loop3A_3138, %parallel_loop3A_3150 : vector<16xf32>
            %parallel_loop3A_3152 = arith.index_cast %parallel_loop3A_2978 : i32 to index
            %parallel_loop3A_3153 = arith.constant 64 : index
            %parallel_loop3A_3154 = tpu.vector_load %arg16[%parallel_loop3A_3152, %parallel_loop3A_3153] {strides = array<i32>} : memref<64x128xf32, #tpu.memory_space<vmem>>, vector<1x16xf32>,
            %parallel_loop3A_3155 = vector.shape_cast %parallel_loop3A_3154 : vector<1x16xf32> to vector<16xf32>
            %parallel_loop3A_3156 = vector.shape_cast %parallel_loop3A_3151 : vector<16xf32> to vector<1x16xf32>
            tpu.vector_store %arg16[%parallel_loop3A_3152, %parallel_loop3A_3153], %parallel_loop3A_3156 {strides = array<i32>} : memref<64x128xf32, #tpu.memory_space<vmem>>, vector<1x16xf32>,
            %parallel_loop3A_3157 = arith.constant 0.000000e+00 : f32
            %parallel_loop3A_3158 = vector.broadcast %parallel_loop3A_3157 : f32 to vector<16xf32>
            %parallel_loop3A_3159 = arith.maximumf %parallel_loop3A_3148, %parallel_loop3A_3158 : vector<16xf32>
            %parallel_loop3A_3160 = arith.index_cast %parallel_loop3A_2978 : i32 to index
            %parallel_loop3A_3161 = arith.constant 80 : index
            %parallel_loop3A_3162 = tpu.vector_load %arg16[%parallel_loop3A_3160, %parallel_loop3A_3161] {strides = array<i32>} : memref<64x128xf32, #tpu.memory_space<vmem>>, vector<1x16xf32>,
            %parallel_loop3A_3163 = vector.shape_cast %parallel_loop3A_3162 : vector<1x16xf32> to vector<16xf32>
            %parallel_loop3A_3164 = vector.shape_cast %parallel_loop3A_3159 : vector<16xf32> to vector<1x16xf32>
            tpu.vector_store %arg16[%parallel_loop3A_3160, %parallel_loop3A_3161], %parallel_loop3A_3164 {strides = array<i32>} : memref<64x128xf32, #tpu.memory_space<vmem>>, vector<1x16xf32>,
            %parallel_loop3A_3165 = arith.index_cast %parallel_loop3A_2971 : i32 to index
            %parallel_loop3A_3166 = arith.constant 48 : index
            %parallel_loop3A_3167 = tpu.vector_load %arg14[%parallel_loop3A_3165, %parallel_loop3A_3166] {strides = array<i32>} : memref<128x64xi32, #tpu.memory_space<vmem>>, vector<1x16xi32>,
            %parallel_loop3A_3168 = vector.shape_cast %parallel_loop3A_3167 : vector<1x16xi32> to vector<16xi32>
            %parallel_loop3A_3169 = arith.index_cast %parallel_loop3A_2971 : i32 to index
            %parallel_loop3A_3170 = arith.constant 48 : index
            %parallel_loop3A_3171 = tpu.vector_load %arg15[%parallel_loop3A_3169, %parallel_loop3A_3170] {strides = array<i32>} : memref<128x64xi32, #tpu.memory_space<vmem>>, vector<1x16xi32>,
            %parallel_loop3A_3172 = vector.shape_cast %parallel_loop3A_3171 : vector<1x16xi32> to vector<16xi32>
            %parallel_loop3A_3173 = arith.constant 16 : i32
            %parallel_loop3A_3174 = vector.broadcast %parallel_loop3A_3173 : i32 to vector<16xi32>
            %parallel_loop3A_3175 = arith.shli %parallel_loop3A_3168, %parallel_loop3A_3174 : vector<16xi32>
            %parallel_loop3A_3176 = tpu.bitcast %parallel_loop3A_3175 : vector<16xi32> -> vector<16xf32>
            %parallel_loop3A_3177 = arith.constant -65536 : i32
            %parallel_loop3A_3178 = vector.broadcast %parallel_loop3A_3177 : i32 to vector<16xi32>
            %parallel_loop3A_3179 = arith.andi %parallel_loop3A_3168, %parallel_loop3A_3178 : vector<16xi32>
            %parallel_loop3A_3180 = tpu.bitcast %parallel_loop3A_3179 : vector<16xi32> -> vector<16xf32>
            %parallel_loop3A_3181 = arith.constant 16 : i32
            %parallel_loop3A_3182 = vector.broadcast %parallel_loop3A_3181 : i32 to vector<16xi32>
            %parallel_loop3A_3183 = arith.shli %parallel_loop3A_3172, %parallel_loop3A_3182 : vector<16xi32>
            %parallel_loop3A_3184 = tpu.bitcast %parallel_loop3A_3183 : vector<16xi32> -> vector<16xf32>
            %parallel_loop3A_3185 = arith.constant -65536 : i32
            %parallel_loop3A_3186 = vector.broadcast %parallel_loop3A_3185 : i32 to vector<16xi32>
            %parallel_loop3A_3187 = arith.andi %parallel_loop3A_3172, %parallel_loop3A_3186 : vector<16xi32>
            %parallel_loop3A_3188 = tpu.bitcast %parallel_loop3A_3187 : vector<16xi32> -> vector<16xf32>
            %parallel_loop3A_3189 = arith.addf %parallel_loop3A_3176, %parallel_loop3A_3184 : vector<16xf32>
            %parallel_loop3A_3190 = vector.broadcast %parallel_loop3A_2980 : f32 to vector<16xf32>
            %parallel_loop3A_3191 = arith.mulf %parallel_loop3A_3190, %parallel_loop3A_223 : vector<16xf32>
            %parallel_loop3A_3192 = arith.addf %parallel_loop3A_3189, %parallel_loop3A_3191 : vector<16xf32>
            %parallel_loop3A_3193 = vector.broadcast %parallel_loop3A_2982 : f32 to vector<16xf32>
            %parallel_loop3A_3194 = arith.mulf %parallel_loop3A_3193, %parallel_loop3A_263 : vector<16xf32>
            %parallel_loop3A_3195 = arith.addf %parallel_loop3A_3192, %parallel_loop3A_3194 : vector<16xf32>
            %parallel_loop3A_3196 = vector.broadcast %parallel_loop3A_2984 : f32 to vector<16xf32>
            %parallel_loop3A_3197 = arith.mulf %parallel_loop3A_3196, %parallel_loop3A_303 : vector<16xf32>
            %parallel_loop3A_3198 = arith.addf %parallel_loop3A_3195, %parallel_loop3A_3197 : vector<16xf32>
            %parallel_loop3A_3199 = arith.addf %parallel_loop3A_3180, %parallel_loop3A_3188 : vector<16xf32>
            %parallel_loop3A_3200 = vector.broadcast %parallel_loop3A_2980 : f32 to vector<16xf32>
            %parallel_loop3A_3201 = arith.mulf %parallel_loop3A_3200, %parallel_loop3A_228 : vector<16xf32>
            %parallel_loop3A_3202 = arith.addf %parallel_loop3A_3199, %parallel_loop3A_3201 : vector<16xf32>
            %parallel_loop3A_3203 = vector.broadcast %parallel_loop3A_2982 : f32 to vector<16xf32>
            %parallel_loop3A_3204 = arith.mulf %parallel_loop3A_3203, %parallel_loop3A_268 : vector<16xf32>
            %parallel_loop3A_3205 = arith.addf %parallel_loop3A_3202, %parallel_loop3A_3204 : vector<16xf32>
            %parallel_loop3A_3206 = vector.broadcast %parallel_loop3A_2984 : f32 to vector<16xf32>
            %parallel_loop3A_3207 = arith.mulf %parallel_loop3A_3206, %parallel_loop3A_308 : vector<16xf32>
            %parallel_loop3A_3208 = arith.addf %parallel_loop3A_3205, %parallel_loop3A_3207 : vector<16xf32>
            %parallel_loop3A_3209 = arith.constant 0.000000e+00 : f32
            %parallel_loop3A_3210 = vector.broadcast %parallel_loop3A_3209 : f32 to vector<16xf32>
            %parallel_loop3A_3211 = arith.maximumf %parallel_loop3A_3198, %parallel_loop3A_3210 : vector<16xf32>
            %parallel_loop3A_3212 = arith.index_cast %parallel_loop3A_2978 : i32 to index
            %parallel_loop3A_3213 = arith.constant 96 : index
            %parallel_loop3A_3214 = tpu.vector_load %arg16[%parallel_loop3A_3212, %parallel_loop3A_3213] {strides = array<i32>} : memref<64x128xf32, #tpu.memory_space<vmem>>, vector<1x16xf32>,
            %parallel_loop3A_3215 = vector.shape_cast %parallel_loop3A_3214 : vector<1x16xf32> to vector<16xf32>
            %parallel_loop3A_3216 = vector.shape_cast %parallel_loop3A_3211 : vector<16xf32> to vector<1x16xf32>
            tpu.vector_store %arg16[%parallel_loop3A_3212, %parallel_loop3A_3213], %parallel_loop3A_3216 {strides = array<i32>} : memref<64x128xf32, #tpu.memory_space<vmem>>, vector<1x16xf32>,
            %parallel_loop3A_3217 = arith.constant 0.000000e+00 : f32
            %parallel_loop3A_3218 = vector.broadcast %parallel_loop3A_3217 : f32 to vector<16xf32>
            %parallel_loop3A_3219 = arith.maximumf %parallel_loop3A_3208, %parallel_loop3A_3218 : vector<16xf32>
            %parallel_loop3A_3220 = arith.index_cast %parallel_loop3A_2978 : i32 to index
            %parallel_loop3A_3221 = arith.constant 112 : index
            %parallel_loop3A_3222 = tpu.vector_load %arg16[%parallel_loop3A_3220, %parallel_loop3A_3221] {strides = array<i32>} : memref<64x128xf32, #tpu.memory_space<vmem>>, vector<1x16xf32>,
            %parallel_loop3A_3223 = vector.shape_cast %parallel_loop3A_3222 : vector<1x16xf32> to vector<16xf32>
            %parallel_loop3A_3224 = vector.shape_cast %parallel_loop3A_3219 : vector<16xf32> to vector<1x16xf32>
            tpu.vector_store %arg16[%parallel_loop3A_3220, %parallel_loop3A_3221], %parallel_loop3A_3224 {strides = array<i32>} : memref<64x128xf32, #tpu.memory_space<vmem>>, vector<1x16xf32>,
            %parallel_loop3A_3225 = arith.constant 64 : i32
            %parallel_loop3A_3226 = arith.muli %select_n3A_131, %parallel_loop3A_3225 : i32
            %parallel_loop3A_3227 = arith.constant 32 : i32
            %parallel_loop3A_3228 = arith.muli %scan3A_165, %parallel_loop3A_3227 : i32
            %parallel_loop3A_3229 = arith.addi %parallel_loop3A_3226, %parallel_loop3A_3228 : i32
            %parallel_loop3A_3230 = arith.constant 16 : i32
            %parallel_loop3A_3231 = arith.muli %parallel_loop3A_188, %parallel_loop3A_3230 : i32
            %parallel_loop3A_3232 = arith.addi %parallel_loop3A_3229, %parallel_loop3A_3231 : i32
            %parallel_loop3A_3233 = arith.constant 11 : i32
            %parallel_loop3A_3234 = arith.addi %parallel_loop3A_3232, %parallel_loop3A_3233 : i32
            %parallel_loop3A_3235 = arith.constant 32 : i32
            %parallel_loop3A_3236 = arith.muli %scan3A_165, %parallel_loop3A_3235 : i32
            %parallel_loop3A_3237 = arith.constant 16 : i32
            %parallel_loop3A_3238 = arith.muli %parallel_loop3A_188, %parallel_loop3A_3237 : i32
            %parallel_loop3A_3239 = arith.addi %parallel_loop3A_3236, %parallel_loop3A_3238 : i32
            %parallel_loop3A_3240 = arith.constant 11 : i32
            %parallel_loop3A_3241 = arith.addi %parallel_loop3A_3239, %parallel_loop3A_3240 : i32
            %parallel_loop3A_3242 = vector.extract_strided_slice %parallel_loop3A_321 {offsets = [11], sizes = [1], strides = [1]} : vector<16xf32> to vector<1xf32>
            %parallel_loop3A_3243 = vector.extract %parallel_loop3A_3242[0] : f32 from vector<1xf32>
            %parallel_loop3A_3244 = vector.extract_strided_slice %parallel_loop3A_326 {offsets = [11], sizes = [1], strides = [1]} : vector<16xf32> to vector<1xf32>
            %parallel_loop3A_3245 = vector.extract %parallel_loop3A_3244[0] : f32 from vector<1xf32>
            %parallel_loop3A_3246 = vector.extract_strided_slice %parallel_loop3A_331 {offsets = [11], sizes = [1], strides = [1]} : vector<16xf32> to vector<1xf32>
            %parallel_loop3A_3247 = vector.extract %parallel_loop3A_3246[0] : f32 from vector<1xf32>
            %parallel_loop3A_3248 = arith.index_cast %parallel_loop3A_3234 : i32 to index
            %parallel_loop3A_3249 = arith.constant 0 : index
            %parallel_loop3A_3250 = tpu.vector_load %arg14[%parallel_loop3A_3248, %parallel_loop3A_3249] {strides = array<i32>} : memref<128x64xi32, #tpu.memory_space<vmem>>, vector<1x16xi32>,
            %parallel_loop3A_3251 = vector.shape_cast %parallel_loop3A_3250 : vector<1x16xi32> to vector<16xi32>
            %parallel_loop3A_3252 = arith.index_cast %parallel_loop3A_3234 : i32 to index
            %parallel_loop3A_3253 = arith.constant 0 : index
            %parallel_loop3A_3254 = tpu.vector_load %arg15[%parallel_loop3A_3252, %parallel_loop3A_3253] {strides = array<i32>} : memref<128x64xi32, #tpu.memory_space<vmem>>, vector<1x16xi32>,
            %parallel_loop3A_3255 = vector.shape_cast %parallel_loop3A_3254 : vector<1x16xi32> to vector<16xi32>
            %parallel_loop3A_3256 = arith.constant 16 : i32
            %parallel_loop3A_3257 = vector.broadcast %parallel_loop3A_3256 : i32 to vector<16xi32>
            %parallel_loop3A_3258 = arith.shli %parallel_loop3A_3251, %parallel_loop3A_3257 : vector<16xi32>
            %parallel_loop3A_3259 = tpu.bitcast %parallel_loop3A_3258 : vector<16xi32> -> vector<16xf32>
            %parallel_loop3A_3260 = arith.constant -65536 : i32
            %parallel_loop3A_3261 = vector.broadcast %parallel_loop3A_3260 : i32 to vector<16xi32>
            %parallel_loop3A_3262 = arith.andi %parallel_loop3A_3251, %parallel_loop3A_3261 : vector<16xi32>
            %parallel_loop3A_3263 = tpu.bitcast %parallel_loop3A_3262 : vector<16xi32> -> vector<16xf32>
            %parallel_loop3A_3264 = arith.constant 16 : i32
            %parallel_loop3A_3265 = vector.broadcast %parallel_loop3A_3264 : i32 to vector<16xi32>
            %parallel_loop3A_3266 = arith.shli %parallel_loop3A_3255, %parallel_loop3A_3265 : vector<16xi32>
            %parallel_loop3A_3267 = tpu.bitcast %parallel_loop3A_3266 : vector<16xi32> -> vector<16xf32>
            %parallel_loop3A_3268 = arith.constant -65536 : i32
            %parallel_loop3A_3269 = vector.broadcast %parallel_loop3A_3268 : i32 to vector<16xi32>
            %parallel_loop3A_3270 = arith.andi %parallel_loop3A_3255, %parallel_loop3A_3269 : vector<16xi32>
            %parallel_loop3A_3271 = tpu.bitcast %parallel_loop3A_3270 : vector<16xi32> -> vector<16xf32>
            %parallel_loop3A_3272 = arith.addf %parallel_loop3A_3259, %parallel_loop3A_3267 : vector<16xf32>
            %parallel_loop3A_3273 = vector.broadcast %parallel_loop3A_3243 : f32 to vector<16xf32>
            %parallel_loop3A_3274 = arith.mulf %parallel_loop3A_3273, %parallel_loop3A_193 : vector<16xf32>
            %parallel_loop3A_3275 = arith.addf %parallel_loop3A_3272, %parallel_loop3A_3274 : vector<16xf32>
            %parallel_loop3A_3276 = vector.broadcast %parallel_loop3A_3245 : f32 to vector<16xf32>
            %parallel_loop3A_3277 = arith.mulf %parallel_loop3A_3276, %parallel_loop3A_233 : vector<16xf32>
            %parallel_loop3A_3278 = arith.addf %parallel_loop3A_3275, %parallel_loop3A_3277 : vector<16xf32>
            %parallel_loop3A_3279 = vector.broadcast %parallel_loop3A_3247 : f32 to vector<16xf32>
            %parallel_loop3A_3280 = arith.mulf %parallel_loop3A_3279, %parallel_loop3A_273 : vector<16xf32>
            %parallel_loop3A_3281 = arith.addf %parallel_loop3A_3278, %parallel_loop3A_3280 : vector<16xf32>
            %parallel_loop3A_3282 = arith.addf %parallel_loop3A_3263, %parallel_loop3A_3271 : vector<16xf32>
            %parallel_loop3A_3283 = vector.broadcast %parallel_loop3A_3243 : f32 to vector<16xf32>
            %parallel_loop3A_3284 = arith.mulf %parallel_loop3A_3283, %parallel_loop3A_198 : vector<16xf32>
            %parallel_loop3A_3285 = arith.addf %parallel_loop3A_3282, %parallel_loop3A_3284 : vector<16xf32>
            %parallel_loop3A_3286 = vector.broadcast %parallel_loop3A_3245 : f32 to vector<16xf32>
            %parallel_loop3A_3287 = arith.mulf %parallel_loop3A_3286, %parallel_loop3A_238 : vector<16xf32>
            %parallel_loop3A_3288 = arith.addf %parallel_loop3A_3285, %parallel_loop3A_3287 : vector<16xf32>
            %parallel_loop3A_3289 = vector.broadcast %parallel_loop3A_3247 : f32 to vector<16xf32>
            %parallel_loop3A_3290 = arith.mulf %parallel_loop3A_3289, %parallel_loop3A_278 : vector<16xf32>
            %parallel_loop3A_3291 = arith.addf %parallel_loop3A_3288, %parallel_loop3A_3290 : vector<16xf32>
            %parallel_loop3A_3292 = arith.constant 0.000000e+00 : f32
            %parallel_loop3A_3293 = vector.broadcast %parallel_loop3A_3292 : f32 to vector<16xf32>
            %parallel_loop3A_3294 = arith.maximumf %parallel_loop3A_3281, %parallel_loop3A_3293 : vector<16xf32>
            %parallel_loop3A_3295 = arith.index_cast %parallel_loop3A_3241 : i32 to index
            %parallel_loop3A_3296 = arith.constant 0 : index
            %parallel_loop3A_3297 = tpu.vector_load %arg16[%parallel_loop3A_3295, %parallel_loop3A_3296] {strides = array<i32>} : memref<64x128xf32, #tpu.memory_space<vmem>>, vector<1x16xf32>,
            %parallel_loop3A_3298 = vector.shape_cast %parallel_loop3A_3297 : vector<1x16xf32> to vector<16xf32>
            %parallel_loop3A_3299 = vector.shape_cast %parallel_loop3A_3294 : vector<16xf32> to vector<1x16xf32>
            tpu.vector_store %arg16[%parallel_loop3A_3295, %parallel_loop3A_3296], %parallel_loop3A_3299 {strides = array<i32>} : memref<64x128xf32, #tpu.memory_space<vmem>>, vector<1x16xf32>,
            %parallel_loop3A_3300 = arith.constant 0.000000e+00 : f32
            %parallel_loop3A_3301 = vector.broadcast %parallel_loop3A_3300 : f32 to vector<16xf32>
            %parallel_loop3A_3302 = arith.maximumf %parallel_loop3A_3291, %parallel_loop3A_3301 : vector<16xf32>
            %parallel_loop3A_3303 = arith.index_cast %parallel_loop3A_3241 : i32 to index
            %parallel_loop3A_3304 = arith.constant 16 : index
            %parallel_loop3A_3305 = tpu.vector_load %arg16[%parallel_loop3A_3303, %parallel_loop3A_3304] {strides = array<i32>} : memref<64x128xf32, #tpu.memory_space<vmem>>, vector<1x16xf32>,
            %parallel_loop3A_3306 = vector.shape_cast %parallel_loop3A_3305 : vector<1x16xf32> to vector<16xf32>
            %parallel_loop3A_3307 = vector.shape_cast %parallel_loop3A_3302 : vector<16xf32> to vector<1x16xf32>
            tpu.vector_store %arg16[%parallel_loop3A_3303, %parallel_loop3A_3304], %parallel_loop3A_3307 {strides = array<i32>} : memref<64x128xf32, #tpu.memory_space<vmem>>, vector<1x16xf32>,
            %parallel_loop3A_3308 = arith.index_cast %parallel_loop3A_3234 : i32 to index
            %parallel_loop3A_3309 = arith.constant 16 : index
            %parallel_loop3A_3310 = tpu.vector_load %arg14[%parallel_loop3A_3308, %parallel_loop3A_3309] {strides = array<i32>} : memref<128x64xi32, #tpu.memory_space<vmem>>, vector<1x16xi32>,
            %parallel_loop3A_3311 = vector.shape_cast %parallel_loop3A_3310 : vector<1x16xi32> to vector<16xi32>
            %parallel_loop3A_3312 = arith.index_cast %parallel_loop3A_3234 : i32 to index
            %parallel_loop3A_3313 = arith.constant 16 : index
            %parallel_loop3A_3314 = tpu.vector_load %arg15[%parallel_loop3A_3312, %parallel_loop3A_3313] {strides = array<i32>} : memref<128x64xi32, #tpu.memory_space<vmem>>, vector<1x16xi32>,
            %parallel_loop3A_3315 = vector.shape_cast %parallel_loop3A_3314 : vector<1x16xi32> to vector<16xi32>
            %parallel_loop3A_3316 = arith.constant 16 : i32
            %parallel_loop3A_3317 = vector.broadcast %parallel_loop3A_3316 : i32 to vector<16xi32>
            %parallel_loop3A_3318 = arith.shli %parallel_loop3A_3311, %parallel_loop3A_3317 : vector<16xi32>
            %parallel_loop3A_3319 = tpu.bitcast %parallel_loop3A_3318 : vector<16xi32> -> vector<16xf32>
            %parallel_loop3A_3320 = arith.constant -65536 : i32
            %parallel_loop3A_3321 = vector.broadcast %parallel_loop3A_3320 : i32 to vector<16xi32>
            %parallel_loop3A_3322 = arith.andi %parallel_loop3A_3311, %parallel_loop3A_3321 : vector<16xi32>
            %parallel_loop3A_3323 = tpu.bitcast %parallel_loop3A_3322 : vector<16xi32> -> vector<16xf32>
            %parallel_loop3A_3324 = arith.constant 16 : i32
            %parallel_loop3A_3325 = vector.broadcast %parallel_loop3A_3324 : i32 to vector<16xi32>
            %parallel_loop3A_3326 = arith.shli %parallel_loop3A_3315, %parallel_loop3A_3325 : vector<16xi32>
            %parallel_loop3A_3327 = tpu.bitcast %parallel_loop3A_3326 : vector<16xi32> -> vector<16xf32>
            %parallel_loop3A_3328 = arith.constant -65536 : i32
            %parallel_loop3A_3329 = vector.broadcast %parallel_loop3A_3328 : i32 to vector<16xi32>
            %parallel_loop3A_3330 = arith.andi %parallel_loop3A_3315, %parallel_loop3A_3329 : vector<16xi32>
            %parallel_loop3A_3331 = tpu.bitcast %parallel_loop3A_3330 : vector<16xi32> -> vector<16xf32>
            %parallel_loop3A_3332 = arith.addf %parallel_loop3A_3319, %parallel_loop3A_3327 : vector<16xf32>
            %parallel_loop3A_3333 = vector.broadcast %parallel_loop3A_3243 : f32 to vector<16xf32>
            %parallel_loop3A_3334 = arith.mulf %parallel_loop3A_3333, %parallel_loop3A_203 : vector<16xf32>
            %parallel_loop3A_3335 = arith.addf %parallel_loop3A_3332, %parallel_loop3A_3334 : vector<16xf32>
            %parallel_loop3A_3336 = vector.broadcast %parallel_loop3A_3245 : f32 to vector<16xf32>
            %parallel_loop3A_3337 = arith.mulf %parallel_loop3A_3336, %parallel_loop3A_243 : vector<16xf32>
            %parallel_loop3A_3338 = arith.addf %parallel_loop3A_3335, %parallel_loop3A_3337 : vector<16xf32>
            %parallel_loop3A_3339 = vector.broadcast %parallel_loop3A_3247 : f32 to vector<16xf32>
            %parallel_loop3A_3340 = arith.mulf %parallel_loop3A_3339, %parallel_loop3A_283 : vector<16xf32>
            %parallel_loop3A_3341 = arith.addf %parallel_loop3A_3338, %parallel_loop3A_3340 : vector<16xf32>
            %parallel_loop3A_3342 = arith.addf %parallel_loop3A_3323, %parallel_loop3A_3331 : vector<16xf32>
            %parallel_loop3A_3343 = vector.broadcast %parallel_loop3A_3243 : f32 to vector<16xf32>
            %parallel_loop3A_3344 = arith.mulf %parallel_loop3A_3343, %parallel_loop3A_208 : vector<16xf32>
            %parallel_loop3A_3345 = arith.addf %parallel_loop3A_3342, %parallel_loop3A_3344 : vector<16xf32>
            %parallel_loop3A_3346 = vector.broadcast %parallel_loop3A_3245 : f32 to vector<16xf32>
            %parallel_loop3A_3347 = arith.mulf %parallel_loop3A_3346, %parallel_loop3A_248 : vector<16xf32>
            %parallel_loop3A_3348 = arith.addf %parallel_loop3A_3345, %parallel_loop3A_3347 : vector<16xf32>
            %parallel_loop3A_3349 = vector.broadcast %parallel_loop3A_3247 : f32 to vector<16xf32>
            %parallel_loop3A_3350 = arith.mulf %parallel_loop3A_3349, %parallel_loop3A_288 : vector<16xf32>
            %parallel_loop3A_3351 = arith.addf %parallel_loop3A_3348, %parallel_loop3A_3350 : vector<16xf32>
            %parallel_loop3A_3352 = arith.constant 0.000000e+00 : f32
            %parallel_loop3A_3353 = vector.broadcast %parallel_loop3A_3352 : f32 to vector<16xf32>
            %parallel_loop3A_3354 = arith.maximumf %parallel_loop3A_3341, %parallel_loop3A_3353 : vector<16xf32>
            %parallel_loop3A_3355 = arith.index_cast %parallel_loop3A_3241 : i32 to index
            %parallel_loop3A_3356 = arith.constant 32 : index
            %parallel_loop3A_3357 = tpu.vector_load %arg16[%parallel_loop3A_3355, %parallel_loop3A_3356] {strides = array<i32>} : memref<64x128xf32, #tpu.memory_space<vmem>>, vector<1x16xf32>,
            %parallel_loop3A_3358 = vector.shape_cast %parallel_loop3A_3357 : vector<1x16xf32> to vector<16xf32>
            %parallel_loop3A_3359 = vector.shape_cast %parallel_loop3A_3354 : vector<16xf32> to vector<1x16xf32>
            tpu.vector_store %arg16[%parallel_loop3A_3355, %parallel_loop3A_3356], %parallel_loop3A_3359 {strides = array<i32>} : memref<64x128xf32, #tpu.memory_space<vmem>>, vector<1x16xf32>,
            %parallel_loop3A_3360 = arith.constant 0.000000e+00 : f32
            %parallel_loop3A_3361 = vector.broadcast %parallel_loop3A_3360 : f32 to vector<16xf32>
            %parallel_loop3A_3362 = arith.maximumf %parallel_loop3A_3351, %parallel_loop3A_3361 : vector<16xf32>
            %parallel_loop3A_3363 = arith.index_cast %parallel_loop3A_3241 : i32 to index
            %parallel_loop3A_3364 = arith.constant 48 : index
            %parallel_loop3A_3365 = tpu.vector_load %arg16[%parallel_loop3A_3363, %parallel_loop3A_3364] {strides = array<i32>} : memref<64x128xf32, #tpu.memory_space<vmem>>, vector<1x16xf32>,
            %parallel_loop3A_3366 = vector.shape_cast %parallel_loop3A_3365 : vector<1x16xf32> to vector<16xf32>
            %parallel_loop3A_3367 = vector.shape_cast %parallel_loop3A_3362 : vector<16xf32> to vector<1x16xf32>
            tpu.vector_store %arg16[%parallel_loop3A_3363, %parallel_loop3A_3364], %parallel_loop3A_3367 {strides = array<i32>} : memref<64x128xf32, #tpu.memory_space<vmem>>, vector<1x16xf32>,
            %parallel_loop3A_3368 = arith.index_cast %parallel_loop3A_3234 : i32 to index
            %parallel_loop3A_3369 = arith.constant 32 : index
            %parallel_loop3A_3370 = tpu.vector_load %arg14[%parallel_loop3A_3368, %parallel_loop3A_3369] {strides = array<i32>} : memref<128x64xi32, #tpu.memory_space<vmem>>, vector<1x16xi32>,
            %parallel_loop3A_3371 = vector.shape_cast %parallel_loop3A_3370 : vector<1x16xi32> to vector<16xi32>
            %parallel_loop3A_3372 = arith.index_cast %parallel_loop3A_3234 : i32 to index
            %parallel_loop3A_3373 = arith.constant 32 : index
            %parallel_loop3A_3374 = tpu.vector_load %arg15[%parallel_loop3A_3372, %parallel_loop3A_3373] {strides = array<i32>} : memref<128x64xi32, #tpu.memory_space<vmem>>, vector<1x16xi32>,
            %parallel_loop3A_3375 = vector.shape_cast %parallel_loop3A_3374 : vector<1x16xi32> to vector<16xi32>
            %parallel_loop3A_3376 = arith.constant 16 : i32
            %parallel_loop3A_3377 = vector.broadcast %parallel_loop3A_3376 : i32 to vector<16xi32>
            %parallel_loop3A_3378 = arith.shli %parallel_loop3A_3371, %parallel_loop3A_3377 : vector<16xi32>
            %parallel_loop3A_3379 = tpu.bitcast %parallel_loop3A_3378 : vector<16xi32> -> vector<16xf32>
            %parallel_loop3A_3380 = arith.constant -65536 : i32
            %parallel_loop3A_3381 = vector.broadcast %parallel_loop3A_3380 : i32 to vector<16xi32>
            %parallel_loop3A_3382 = arith.andi %parallel_loop3A_3371, %parallel_loop3A_3381 : vector<16xi32>
            %parallel_loop3A_3383 = tpu.bitcast %parallel_loop3A_3382 : vector<16xi32> -> vector<16xf32>
            %parallel_loop3A_3384 = arith.constant 16 : i32
            %parallel_loop3A_3385 = vector.broadcast %parallel_loop3A_3384 : i32 to vector<16xi32>
            %parallel_loop3A_3386 = arith.shli %parallel_loop3A_3375, %parallel_loop3A_3385 : vector<16xi32>
            %parallel_loop3A_3387 = tpu.bitcast %parallel_loop3A_3386 : vector<16xi32> -> vector<16xf32>
            %parallel_loop3A_3388 = arith.constant -65536 : i32
            %parallel_loop3A_3389 = vector.broadcast %parallel_loop3A_3388 : i32 to vector<16xi32>
            %parallel_loop3A_3390 = arith.andi %parallel_loop3A_3375, %parallel_loop3A_3389 : vector<16xi32>
            %parallel_loop3A_3391 = tpu.bitcast %parallel_loop3A_3390 : vector<16xi32> -> vector<16xf32>
            %parallel_loop3A_3392 = arith.addf %parallel_loop3A_3379, %parallel_loop3A_3387 : vector<16xf32>
            %parallel_loop3A_3393 = vector.broadcast %parallel_loop3A_3243 : f32 to vector<16xf32>
            %parallel_loop3A_3394 = arith.mulf %parallel_loop3A_3393, %parallel_loop3A_213 : vector<16xf32>
            %parallel_loop3A_3395 = arith.addf %parallel_loop3A_3392, %parallel_loop3A_3394 : vector<16xf32>
            %parallel_loop3A_3396 = vector.broadcast %parallel_loop3A_3245 : f32 to vector<16xf32>
            %parallel_loop3A_3397 = arith.mulf %parallel_loop3A_3396, %parallel_loop3A_253 : vector<16xf32>
            %parallel_loop3A_3398 = arith.addf %parallel_loop3A_3395, %parallel_loop3A_3397 : vector<16xf32>
            %parallel_loop3A_3399 = vector.broadcast %parallel_loop3A_3247 : f32 to vector<16xf32>
            %parallel_loop3A_3400 = arith.mulf %parallel_loop3A_3399, %parallel_loop3A_293 : vector<16xf32>
            %parallel_loop3A_3401 = arith.addf %parallel_loop3A_3398, %parallel_loop3A_3400 : vector<16xf32>
            %parallel_loop3A_3402 = arith.addf %parallel_loop3A_3383, %parallel_loop3A_3391 : vector<16xf32>
            %parallel_loop3A_3403 = vector.broadcast %parallel_loop3A_3243 : f32 to vector<16xf32>
            %parallel_loop3A_3404 = arith.mulf %parallel_loop3A_3403, %parallel_loop3A_218 : vector<16xf32>
            %parallel_loop3A_3405 = arith.addf %parallel_loop3A_3402, %parallel_loop3A_3404 : vector<16xf32>
            %parallel_loop3A_3406 = vector.broadcast %parallel_loop3A_3245 : f32 to vector<16xf32>
            %parallel_loop3A_3407 = arith.mulf %parallel_loop3A_3406, %parallel_loop3A_258 : vector<16xf32>
            %parallel_loop3A_3408 = arith.addf %parallel_loop3A_3405, %parallel_loop3A_3407 : vector<16xf32>
            %parallel_loop3A_3409 = vector.broadcast %parallel_loop3A_3247 : f32 to vector<16xf32>
            %parallel_loop3A_3410 = arith.mulf %parallel_loop3A_3409, %parallel_loop3A_298 : vector<16xf32>
            %parallel_loop3A_3411 = arith.addf %parallel_loop3A_3408, %parallel_loop3A_3410 : vector<16xf32>
            %parallel_loop3A_3412 = arith.constant 0.000000e+00 : f32
            %parallel_loop3A_3413 = vector.broadcast %parallel_loop3A_3412 : f32 to vector<16xf32>
            %parallel_loop3A_3414 = arith.maximumf %parallel_loop3A_3401, %parallel_loop3A_3413 : vector<16xf32>
            %parallel_loop3A_3415 = arith.index_cast %parallel_loop3A_3241 : i32 to index
            %parallel_loop3A_3416 = arith.constant 64 : index
            %parallel_loop3A_3417 = tpu.vector_load %arg16[%parallel_loop3A_3415, %parallel_loop3A_3416] {strides = array<i32>} : memref<64x128xf32, #tpu.memory_space<vmem>>, vector<1x16xf32>,
            %parallel_loop3A_3418 = vector.shape_cast %parallel_loop3A_3417 : vector<1x16xf32> to vector<16xf32>
            %parallel_loop3A_3419 = vector.shape_cast %parallel_loop3A_3414 : vector<16xf32> to vector<1x16xf32>
            tpu.vector_store %arg16[%parallel_loop3A_3415, %parallel_loop3A_3416], %parallel_loop3A_3419 {strides = array<i32>} : memref<64x128xf32, #tpu.memory_space<vmem>>, vector<1x16xf32>,
            %parallel_loop3A_3420 = arith.constant 0.000000e+00 : f32
            %parallel_loop3A_3421 = vector.broadcast %parallel_loop3A_3420 : f32 to vector<16xf32>
            %parallel_loop3A_3422 = arith.maximumf %parallel_loop3A_3411, %parallel_loop3A_3421 : vector<16xf32>
            %parallel_loop3A_3423 = arith.index_cast %parallel_loop3A_3241 : i32 to index
            %parallel_loop3A_3424 = arith.constant 80 : index
            %parallel_loop3A_3425 = tpu.vector_load %arg16[%parallel_loop3A_3423, %parallel_loop3A_3424] {strides = array<i32>} : memref<64x128xf32, #tpu.memory_space<vmem>>, vector<1x16xf32>,
            %parallel_loop3A_3426 = vector.shape_cast %parallel_loop3A_3425 : vector<1x16xf32> to vector<16xf32>
            %parallel_loop3A_3427 = vector.shape_cast %parallel_loop3A_3422 : vector<16xf32> to vector<1x16xf32>
            tpu.vector_store %arg16[%parallel_loop3A_3423, %parallel_loop3A_3424], %parallel_loop3A_3427 {strides = array<i32>} : memref<64x128xf32, #tpu.memory_space<vmem>>, vector<1x16xf32>,
            %parallel_loop3A_3428 = arith.index_cast %parallel_loop3A_3234 : i32 to index
            %parallel_loop3A_3429 = arith.constant 48 : index
            %parallel_loop3A_3430 = tpu.vector_load %arg14[%parallel_loop3A_3428, %parallel_loop3A_3429] {strides = array<i32>} : memref<128x64xi32, #tpu.memory_space<vmem>>, vector<1x16xi32>,
            %parallel_loop3A_3431 = vector.shape_cast %parallel_loop3A_3430 : vector<1x16xi32> to vector<16xi32>
            %parallel_loop3A_3432 = arith.index_cast %parallel_loop3A_3234 : i32 to index
            %parallel_loop3A_3433 = arith.constant 48 : index
            %parallel_loop3A_3434 = tpu.vector_load %arg15[%parallel_loop3A_3432, %parallel_loop3A_3433] {strides = array<i32>} : memref<128x64xi32, #tpu.memory_space<vmem>>, vector<1x16xi32>,
            %parallel_loop3A_3435 = vector.shape_cast %parallel_loop3A_3434 : vector<1x16xi32> to vector<16xi32>
            %parallel_loop3A_3436 = arith.constant 16 : i32
            %parallel_loop3A_3437 = vector.broadcast %parallel_loop3A_3436 : i32 to vector<16xi32>
            %parallel_loop3A_3438 = arith.shli %parallel_loop3A_3431, %parallel_loop3A_3437 : vector<16xi32>
            %parallel_loop3A_3439 = tpu.bitcast %parallel_loop3A_3438 : vector<16xi32> -> vector<16xf32>
            %parallel_loop3A_3440 = arith.constant -65536 : i32
            %parallel_loop3A_3441 = vector.broadcast %parallel_loop3A_3440 : i32 to vector<16xi32>
            %parallel_loop3A_3442 = arith.andi %parallel_loop3A_3431, %parallel_loop3A_3441 : vector<16xi32>
            %parallel_loop3A_3443 = tpu.bitcast %parallel_loop3A_3442 : vector<16xi32> -> vector<16xf32>
            %parallel_loop3A_3444 = arith.constant 16 : i32
            %parallel_loop3A_3445 = vector.broadcast %parallel_loop3A_3444 : i32 to vector<16xi32>
            %parallel_loop3A_3446 = arith.shli %parallel_loop3A_3435, %parallel_loop3A_3445 : vector<16xi32>
            %parallel_loop3A_3447 = tpu.bitcast %parallel_loop3A_3446 : vector<16xi32> -> vector<16xf32>
            %parallel_loop3A_3448 = arith.constant -65536 : i32
            %parallel_loop3A_3449 = vector.broadcast %parallel_loop3A_3448 : i32 to vector<16xi32>
            %parallel_loop3A_3450 = arith.andi %parallel_loop3A_3435, %parallel_loop3A_3449 : vector<16xi32>
            %parallel_loop3A_3451 = tpu.bitcast %parallel_loop3A_3450 : vector<16xi32> -> vector<16xf32>
            %parallel_loop3A_3452 = arith.addf %parallel_loop3A_3439, %parallel_loop3A_3447 : vector<16xf32>
            %parallel_loop3A_3453 = vector.broadcast %parallel_loop3A_3243 : f32 to vector<16xf32>
            %parallel_loop3A_3454 = arith.mulf %parallel_loop3A_3453, %parallel_loop3A_223 : vector<16xf32>
            %parallel_loop3A_3455 = arith.addf %parallel_loop3A_3452, %parallel_loop3A_3454 : vector<16xf32>
            %parallel_loop3A_3456 = vector.broadcast %parallel_loop3A_3245 : f32 to vector<16xf32>
            %parallel_loop3A_3457 = arith.mulf %parallel_loop3A_3456, %parallel_loop3A_263 : vector<16xf32>
            %parallel_loop3A_3458 = arith.addf %parallel_loop3A_3455, %parallel_loop3A_3457 : vector<16xf32>
            %parallel_loop3A_3459 = vector.broadcast %parallel_loop3A_3247 : f32 to vector<16xf32>
            %parallel_loop3A_3460 = arith.mulf %parallel_loop3A_3459, %parallel_loop3A_303 : vector<16xf32>
            %parallel_loop3A_3461 = arith.addf %parallel_loop3A_3458, %parallel_loop3A_3460 : vector<16xf32>
            %parallel_loop3A_3462 = arith.addf %parallel_loop3A_3443, %parallel_loop3A_3451 : vector<16xf32>
            %parallel_loop3A_3463 = vector.broadcast %parallel_loop3A_3243 : f32 to vector<16xf32>
            %parallel_loop3A_3464 = arith.mulf %parallel_loop3A_3463, %parallel_loop3A_228 : vector<16xf32>
            %parallel_loop3A_3465 = arith.addf %parallel_loop3A_3462, %parallel_loop3A_3464 : vector<16xf32>
            %parallel_loop3A_3466 = vector.broadcast %parallel_loop3A_3245 : f32 to vector<16xf32>
            %parallel_loop3A_3467 = arith.mulf %parallel_loop3A_3466, %parallel_loop3A_268 : vector<16xf32>
            %parallel_loop3A_3468 = arith.addf %parallel_loop3A_3465, %parallel_loop3A_3467 : vector<16xf32>
            %parallel_loop3A_3469 = vector.broadcast %parallel_loop3A_3247 : f32 to vector<16xf32>
            %parallel_loop3A_3470 = arith.mulf %parallel_loop3A_3469, %parallel_loop3A_308 : vector<16xf32>
            %parallel_loop3A_3471 = arith.addf %parallel_loop3A_3468, %parallel_loop3A_3470 : vector<16xf32>
            %parallel_loop3A_3472 = arith.constant 0.000000e+00 : f32
            %parallel_loop3A_3473 = vector.broadcast %parallel_loop3A_3472 : f32 to vector<16xf32>
            %parallel_loop3A_3474 = arith.maximumf %parallel_loop3A_3461, %parallel_loop3A_3473 : vector<16xf32>
            %parallel_loop3A_3475 = arith.index_cast %parallel_loop3A_3241 : i32 to index
            %parallel_loop3A_3476 = arith.constant 96 : index
            %parallel_loop3A_3477 = tpu.vector_load %arg16[%parallel_loop3A_3475, %parallel_loop3A_3476] {strides = array<i32>} : memref<64x128xf32, #tpu.memory_space<vmem>>, vector<1x16xf32>,
            %parallel_loop3A_3478 = vector.shape_cast %parallel_loop3A_3477 : vector<1x16xf32> to vector<16xf32>
            %parallel_loop3A_3479 = vector.shape_cast %parallel_loop3A_3474 : vector<16xf32> to vector<1x16xf32>
            tpu.vector_store %arg16[%parallel_loop3A_3475, %parallel_loop3A_3476], %parallel_loop3A_3479 {strides = array<i32>} : memref<64x128xf32, #tpu.memory_space<vmem>>, vector<1x16xf32>,
            %parallel_loop3A_3480 = arith.constant 0.000000e+00 : f32
            %parallel_loop3A_3481 = vector.broadcast %parallel_loop3A_3480 : f32 to vector<16xf32>
            %parallel_loop3A_3482 = arith.maximumf %parallel_loop3A_3471, %parallel_loop3A_3481 : vector<16xf32>
            %parallel_loop3A_3483 = arith.index_cast %parallel_loop3A_3241 : i32 to index
            %parallel_loop3A_3484 = arith.constant 112 : index
            %parallel_loop3A_3485 = tpu.vector_load %arg16[%parallel_loop3A_3483, %parallel_loop3A_3484] {strides = array<i32>} : memref<64x128xf32, #tpu.memory_space<vmem>>, vector<1x16xf32>,
            %parallel_loop3A_3486 = vector.shape_cast %parallel_loop3A_3485 : vector<1x16xf32> to vector<16xf32>
            %parallel_loop3A_3487 = vector.shape_cast %parallel_loop3A_3482 : vector<16xf32> to vector<1x16xf32>
            tpu.vector_store %arg16[%parallel_loop3A_3483, %parallel_loop3A_3484], %parallel_loop3A_3487 {strides = array<i32>} : memref<64x128xf32, #tpu.memory_space<vmem>>, vector<1x16xf32>,
            %parallel_loop3A_3488 = arith.constant 64 : i32
            %parallel_loop3A_3489 = arith.muli %select_n3A_131, %parallel_loop3A_3488 : i32
            %parallel_loop3A_3490 = arith.constant 32 : i32
            %parallel_loop3A_3491 = arith.muli %scan3A_165, %parallel_loop3A_3490 : i32
            %parallel_loop3A_3492 = arith.addi %parallel_loop3A_3489, %parallel_loop3A_3491 : i32
            %parallel_loop3A_3493 = arith.constant 16 : i32
            %parallel_loop3A_3494 = arith.muli %parallel_loop3A_188, %parallel_loop3A_3493 : i32
            %parallel_loop3A_3495 = arith.addi %parallel_loop3A_3492, %parallel_loop3A_3494 : i32
            %parallel_loop3A_3496 = arith.constant 12 : i32
            %parallel_loop3A_3497 = arith.addi %parallel_loop3A_3495, %parallel_loop3A_3496 : i32
            %parallel_loop3A_3498 = arith.constant 32 : i32
            %parallel_loop3A_3499 = arith.muli %scan3A_165, %parallel_loop3A_3498 : i32
            %parallel_loop3A_3500 = arith.constant 16 : i32
            %parallel_loop3A_3501 = arith.muli %parallel_loop3A_188, %parallel_loop3A_3500 : i32
            %parallel_loop3A_3502 = arith.addi %parallel_loop3A_3499, %parallel_loop3A_3501 : i32
            %parallel_loop3A_3503 = arith.constant 12 : i32
            %parallel_loop3A_3504 = arith.addi %parallel_loop3A_3502, %parallel_loop3A_3503 : i32
            %parallel_loop3A_3505 = vector.extract_strided_slice %parallel_loop3A_321 {offsets = [12], sizes = [1], strides = [1]} : vector<16xf32> to vector<1xf32>
            %parallel_loop3A_3506 = vector.extract %parallel_loop3A_3505[0] : f32 from vector<1xf32>
            %parallel_loop3A_3507 = vector.extract_strided_slice %parallel_loop3A_326 {offsets = [12], sizes = [1], strides = [1]} : vector<16xf32> to vector<1xf32>
            %parallel_loop3A_3508 = vector.extract %parallel_loop3A_3507[0] : f32 from vector<1xf32>
            %parallel_loop3A_3509 = vector.extract_strided_slice %parallel_loop3A_331 {offsets = [12], sizes = [1], strides = [1]} : vector<16xf32> to vector<1xf32>
            %parallel_loop3A_3510 = vector.extract %parallel_loop3A_3509[0] : f32 from vector<1xf32>
            %parallel_loop3A_3511 = arith.index_cast %parallel_loop3A_3497 : i32 to index
            %parallel_loop3A_3512 = arith.constant 0 : index
            %parallel_loop3A_3513 = tpu.vector_load %arg14[%parallel_loop3A_3511, %parallel_loop3A_3512] {strides = array<i32>} : memref<128x64xi32, #tpu.memory_space<vmem>>, vector<1x16xi32>,
            %parallel_loop3A_3514 = vector.shape_cast %parallel_loop3A_3513 : vector<1x16xi32> to vector<16xi32>
            %parallel_loop3A_3515 = arith.index_cast %parallel_loop3A_3497 : i32 to index
            %parallel_loop3A_3516 = arith.constant 0 : index
            %parallel_loop3A_3517 = tpu.vector_load %arg15[%parallel_loop3A_3515, %parallel_loop3A_3516] {strides = array<i32>} : memref<128x64xi32, #tpu.memory_space<vmem>>, vector<1x16xi32>,
            %parallel_loop3A_3518 = vector.shape_cast %parallel_loop3A_3517 : vector<1x16xi32> to vector<16xi32>
            %parallel_loop3A_3519 = arith.constant 16 : i32
            %parallel_loop3A_3520 = vector.broadcast %parallel_loop3A_3519 : i32 to vector<16xi32>
            %parallel_loop3A_3521 = arith.shli %parallel_loop3A_3514, %parallel_loop3A_3520 : vector<16xi32>
            %parallel_loop3A_3522 = tpu.bitcast %parallel_loop3A_3521 : vector<16xi32> -> vector<16xf32>
            %parallel_loop3A_3523 = arith.constant -65536 : i32
            %parallel_loop3A_3524 = vector.broadcast %parallel_loop3A_3523 : i32 to vector<16xi32>
            %parallel_loop3A_3525 = arith.andi %parallel_loop3A_3514, %parallel_loop3A_3524 : vector<16xi32>
            %parallel_loop3A_3526 = tpu.bitcast %parallel_loop3A_3525 : vector<16xi32> -> vector<16xf32>
            %parallel_loop3A_3527 = arith.constant 16 : i32
            %parallel_loop3A_3528 = vector.broadcast %parallel_loop3A_3527 : i32 to vector<16xi32>
            %parallel_loop3A_3529 = arith.shli %parallel_loop3A_3518, %parallel_loop3A_3528 : vector<16xi32>
            %parallel_loop3A_3530 = tpu.bitcast %parallel_loop3A_3529 : vector<16xi32> -> vector<16xf32>
            %parallel_loop3A_3531 = arith.constant -65536 : i32
            %parallel_loop3A_3532 = vector.broadcast %parallel_loop3A_3531 : i32 to vector<16xi32>
            %parallel_loop3A_3533 = arith.andi %parallel_loop3A_3518, %parallel_loop3A_3532 : vector<16xi32>
            %parallel_loop3A_3534 = tpu.bitcast %parallel_loop3A_3533 : vector<16xi32> -> vector<16xf32>
            %parallel_loop3A_3535 = arith.addf %parallel_loop3A_3522, %parallel_loop3A_3530 : vector<16xf32>
            %parallel_loop3A_3536 = vector.broadcast %parallel_loop3A_3506 : f32 to vector<16xf32>
            %parallel_loop3A_3537 = arith.mulf %parallel_loop3A_3536, %parallel_loop3A_193 : vector<16xf32>
            %parallel_loop3A_3538 = arith.addf %parallel_loop3A_3535, %parallel_loop3A_3537 : vector<16xf32>
            %parallel_loop3A_3539 = vector.broadcast %parallel_loop3A_3508 : f32 to vector<16xf32>
            %parallel_loop3A_3540 = arith.mulf %parallel_loop3A_3539, %parallel_loop3A_233 : vector<16xf32>
            %parallel_loop3A_3541 = arith.addf %parallel_loop3A_3538, %parallel_loop3A_3540 : vector<16xf32>
            %parallel_loop3A_3542 = vector.broadcast %parallel_loop3A_3510 : f32 to vector<16xf32>
            %parallel_loop3A_3543 = arith.mulf %parallel_loop3A_3542, %parallel_loop3A_273 : vector<16xf32>
            %parallel_loop3A_3544 = arith.addf %parallel_loop3A_3541, %parallel_loop3A_3543 : vector<16xf32>
            %parallel_loop3A_3545 = arith.addf %parallel_loop3A_3526, %parallel_loop3A_3534 : vector<16xf32>
            %parallel_loop3A_3546 = vector.broadcast %parallel_loop3A_3506 : f32 to vector<16xf32>
            %parallel_loop3A_3547 = arith.mulf %parallel_loop3A_3546, %parallel_loop3A_198 : vector<16xf32>
            %parallel_loop3A_3548 = arith.addf %parallel_loop3A_3545, %parallel_loop3A_3547 : vector<16xf32>
            %parallel_loop3A_3549 = vector.broadcast %parallel_loop3A_3508 : f32 to vector<16xf32>
            %parallel_loop3A_3550 = arith.mulf %parallel_loop3A_3549, %parallel_loop3A_238 : vector<16xf32>
            %parallel_loop3A_3551 = arith.addf %parallel_loop3A_3548, %parallel_loop3A_3550 : vector<16xf32>
            %parallel_loop3A_3552 = vector.broadcast %parallel_loop3A_3510 : f32 to vector<16xf32>
            %parallel_loop3A_3553 = arith.mulf %parallel_loop3A_3552, %parallel_loop3A_278 : vector<16xf32>
            %parallel_loop3A_3554 = arith.addf %parallel_loop3A_3551, %parallel_loop3A_3553 : vector<16xf32>
            %parallel_loop3A_3555 = arith.constant 0.000000e+00 : f32
            %parallel_loop3A_3556 = vector.broadcast %parallel_loop3A_3555 : f32 to vector<16xf32>
            %parallel_loop3A_3557 = arith.maximumf %parallel_loop3A_3544, %parallel_loop3A_3556 : vector<16xf32>
            %parallel_loop3A_3558 = arith.index_cast %parallel_loop3A_3504 : i32 to index
            %parallel_loop3A_3559 = arith.constant 0 : index
            %parallel_loop3A_3560 = tpu.vector_load %arg16[%parallel_loop3A_3558, %parallel_loop3A_3559] {strides = array<i32>} : memref<64x128xf32, #tpu.memory_space<vmem>>, vector<1x16xf32>,
            %parallel_loop3A_3561 = vector.shape_cast %parallel_loop3A_3560 : vector<1x16xf32> to vector<16xf32>
            %parallel_loop3A_3562 = vector.shape_cast %parallel_loop3A_3557 : vector<16xf32> to vector<1x16xf32>
            tpu.vector_store %arg16[%parallel_loop3A_3558, %parallel_loop3A_3559], %parallel_loop3A_3562 {strides = array<i32>} : memref<64x128xf32, #tpu.memory_space<vmem>>, vector<1x16xf32>,
            %parallel_loop3A_3563 = arith.constant 0.000000e+00 : f32
            %parallel_loop3A_3564 = vector.broadcast %parallel_loop3A_3563 : f32 to vector<16xf32>
            %parallel_loop3A_3565 = arith.maximumf %parallel_loop3A_3554, %parallel_loop3A_3564 : vector<16xf32>
            %parallel_loop3A_3566 = arith.index_cast %parallel_loop3A_3504 : i32 to index
            %parallel_loop3A_3567 = arith.constant 16 : index
            %parallel_loop3A_3568 = tpu.vector_load %arg16[%parallel_loop3A_3566, %parallel_loop3A_3567] {strides = array<i32>} : memref<64x128xf32, #tpu.memory_space<vmem>>, vector<1x16xf32>,
            %parallel_loop3A_3569 = vector.shape_cast %parallel_loop3A_3568 : vector<1x16xf32> to vector<16xf32>
            %parallel_loop3A_3570 = vector.shape_cast %parallel_loop3A_3565 : vector<16xf32> to vector<1x16xf32>
            tpu.vector_store %arg16[%parallel_loop3A_3566, %parallel_loop3A_3567], %parallel_loop3A_3570 {strides = array<i32>} : memref<64x128xf32, #tpu.memory_space<vmem>>, vector<1x16xf32>,
            %parallel_loop3A_3571 = arith.index_cast %parallel_loop3A_3497 : i32 to index
            %parallel_loop3A_3572 = arith.constant 16 : index
            %parallel_loop3A_3573 = tpu.vector_load %arg14[%parallel_loop3A_3571, %parallel_loop3A_3572] {strides = array<i32>} : memref<128x64xi32, #tpu.memory_space<vmem>>, vector<1x16xi32>,
            %parallel_loop3A_3574 = vector.shape_cast %parallel_loop3A_3573 : vector<1x16xi32> to vector<16xi32>
            %parallel_loop3A_3575 = arith.index_cast %parallel_loop3A_3497 : i32 to index
            %parallel_loop3A_3576 = arith.constant 16 : index
            %parallel_loop3A_3577 = tpu.vector_load %arg15[%parallel_loop3A_3575, %parallel_loop3A_3576] {strides = array<i32>} : memref<128x64xi32, #tpu.memory_space<vmem>>, vector<1x16xi32>,
            %parallel_loop3A_3578 = vector.shape_cast %parallel_loop3A_3577 : vector<1x16xi32> to vector<16xi32>
            %parallel_loop3A_3579 = arith.constant 16 : i32
            %parallel_loop3A_3580 = vector.broadcast %parallel_loop3A_3579 : i32 to vector<16xi32>
            %parallel_loop3A_3581 = arith.shli %parallel_loop3A_3574, %parallel_loop3A_3580 : vector<16xi32>
            %parallel_loop3A_3582 = tpu.bitcast %parallel_loop3A_3581 : vector<16xi32> -> vector<16xf32>
            %parallel_loop3A_3583 = arith.constant -65536 : i32
            %parallel_loop3A_3584 = vector.broadcast %parallel_loop3A_3583 : i32 to vector<16xi32>
            %parallel_loop3A_3585 = arith.andi %parallel_loop3A_3574, %parallel_loop3A_3584 : vector<16xi32>
            %parallel_loop3A_3586 = tpu.bitcast %parallel_loop3A_3585 : vector<16xi32> -> vector<16xf32>
            %parallel_loop3A_3587 = arith.constant 16 : i32
            %parallel_loop3A_3588 = vector.broadcast %parallel_loop3A_3587 : i32 to vector<16xi32>
            %parallel_loop3A_3589 = arith.shli %parallel_loop3A_3578, %parallel_loop3A_3588 : vector<16xi32>
            %parallel_loop3A_3590 = tpu.bitcast %parallel_loop3A_3589 : vector<16xi32> -> vector<16xf32>
            %parallel_loop3A_3591 = arith.constant -65536 : i32
            %parallel_loop3A_3592 = vector.broadcast %parallel_loop3A_3591 : i32 to vector<16xi32>
            %parallel_loop3A_3593 = arith.andi %parallel_loop3A_3578, %parallel_loop3A_3592 : vector<16xi32>
            %parallel_loop3A_3594 = tpu.bitcast %parallel_loop3A_3593 : vector<16xi32> -> vector<16xf32>
            %parallel_loop3A_3595 = arith.addf %parallel_loop3A_3582, %parallel_loop3A_3590 : vector<16xf32>
            %parallel_loop3A_3596 = vector.broadcast %parallel_loop3A_3506 : f32 to vector<16xf32>
            %parallel_loop3A_3597 = arith.mulf %parallel_loop3A_3596, %parallel_loop3A_203 : vector<16xf32>
            %parallel_loop3A_3598 = arith.addf %parallel_loop3A_3595, %parallel_loop3A_3597 : vector<16xf32>
            %parallel_loop3A_3599 = vector.broadcast %parallel_loop3A_3508 : f32 to vector<16xf32>
            %parallel_loop3A_3600 = arith.mulf %parallel_loop3A_3599, %parallel_loop3A_243 : vector<16xf32>
            %parallel_loop3A_3601 = arith.addf %parallel_loop3A_3598, %parallel_loop3A_3600 : vector<16xf32>
            %parallel_loop3A_3602 = vector.broadcast %parallel_loop3A_3510 : f32 to vector<16xf32>
            %parallel_loop3A_3603 = arith.mulf %parallel_loop3A_3602, %parallel_loop3A_283 : vector<16xf32>
            %parallel_loop3A_3604 = arith.addf %parallel_loop3A_3601, %parallel_loop3A_3603 : vector<16xf32>
            %parallel_loop3A_3605 = arith.addf %parallel_loop3A_3586, %parallel_loop3A_3594 : vector<16xf32>
            %parallel_loop3A_3606 = vector.broadcast %parallel_loop3A_3506 : f32 to vector<16xf32>
            %parallel_loop3A_3607 = arith.mulf %parallel_loop3A_3606, %parallel_loop3A_208 : vector<16xf32>
            %parallel_loop3A_3608 = arith.addf %parallel_loop3A_3605, %parallel_loop3A_3607 : vector<16xf32>
            %parallel_loop3A_3609 = vector.broadcast %parallel_loop3A_3508 : f32 to vector<16xf32>
            %parallel_loop3A_3610 = arith.mulf %parallel_loop3A_3609, %parallel_loop3A_248 : vector<16xf32>
            %parallel_loop3A_3611 = arith.addf %parallel_loop3A_3608, %parallel_loop3A_3610 : vector<16xf32>
            %parallel_loop3A_3612 = vector.broadcast %parallel_loop3A_3510 : f32 to vector<16xf32>
            %parallel_loop3A_3613 = arith.mulf %parallel_loop3A_3612, %parallel_loop3A_288 : vector<16xf32>
            %parallel_loop3A_3614 = arith.addf %parallel_loop3A_3611, %parallel_loop3A_3613 : vector<16xf32>
            %parallel_loop3A_3615 = arith.constant 0.000000e+00 : f32
            %parallel_loop3A_3616 = vector.broadcast %parallel_loop3A_3615 : f32 to vector<16xf32>
            %parallel_loop3A_3617 = arith.maximumf %parallel_loop3A_3604, %parallel_loop3A_3616 : vector<16xf32>
            %parallel_loop3A_3618 = arith.index_cast %parallel_loop3A_3504 : i32 to index
            %parallel_loop3A_3619 = arith.constant 32 : index
            %parallel_loop3A_3620 = tpu.vector_load %arg16[%parallel_loop3A_3618, %parallel_loop3A_3619] {strides = array<i32>} : memref<64x128xf32, #tpu.memory_space<vmem>>, vector<1x16xf32>,
            %parallel_loop3A_3621 = vector.shape_cast %parallel_loop3A_3620 : vector<1x16xf32> to vector<16xf32>
            %parallel_loop3A_3622 = vector.shape_cast %parallel_loop3A_3617 : vector<16xf32> to vector<1x16xf32>
            tpu.vector_store %arg16[%parallel_loop3A_3618, %parallel_loop3A_3619], %parallel_loop3A_3622 {strides = array<i32>} : memref<64x128xf32, #tpu.memory_space<vmem>>, vector<1x16xf32>,
            %parallel_loop3A_3623 = arith.constant 0.000000e+00 : f32
            %parallel_loop3A_3624 = vector.broadcast %parallel_loop3A_3623 : f32 to vector<16xf32>
            %parallel_loop3A_3625 = arith.maximumf %parallel_loop3A_3614, %parallel_loop3A_3624 : vector<16xf32>
            %parallel_loop3A_3626 = arith.index_cast %parallel_loop3A_3504 : i32 to index
            %parallel_loop3A_3627 = arith.constant 48 : index
            %parallel_loop3A_3628 = tpu.vector_load %arg16[%parallel_loop3A_3626, %parallel_loop3A_3627] {strides = array<i32>} : memref<64x128xf32, #tpu.memory_space<vmem>>, vector<1x16xf32>,
            %parallel_loop3A_3629 = vector.shape_cast %parallel_loop3A_3628 : vector<1x16xf32> to vector<16xf32>
            %parallel_loop3A_3630 = vector.shape_cast %parallel_loop3A_3625 : vector<16xf32> to vector<1x16xf32>
            tpu.vector_store %arg16[%parallel_loop3A_3626, %parallel_loop3A_3627], %parallel_loop3A_3630 {strides = array<i32>} : memref<64x128xf32, #tpu.memory_space<vmem>>, vector<1x16xf32>,
            %parallel_loop3A_3631 = arith.index_cast %parallel_loop3A_3497 : i32 to index
            %parallel_loop3A_3632 = arith.constant 32 : index
            %parallel_loop3A_3633 = tpu.vector_load %arg14[%parallel_loop3A_3631, %parallel_loop3A_3632] {strides = array<i32>} : memref<128x64xi32, #tpu.memory_space<vmem>>, vector<1x16xi32>,
            %parallel_loop3A_3634 = vector.shape_cast %parallel_loop3A_3633 : vector<1x16xi32> to vector<16xi32>
            %parallel_loop3A_3635 = arith.index_cast %parallel_loop3A_3497 : i32 to index
            %parallel_loop3A_3636 = arith.constant 32 : index
            %parallel_loop3A_3637 = tpu.vector_load %arg15[%parallel_loop3A_3635, %parallel_loop3A_3636] {strides = array<i32>} : memref<128x64xi32, #tpu.memory_space<vmem>>, vector<1x16xi32>,
            %parallel_loop3A_3638 = vector.shape_cast %parallel_loop3A_3637 : vector<1x16xi32> to vector<16xi32>
            %parallel_loop3A_3639 = arith.constant 16 : i32
            %parallel_loop3A_3640 = vector.broadcast %parallel_loop3A_3639 : i32 to vector<16xi32>
            %parallel_loop3A_3641 = arith.shli %parallel_loop3A_3634, %parallel_loop3A_3640 : vector<16xi32>
            %parallel_loop3A_3642 = tpu.bitcast %parallel_loop3A_3641 : vector<16xi32> -> vector<16xf32>
            %parallel_loop3A_3643 = arith.constant -65536 : i32
            %parallel_loop3A_3644 = vector.broadcast %parallel_loop3A_3643 : i32 to vector<16xi32>
            %parallel_loop3A_3645 = arith.andi %parallel_loop3A_3634, %parallel_loop3A_3644 : vector<16xi32>
            %parallel_loop3A_3646 = tpu.bitcast %parallel_loop3A_3645 : vector<16xi32> -> vector<16xf32>
            %parallel_loop3A_3647 = arith.constant 16 : i32
            %parallel_loop3A_3648 = vector.broadcast %parallel_loop3A_3647 : i32 to vector<16xi32>
            %parallel_loop3A_3649 = arith.shli %parallel_loop3A_3638, %parallel_loop3A_3648 : vector<16xi32>
            %parallel_loop3A_3650 = tpu.bitcast %parallel_loop3A_3649 : vector<16xi32> -> vector<16xf32>
            %parallel_loop3A_3651 = arith.constant -65536 : i32
            %parallel_loop3A_3652 = vector.broadcast %parallel_loop3A_3651 : i32 to vector<16xi32>
            %parallel_loop3A_3653 = arith.andi %parallel_loop3A_3638, %parallel_loop3A_3652 : vector<16xi32>
            %parallel_loop3A_3654 = tpu.bitcast %parallel_loop3A_3653 : vector<16xi32> -> vector<16xf32>
            %parallel_loop3A_3655 = arith.addf %parallel_loop3A_3642, %parallel_loop3A_3650 : vector<16xf32>
            %parallel_loop3A_3656 = vector.broadcast %parallel_loop3A_3506 : f32 to vector<16xf32>
            %parallel_loop3A_3657 = arith.mulf %parallel_loop3A_3656, %parallel_loop3A_213 : vector<16xf32>
            %parallel_loop3A_3658 = arith.addf %parallel_loop3A_3655, %parallel_loop3A_3657 : vector<16xf32>
            %parallel_loop3A_3659 = vector.broadcast %parallel_loop3A_3508 : f32 to vector<16xf32>
            %parallel_loop3A_3660 = arith.mulf %parallel_loop3A_3659, %parallel_loop3A_253 : vector<16xf32>
            %parallel_loop3A_3661 = arith.addf %parallel_loop3A_3658, %parallel_loop3A_3660 : vector<16xf32>
            %parallel_loop3A_3662 = vector.broadcast %parallel_loop3A_3510 : f32 to vector<16xf32>
            %parallel_loop3A_3663 = arith.mulf %parallel_loop3A_3662, %parallel_loop3A_293 : vector<16xf32>
            %parallel_loop3A_3664 = arith.addf %parallel_loop3A_3661, %parallel_loop3A_3663 : vector<16xf32>
            %parallel_loop3A_3665 = arith.addf %parallel_loop3A_3646, %parallel_loop3A_3654 : vector<16xf32>
            %parallel_loop3A_3666 = vector.broadcast %parallel_loop3A_3506 : f32 to vector<16xf32>
            %parallel_loop3A_3667 = arith.mulf %parallel_loop3A_3666, %parallel_loop3A_218 : vector<16xf32>
            %parallel_loop3A_3668 = arith.addf %parallel_loop3A_3665, %parallel_loop3A_3667 : vector<16xf32>
            %parallel_loop3A_3669 = vector.broadcast %parallel_loop3A_3508 : f32 to vector<16xf32>
            %parallel_loop3A_3670 = arith.mulf %parallel_loop3A_3669, %parallel_loop3A_258 : vector<16xf32>
            %parallel_loop3A_3671 = arith.addf %parallel_loop3A_3668, %parallel_loop3A_3670 : vector<16xf32>
            %parallel_loop3A_3672 = vector.broadcast %parallel_loop3A_3510 : f32 to vector<16xf32>
            %parallel_loop3A_3673 = arith.mulf %parallel_loop3A_3672, %parallel_loop3A_298 : vector<16xf32>
            %parallel_loop3A_3674 = arith.addf %parallel_loop3A_3671, %parallel_loop3A_3673 : vector<16xf32>
            %parallel_loop3A_3675 = arith.constant 0.000000e+00 : f32
            %parallel_loop3A_3676 = vector.broadcast %parallel_loop3A_3675 : f32 to vector<16xf32>
            %parallel_loop3A_3677 = arith.maximumf %parallel_loop3A_3664, %parallel_loop3A_3676 : vector<16xf32>
            %parallel_loop3A_3678 = arith.index_cast %parallel_loop3A_3504 : i32 to index
            %parallel_loop3A_3679 = arith.constant 64 : index
            %parallel_loop3A_3680 = tpu.vector_load %arg16[%parallel_loop3A_3678, %parallel_loop3A_3679] {strides = array<i32>} : memref<64x128xf32, #tpu.memory_space<vmem>>, vector<1x16xf32>,
            %parallel_loop3A_3681 = vector.shape_cast %parallel_loop3A_3680 : vector<1x16xf32> to vector<16xf32>
            %parallel_loop3A_3682 = vector.shape_cast %parallel_loop3A_3677 : vector<16xf32> to vector<1x16xf32>
            tpu.vector_store %arg16[%parallel_loop3A_3678, %parallel_loop3A_3679], %parallel_loop3A_3682 {strides = array<i32>} : memref<64x128xf32, #tpu.memory_space<vmem>>, vector<1x16xf32>,
            %parallel_loop3A_3683 = arith.constant 0.000000e+00 : f32
            %parallel_loop3A_3684 = vector.broadcast %parallel_loop3A_3683 : f32 to vector<16xf32>
            %parallel_loop3A_3685 = arith.maximumf %parallel_loop3A_3674, %parallel_loop3A_3684 : vector<16xf32>
            %parallel_loop3A_3686 = arith.index_cast %parallel_loop3A_3504 : i32 to index
            %parallel_loop3A_3687 = arith.constant 80 : index
            %parallel_loop3A_3688 = tpu.vector_load %arg16[%parallel_loop3A_3686, %parallel_loop3A_3687] {strides = array<i32>} : memref<64x128xf32, #tpu.memory_space<vmem>>, vector<1x16xf32>,
            %parallel_loop3A_3689 = vector.shape_cast %parallel_loop3A_3688 : vector<1x16xf32> to vector<16xf32>
            %parallel_loop3A_3690 = vector.shape_cast %parallel_loop3A_3685 : vector<16xf32> to vector<1x16xf32>
            tpu.vector_store %arg16[%parallel_loop3A_3686, %parallel_loop3A_3687], %parallel_loop3A_3690 {strides = array<i32>} : memref<64x128xf32, #tpu.memory_space<vmem>>, vector<1x16xf32>,
            %parallel_loop3A_3691 = arith.index_cast %parallel_loop3A_3497 : i32 to index
            %parallel_loop3A_3692 = arith.constant 48 : index
            %parallel_loop3A_3693 = tpu.vector_load %arg14[%parallel_loop3A_3691, %parallel_loop3A_3692] {strides = array<i32>} : memref<128x64xi32, #tpu.memory_space<vmem>>, vector<1x16xi32>,
            %parallel_loop3A_3694 = vector.shape_cast %parallel_loop3A_3693 : vector<1x16xi32> to vector<16xi32>
            %parallel_loop3A_3695 = arith.index_cast %parallel_loop3A_3497 : i32 to index
            %parallel_loop3A_3696 = arith.constant 48 : index
            %parallel_loop3A_3697 = tpu.vector_load %arg15[%parallel_loop3A_3695, %parallel_loop3A_3696] {strides = array<i32>} : memref<128x64xi32, #tpu.memory_space<vmem>>, vector<1x16xi32>,
            %parallel_loop3A_3698 = vector.shape_cast %parallel_loop3A_3697 : vector<1x16xi32> to vector<16xi32>
            %parallel_loop3A_3699 = arith.constant 16 : i32
            %parallel_loop3A_3700 = vector.broadcast %parallel_loop3A_3699 : i32 to vector<16xi32>
            %parallel_loop3A_3701 = arith.shli %parallel_loop3A_3694, %parallel_loop3A_3700 : vector<16xi32>
            %parallel_loop3A_3702 = tpu.bitcast %parallel_loop3A_3701 : vector<16xi32> -> vector<16xf32>
            %parallel_loop3A_3703 = arith.constant -65536 : i32
            %parallel_loop3A_3704 = vector.broadcast %parallel_loop3A_3703 : i32 to vector<16xi32>
            %parallel_loop3A_3705 = arith.andi %parallel_loop3A_3694, %parallel_loop3A_3704 : vector<16xi32>
            %parallel_loop3A_3706 = tpu.bitcast %parallel_loop3A_3705 : vector<16xi32> -> vector<16xf32>
            %parallel_loop3A_3707 = arith.constant 16 : i32
            %parallel_loop3A_3708 = vector.broadcast %parallel_loop3A_3707 : i32 to vector<16xi32>
            %parallel_loop3A_3709 = arith.shli %parallel_loop3A_3698, %parallel_loop3A_3708 : vector<16xi32>
            %parallel_loop3A_3710 = tpu.bitcast %parallel_loop3A_3709 : vector<16xi32> -> vector<16xf32>
            %parallel_loop3A_3711 = arith.constant -65536 : i32
            %parallel_loop3A_3712 = vector.broadcast %parallel_loop3A_3711 : i32 to vector<16xi32>
            %parallel_loop3A_3713 = arith.andi %parallel_loop3A_3698, %parallel_loop3A_3712 : vector<16xi32>
            %parallel_loop3A_3714 = tpu.bitcast %parallel_loop3A_3713 : vector<16xi32> -> vector<16xf32>
            %parallel_loop3A_3715 = arith.addf %parallel_loop3A_3702, %parallel_loop3A_3710 : vector<16xf32>
            %parallel_loop3A_3716 = vector.broadcast %parallel_loop3A_3506 : f32 to vector<16xf32>
            %parallel_loop3A_3717 = arith.mulf %parallel_loop3A_3716, %parallel_loop3A_223 : vector<16xf32>
            %parallel_loop3A_3718 = arith.addf %parallel_loop3A_3715, %parallel_loop3A_3717 : vector<16xf32>
            %parallel_loop3A_3719 = vector.broadcast %parallel_loop3A_3508 : f32 to vector<16xf32>
            %parallel_loop3A_3720 = arith.mulf %parallel_loop3A_3719, %parallel_loop3A_263 : vector<16xf32>
            %parallel_loop3A_3721 = arith.addf %parallel_loop3A_3718, %parallel_loop3A_3720 : vector<16xf32>
            %parallel_loop3A_3722 = vector.broadcast %parallel_loop3A_3510 : f32 to vector<16xf32>
            %parallel_loop3A_3723 = arith.mulf %parallel_loop3A_3722, %parallel_loop3A_303 : vector<16xf32>
            %parallel_loop3A_3724 = arith.addf %parallel_loop3A_3721, %parallel_loop3A_3723 : vector<16xf32>
            %parallel_loop3A_3725 = arith.addf %parallel_loop3A_3706, %parallel_loop3A_3714 : vector<16xf32>
            %parallel_loop3A_3726 = vector.broadcast %parallel_loop3A_3506 : f32 to vector<16xf32>
            %parallel_loop3A_3727 = arith.mulf %parallel_loop3A_3726, %parallel_loop3A_228 : vector<16xf32>
            %parallel_loop3A_3728 = arith.addf %parallel_loop3A_3725, %parallel_loop3A_3727 : vector<16xf32>
            %parallel_loop3A_3729 = vector.broadcast %parallel_loop3A_3508 : f32 to vector<16xf32>
            %parallel_loop3A_3730 = arith.mulf %parallel_loop3A_3729, %parallel_loop3A_268 : vector<16xf32>
            %parallel_loop3A_3731 = arith.addf %parallel_loop3A_3728, %parallel_loop3A_3730 : vector<16xf32>
            %parallel_loop3A_3732 = vector.broadcast %parallel_loop3A_3510 : f32 to vector<16xf32>
            %parallel_loop3A_3733 = arith.mulf %parallel_loop3A_3732, %parallel_loop3A_308 : vector<16xf32>
            %parallel_loop3A_3734 = arith.addf %parallel_loop3A_3731, %parallel_loop3A_3733 : vector<16xf32>
            %parallel_loop3A_3735 = arith.constant 0.000000e+00 : f32
            %parallel_loop3A_3736 = vector.broadcast %parallel_loop3A_3735 : f32 to vector<16xf32>
            %parallel_loop3A_3737 = arith.maximumf %parallel_loop3A_3724, %parallel_loop3A_3736 : vector<16xf32>
            %parallel_loop3A_3738 = arith.index_cast %parallel_loop3A_3504 : i32 to index
            %parallel_loop3A_3739 = arith.constant 96 : index
            %parallel_loop3A_3740 = tpu.vector_load %arg16[%parallel_loop3A_3738, %parallel_loop3A_3739] {strides = array<i32>} : memref<64x128xf32, #tpu.memory_space<vmem>>, vector<1x16xf32>,
            %parallel_loop3A_3741 = vector.shape_cast %parallel_loop3A_3740 : vector<1x16xf32> to vector<16xf32>
            %parallel_loop3A_3742 = vector.shape_cast %parallel_loop3A_3737 : vector<16xf32> to vector<1x16xf32>
            tpu.vector_store %arg16[%parallel_loop3A_3738, %parallel_loop3A_3739], %parallel_loop3A_3742 {strides = array<i32>} : memref<64x128xf32, #tpu.memory_space<vmem>>, vector<1x16xf32>,
            %parallel_loop3A_3743 = arith.constant 0.000000e+00 : f32
            %parallel_loop3A_3744 = vector.broadcast %parallel_loop3A_3743 : f32 to vector<16xf32>
            %parallel_loop3A_3745 = arith.maximumf %parallel_loop3A_3734, %parallel_loop3A_3744 : vector<16xf32>
            %parallel_loop3A_3746 = arith.index_cast %parallel_loop3A_3504 : i32 to index
            %parallel_loop3A_3747 = arith.constant 112 : index
            %parallel_loop3A_3748 = tpu.vector_load %arg16[%parallel_loop3A_3746, %parallel_loop3A_3747] {strides = array<i32>} : memref<64x128xf32, #tpu.memory_space<vmem>>, vector<1x16xf32>,
            %parallel_loop3A_3749 = vector.shape_cast %parallel_loop3A_3748 : vector<1x16xf32> to vector<16xf32>
            %parallel_loop3A_3750 = vector.shape_cast %parallel_loop3A_3745 : vector<16xf32> to vector<1x16xf32>
            tpu.vector_store %arg16[%parallel_loop3A_3746, %parallel_loop3A_3747], %parallel_loop3A_3750 {strides = array<i32>} : memref<64x128xf32, #tpu.memory_space<vmem>>, vector<1x16xf32>,
            %parallel_loop3A_3751 = arith.constant 64 : i32
            %parallel_loop3A_3752 = arith.muli %select_n3A_131, %parallel_loop3A_3751 : i32
            %parallel_loop3A_3753 = arith.constant 32 : i32
            %parallel_loop3A_3754 = arith.muli %scan3A_165, %parallel_loop3A_3753 : i32
            %parallel_loop3A_3755 = arith.addi %parallel_loop3A_3752, %parallel_loop3A_3754 : i32
            %parallel_loop3A_3756 = arith.constant 16 : i32
            %parallel_loop3A_3757 = arith.muli %parallel_loop3A_188, %parallel_loop3A_3756 : i32
            %parallel_loop3A_3758 = arith.addi %parallel_loop3A_3755, %parallel_loop3A_3757 : i32
            %parallel_loop3A_3759 = arith.constant 13 : i32
            %parallel_loop3A_3760 = arith.addi %parallel_loop3A_3758, %parallel_loop3A_3759 : i32
            %parallel_loop3A_3761 = arith.constant 32 : i32
            %parallel_loop3A_3762 = arith.muli %scan3A_165, %parallel_loop3A_3761 : i32
            %parallel_loop3A_3763 = arith.constant 16 : i32
            %parallel_loop3A_3764 = arith.muli %parallel_loop3A_188, %parallel_loop3A_3763 : i32
            %parallel_loop3A_3765 = arith.addi %parallel_loop3A_3762, %parallel_loop3A_3764 : i32
            %parallel_loop3A_3766 = arith.constant 13 : i32
            %parallel_loop3A_3767 = arith.addi %parallel_loop3A_3765, %parallel_loop3A_3766 : i32
            %parallel_loop3A_3768 = vector.extract_strided_slice %parallel_loop3A_321 {offsets = [13], sizes = [1], strides = [1]} : vector<16xf32> to vector<1xf32>
            %parallel_loop3A_3769 = vector.extract %parallel_loop3A_3768[0] : f32 from vector<1xf32>
            %parallel_loop3A_3770 = vector.extract_strided_slice %parallel_loop3A_326 {offsets = [13], sizes = [1], strides = [1]} : vector<16xf32> to vector<1xf32>
            %parallel_loop3A_3771 = vector.extract %parallel_loop3A_3770[0] : f32 from vector<1xf32>
            %parallel_loop3A_3772 = vector.extract_strided_slice %parallel_loop3A_331 {offsets = [13], sizes = [1], strides = [1]} : vector<16xf32> to vector<1xf32>
            %parallel_loop3A_3773 = vector.extract %parallel_loop3A_3772[0] : f32 from vector<1xf32>
            %parallel_loop3A_3774 = arith.index_cast %parallel_loop3A_3760 : i32 to index
            %parallel_loop3A_3775 = arith.constant 0 : index
            %parallel_loop3A_3776 = tpu.vector_load %arg14[%parallel_loop3A_3774, %parallel_loop3A_3775] {strides = array<i32>} : memref<128x64xi32, #tpu.memory_space<vmem>>, vector<1x16xi32>,
            %parallel_loop3A_3777 = vector.shape_cast %parallel_loop3A_3776 : vector<1x16xi32> to vector<16xi32>
            %parallel_loop3A_3778 = arith.index_cast %parallel_loop3A_3760 : i32 to index
            %parallel_loop3A_3779 = arith.constant 0 : index
            %parallel_loop3A_3780 = tpu.vector_load %arg15[%parallel_loop3A_3778, %parallel_loop3A_3779] {strides = array<i32>} : memref<128x64xi32, #tpu.memory_space<vmem>>, vector<1x16xi32>,
            %parallel_loop3A_3781 = vector.shape_cast %parallel_loop3A_3780 : vector<1x16xi32> to vector<16xi32>
            %parallel_loop3A_3782 = arith.constant 16 : i32
            %parallel_loop3A_3783 = vector.broadcast %parallel_loop3A_3782 : i32 to vector<16xi32>
            %parallel_loop3A_3784 = arith.shli %parallel_loop3A_3777, %parallel_loop3A_3783 : vector<16xi32>
            %parallel_loop3A_3785 = tpu.bitcast %parallel_loop3A_3784 : vector<16xi32> -> vector<16xf32>
            %parallel_loop3A_3786 = arith.constant -65536 : i32
            %parallel_loop3A_3787 = vector.broadcast %parallel_loop3A_3786 : i32 to vector<16xi32>
            %parallel_loop3A_3788 = arith.andi %parallel_loop3A_3777, %parallel_loop3A_3787 : vector<16xi32>
            %parallel_loop3A_3789 = tpu.bitcast %parallel_loop3A_3788 : vector<16xi32> -> vector<16xf32>
            %parallel_loop3A_3790 = arith.constant 16 : i32
            %parallel_loop3A_3791 = vector.broadcast %parallel_loop3A_3790 : i32 to vector<16xi32>
            %parallel_loop3A_3792 = arith.shli %parallel_loop3A_3781, %parallel_loop3A_3791 : vector<16xi32>
            %parallel_loop3A_3793 = tpu.bitcast %parallel_loop3A_3792 : vector<16xi32> -> vector<16xf32>
            %parallel_loop3A_3794 = arith.constant -65536 : i32
            %parallel_loop3A_3795 = vector.broadcast %parallel_loop3A_3794 : i32 to vector<16xi32>
            %parallel_loop3A_3796 = arith.andi %parallel_loop3A_3781, %parallel_loop3A_3795 : vector<16xi32>
            %parallel_loop3A_3797 = tpu.bitcast %parallel_loop3A_3796 : vector<16xi32> -> vector<16xf32>
            %parallel_loop3A_3798 = arith.addf %parallel_loop3A_3785, %parallel_loop3A_3793 : vector<16xf32>
            %parallel_loop3A_3799 = vector.broadcast %parallel_loop3A_3769 : f32 to vector<16xf32>
            %parallel_loop3A_3800 = arith.mulf %parallel_loop3A_3799, %parallel_loop3A_193 : vector<16xf32>
            %parallel_loop3A_3801 = arith.addf %parallel_loop3A_3798, %parallel_loop3A_3800 : vector<16xf32>
            %parallel_loop3A_3802 = vector.broadcast %parallel_loop3A_3771 : f32 to vector<16xf32>
            %parallel_loop3A_3803 = arith.mulf %parallel_loop3A_3802, %parallel_loop3A_233 : vector<16xf32>
            %parallel_loop3A_3804 = arith.addf %parallel_loop3A_3801, %parallel_loop3A_3803 : vector<16xf32>
            %parallel_loop3A_3805 = vector.broadcast %parallel_loop3A_3773 : f32 to vector<16xf32>
            %parallel_loop3A_3806 = arith.mulf %parallel_loop3A_3805, %parallel_loop3A_273 : vector<16xf32>
            %parallel_loop3A_3807 = arith.addf %parallel_loop3A_3804, %parallel_loop3A_3806 : vector<16xf32>
            %parallel_loop3A_3808 = arith.addf %parallel_loop3A_3789, %parallel_loop3A_3797 : vector<16xf32>
            %parallel_loop3A_3809 = vector.broadcast %parallel_loop3A_3769 : f32 to vector<16xf32>
            %parallel_loop3A_3810 = arith.mulf %parallel_loop3A_3809, %parallel_loop3A_198 : vector<16xf32>
            %parallel_loop3A_3811 = arith.addf %parallel_loop3A_3808, %parallel_loop3A_3810 : vector<16xf32>
            %parallel_loop3A_3812 = vector.broadcast %parallel_loop3A_3771 : f32 to vector<16xf32>
            %parallel_loop3A_3813 = arith.mulf %parallel_loop3A_3812, %parallel_loop3A_238 : vector<16xf32>
            %parallel_loop3A_3814 = arith.addf %parallel_loop3A_3811, %parallel_loop3A_3813 : vector<16xf32>
            %parallel_loop3A_3815 = vector.broadcast %parallel_loop3A_3773 : f32 to vector<16xf32>
            %parallel_loop3A_3816 = arith.mulf %parallel_loop3A_3815, %parallel_loop3A_278 : vector<16xf32>
            %parallel_loop3A_3817 = arith.addf %parallel_loop3A_3814, %parallel_loop3A_3816 : vector<16xf32>
            %parallel_loop3A_3818 = arith.constant 0.000000e+00 : f32
            %parallel_loop3A_3819 = vector.broadcast %parallel_loop3A_3818 : f32 to vector<16xf32>
            %parallel_loop3A_3820 = arith.maximumf %parallel_loop3A_3807, %parallel_loop3A_3819 : vector<16xf32>
            %parallel_loop3A_3821 = arith.index_cast %parallel_loop3A_3767 : i32 to index
            %parallel_loop3A_3822 = arith.constant 0 : index
            %parallel_loop3A_3823 = tpu.vector_load %arg16[%parallel_loop3A_3821, %parallel_loop3A_3822] {strides = array<i32>} : memref<64x128xf32, #tpu.memory_space<vmem>>, vector<1x16xf32>,
            %parallel_loop3A_3824 = vector.shape_cast %parallel_loop3A_3823 : vector<1x16xf32> to vector<16xf32>
            %parallel_loop3A_3825 = vector.shape_cast %parallel_loop3A_3820 : vector<16xf32> to vector<1x16xf32>
            tpu.vector_store %arg16[%parallel_loop3A_3821, %parallel_loop3A_3822], %parallel_loop3A_3825 {strides = array<i32>} : memref<64x128xf32, #tpu.memory_space<vmem>>, vector<1x16xf32>,
            %parallel_loop3A_3826 = arith.constant 0.000000e+00 : f32
            %parallel_loop3A_3827 = vector.broadcast %parallel_loop3A_3826 : f32 to vector<16xf32>
            %parallel_loop3A_3828 = arith.maximumf %parallel_loop3A_3817, %parallel_loop3A_3827 : vector<16xf32>
            %parallel_loop3A_3829 = arith.index_cast %parallel_loop3A_3767 : i32 to index
            %parallel_loop3A_3830 = arith.constant 16 : index
            %parallel_loop3A_3831 = tpu.vector_load %arg16[%parallel_loop3A_3829, %parallel_loop3A_3830] {strides = array<i32>} : memref<64x128xf32, #tpu.memory_space<vmem>>, vector<1x16xf32>,
            %parallel_loop3A_3832 = vector.shape_cast %parallel_loop3A_3831 : vector<1x16xf32> to vector<16xf32>
            %parallel_loop3A_3833 = vector.shape_cast %parallel_loop3A_3828 : vector<16xf32> to vector<1x16xf32>
            tpu.vector_store %arg16[%parallel_loop3A_3829, %parallel_loop3A_3830], %parallel_loop3A_3833 {strides = array<i32>} : memref<64x128xf32, #tpu.memory_space<vmem>>, vector<1x16xf32>,
            %parallel_loop3A_3834 = arith.index_cast %parallel_loop3A_3760 : i32 to index
            %parallel_loop3A_3835 = arith.constant 16 : index
            %parallel_loop3A_3836 = tpu.vector_load %arg14[%parallel_loop3A_3834, %parallel_loop3A_3835] {strides = array<i32>} : memref<128x64xi32, #tpu.memory_space<vmem>>, vector<1x16xi32>,
            %parallel_loop3A_3837 = vector.shape_cast %parallel_loop3A_3836 : vector<1x16xi32> to vector<16xi32>
            %parallel_loop3A_3838 = arith.index_cast %parallel_loop3A_3760 : i32 to index
            %parallel_loop3A_3839 = arith.constant 16 : index
            %parallel_loop3A_3840 = tpu.vector_load %arg15[%parallel_loop3A_3838, %parallel_loop3A_3839] {strides = array<i32>} : memref<128x64xi32, #tpu.memory_space<vmem>>, vector<1x16xi32>,
            %parallel_loop3A_3841 = vector.shape_cast %parallel_loop3A_3840 : vector<1x16xi32> to vector<16xi32>
            %parallel_loop3A_3842 = arith.constant 16 : i32
            %parallel_loop3A_3843 = vector.broadcast %parallel_loop3A_3842 : i32 to vector<16xi32>
            %parallel_loop3A_3844 = arith.shli %parallel_loop3A_3837, %parallel_loop3A_3843 : vector<16xi32>
            %parallel_loop3A_3845 = tpu.bitcast %parallel_loop3A_3844 : vector<16xi32> -> vector<16xf32>
            %parallel_loop3A_3846 = arith.constant -65536 : i32
            %parallel_loop3A_3847 = vector.broadcast %parallel_loop3A_3846 : i32 to vector<16xi32>
            %parallel_loop3A_3848 = arith.andi %parallel_loop3A_3837, %parallel_loop3A_3847 : vector<16xi32>
            %parallel_loop3A_3849 = tpu.bitcast %parallel_loop3A_3848 : vector<16xi32> -> vector<16xf32>
            %parallel_loop3A_3850 = arith.constant 16 : i32
            %parallel_loop3A_3851 = vector.broadcast %parallel_loop3A_3850 : i32 to vector<16xi32>
            %parallel_loop3A_3852 = arith.shli %parallel_loop3A_3841, %parallel_loop3A_3851 : vector<16xi32>
            %parallel_loop3A_3853 = tpu.bitcast %parallel_loop3A_3852 : vector<16xi32> -> vector<16xf32>
            %parallel_loop3A_3854 = arith.constant -65536 : i32
            %parallel_loop3A_3855 = vector.broadcast %parallel_loop3A_3854 : i32 to vector<16xi32>
            %parallel_loop3A_3856 = arith.andi %parallel_loop3A_3841, %parallel_loop3A_3855 : vector<16xi32>
            %parallel_loop3A_3857 = tpu.bitcast %parallel_loop3A_3856 : vector<16xi32> -> vector<16xf32>
            %parallel_loop3A_3858 = arith.addf %parallel_loop3A_3845, %parallel_loop3A_3853 : vector<16xf32>
            %parallel_loop3A_3859 = vector.broadcast %parallel_loop3A_3769 : f32 to vector<16xf32>
            %parallel_loop3A_3860 = arith.mulf %parallel_loop3A_3859, %parallel_loop3A_203 : vector<16xf32>
            %parallel_loop3A_3861 = arith.addf %parallel_loop3A_3858, %parallel_loop3A_3860 : vector<16xf32>
            %parallel_loop3A_3862 = vector.broadcast %parallel_loop3A_3771 : f32 to vector<16xf32>
            %parallel_loop3A_3863 = arith.mulf %parallel_loop3A_3862, %parallel_loop3A_243 : vector<16xf32>
            %parallel_loop3A_3864 = arith.addf %parallel_loop3A_3861, %parallel_loop3A_3863 : vector<16xf32>
            %parallel_loop3A_3865 = vector.broadcast %parallel_loop3A_3773 : f32 to vector<16xf32>
            %parallel_loop3A_3866 = arith.mulf %parallel_loop3A_3865, %parallel_loop3A_283 : vector<16xf32>
            %parallel_loop3A_3867 = arith.addf %parallel_loop3A_3864, %parallel_loop3A_3866 : vector<16xf32>
            %parallel_loop3A_3868 = arith.addf %parallel_loop3A_3849, %parallel_loop3A_3857 : vector<16xf32>
            %parallel_loop3A_3869 = vector.broadcast %parallel_loop3A_3769 : f32 to vector<16xf32>
            %parallel_loop3A_3870 = arith.mulf %parallel_loop3A_3869, %parallel_loop3A_208 : vector<16xf32>
            %parallel_loop3A_3871 = arith.addf %parallel_loop3A_3868, %parallel_loop3A_3870 : vector<16xf32>
            %parallel_loop3A_3872 = vector.broadcast %parallel_loop3A_3771 : f32 to vector<16xf32>
            %parallel_loop3A_3873 = arith.mulf %parallel_loop3A_3872, %parallel_loop3A_248 : vector<16xf32>
            %parallel_loop3A_3874 = arith.addf %parallel_loop3A_3871, %parallel_loop3A_3873 : vector<16xf32>
            %parallel_loop3A_3875 = vector.broadcast %parallel_loop3A_3773 : f32 to vector<16xf32>
            %parallel_loop3A_3876 = arith.mulf %parallel_loop3A_3875, %parallel_loop3A_288 : vector<16xf32>
            %parallel_loop3A_3877 = arith.addf %parallel_loop3A_3874, %parallel_loop3A_3876 : vector<16xf32>
            %parallel_loop3A_3878 = arith.constant 0.000000e+00 : f32
            %parallel_loop3A_3879 = vector.broadcast %parallel_loop3A_3878 : f32 to vector<16xf32>
            %parallel_loop3A_3880 = arith.maximumf %parallel_loop3A_3867, %parallel_loop3A_3879 : vector<16xf32>
            %parallel_loop3A_3881 = arith.index_cast %parallel_loop3A_3767 : i32 to index
            %parallel_loop3A_3882 = arith.constant 32 : index
            %parallel_loop3A_3883 = tpu.vector_load %arg16[%parallel_loop3A_3881, %parallel_loop3A_3882] {strides = array<i32>} : memref<64x128xf32, #tpu.memory_space<vmem>>, vector<1x16xf32>,
            %parallel_loop3A_3884 = vector.shape_cast %parallel_loop3A_3883 : vector<1x16xf32> to vector<16xf32>
            %parallel_loop3A_3885 = vector.shape_cast %parallel_loop3A_3880 : vector<16xf32> to vector<1x16xf32>
            tpu.vector_store %arg16[%parallel_loop3A_3881, %parallel_loop3A_3882], %parallel_loop3A_3885 {strides = array<i32>} : memref<64x128xf32, #tpu.memory_space<vmem>>, vector<1x16xf32>,
            %parallel_loop3A_3886 = arith.constant 0.000000e+00 : f32
            %parallel_loop3A_3887 = vector.broadcast %parallel_loop3A_3886 : f32 to vector<16xf32>
            %parallel_loop3A_3888 = arith.maximumf %parallel_loop3A_3877, %parallel_loop3A_3887 : vector<16xf32>
            %parallel_loop3A_3889 = arith.index_cast %parallel_loop3A_3767 : i32 to index
            %parallel_loop3A_3890 = arith.constant 48 : index
            %parallel_loop3A_3891 = tpu.vector_load %arg16[%parallel_loop3A_3889, %parallel_loop3A_3890] {strides = array<i32>} : memref<64x128xf32, #tpu.memory_space<vmem>>, vector<1x16xf32>,
            %parallel_loop3A_3892 = vector.shape_cast %parallel_loop3A_3891 : vector<1x16xf32> to vector<16xf32>
            %parallel_loop3A_3893 = vector.shape_cast %parallel_loop3A_3888 : vector<16xf32> to vector<1x16xf32>
            tpu.vector_store %arg16[%parallel_loop3A_3889, %parallel_loop3A_3890], %parallel_loop3A_3893 {strides = array<i32>} : memref<64x128xf32, #tpu.memory_space<vmem>>, vector<1x16xf32>,
            %parallel_loop3A_3894 = arith.index_cast %parallel_loop3A_3760 : i32 to index
            %parallel_loop3A_3895 = arith.constant 32 : index
            %parallel_loop3A_3896 = tpu.vector_load %arg14[%parallel_loop3A_3894, %parallel_loop3A_3895] {strides = array<i32>} : memref<128x64xi32, #tpu.memory_space<vmem>>, vector<1x16xi32>,
            %parallel_loop3A_3897 = vector.shape_cast %parallel_loop3A_3896 : vector<1x16xi32> to vector<16xi32>
            %parallel_loop3A_3898 = arith.index_cast %parallel_loop3A_3760 : i32 to index
            %parallel_loop3A_3899 = arith.constant 32 : index
            %parallel_loop3A_3900 = tpu.vector_load %arg15[%parallel_loop3A_3898, %parallel_loop3A_3899] {strides = array<i32>} : memref<128x64xi32, #tpu.memory_space<vmem>>, vector<1x16xi32>,
            %parallel_loop3A_3901 = vector.shape_cast %parallel_loop3A_3900 : vector<1x16xi32> to vector<16xi32>
            %parallel_loop3A_3902 = arith.constant 16 : i32
            %parallel_loop3A_3903 = vector.broadcast %parallel_loop3A_3902 : i32 to vector<16xi32>
            %parallel_loop3A_3904 = arith.shli %parallel_loop3A_3897, %parallel_loop3A_3903 : vector<16xi32>
            %parallel_loop3A_3905 = tpu.bitcast %parallel_loop3A_3904 : vector<16xi32> -> vector<16xf32>
            %parallel_loop3A_3906 = arith.constant -65536 : i32
            %parallel_loop3A_3907 = vector.broadcast %parallel_loop3A_3906 : i32 to vector<16xi32>
            %parallel_loop3A_3908 = arith.andi %parallel_loop3A_3897, %parallel_loop3A_3907 : vector<16xi32>
            %parallel_loop3A_3909 = tpu.bitcast %parallel_loop3A_3908 : vector<16xi32> -> vector<16xf32>
            %parallel_loop3A_3910 = arith.constant 16 : i32
            %parallel_loop3A_3911 = vector.broadcast %parallel_loop3A_3910 : i32 to vector<16xi32>
            %parallel_loop3A_3912 = arith.shli %parallel_loop3A_3901, %parallel_loop3A_3911 : vector<16xi32>
            %parallel_loop3A_3913 = tpu.bitcast %parallel_loop3A_3912 : vector<16xi32> -> vector<16xf32>
            %parallel_loop3A_3914 = arith.constant -65536 : i32
            %parallel_loop3A_3915 = vector.broadcast %parallel_loop3A_3914 : i32 to vector<16xi32>
            %parallel_loop3A_3916 = arith.andi %parallel_loop3A_3901, %parallel_loop3A_3915 : vector<16xi32>
            %parallel_loop3A_3917 = tpu.bitcast %parallel_loop3A_3916 : vector<16xi32> -> vector<16xf32>
            %parallel_loop3A_3918 = arith.addf %parallel_loop3A_3905, %parallel_loop3A_3913 : vector<16xf32>
            %parallel_loop3A_3919 = vector.broadcast %parallel_loop3A_3769 : f32 to vector<16xf32>
            %parallel_loop3A_3920 = arith.mulf %parallel_loop3A_3919, %parallel_loop3A_213 : vector<16xf32>
            %parallel_loop3A_3921 = arith.addf %parallel_loop3A_3918, %parallel_loop3A_3920 : vector<16xf32>
            %parallel_loop3A_3922 = vector.broadcast %parallel_loop3A_3771 : f32 to vector<16xf32>
            %parallel_loop3A_3923 = arith.mulf %parallel_loop3A_3922, %parallel_loop3A_253 : vector<16xf32>
            %parallel_loop3A_3924 = arith.addf %parallel_loop3A_3921, %parallel_loop3A_3923 : vector<16xf32>
            %parallel_loop3A_3925 = vector.broadcast %parallel_loop3A_3773 : f32 to vector<16xf32>
            %parallel_loop3A_3926 = arith.mulf %parallel_loop3A_3925, %parallel_loop3A_293 : vector<16xf32>
            %parallel_loop3A_3927 = arith.addf %parallel_loop3A_3924, %parallel_loop3A_3926 : vector<16xf32>
            %parallel_loop3A_3928 = arith.addf %parallel_loop3A_3909, %parallel_loop3A_3917 : vector<16xf32>
            %parallel_loop3A_3929 = vector.broadcast %parallel_loop3A_3769 : f32 to vector<16xf32>
            %parallel_loop3A_3930 = arith.mulf %parallel_loop3A_3929, %parallel_loop3A_218 : vector<16xf32>
            %parallel_loop3A_3931 = arith.addf %parallel_loop3A_3928, %parallel_loop3A_3930 : vector<16xf32>
            %parallel_loop3A_3932 = vector.broadcast %parallel_loop3A_3771 : f32 to vector<16xf32>
            %parallel_loop3A_3933 = arith.mulf %parallel_loop3A_3932, %parallel_loop3A_258 : vector<16xf32>
            %parallel_loop3A_3934 = arith.addf %parallel_loop3A_3931, %parallel_loop3A_3933 : vector<16xf32>
            %parallel_loop3A_3935 = vector.broadcast %parallel_loop3A_3773 : f32 to vector<16xf32>
            %parallel_loop3A_3936 = arith.mulf %parallel_loop3A_3935, %parallel_loop3A_298 : vector<16xf32>
            %parallel_loop3A_3937 = arith.addf %parallel_loop3A_3934, %parallel_loop3A_3936 : vector<16xf32>
            %parallel_loop3A_3938 = arith.constant 0.000000e+00 : f32
            %parallel_loop3A_3939 = vector.broadcast %parallel_loop3A_3938 : f32 to vector<16xf32>
            %parallel_loop3A_3940 = arith.maximumf %parallel_loop3A_3927, %parallel_loop3A_3939 : vector<16xf32>
            %parallel_loop3A_3941 = arith.index_cast %parallel_loop3A_3767 : i32 to index
            %parallel_loop3A_3942 = arith.constant 64 : index
            %parallel_loop3A_3943 = tpu.vector_load %arg16[%parallel_loop3A_3941, %parallel_loop3A_3942] {strides = array<i32>} : memref<64x128xf32, #tpu.memory_space<vmem>>, vector<1x16xf32>,
            %parallel_loop3A_3944 = vector.shape_cast %parallel_loop3A_3943 : vector<1x16xf32> to vector<16xf32>
            %parallel_loop3A_3945 = vector.shape_cast %parallel_loop3A_3940 : vector<16xf32> to vector<1x16xf32>
            tpu.vector_store %arg16[%parallel_loop3A_3941, %parallel_loop3A_3942], %parallel_loop3A_3945 {strides = array<i32>} : memref<64x128xf32, #tpu.memory_space<vmem>>, vector<1x16xf32>,
            %parallel_loop3A_3946 = arith.constant 0.000000e+00 : f32
            %parallel_loop3A_3947 = vector.broadcast %parallel_loop3A_3946 : f32 to vector<16xf32>
            %parallel_loop3A_3948 = arith.maximumf %parallel_loop3A_3937, %parallel_loop3A_3947 : vector<16xf32>
            %parallel_loop3A_3949 = arith.index_cast %parallel_loop3A_3767 : i32 to index
            %parallel_loop3A_3950 = arith.constant 80 : index
            %parallel_loop3A_3951 = tpu.vector_load %arg16[%parallel_loop3A_3949, %parallel_loop3A_3950] {strides = array<i32>} : memref<64x128xf32, #tpu.memory_space<vmem>>, vector<1x16xf32>,
            %parallel_loop3A_3952 = vector.shape_cast %parallel_loop3A_3951 : vector<1x16xf32> to vector<16xf32>
            %parallel_loop3A_3953 = vector.shape_cast %parallel_loop3A_3948 : vector<16xf32> to vector<1x16xf32>
            tpu.vector_store %arg16[%parallel_loop3A_3949, %parallel_loop3A_3950], %parallel_loop3A_3953 {strides = array<i32>} : memref<64x128xf32, #tpu.memory_space<vmem>>, vector<1x16xf32>,
            %parallel_loop3A_3954 = arith.index_cast %parallel_loop3A_3760 : i32 to index
            %parallel_loop3A_3955 = arith.constant 48 : index
            %parallel_loop3A_3956 = tpu.vector_load %arg14[%parallel_loop3A_3954, %parallel_loop3A_3955] {strides = array<i32>} : memref<128x64xi32, #tpu.memory_space<vmem>>, vector<1x16xi32>,
            %parallel_loop3A_3957 = vector.shape_cast %parallel_loop3A_3956 : vector<1x16xi32> to vector<16xi32>
            %parallel_loop3A_3958 = arith.index_cast %parallel_loop3A_3760 : i32 to index
            %parallel_loop3A_3959 = arith.constant 48 : index
            %parallel_loop3A_3960 = tpu.vector_load %arg15[%parallel_loop3A_3958, %parallel_loop3A_3959] {strides = array<i32>} : memref<128x64xi32, #tpu.memory_space<vmem>>, vector<1x16xi32>,
            %parallel_loop3A_3961 = vector.shape_cast %parallel_loop3A_3960 : vector<1x16xi32> to vector<16xi32>
            %parallel_loop3A_3962 = arith.constant 16 : i32
            %parallel_loop3A_3963 = vector.broadcast %parallel_loop3A_3962 : i32 to vector<16xi32>
            %parallel_loop3A_3964 = arith.shli %parallel_loop3A_3957, %parallel_loop3A_3963 : vector<16xi32>
            %parallel_loop3A_3965 = tpu.bitcast %parallel_loop3A_3964 : vector<16xi32> -> vector<16xf32>
            %parallel_loop3A_3966 = arith.constant -65536 : i32
            %parallel_loop3A_3967 = vector.broadcast %parallel_loop3A_3966 : i32 to vector<16xi32>
            %parallel_loop3A_3968 = arith.andi %parallel_loop3A_3957, %parallel_loop3A_3967 : vector<16xi32>
            %parallel_loop3A_3969 = tpu.bitcast %parallel_loop3A_3968 : vector<16xi32> -> vector<16xf32>
            %parallel_loop3A_3970 = arith.constant 16 : i32
            %parallel_loop3A_3971 = vector.broadcast %parallel_loop3A_3970 : i32 to vector<16xi32>
            %parallel_loop3A_3972 = arith.shli %parallel_loop3A_3961, %parallel_loop3A_3971 : vector<16xi32>
            %parallel_loop3A_3973 = tpu.bitcast %parallel_loop3A_3972 : vector<16xi32> -> vector<16xf32>
            %parallel_loop3A_3974 = arith.constant -65536 : i32
            %parallel_loop3A_3975 = vector.broadcast %parallel_loop3A_3974 : i32 to vector<16xi32>
            %parallel_loop3A_3976 = arith.andi %parallel_loop3A_3961, %parallel_loop3A_3975 : vector<16xi32>
            %parallel_loop3A_3977 = tpu.bitcast %parallel_loop3A_3976 : vector<16xi32> -> vector<16xf32>
            %parallel_loop3A_3978 = arith.addf %parallel_loop3A_3965, %parallel_loop3A_3973 : vector<16xf32>
            %parallel_loop3A_3979 = vector.broadcast %parallel_loop3A_3769 : f32 to vector<16xf32>
            %parallel_loop3A_3980 = arith.mulf %parallel_loop3A_3979, %parallel_loop3A_223 : vector<16xf32>
            %parallel_loop3A_3981 = arith.addf %parallel_loop3A_3978, %parallel_loop3A_3980 : vector<16xf32>
            %parallel_loop3A_3982 = vector.broadcast %parallel_loop3A_3771 : f32 to vector<16xf32>
            %parallel_loop3A_3983 = arith.mulf %parallel_loop3A_3982, %parallel_loop3A_263 : vector<16xf32>
            %parallel_loop3A_3984 = arith.addf %parallel_loop3A_3981, %parallel_loop3A_3983 : vector<16xf32>
            %parallel_loop3A_3985 = vector.broadcast %parallel_loop3A_3773 : f32 to vector<16xf32>
            %parallel_loop3A_3986 = arith.mulf %parallel_loop3A_3985, %parallel_loop3A_303 : vector<16xf32>
            %parallel_loop3A_3987 = arith.addf %parallel_loop3A_3984, %parallel_loop3A_3986 : vector<16xf32>
            %parallel_loop3A_3988 = arith.addf %parallel_loop3A_3969, %parallel_loop3A_3977 : vector<16xf32>
            %parallel_loop3A_3989 = vector.broadcast %parallel_loop3A_3769 : f32 to vector<16xf32>
            %parallel_loop3A_3990 = arith.mulf %parallel_loop3A_3989, %parallel_loop3A_228 : vector<16xf32>
            %parallel_loop3A_3991 = arith.addf %parallel_loop3A_3988, %parallel_loop3A_3990 : vector<16xf32>
            %parallel_loop3A_3992 = vector.broadcast %parallel_loop3A_3771 : f32 to vector<16xf32>
            %parallel_loop3A_3993 = arith.mulf %parallel_loop3A_3992, %parallel_loop3A_268 : vector<16xf32>
            %parallel_loop3A_3994 = arith.addf %parallel_loop3A_3991, %parallel_loop3A_3993 : vector<16xf32>
            %parallel_loop3A_3995 = vector.broadcast %parallel_loop3A_3773 : f32 to vector<16xf32>
            %parallel_loop3A_3996 = arith.mulf %parallel_loop3A_3995, %parallel_loop3A_308 : vector<16xf32>
            %parallel_loop3A_3997 = arith.addf %parallel_loop3A_3994, %parallel_loop3A_3996 : vector<16xf32>
            %parallel_loop3A_3998 = arith.constant 0.000000e+00 : f32
            %parallel_loop3A_3999 = vector.broadcast %parallel_loop3A_3998 : f32 to vector<16xf32>
            %parallel_loop3A_4000 = arith.maximumf %parallel_loop3A_3987, %parallel_loop3A_3999 : vector<16xf32>
            %parallel_loop3A_4001 = arith.index_cast %parallel_loop3A_3767 : i32 to index
            %parallel_loop3A_4002 = arith.constant 96 : index
            %parallel_loop3A_4003 = tpu.vector_load %arg16[%parallel_loop3A_4001, %parallel_loop3A_4002] {strides = array<i32>} : memref<64x128xf32, #tpu.memory_space<vmem>>, vector<1x16xf32>,
            %parallel_loop3A_4004 = vector.shape_cast %parallel_loop3A_4003 : vector<1x16xf32> to vector<16xf32>
            %parallel_loop3A_4005 = vector.shape_cast %parallel_loop3A_4000 : vector<16xf32> to vector<1x16xf32>
            tpu.vector_store %arg16[%parallel_loop3A_4001, %parallel_loop3A_4002], %parallel_loop3A_4005 {strides = array<i32>} : memref<64x128xf32, #tpu.memory_space<vmem>>, vector<1x16xf32>,
            %parallel_loop3A_4006 = arith.constant 0.000000e+00 : f32
            %parallel_loop3A_4007 = vector.broadcast %parallel_loop3A_4006 : f32 to vector<16xf32>
            %parallel_loop3A_4008 = arith.maximumf %parallel_loop3A_3997, %parallel_loop3A_4007 : vector<16xf32>
            %parallel_loop3A_4009 = arith.index_cast %parallel_loop3A_3767 : i32 to index
            %parallel_loop3A_4010 = arith.constant 112 : index
            %parallel_loop3A_4011 = tpu.vector_load %arg16[%parallel_loop3A_4009, %parallel_loop3A_4010] {strides = array<i32>} : memref<64x128xf32, #tpu.memory_space<vmem>>, vector<1x16xf32>,
            %parallel_loop3A_4012 = vector.shape_cast %parallel_loop3A_4011 : vector<1x16xf32> to vector<16xf32>
            %parallel_loop3A_4013 = vector.shape_cast %parallel_loop3A_4008 : vector<16xf32> to vector<1x16xf32>
            tpu.vector_store %arg16[%parallel_loop3A_4009, %parallel_loop3A_4010], %parallel_loop3A_4013 {strides = array<i32>} : memref<64x128xf32, #tpu.memory_space<vmem>>, vector<1x16xf32>,
            %parallel_loop3A_4014 = arith.constant 64 : i32
            %parallel_loop3A_4015 = arith.muli %select_n3A_131, %parallel_loop3A_4014 : i32
            %parallel_loop3A_4016 = arith.constant 32 : i32
            %parallel_loop3A_4017 = arith.muli %scan3A_165, %parallel_loop3A_4016 : i32
            %parallel_loop3A_4018 = arith.addi %parallel_loop3A_4015, %parallel_loop3A_4017 : i32
            %parallel_loop3A_4019 = arith.constant 16 : i32
            %parallel_loop3A_4020 = arith.muli %parallel_loop3A_188, %parallel_loop3A_4019 : i32
            %parallel_loop3A_4021 = arith.addi %parallel_loop3A_4018, %parallel_loop3A_4020 : i32
            %parallel_loop3A_4022 = arith.constant 14 : i32
            %parallel_loop3A_4023 = arith.addi %parallel_loop3A_4021, %parallel_loop3A_4022 : i32
            %parallel_loop3A_4024 = arith.constant 32 : i32
            %parallel_loop3A_4025 = arith.muli %scan3A_165, %parallel_loop3A_4024 : i32
            %parallel_loop3A_4026 = arith.constant 16 : i32
            %parallel_loop3A_4027 = arith.muli %parallel_loop3A_188, %parallel_loop3A_4026 : i32
            %parallel_loop3A_4028 = arith.addi %parallel_loop3A_4025, %parallel_loop3A_4027 : i32
            %parallel_loop3A_4029 = arith.constant 14 : i32
            %parallel_loop3A_4030 = arith.addi %parallel_loop3A_4028, %parallel_loop3A_4029 : i32
            %parallel_loop3A_4031 = vector.extract_strided_slice %parallel_loop3A_321 {offsets = [14], sizes = [1], strides = [1]} : vector<16xf32> to vector<1xf32>
            %parallel_loop3A_4032 = vector.extract %parallel_loop3A_4031[0] : f32 from vector<1xf32>
            %parallel_loop3A_4033 = vector.extract_strided_slice %parallel_loop3A_326 {offsets = [14], sizes = [1], strides = [1]} : vector<16xf32> to vector<1xf32>
            %parallel_loop3A_4034 = vector.extract %parallel_loop3A_4033[0] : f32 from vector<1xf32>
            %parallel_loop3A_4035 = vector.extract_strided_slice %parallel_loop3A_331 {offsets = [14], sizes = [1], strides = [1]} : vector<16xf32> to vector<1xf32>
            %parallel_loop3A_4036 = vector.extract %parallel_loop3A_4035[0] : f32 from vector<1xf32>
            %parallel_loop3A_4037 = arith.index_cast %parallel_loop3A_4023 : i32 to index
            %parallel_loop3A_4038 = arith.constant 0 : index
            %parallel_loop3A_4039 = tpu.vector_load %arg14[%parallel_loop3A_4037, %parallel_loop3A_4038] {strides = array<i32>} : memref<128x64xi32, #tpu.memory_space<vmem>>, vector<1x16xi32>,
            %parallel_loop3A_4040 = vector.shape_cast %parallel_loop3A_4039 : vector<1x16xi32> to vector<16xi32>
            %parallel_loop3A_4041 = arith.index_cast %parallel_loop3A_4023 : i32 to index
            %parallel_loop3A_4042 = arith.constant 0 : index
            %parallel_loop3A_4043 = tpu.vector_load %arg15[%parallel_loop3A_4041, %parallel_loop3A_4042] {strides = array<i32>} : memref<128x64xi32, #tpu.memory_space<vmem>>, vector<1x16xi32>,
            %parallel_loop3A_4044 = vector.shape_cast %parallel_loop3A_4043 : vector<1x16xi32> to vector<16xi32>
            %parallel_loop3A_4045 = arith.constant 16 : i32
            %parallel_loop3A_4046 = vector.broadcast %parallel_loop3A_4045 : i32 to vector<16xi32>
            %parallel_loop3A_4047 = arith.shli %parallel_loop3A_4040, %parallel_loop3A_4046 : vector<16xi32>
            %parallel_loop3A_4048 = tpu.bitcast %parallel_loop3A_4047 : vector<16xi32> -> vector<16xf32>
            %parallel_loop3A_4049 = arith.constant -65536 : i32
            %parallel_loop3A_4050 = vector.broadcast %parallel_loop3A_4049 : i32 to vector<16xi32>
            %parallel_loop3A_4051 = arith.andi %parallel_loop3A_4040, %parallel_loop3A_4050 : vector<16xi32>
            %parallel_loop3A_4052 = tpu.bitcast %parallel_loop3A_4051 : vector<16xi32> -> vector<16xf32>
            %parallel_loop3A_4053 = arith.constant 16 : i32
            %parallel_loop3A_4054 = vector.broadcast %parallel_loop3A_4053 : i32 to vector<16xi32>
            %parallel_loop3A_4055 = arith.shli %parallel_loop3A_4044, %parallel_loop3A_4054 : vector<16xi32>
            %parallel_loop3A_4056 = tpu.bitcast %parallel_loop3A_4055 : vector<16xi32> -> vector<16xf32>
            %parallel_loop3A_4057 = arith.constant -65536 : i32
            %parallel_loop3A_4058 = vector.broadcast %parallel_loop3A_4057 : i32 to vector<16xi32>
            %parallel_loop3A_4059 = arith.andi %parallel_loop3A_4044, %parallel_loop3A_4058 : vector<16xi32>
            %parallel_loop3A_4060 = tpu.bitcast %parallel_loop3A_4059 : vector<16xi32> -> vector<16xf32>
            %parallel_loop3A_4061 = arith.addf %parallel_loop3A_4048, %parallel_loop3A_4056 : vector<16xf32>
            %parallel_loop3A_4062 = vector.broadcast %parallel_loop3A_4032 : f32 to vector<16xf32>
            %parallel_loop3A_4063 = arith.mulf %parallel_loop3A_4062, %parallel_loop3A_193 : vector<16xf32>
            %parallel_loop3A_4064 = arith.addf %parallel_loop3A_4061, %parallel_loop3A_4063 : vector<16xf32>
            %parallel_loop3A_4065 = vector.broadcast %parallel_loop3A_4034 : f32 to vector<16xf32>
            %parallel_loop3A_4066 = arith.mulf %parallel_loop3A_4065, %parallel_loop3A_233 : vector<16xf32>
            %parallel_loop3A_4067 = arith.addf %parallel_loop3A_4064, %parallel_loop3A_4066 : vector<16xf32>
            %parallel_loop3A_4068 = vector.broadcast %parallel_loop3A_4036 : f32 to vector<16xf32>
            %parallel_loop3A_4069 = arith.mulf %parallel_loop3A_4068, %parallel_loop3A_273 : vector<16xf32>
            %parallel_loop3A_4070 = arith.addf %parallel_loop3A_4067, %parallel_loop3A_4069 : vector<16xf32>
            %parallel_loop3A_4071 = arith.addf %parallel_loop3A_4052, %parallel_loop3A_4060 : vector<16xf32>
            %parallel_loop3A_4072 = vector.broadcast %parallel_loop3A_4032 : f32 to vector<16xf32>
            %parallel_loop3A_4073 = arith.mulf %parallel_loop3A_4072, %parallel_loop3A_198 : vector<16xf32>
            %parallel_loop3A_4074 = arith.addf %parallel_loop3A_4071, %parallel_loop3A_4073 : vector<16xf32>
            %parallel_loop3A_4075 = vector.broadcast %parallel_loop3A_4034 : f32 to vector<16xf32>
            %parallel_loop3A_4076 = arith.mulf %parallel_loop3A_4075, %parallel_loop3A_238 : vector<16xf32>
            %parallel_loop3A_4077 = arith.addf %parallel_loop3A_4074, %parallel_loop3A_4076 : vector<16xf32>
            %parallel_loop3A_4078 = vector.broadcast %parallel_loop3A_4036 : f32 to vector<16xf32>
            %parallel_loop3A_4079 = arith.mulf %parallel_loop3A_4078, %parallel_loop3A_278 : vector<16xf32>
            %parallel_loop3A_4080 = arith.addf %parallel_loop3A_4077, %parallel_loop3A_4079 : vector<16xf32>
            %parallel_loop3A_4081 = arith.constant 0.000000e+00 : f32
            %parallel_loop3A_4082 = vector.broadcast %parallel_loop3A_4081 : f32 to vector<16xf32>
            %parallel_loop3A_4083 = arith.maximumf %parallel_loop3A_4070, %parallel_loop3A_4082 : vector<16xf32>
            %parallel_loop3A_4084 = arith.index_cast %parallel_loop3A_4030 : i32 to index
            %parallel_loop3A_4085 = arith.constant 0 : index
            %parallel_loop3A_4086 = tpu.vector_load %arg16[%parallel_loop3A_4084, %parallel_loop3A_4085] {strides = array<i32>} : memref<64x128xf32, #tpu.memory_space<vmem>>, vector<1x16xf32>,
            %parallel_loop3A_4087 = vector.shape_cast %parallel_loop3A_4086 : vector<1x16xf32> to vector<16xf32>
            %parallel_loop3A_4088 = vector.shape_cast %parallel_loop3A_4083 : vector<16xf32> to vector<1x16xf32>
            tpu.vector_store %arg16[%parallel_loop3A_4084, %parallel_loop3A_4085], %parallel_loop3A_4088 {strides = array<i32>} : memref<64x128xf32, #tpu.memory_space<vmem>>, vector<1x16xf32>,
            %parallel_loop3A_4089 = arith.constant 0.000000e+00 : f32
            %parallel_loop3A_4090 = vector.broadcast %parallel_loop3A_4089 : f32 to vector<16xf32>
            %parallel_loop3A_4091 = arith.maximumf %parallel_loop3A_4080, %parallel_loop3A_4090 : vector<16xf32>
            %parallel_loop3A_4092 = arith.index_cast %parallel_loop3A_4030 : i32 to index
            %parallel_loop3A_4093 = arith.constant 16 : index
            %parallel_loop3A_4094 = tpu.vector_load %arg16[%parallel_loop3A_4092, %parallel_loop3A_4093] {strides = array<i32>} : memref<64x128xf32, #tpu.memory_space<vmem>>, vector<1x16xf32>,
            %parallel_loop3A_4095 = vector.shape_cast %parallel_loop3A_4094 : vector<1x16xf32> to vector<16xf32>
            %parallel_loop3A_4096 = vector.shape_cast %parallel_loop3A_4091 : vector<16xf32> to vector<1x16xf32>
            tpu.vector_store %arg16[%parallel_loop3A_4092, %parallel_loop3A_4093], %parallel_loop3A_4096 {strides = array<i32>} : memref<64x128xf32, #tpu.memory_space<vmem>>, vector<1x16xf32>,
            %parallel_loop3A_4097 = arith.index_cast %parallel_loop3A_4023 : i32 to index
            %parallel_loop3A_4098 = arith.constant 16 : index
            %parallel_loop3A_4099 = tpu.vector_load %arg14[%parallel_loop3A_4097, %parallel_loop3A_4098] {strides = array<i32>} : memref<128x64xi32, #tpu.memory_space<vmem>>, vector<1x16xi32>,
            %parallel_loop3A_4100 = vector.shape_cast %parallel_loop3A_4099 : vector<1x16xi32> to vector<16xi32>
            %parallel_loop3A_4101 = arith.index_cast %parallel_loop3A_4023 : i32 to index
            %parallel_loop3A_4102 = arith.constant 16 : index
            %parallel_loop3A_4103 = tpu.vector_load %arg15[%parallel_loop3A_4101, %parallel_loop3A_4102] {strides = array<i32>} : memref<128x64xi32, #tpu.memory_space<vmem>>, vector<1x16xi32>,
            %parallel_loop3A_4104 = vector.shape_cast %parallel_loop3A_4103 : vector<1x16xi32> to vector<16xi32>
            %parallel_loop3A_4105 = arith.constant 16 : i32
            %parallel_loop3A_4106 = vector.broadcast %parallel_loop3A_4105 : i32 to vector<16xi32>
            %parallel_loop3A_4107 = arith.shli %parallel_loop3A_4100, %parallel_loop3A_4106 : vector<16xi32>
            %parallel_loop3A_4108 = tpu.bitcast %parallel_loop3A_4107 : vector<16xi32> -> vector<16xf32>
            %parallel_loop3A_4109 = arith.constant -65536 : i32
            %parallel_loop3A_4110 = vector.broadcast %parallel_loop3A_4109 : i32 to vector<16xi32>
            %parallel_loop3A_4111 = arith.andi %parallel_loop3A_4100, %parallel_loop3A_4110 : vector<16xi32>
            %parallel_loop3A_4112 = tpu.bitcast %parallel_loop3A_4111 : vector<16xi32> -> vector<16xf32>
            %parallel_loop3A_4113 = arith.constant 16 : i32
            %parallel_loop3A_4114 = vector.broadcast %parallel_loop3A_4113 : i32 to vector<16xi32>
            %parallel_loop3A_4115 = arith.shli %parallel_loop3A_4104, %parallel_loop3A_4114 : vector<16xi32>
            %parallel_loop3A_4116 = tpu.bitcast %parallel_loop3A_4115 : vector<16xi32> -> vector<16xf32>
            %parallel_loop3A_4117 = arith.constant -65536 : i32
            %parallel_loop3A_4118 = vector.broadcast %parallel_loop3A_4117 : i32 to vector<16xi32>
            %parallel_loop3A_4119 = arith.andi %parallel_loop3A_4104, %parallel_loop3A_4118 : vector<16xi32>
            %parallel_loop3A_4120 = tpu.bitcast %parallel_loop3A_4119 : vector<16xi32> -> vector<16xf32>
            %parallel_loop3A_4121 = arith.addf %parallel_loop3A_4108, %parallel_loop3A_4116 : vector<16xf32>
            %parallel_loop3A_4122 = vector.broadcast %parallel_loop3A_4032 : f32 to vector<16xf32>
            %parallel_loop3A_4123 = arith.mulf %parallel_loop3A_4122, %parallel_loop3A_203 : vector<16xf32>
            %parallel_loop3A_4124 = arith.addf %parallel_loop3A_4121, %parallel_loop3A_4123 : vector<16xf32>
            %parallel_loop3A_4125 = vector.broadcast %parallel_loop3A_4034 : f32 to vector<16xf32>
            %parallel_loop3A_4126 = arith.mulf %parallel_loop3A_4125, %parallel_loop3A_243 : vector<16xf32>
            %parallel_loop3A_4127 = arith.addf %parallel_loop3A_4124, %parallel_loop3A_4126 : vector<16xf32>
            %parallel_loop3A_4128 = vector.broadcast %parallel_loop3A_4036 : f32 to vector<16xf32>
            %parallel_loop3A_4129 = arith.mulf %parallel_loop3A_4128, %parallel_loop3A_283 : vector<16xf32>
            %parallel_loop3A_4130 = arith.addf %parallel_loop3A_4127, %parallel_loop3A_4129 : vector<16xf32>
            %parallel_loop3A_4131 = arith.addf %parallel_loop3A_4112, %parallel_loop3A_4120 : vector<16xf32>
            %parallel_loop3A_4132 = vector.broadcast %parallel_loop3A_4032 : f32 to vector<16xf32>
            %parallel_loop3A_4133 = arith.mulf %parallel_loop3A_4132, %parallel_loop3A_208 : vector<16xf32>
            %parallel_loop3A_4134 = arith.addf %parallel_loop3A_4131, %parallel_loop3A_4133 : vector<16xf32>
            %parallel_loop3A_4135 = vector.broadcast %parallel_loop3A_4034 : f32 to vector<16xf32>
            %parallel_loop3A_4136 = arith.mulf %parallel_loop3A_4135, %parallel_loop3A_248 : vector<16xf32>
            %parallel_loop3A_4137 = arith.addf %parallel_loop3A_4134, %parallel_loop3A_4136 : vector<16xf32>
            %parallel_loop3A_4138 = vector.broadcast %parallel_loop3A_4036 : f32 to vector<16xf32>
            %parallel_loop3A_4139 = arith.mulf %parallel_loop3A_4138, %parallel_loop3A_288 : vector<16xf32>
            %parallel_loop3A_4140 = arith.addf %parallel_loop3A_4137, %parallel_loop3A_4139 : vector<16xf32>
            %parallel_loop3A_4141 = arith.constant 0.000000e+00 : f32
            %parallel_loop3A_4142 = vector.broadcast %parallel_loop3A_4141 : f32 to vector<16xf32>
            %parallel_loop3A_4143 = arith.maximumf %parallel_loop3A_4130, %parallel_loop3A_4142 : vector<16xf32>
            %parallel_loop3A_4144 = arith.index_cast %parallel_loop3A_4030 : i32 to index
            %parallel_loop3A_4145 = arith.constant 32 : index
            %parallel_loop3A_4146 = tpu.vector_load %arg16[%parallel_loop3A_4144, %parallel_loop3A_4145] {strides = array<i32>} : memref<64x128xf32, #tpu.memory_space<vmem>>, vector<1x16xf32>,
            %parallel_loop3A_4147 = vector.shape_cast %parallel_loop3A_4146 : vector<1x16xf32> to vector<16xf32>
            %parallel_loop3A_4148 = vector.shape_cast %parallel_loop3A_4143 : vector<16xf32> to vector<1x16xf32>
            tpu.vector_store %arg16[%parallel_loop3A_4144, %parallel_loop3A_4145], %parallel_loop3A_4148 {strides = array<i32>} : memref<64x128xf32, #tpu.memory_space<vmem>>, vector<1x16xf32>,
            %parallel_loop3A_4149 = arith.constant 0.000000e+00 : f32
            %parallel_loop3A_4150 = vector.broadcast %parallel_loop3A_4149 : f32 to vector<16xf32>
            %parallel_loop3A_4151 = arith.maximumf %parallel_loop3A_4140, %parallel_loop3A_4150 : vector<16xf32>
            %parallel_loop3A_4152 = arith.index_cast %parallel_loop3A_4030 : i32 to index
            %parallel_loop3A_4153 = arith.constant 48 : index
            %parallel_loop3A_4154 = tpu.vector_load %arg16[%parallel_loop3A_4152, %parallel_loop3A_4153] {strides = array<i32>} : memref<64x128xf32, #tpu.memory_space<vmem>>, vector<1x16xf32>,
            %parallel_loop3A_4155 = vector.shape_cast %parallel_loop3A_4154 : vector<1x16xf32> to vector<16xf32>
            %parallel_loop3A_4156 = vector.shape_cast %parallel_loop3A_4151 : vector<16xf32> to vector<1x16xf32>
            tpu.vector_store %arg16[%parallel_loop3A_4152, %parallel_loop3A_4153], %parallel_loop3A_4156 {strides = array<i32>} : memref<64x128xf32, #tpu.memory_space<vmem>>, vector<1x16xf32>,
            %parallel_loop3A_4157 = arith.index_cast %parallel_loop3A_4023 : i32 to index
            %parallel_loop3A_4158 = arith.constant 32 : index
            %parallel_loop3A_4159 = tpu.vector_load %arg14[%parallel_loop3A_4157, %parallel_loop3A_4158] {strides = array<i32>} : memref<128x64xi32, #tpu.memory_space<vmem>>, vector<1x16xi32>,
            %parallel_loop3A_4160 = vector.shape_cast %parallel_loop3A_4159 : vector<1x16xi32> to vector<16xi32>
            %parallel_loop3A_4161 = arith.index_cast %parallel_loop3A_4023 : i32 to index
            %parallel_loop3A_4162 = arith.constant 32 : index
            %parallel_loop3A_4163 = tpu.vector_load %arg15[%parallel_loop3A_4161, %parallel_loop3A_4162] {strides = array<i32>} : memref<128x64xi32, #tpu.memory_space<vmem>>, vector<1x16xi32>,
            %parallel_loop3A_4164 = vector.shape_cast %parallel_loop3A_4163 : vector<1x16xi32> to vector<16xi32>
            %parallel_loop3A_4165 = arith.constant 16 : i32
            %parallel_loop3A_4166 = vector.broadcast %parallel_loop3A_4165 : i32 to vector<16xi32>
            %parallel_loop3A_4167 = arith.shli %parallel_loop3A_4160, %parallel_loop3A_4166 : vector<16xi32>
            %parallel_loop3A_4168 = tpu.bitcast %parallel_loop3A_4167 : vector<16xi32> -> vector<16xf32>
            %parallel_loop3A_4169 = arith.constant -65536 : i32
            %parallel_loop3A_4170 = vector.broadcast %parallel_loop3A_4169 : i32 to vector<16xi32>
            %parallel_loop3A_4171 = arith.andi %parallel_loop3A_4160, %parallel_loop3A_4170 : vector<16xi32>
            %parallel_loop3A_4172 = tpu.bitcast %parallel_loop3A_4171 : vector<16xi32> -> vector<16xf32>
            %parallel_loop3A_4173 = arith.constant 16 : i32
            %parallel_loop3A_4174 = vector.broadcast %parallel_loop3A_4173 : i32 to vector<16xi32>
            %parallel_loop3A_4175 = arith.shli %parallel_loop3A_4164, %parallel_loop3A_4174 : vector<16xi32>
            %parallel_loop3A_4176 = tpu.bitcast %parallel_loop3A_4175 : vector<16xi32> -> vector<16xf32>
            %parallel_loop3A_4177 = arith.constant -65536 : i32
            %parallel_loop3A_4178 = vector.broadcast %parallel_loop3A_4177 : i32 to vector<16xi32>
            %parallel_loop3A_4179 = arith.andi %parallel_loop3A_4164, %parallel_loop3A_4178 : vector<16xi32>
            %parallel_loop3A_4180 = tpu.bitcast %parallel_loop3A_4179 : vector<16xi32> -> vector<16xf32>
            %parallel_loop3A_4181 = arith.addf %parallel_loop3A_4168, %parallel_loop3A_4176 : vector<16xf32>
            %parallel_loop3A_4182 = vector.broadcast %parallel_loop3A_4032 : f32 to vector<16xf32>
            %parallel_loop3A_4183 = arith.mulf %parallel_loop3A_4182, %parallel_loop3A_213 : vector<16xf32>
            %parallel_loop3A_4184 = arith.addf %parallel_loop3A_4181, %parallel_loop3A_4183 : vector<16xf32>
            %parallel_loop3A_4185 = vector.broadcast %parallel_loop3A_4034 : f32 to vector<16xf32>
            %parallel_loop3A_4186 = arith.mulf %parallel_loop3A_4185, %parallel_loop3A_253 : vector<16xf32>
            %parallel_loop3A_4187 = arith.addf %parallel_loop3A_4184, %parallel_loop3A_4186 : vector<16xf32>
            %parallel_loop3A_4188 = vector.broadcast %parallel_loop3A_4036 : f32 to vector<16xf32>
            %parallel_loop3A_4189 = arith.mulf %parallel_loop3A_4188, %parallel_loop3A_293 : vector<16xf32>
            %parallel_loop3A_4190 = arith.addf %parallel_loop3A_4187, %parallel_loop3A_4189 : vector<16xf32>
            %parallel_loop3A_4191 = arith.addf %parallel_loop3A_4172, %parallel_loop3A_4180 : vector<16xf32>
            %parallel_loop3A_4192 = vector.broadcast %parallel_loop3A_4032 : f32 to vector<16xf32>
            %parallel_loop3A_4193 = arith.mulf %parallel_loop3A_4192, %parallel_loop3A_218 : vector<16xf32>
            %parallel_loop3A_4194 = arith.addf %parallel_loop3A_4191, %parallel_loop3A_4193 : vector<16xf32>
            %parallel_loop3A_4195 = vector.broadcast %parallel_loop3A_4034 : f32 to vector<16xf32>
            %parallel_loop3A_4196 = arith.mulf %parallel_loop3A_4195, %parallel_loop3A_258 : vector<16xf32>
            %parallel_loop3A_4197 = arith.addf %parallel_loop3A_4194, %parallel_loop3A_4196 : vector<16xf32>
            %parallel_loop3A_4198 = vector.broadcast %parallel_loop3A_4036 : f32 to vector<16xf32>
            %parallel_loop3A_4199 = arith.mulf %parallel_loop3A_4198, %parallel_loop3A_298 : vector<16xf32>
            %parallel_loop3A_4200 = arith.addf %parallel_loop3A_4197, %parallel_loop3A_4199 : vector<16xf32>
            %parallel_loop3A_4201 = arith.constant 0.000000e+00 : f32
            %parallel_loop3A_4202 = vector.broadcast %parallel_loop3A_4201 : f32 to vector<16xf32>
            %parallel_loop3A_4203 = arith.maximumf %parallel_loop3A_4190, %parallel_loop3A_4202 : vector<16xf32>
            %parallel_loop3A_4204 = arith.index_cast %parallel_loop3A_4030 : i32 to index
            %parallel_loop3A_4205 = arith.constant 64 : index
            %parallel_loop3A_4206 = tpu.vector_load %arg16[%parallel_loop3A_4204, %parallel_loop3A_4205] {strides = array<i32>} : memref<64x128xf32, #tpu.memory_space<vmem>>, vector<1x16xf32>,
            %parallel_loop3A_4207 = vector.shape_cast %parallel_loop3A_4206 : vector<1x16xf32> to vector<16xf32>
            %parallel_loop3A_4208 = vector.shape_cast %parallel_loop3A_4203 : vector<16xf32> to vector<1x16xf32>
            tpu.vector_store %arg16[%parallel_loop3A_4204, %parallel_loop3A_4205], %parallel_loop3A_4208 {strides = array<i32>} : memref<64x128xf32, #tpu.memory_space<vmem>>, vector<1x16xf32>,
            %parallel_loop3A_4209 = arith.constant 0.000000e+00 : f32
            %parallel_loop3A_4210 = vector.broadcast %parallel_loop3A_4209 : f32 to vector<16xf32>
            %parallel_loop3A_4211 = arith.maximumf %parallel_loop3A_4200, %parallel_loop3A_4210 : vector<16xf32>
            %parallel_loop3A_4212 = arith.index_cast %parallel_loop3A_4030 : i32 to index
            %parallel_loop3A_4213 = arith.constant 80 : index
            %parallel_loop3A_4214 = tpu.vector_load %arg16[%parallel_loop3A_4212, %parallel_loop3A_4213] {strides = array<i32>} : memref<64x128xf32, #tpu.memory_space<vmem>>, vector<1x16xf32>,
            %parallel_loop3A_4215 = vector.shape_cast %parallel_loop3A_4214 : vector<1x16xf32> to vector<16xf32>
            %parallel_loop3A_4216 = vector.shape_cast %parallel_loop3A_4211 : vector<16xf32> to vector<1x16xf32>
            tpu.vector_store %arg16[%parallel_loop3A_4212, %parallel_loop3A_4213], %parallel_loop3A_4216 {strides = array<i32>} : memref<64x128xf32, #tpu.memory_space<vmem>>, vector<1x16xf32>,
            %parallel_loop3A_4217 = arith.index_cast %parallel_loop3A_4023 : i32 to index
            %parallel_loop3A_4218 = arith.constant 48 : index
            %parallel_loop3A_4219 = tpu.vector_load %arg14[%parallel_loop3A_4217, %parallel_loop3A_4218] {strides = array<i32>} : memref<128x64xi32, #tpu.memory_space<vmem>>, vector<1x16xi32>,
            %parallel_loop3A_4220 = vector.shape_cast %parallel_loop3A_4219 : vector<1x16xi32> to vector<16xi32>
            %parallel_loop3A_4221 = arith.index_cast %parallel_loop3A_4023 : i32 to index
            %parallel_loop3A_4222 = arith.constant 48 : index
            %parallel_loop3A_4223 = tpu.vector_load %arg15[%parallel_loop3A_4221, %parallel_loop3A_4222] {strides = array<i32>} : memref<128x64xi32, #tpu.memory_space<vmem>>, vector<1x16xi32>,
            %parallel_loop3A_4224 = vector.shape_cast %parallel_loop3A_4223 : vector<1x16xi32> to vector<16xi32>
            %parallel_loop3A_4225 = arith.constant 16 : i32
            %parallel_loop3A_4226 = vector.broadcast %parallel_loop3A_4225 : i32 to vector<16xi32>
            %parallel_loop3A_4227 = arith.shli %parallel_loop3A_4220, %parallel_loop3A_4226 : vector<16xi32>
            %parallel_loop3A_4228 = tpu.bitcast %parallel_loop3A_4227 : vector<16xi32> -> vector<16xf32>
            %parallel_loop3A_4229 = arith.constant -65536 : i32
            %parallel_loop3A_4230 = vector.broadcast %parallel_loop3A_4229 : i32 to vector<16xi32>
            %parallel_loop3A_4231 = arith.andi %parallel_loop3A_4220, %parallel_loop3A_4230 : vector<16xi32>
            %parallel_loop3A_4232 = tpu.bitcast %parallel_loop3A_4231 : vector<16xi32> -> vector<16xf32>
            %parallel_loop3A_4233 = arith.constant 16 : i32
            %parallel_loop3A_4234 = vector.broadcast %parallel_loop3A_4233 : i32 to vector<16xi32>
            %parallel_loop3A_4235 = arith.shli %parallel_loop3A_4224, %parallel_loop3A_4234 : vector<16xi32>
            %parallel_loop3A_4236 = tpu.bitcast %parallel_loop3A_4235 : vector<16xi32> -> vector<16xf32>
            %parallel_loop3A_4237 = arith.constant -65536 : i32
            %parallel_loop3A_4238 = vector.broadcast %parallel_loop3A_4237 : i32 to vector<16xi32>
            %parallel_loop3A_4239 = arith.andi %parallel_loop3A_4224, %parallel_loop3A_4238 : vector<16xi32>
            %parallel_loop3A_4240 = tpu.bitcast %parallel_loop3A_4239 : vector<16xi32> -> vector<16xf32>
            %parallel_loop3A_4241 = arith.addf %parallel_loop3A_4228, %parallel_loop3A_4236 : vector<16xf32>
            %parallel_loop3A_4242 = vector.broadcast %parallel_loop3A_4032 : f32 to vector<16xf32>
            %parallel_loop3A_4243 = arith.mulf %parallel_loop3A_4242, %parallel_loop3A_223 : vector<16xf32>
            %parallel_loop3A_4244 = arith.addf %parallel_loop3A_4241, %parallel_loop3A_4243 : vector<16xf32>
            %parallel_loop3A_4245 = vector.broadcast %parallel_loop3A_4034 : f32 to vector<16xf32>
            %parallel_loop3A_4246 = arith.mulf %parallel_loop3A_4245, %parallel_loop3A_263 : vector<16xf32>
            %parallel_loop3A_4247 = arith.addf %parallel_loop3A_4244, %parallel_loop3A_4246 : vector<16xf32>
            %parallel_loop3A_4248 = vector.broadcast %parallel_loop3A_4036 : f32 to vector<16xf32>
            %parallel_loop3A_4249 = arith.mulf %parallel_loop3A_4248, %parallel_loop3A_303 : vector<16xf32>
            %parallel_loop3A_4250 = arith.addf %parallel_loop3A_4247, %parallel_loop3A_4249 : vector<16xf32>
            %parallel_loop3A_4251 = arith.addf %parallel_loop3A_4232, %parallel_loop3A_4240 : vector<16xf32>
            %parallel_loop3A_4252 = vector.broadcast %parallel_loop3A_4032 : f32 to vector<16xf32>
            %parallel_loop3A_4253 = arith.mulf %parallel_loop3A_4252, %parallel_loop3A_228 : vector<16xf32>
            %parallel_loop3A_4254 = arith.addf %parallel_loop3A_4251, %parallel_loop3A_4253 : vector<16xf32>
            %parallel_loop3A_4255 = vector.broadcast %parallel_loop3A_4034 : f32 to vector<16xf32>
            %parallel_loop3A_4256 = arith.mulf %parallel_loop3A_4255, %parallel_loop3A_268 : vector<16xf32>
            %parallel_loop3A_4257 = arith.addf %parallel_loop3A_4254, %parallel_loop3A_4256 : vector<16xf32>
            %parallel_loop3A_4258 = vector.broadcast %parallel_loop3A_4036 : f32 to vector<16xf32>
            %parallel_loop3A_4259 = arith.mulf %parallel_loop3A_4258, %parallel_loop3A_308 : vector<16xf32>
            %parallel_loop3A_4260 = arith.addf %parallel_loop3A_4257, %parallel_loop3A_4259 : vector<16xf32>
            %parallel_loop3A_4261 = arith.constant 0.000000e+00 : f32
            %parallel_loop3A_4262 = vector.broadcast %parallel_loop3A_4261 : f32 to vector<16xf32>
            %parallel_loop3A_4263 = arith.maximumf %parallel_loop3A_4250, %parallel_loop3A_4262 : vector<16xf32>
            %parallel_loop3A_4264 = arith.index_cast %parallel_loop3A_4030 : i32 to index
            %parallel_loop3A_4265 = arith.constant 96 : index
            %parallel_loop3A_4266 = tpu.vector_load %arg16[%parallel_loop3A_4264, %parallel_loop3A_4265] {strides = array<i32>} : memref<64x128xf32, #tpu.memory_space<vmem>>, vector<1x16xf32>,
            %parallel_loop3A_4267 = vector.shape_cast %parallel_loop3A_4266 : vector<1x16xf32> to vector<16xf32>
            %parallel_loop3A_4268 = vector.shape_cast %parallel_loop3A_4263 : vector<16xf32> to vector<1x16xf32>
            tpu.vector_store %arg16[%parallel_loop3A_4264, %parallel_loop3A_4265], %parallel_loop3A_4268 {strides = array<i32>} : memref<64x128xf32, #tpu.memory_space<vmem>>, vector<1x16xf32>,
            %parallel_loop3A_4269 = arith.constant 0.000000e+00 : f32
            %parallel_loop3A_4270 = vector.broadcast %parallel_loop3A_4269 : f32 to vector<16xf32>
            %parallel_loop3A_4271 = arith.maximumf %parallel_loop3A_4260, %parallel_loop3A_4270 : vector<16xf32>
            %parallel_loop3A_4272 = arith.index_cast %parallel_loop3A_4030 : i32 to index
            %parallel_loop3A_4273 = arith.constant 112 : index
            %parallel_loop3A_4274 = tpu.vector_load %arg16[%parallel_loop3A_4272, %parallel_loop3A_4273] {strides = array<i32>} : memref<64x128xf32, #tpu.memory_space<vmem>>, vector<1x16xf32>,
            %parallel_loop3A_4275 = vector.shape_cast %parallel_loop3A_4274 : vector<1x16xf32> to vector<16xf32>
            %parallel_loop3A_4276 = vector.shape_cast %parallel_loop3A_4271 : vector<16xf32> to vector<1x16xf32>
            tpu.vector_store %arg16[%parallel_loop3A_4272, %parallel_loop3A_4273], %parallel_loop3A_4276 {strides = array<i32>} : memref<64x128xf32, #tpu.memory_space<vmem>>, vector<1x16xf32>,
            %parallel_loop3A_4277 = arith.constant 64 : i32
            %parallel_loop3A_4278 = arith.muli %select_n3A_131, %parallel_loop3A_4277 : i32
            %parallel_loop3A_4279 = arith.constant 32 : i32
            %parallel_loop3A_4280 = arith.muli %scan3A_165, %parallel_loop3A_4279 : i32
            %parallel_loop3A_4281 = arith.addi %parallel_loop3A_4278, %parallel_loop3A_4280 : i32
            %parallel_loop3A_4282 = arith.constant 16 : i32
            %parallel_loop3A_4283 = arith.muli %parallel_loop3A_188, %parallel_loop3A_4282 : i32
            %parallel_loop3A_4284 = arith.addi %parallel_loop3A_4281, %parallel_loop3A_4283 : i32
            %parallel_loop3A_4285 = arith.constant 15 : i32
            %parallel_loop3A_4286 = arith.addi %parallel_loop3A_4284, %parallel_loop3A_4285 : i32
            %parallel_loop3A_4287 = arith.constant 32 : i32
            %parallel_loop3A_4288 = arith.muli %scan3A_165, %parallel_loop3A_4287 : i32
            %parallel_loop3A_4289 = arith.constant 16 : i32
            %parallel_loop3A_4290 = arith.muli %parallel_loop3A_188, %parallel_loop3A_4289 : i32
            %parallel_loop3A_4291 = arith.addi %parallel_loop3A_4288, %parallel_loop3A_4290 : i32
            %parallel_loop3A_4292 = arith.constant 15 : i32
            %parallel_loop3A_4293 = arith.addi %parallel_loop3A_4291, %parallel_loop3A_4292 : i32
            %parallel_loop3A_4294 = vector.extract_strided_slice %parallel_loop3A_321 {offsets = [15], sizes = [1], strides = [1]} : vector<16xf32> to vector<1xf32>
            %parallel_loop3A_4295 = vector.extract %parallel_loop3A_4294[0] : f32 from vector<1xf32>
            %parallel_loop3A_4296 = vector.extract_strided_slice %parallel_loop3A_326 {offsets = [15], sizes = [1], strides = [1]} : vector<16xf32> to vector<1xf32>
            %parallel_loop3A_4297 = vector.extract %parallel_loop3A_4296[0] : f32 from vector<1xf32>
            %parallel_loop3A_4298 = vector.extract_strided_slice %parallel_loop3A_331 {offsets = [15], sizes = [1], strides = [1]} : vector<16xf32> to vector<1xf32>
            %parallel_loop3A_4299 = vector.extract %parallel_loop3A_4298[0] : f32 from vector<1xf32>
            %parallel_loop3A_4300 = arith.index_cast %parallel_loop3A_4286 : i32 to index
            %parallel_loop3A_4301 = arith.constant 0 : index
            %parallel_loop3A_4302 = tpu.vector_load %arg14[%parallel_loop3A_4300, %parallel_loop3A_4301] {strides = array<i32>} : memref<128x64xi32, #tpu.memory_space<vmem>>, vector<1x16xi32>,
            %parallel_loop3A_4303 = vector.shape_cast %parallel_loop3A_4302 : vector<1x16xi32> to vector<16xi32>
            %parallel_loop3A_4304 = arith.index_cast %parallel_loop3A_4286 : i32 to index
            %parallel_loop3A_4305 = arith.constant 0 : index
            %parallel_loop3A_4306 = tpu.vector_load %arg15[%parallel_loop3A_4304, %parallel_loop3A_4305] {strides = array<i32>} : memref<128x64xi32, #tpu.memory_space<vmem>>, vector<1x16xi32>,
            %parallel_loop3A_4307 = vector.shape_cast %parallel_loop3A_4306 : vector<1x16xi32> to vector<16xi32>
            %parallel_loop3A_4308 = arith.constant 16 : i32
            %parallel_loop3A_4309 = vector.broadcast %parallel_loop3A_4308 : i32 to vector<16xi32>
            %parallel_loop3A_4310 = arith.shli %parallel_loop3A_4303, %parallel_loop3A_4309 : vector<16xi32>
            %parallel_loop3A_4311 = tpu.bitcast %parallel_loop3A_4310 : vector<16xi32> -> vector<16xf32>
            %parallel_loop3A_4312 = arith.constant -65536 : i32
            %parallel_loop3A_4313 = vector.broadcast %parallel_loop3A_4312 : i32 to vector<16xi32>
            %parallel_loop3A_4314 = arith.andi %parallel_loop3A_4303, %parallel_loop3A_4313 : vector<16xi32>
            %parallel_loop3A_4315 = tpu.bitcast %parallel_loop3A_4314 : vector<16xi32> -> vector<16xf32>
            %parallel_loop3A_4316 = arith.constant 16 : i32
            %parallel_loop3A_4317 = vector.broadcast %parallel_loop3A_4316 : i32 to vector<16xi32>
            %parallel_loop3A_4318 = arith.shli %parallel_loop3A_4307, %parallel_loop3A_4317 : vector<16xi32>
            %parallel_loop3A_4319 = tpu.bitcast %parallel_loop3A_4318 : vector<16xi32> -> vector<16xf32>
            %parallel_loop3A_4320 = arith.constant -65536 : i32
            %parallel_loop3A_4321 = vector.broadcast %parallel_loop3A_4320 : i32 to vector<16xi32>
            %parallel_loop3A_4322 = arith.andi %parallel_loop3A_4307, %parallel_loop3A_4321 : vector<16xi32>
            %parallel_loop3A_4323 = tpu.bitcast %parallel_loop3A_4322 : vector<16xi32> -> vector<16xf32>
            %parallel_loop3A_4324 = arith.addf %parallel_loop3A_4311, %parallel_loop3A_4319 : vector<16xf32>
            %parallel_loop3A_4325 = vector.broadcast %parallel_loop3A_4295 : f32 to vector<16xf32>
            %parallel_loop3A_4326 = arith.mulf %parallel_loop3A_4325, %parallel_loop3A_193 : vector<16xf32>
            %parallel_loop3A_4327 = arith.addf %parallel_loop3A_4324, %parallel_loop3A_4326 : vector<16xf32>
            %parallel_loop3A_4328 = vector.broadcast %parallel_loop3A_4297 : f32 to vector<16xf32>
            %parallel_loop3A_4329 = arith.mulf %parallel_loop3A_4328, %parallel_loop3A_233 : vector<16xf32>
            %parallel_loop3A_4330 = arith.addf %parallel_loop3A_4327, %parallel_loop3A_4329 : vector<16xf32>
            %parallel_loop3A_4331 = vector.broadcast %parallel_loop3A_4299 : f32 to vector<16xf32>
            %parallel_loop3A_4332 = arith.mulf %parallel_loop3A_4331, %parallel_loop3A_273 : vector<16xf32>
            %parallel_loop3A_4333 = arith.addf %parallel_loop3A_4330, %parallel_loop3A_4332 : vector<16xf32>
            %parallel_loop3A_4334 = arith.addf %parallel_loop3A_4315, %parallel_loop3A_4323 : vector<16xf32>
            %parallel_loop3A_4335 = vector.broadcast %parallel_loop3A_4295 : f32 to vector<16xf32>
            %parallel_loop3A_4336 = arith.mulf %parallel_loop3A_4335, %parallel_loop3A_198 : vector<16xf32>
            %parallel_loop3A_4337 = arith.addf %parallel_loop3A_4334, %parallel_loop3A_4336 : vector<16xf32>
            %parallel_loop3A_4338 = vector.broadcast %parallel_loop3A_4297 : f32 to vector<16xf32>
            %parallel_loop3A_4339 = arith.mulf %parallel_loop3A_4338, %parallel_loop3A_238 : vector<16xf32>
            %parallel_loop3A_4340 = arith.addf %parallel_loop3A_4337, %parallel_loop3A_4339 : vector<16xf32>
            %parallel_loop3A_4341 = vector.broadcast %parallel_loop3A_4299 : f32 to vector<16xf32>
            %parallel_loop3A_4342 = arith.mulf %parallel_loop3A_4341, %parallel_loop3A_278 : vector<16xf32>
            %parallel_loop3A_4343 = arith.addf %parallel_loop3A_4340, %parallel_loop3A_4342 : vector<16xf32>
            %parallel_loop3A_4344 = arith.constant 0.000000e+00 : f32
            %parallel_loop3A_4345 = vector.broadcast %parallel_loop3A_4344 : f32 to vector<16xf32>
            %parallel_loop3A_4346 = arith.maximumf %parallel_loop3A_4333, %parallel_loop3A_4345 : vector<16xf32>
            %parallel_loop3A_4347 = arith.index_cast %parallel_loop3A_4293 : i32 to index
            %parallel_loop3A_4348 = arith.constant 0 : index
            %parallel_loop3A_4349 = tpu.vector_load %arg16[%parallel_loop3A_4347, %parallel_loop3A_4348] {strides = array<i32>} : memref<64x128xf32, #tpu.memory_space<vmem>>, vector<1x16xf32>,
            %parallel_loop3A_4350 = vector.shape_cast %parallel_loop3A_4349 : vector<1x16xf32> to vector<16xf32>
            %parallel_loop3A_4351 = vector.shape_cast %parallel_loop3A_4346 : vector<16xf32> to vector<1x16xf32>
            tpu.vector_store %arg16[%parallel_loop3A_4347, %parallel_loop3A_4348], %parallel_loop3A_4351 {strides = array<i32>} : memref<64x128xf32, #tpu.memory_space<vmem>>, vector<1x16xf32>,
            %parallel_loop3A_4352 = arith.constant 0.000000e+00 : f32
            %parallel_loop3A_4353 = vector.broadcast %parallel_loop3A_4352 : f32 to vector<16xf32>
            %parallel_loop3A_4354 = arith.maximumf %parallel_loop3A_4343, %parallel_loop3A_4353 : vector<16xf32>
            %parallel_loop3A_4355 = arith.index_cast %parallel_loop3A_4293 : i32 to index
            %parallel_loop3A_4356 = arith.constant 16 : index
            %parallel_loop3A_4357 = tpu.vector_load %arg16[%parallel_loop3A_4355, %parallel_loop3A_4356] {strides = array<i32>} : memref<64x128xf32, #tpu.memory_space<vmem>>, vector<1x16xf32>,
            %parallel_loop3A_4358 = vector.shape_cast %parallel_loop3A_4357 : vector<1x16xf32> to vector<16xf32>
            %parallel_loop3A_4359 = vector.shape_cast %parallel_loop3A_4354 : vector<16xf32> to vector<1x16xf32>
            tpu.vector_store %arg16[%parallel_loop3A_4355, %parallel_loop3A_4356], %parallel_loop3A_4359 {strides = array<i32>} : memref<64x128xf32, #tpu.memory_space<vmem>>, vector<1x16xf32>,
            %parallel_loop3A_4360 = arith.index_cast %parallel_loop3A_4286 : i32 to index
            %parallel_loop3A_4361 = arith.constant 16 : index
            %parallel_loop3A_4362 = tpu.vector_load %arg14[%parallel_loop3A_4360, %parallel_loop3A_4361] {strides = array<i32>} : memref<128x64xi32, #tpu.memory_space<vmem>>, vector<1x16xi32>,
            %parallel_loop3A_4363 = vector.shape_cast %parallel_loop3A_4362 : vector<1x16xi32> to vector<16xi32>
            %parallel_loop3A_4364 = arith.index_cast %parallel_loop3A_4286 : i32 to index
            %parallel_loop3A_4365 = arith.constant 16 : index
            %parallel_loop3A_4366 = tpu.vector_load %arg15[%parallel_loop3A_4364, %parallel_loop3A_4365] {strides = array<i32>} : memref<128x64xi32, #tpu.memory_space<vmem>>, vector<1x16xi32>,
            %parallel_loop3A_4367 = vector.shape_cast %parallel_loop3A_4366 : vector<1x16xi32> to vector<16xi32>
            %parallel_loop3A_4368 = arith.constant 16 : i32
            %parallel_loop3A_4369 = vector.broadcast %parallel_loop3A_4368 : i32 to vector<16xi32>
            %parallel_loop3A_4370 = arith.shli %parallel_loop3A_4363, %parallel_loop3A_4369 : vector<16xi32>
            %parallel_loop3A_4371 = tpu.bitcast %parallel_loop3A_4370 : vector<16xi32> -> vector<16xf32>
            %parallel_loop3A_4372 = arith.constant -65536 : i32
            %parallel_loop3A_4373 = vector.broadcast %parallel_loop3A_4372 : i32 to vector<16xi32>
            %parallel_loop3A_4374 = arith.andi %parallel_loop3A_4363, %parallel_loop3A_4373 : vector<16xi32>
            %parallel_loop3A_4375 = tpu.bitcast %parallel_loop3A_4374 : vector<16xi32> -> vector<16xf32>
            %parallel_loop3A_4376 = arith.constant 16 : i32
            %parallel_loop3A_4377 = vector.broadcast %parallel_loop3A_4376 : i32 to vector<16xi32>
            %parallel_loop3A_4378 = arith.shli %parallel_loop3A_4367, %parallel_loop3A_4377 : vector<16xi32>
            %parallel_loop3A_4379 = tpu.bitcast %parallel_loop3A_4378 : vector<16xi32> -> vector<16xf32>
            %parallel_loop3A_4380 = arith.constant -65536 : i32
            %parallel_loop3A_4381 = vector.broadcast %parallel_loop3A_4380 : i32 to vector<16xi32>
            %parallel_loop3A_4382 = arith.andi %parallel_loop3A_4367, %parallel_loop3A_4381 : vector<16xi32>
            %parallel_loop3A_4383 = tpu.bitcast %parallel_loop3A_4382 : vector<16xi32> -> vector<16xf32>
            %parallel_loop3A_4384 = arith.addf %parallel_loop3A_4371, %parallel_loop3A_4379 : vector<16xf32>
            %parallel_loop3A_4385 = vector.broadcast %parallel_loop3A_4295 : f32 to vector<16xf32>
            %parallel_loop3A_4386 = arith.mulf %parallel_loop3A_4385, %parallel_loop3A_203 : vector<16xf32>
            %parallel_loop3A_4387 = arith.addf %parallel_loop3A_4384, %parallel_loop3A_4386 : vector<16xf32>
            %parallel_loop3A_4388 = vector.broadcast %parallel_loop3A_4297 : f32 to vector<16xf32>
            %parallel_loop3A_4389 = arith.mulf %parallel_loop3A_4388, %parallel_loop3A_243 : vector<16xf32>
            %parallel_loop3A_4390 = arith.addf %parallel_loop3A_4387, %parallel_loop3A_4389 : vector<16xf32>
            %parallel_loop3A_4391 = vector.broadcast %parallel_loop3A_4299 : f32 to vector<16xf32>
            %parallel_loop3A_4392 = arith.mulf %parallel_loop3A_4391, %parallel_loop3A_283 : vector<16xf32>
            %parallel_loop3A_4393 = arith.addf %parallel_loop3A_4390, %parallel_loop3A_4392 : vector<16xf32>
            %parallel_loop3A_4394 = arith.addf %parallel_loop3A_4375, %parallel_loop3A_4383 : vector<16xf32>
            %parallel_loop3A_4395 = vector.broadcast %parallel_loop3A_4295 : f32 to vector<16xf32>
            %parallel_loop3A_4396 = arith.mulf %parallel_loop3A_4395, %parallel_loop3A_208 : vector<16xf32>
            %parallel_loop3A_4397 = arith.addf %parallel_loop3A_4394, %parallel_loop3A_4396 : vector<16xf32>
            %parallel_loop3A_4398 = vector.broadcast %parallel_loop3A_4297 : f32 to vector<16xf32>
            %parallel_loop3A_4399 = arith.mulf %parallel_loop3A_4398, %parallel_loop3A_248 : vector<16xf32>
            %parallel_loop3A_4400 = arith.addf %parallel_loop3A_4397, %parallel_loop3A_4399 : vector<16xf32>
            %parallel_loop3A_4401 = vector.broadcast %parallel_loop3A_4299 : f32 to vector<16xf32>
            %parallel_loop3A_4402 = arith.mulf %parallel_loop3A_4401, %parallel_loop3A_288 : vector<16xf32>
            %parallel_loop3A_4403 = arith.addf %parallel_loop3A_4400, %parallel_loop3A_4402 : vector<16xf32>
            %parallel_loop3A_4404 = arith.constant 0.000000e+00 : f32
            %parallel_loop3A_4405 = vector.broadcast %parallel_loop3A_4404 : f32 to vector<16xf32>
            %parallel_loop3A_4406 = arith.maximumf %parallel_loop3A_4393, %parallel_loop3A_4405 : vector<16xf32>
            %parallel_loop3A_4407 = arith.index_cast %parallel_loop3A_4293 : i32 to index
            %parallel_loop3A_4408 = arith.constant 32 : index
            %parallel_loop3A_4409 = tpu.vector_load %arg16[%parallel_loop3A_4407, %parallel_loop3A_4408] {strides = array<i32>} : memref<64x128xf32, #tpu.memory_space<vmem>>, vector<1x16xf32>,
            %parallel_loop3A_4410 = vector.shape_cast %parallel_loop3A_4409 : vector<1x16xf32> to vector<16xf32>
            %parallel_loop3A_4411 = vector.shape_cast %parallel_loop3A_4406 : vector<16xf32> to vector<1x16xf32>
            tpu.vector_store %arg16[%parallel_loop3A_4407, %parallel_loop3A_4408], %parallel_loop3A_4411 {strides = array<i32>} : memref<64x128xf32, #tpu.memory_space<vmem>>, vector<1x16xf32>,
            %parallel_loop3A_4412 = arith.constant 0.000000e+00 : f32
            %parallel_loop3A_4413 = vector.broadcast %parallel_loop3A_4412 : f32 to vector<16xf32>
            %parallel_loop3A_4414 = arith.maximumf %parallel_loop3A_4403, %parallel_loop3A_4413 : vector<16xf32>
            %parallel_loop3A_4415 = arith.index_cast %parallel_loop3A_4293 : i32 to index
            %parallel_loop3A_4416 = arith.constant 48 : index
            %parallel_loop3A_4417 = tpu.vector_load %arg16[%parallel_loop3A_4415, %parallel_loop3A_4416] {strides = array<i32>} : memref<64x128xf32, #tpu.memory_space<vmem>>, vector<1x16xf32>,
            %parallel_loop3A_4418 = vector.shape_cast %parallel_loop3A_4417 : vector<1x16xf32> to vector<16xf32>
            %parallel_loop3A_4419 = vector.shape_cast %parallel_loop3A_4414 : vector<16xf32> to vector<1x16xf32>
            tpu.vector_store %arg16[%parallel_loop3A_4415, %parallel_loop3A_4416], %parallel_loop3A_4419 {strides = array<i32>} : memref<64x128xf32, #tpu.memory_space<vmem>>, vector<1x16xf32>,
            %parallel_loop3A_4420 = arith.index_cast %parallel_loop3A_4286 : i32 to index
            %parallel_loop3A_4421 = arith.constant 32 : index
            %parallel_loop3A_4422 = tpu.vector_load %arg14[%parallel_loop3A_4420, %parallel_loop3A_4421] {strides = array<i32>} : memref<128x64xi32, #tpu.memory_space<vmem>>, vector<1x16xi32>,
            %parallel_loop3A_4423 = vector.shape_cast %parallel_loop3A_4422 : vector<1x16xi32> to vector<16xi32>
            %parallel_loop3A_4424 = arith.index_cast %parallel_loop3A_4286 : i32 to index
            %parallel_loop3A_4425 = arith.constant 32 : index
            %parallel_loop3A_4426 = tpu.vector_load %arg15[%parallel_loop3A_4424, %parallel_loop3A_4425] {strides = array<i32>} : memref<128x64xi32, #tpu.memory_space<vmem>>, vector<1x16xi32>,
            %parallel_loop3A_4427 = vector.shape_cast %parallel_loop3A_4426 : vector<1x16xi32> to vector<16xi32>
            %parallel_loop3A_4428 = arith.constant 16 : i32
            %parallel_loop3A_4429 = vector.broadcast %parallel_loop3A_4428 : i32 to vector<16xi32>
            %parallel_loop3A_4430 = arith.shli %parallel_loop3A_4423, %parallel_loop3A_4429 : vector<16xi32>
            %parallel_loop3A_4431 = tpu.bitcast %parallel_loop3A_4430 : vector<16xi32> -> vector<16xf32>
            %parallel_loop3A_4432 = arith.constant -65536 : i32
            %parallel_loop3A_4433 = vector.broadcast %parallel_loop3A_4432 : i32 to vector<16xi32>
            %parallel_loop3A_4434 = arith.andi %parallel_loop3A_4423, %parallel_loop3A_4433 : vector<16xi32>
            %parallel_loop3A_4435 = tpu.bitcast %parallel_loop3A_4434 : vector<16xi32> -> vector<16xf32>
            %parallel_loop3A_4436 = arith.constant 16 : i32
            %parallel_loop3A_4437 = vector.broadcast %parallel_loop3A_4436 : i32 to vector<16xi32>
            %parallel_loop3A_4438 = arith.shli %parallel_loop3A_4427, %parallel_loop3A_4437 : vector<16xi32>
            %parallel_loop3A_4439 = tpu.bitcast %parallel_loop3A_4438 : vector<16xi32> -> vector<16xf32>
            %parallel_loop3A_4440 = arith.constant -65536 : i32
            %parallel_loop3A_4441 = vector.broadcast %parallel_loop3A_4440 : i32 to vector<16xi32>
            %parallel_loop3A_4442 = arith.andi %parallel_loop3A_4427, %parallel_loop3A_4441 : vector<16xi32>
            %parallel_loop3A_4443 = tpu.bitcast %parallel_loop3A_4442 : vector<16xi32> -> vector<16xf32>
            %parallel_loop3A_4444 = arith.addf %parallel_loop3A_4431, %parallel_loop3A_4439 : vector<16xf32>
            %parallel_loop3A_4445 = vector.broadcast %parallel_loop3A_4295 : f32 to vector<16xf32>
            %parallel_loop3A_4446 = arith.mulf %parallel_loop3A_4445, %parallel_loop3A_213 : vector<16xf32>
            %parallel_loop3A_4447 = arith.addf %parallel_loop3A_4444, %parallel_loop3A_4446 : vector<16xf32>
            %parallel_loop3A_4448 = vector.broadcast %parallel_loop3A_4297 : f32 to vector<16xf32>
            %parallel_loop3A_4449 = arith.mulf %parallel_loop3A_4448, %parallel_loop3A_253 : vector<16xf32>
            %parallel_loop3A_4450 = arith.addf %parallel_loop3A_4447, %parallel_loop3A_4449 : vector<16xf32>
            %parallel_loop3A_4451 = vector.broadcast %parallel_loop3A_4299 : f32 to vector<16xf32>
            %parallel_loop3A_4452 = arith.mulf %parallel_loop3A_4451, %parallel_loop3A_293 : vector<16xf32>
            %parallel_loop3A_4453 = arith.addf %parallel_loop3A_4450, %parallel_loop3A_4452 : vector<16xf32>
            %parallel_loop3A_4454 = arith.addf %parallel_loop3A_4435, %parallel_loop3A_4443 : vector<16xf32>
            %parallel_loop3A_4455 = vector.broadcast %parallel_loop3A_4295 : f32 to vector<16xf32>
            %parallel_loop3A_4456 = arith.mulf %parallel_loop3A_4455, %parallel_loop3A_218 : vector<16xf32>
            %parallel_loop3A_4457 = arith.addf %parallel_loop3A_4454, %parallel_loop3A_4456 : vector<16xf32>
            %parallel_loop3A_4458 = vector.broadcast %parallel_loop3A_4297 : f32 to vector<16xf32>
            %parallel_loop3A_4459 = arith.mulf %parallel_loop3A_4458, %parallel_loop3A_258 : vector<16xf32>
            %parallel_loop3A_4460 = arith.addf %parallel_loop3A_4457, %parallel_loop3A_4459 : vector<16xf32>
            %parallel_loop3A_4461 = vector.broadcast %parallel_loop3A_4299 : f32 to vector<16xf32>
            %parallel_loop3A_4462 = arith.mulf %parallel_loop3A_4461, %parallel_loop3A_298 : vector<16xf32>
            %parallel_loop3A_4463 = arith.addf %parallel_loop3A_4460, %parallel_loop3A_4462 : vector<16xf32>
            %parallel_loop3A_4464 = arith.constant 0.000000e+00 : f32
            %parallel_loop3A_4465 = vector.broadcast %parallel_loop3A_4464 : f32 to vector<16xf32>
            %parallel_loop3A_4466 = arith.maximumf %parallel_loop3A_4453, %parallel_loop3A_4465 : vector<16xf32>
            %parallel_loop3A_4467 = arith.index_cast %parallel_loop3A_4293 : i32 to index
            %parallel_loop3A_4468 = arith.constant 64 : index
            %parallel_loop3A_4469 = tpu.vector_load %arg16[%parallel_loop3A_4467, %parallel_loop3A_4468] {strides = array<i32>} : memref<64x128xf32, #tpu.memory_space<vmem>>, vector<1x16xf32>,
            %parallel_loop3A_4470 = vector.shape_cast %parallel_loop3A_4469 : vector<1x16xf32> to vector<16xf32>
            %parallel_loop3A_4471 = vector.shape_cast %parallel_loop3A_4466 : vector<16xf32> to vector<1x16xf32>
            tpu.vector_store %arg16[%parallel_loop3A_4467, %parallel_loop3A_4468], %parallel_loop3A_4471 {strides = array<i32>} : memref<64x128xf32, #tpu.memory_space<vmem>>, vector<1x16xf32>,
            %parallel_loop3A_4472 = arith.constant 0.000000e+00 : f32
            %parallel_loop3A_4473 = vector.broadcast %parallel_loop3A_4472 : f32 to vector<16xf32>
            %parallel_loop3A_4474 = arith.maximumf %parallel_loop3A_4463, %parallel_loop3A_4473 : vector<16xf32>
            %parallel_loop3A_4475 = arith.index_cast %parallel_loop3A_4293 : i32 to index
            %parallel_loop3A_4476 = arith.constant 80 : index
            %parallel_loop3A_4477 = tpu.vector_load %arg16[%parallel_loop3A_4475, %parallel_loop3A_4476] {strides = array<i32>} : memref<64x128xf32, #tpu.memory_space<vmem>>, vector<1x16xf32>,
            %parallel_loop3A_4478 = vector.shape_cast %parallel_loop3A_4477 : vector<1x16xf32> to vector<16xf32>
            %parallel_loop3A_4479 = vector.shape_cast %parallel_loop3A_4474 : vector<16xf32> to vector<1x16xf32>
            tpu.vector_store %arg16[%parallel_loop3A_4475, %parallel_loop3A_4476], %parallel_loop3A_4479 {strides = array<i32>} : memref<64x128xf32, #tpu.memory_space<vmem>>, vector<1x16xf32>,
            %parallel_loop3A_4480 = arith.index_cast %parallel_loop3A_4286 : i32 to index
            %parallel_loop3A_4481 = arith.constant 48 : index
            %parallel_loop3A_4482 = tpu.vector_load %arg14[%parallel_loop3A_4480, %parallel_loop3A_4481] {strides = array<i32>} : memref<128x64xi32, #tpu.memory_space<vmem>>, vector<1x16xi32>,
            %parallel_loop3A_4483 = vector.shape_cast %parallel_loop3A_4482 : vector<1x16xi32> to vector<16xi32>
            %parallel_loop3A_4484 = arith.index_cast %parallel_loop3A_4286 : i32 to index
            %parallel_loop3A_4485 = arith.constant 48 : index
            %parallel_loop3A_4486 = tpu.vector_load %arg15[%parallel_loop3A_4484, %parallel_loop3A_4485] {strides = array<i32>} : memref<128x64xi32, #tpu.memory_space<vmem>>, vector<1x16xi32>,
            %parallel_loop3A_4487 = vector.shape_cast %parallel_loop3A_4486 : vector<1x16xi32> to vector<16xi32>
            %parallel_loop3A_4488 = arith.constant 16 : i32
            %parallel_loop3A_4489 = vector.broadcast %parallel_loop3A_4488 : i32 to vector<16xi32>
            %parallel_loop3A_4490 = arith.shli %parallel_loop3A_4483, %parallel_loop3A_4489 : vector<16xi32>
            %parallel_loop3A_4491 = tpu.bitcast %parallel_loop3A_4490 : vector<16xi32> -> vector<16xf32>
            %parallel_loop3A_4492 = arith.constant -65536 : i32
            %parallel_loop3A_4493 = vector.broadcast %parallel_loop3A_4492 : i32 to vector<16xi32>
            %parallel_loop3A_4494 = arith.andi %parallel_loop3A_4483, %parallel_loop3A_4493 : vector<16xi32>
            %parallel_loop3A_4495 = tpu.bitcast %parallel_loop3A_4494 : vector<16xi32> -> vector<16xf32>
            %parallel_loop3A_4496 = arith.constant 16 : i32
            %parallel_loop3A_4497 = vector.broadcast %parallel_loop3A_4496 : i32 to vector<16xi32>
            %parallel_loop3A_4498 = arith.shli %parallel_loop3A_4487, %parallel_loop3A_4497 : vector<16xi32>
            %parallel_loop3A_4499 = tpu.bitcast %parallel_loop3A_4498 : vector<16xi32> -> vector<16xf32>
            %parallel_loop3A_4500 = arith.constant -65536 : i32
            %parallel_loop3A_4501 = vector.broadcast %parallel_loop3A_4500 : i32 to vector<16xi32>
            %parallel_loop3A_4502 = arith.andi %parallel_loop3A_4487, %parallel_loop3A_4501 : vector<16xi32>
            %parallel_loop3A_4503 = tpu.bitcast %parallel_loop3A_4502 : vector<16xi32> -> vector<16xf32>
            %parallel_loop3A_4504 = arith.addf %parallel_loop3A_4491, %parallel_loop3A_4499 : vector<16xf32>
            %parallel_loop3A_4505 = vector.broadcast %parallel_loop3A_4295 : f32 to vector<16xf32>
            %parallel_loop3A_4506 = arith.mulf %parallel_loop3A_4505, %parallel_loop3A_223 : vector<16xf32>
            %parallel_loop3A_4507 = arith.addf %parallel_loop3A_4504, %parallel_loop3A_4506 : vector<16xf32>
            %parallel_loop3A_4508 = vector.broadcast %parallel_loop3A_4297 : f32 to vector<16xf32>
            %parallel_loop3A_4509 = arith.mulf %parallel_loop3A_4508, %parallel_loop3A_263 : vector<16xf32>
            %parallel_loop3A_4510 = arith.addf %parallel_loop3A_4507, %parallel_loop3A_4509 : vector<16xf32>
            %parallel_loop3A_4511 = vector.broadcast %parallel_loop3A_4299 : f32 to vector<16xf32>
            %parallel_loop3A_4512 = arith.mulf %parallel_loop3A_4511, %parallel_loop3A_303 : vector<16xf32>
            %parallel_loop3A_4513 = arith.addf %parallel_loop3A_4510, %parallel_loop3A_4512 : vector<16xf32>
            %parallel_loop3A_4514 = arith.addf %parallel_loop3A_4495, %parallel_loop3A_4503 : vector<16xf32>
            %parallel_loop3A_4515 = vector.broadcast %parallel_loop3A_4295 : f32 to vector<16xf32>
            %parallel_loop3A_4516 = arith.mulf %parallel_loop3A_4515, %parallel_loop3A_228 : vector<16xf32>
            %parallel_loop3A_4517 = arith.addf %parallel_loop3A_4514, %parallel_loop3A_4516 : vector<16xf32>
            %parallel_loop3A_4518 = vector.broadcast %parallel_loop3A_4297 : f32 to vector<16xf32>
            %parallel_loop3A_4519 = arith.mulf %parallel_loop3A_4518, %parallel_loop3A_268 : vector<16xf32>
            %parallel_loop3A_4520 = arith.addf %parallel_loop3A_4517, %parallel_loop3A_4519 : vector<16xf32>
            %parallel_loop3A_4521 = vector.broadcast %parallel_loop3A_4299 : f32 to vector<16xf32>
            %parallel_loop3A_4522 = arith.mulf %parallel_loop3A_4521, %parallel_loop3A_308 : vector<16xf32>
            %parallel_loop3A_4523 = arith.addf %parallel_loop3A_4520, %parallel_loop3A_4522 : vector<16xf32>
            %parallel_loop3A_4524 = arith.constant 0.000000e+00 : f32
            %parallel_loop3A_4525 = vector.broadcast %parallel_loop3A_4524 : f32 to vector<16xf32>
            %parallel_loop3A_4526 = arith.maximumf %parallel_loop3A_4513, %parallel_loop3A_4525 : vector<16xf32>
            %parallel_loop3A_4527 = arith.index_cast %parallel_loop3A_4293 : i32 to index
            %parallel_loop3A_4528 = arith.constant 96 : index
            %parallel_loop3A_4529 = tpu.vector_load %arg16[%parallel_loop3A_4527, %parallel_loop3A_4528] {strides = array<i32>} : memref<64x128xf32, #tpu.memory_space<vmem>>, vector<1x16xf32>,
            %parallel_loop3A_4530 = vector.shape_cast %parallel_loop3A_4529 : vector<1x16xf32> to vector<16xf32>
            %parallel_loop3A_4531 = vector.shape_cast %parallel_loop3A_4526 : vector<16xf32> to vector<1x16xf32>
            tpu.vector_store %arg16[%parallel_loop3A_4527, %parallel_loop3A_4528], %parallel_loop3A_4531 {strides = array<i32>} : memref<64x128xf32, #tpu.memory_space<vmem>>, vector<1x16xf32>,
            %parallel_loop3A_4532 = arith.constant 0.000000e+00 : f32
            %parallel_loop3A_4533 = vector.broadcast %parallel_loop3A_4532 : f32 to vector<16xf32>
            %parallel_loop3A_4534 = arith.maximumf %parallel_loop3A_4523, %parallel_loop3A_4533 : vector<16xf32>
            %parallel_loop3A_4535 = arith.index_cast %parallel_loop3A_4293 : i32 to index
            %parallel_loop3A_4536 = arith.constant 112 : index
            %parallel_loop3A_4537 = tpu.vector_load %arg16[%parallel_loop3A_4535, %parallel_loop3A_4536] {strides = array<i32>} : memref<64x128xf32, #tpu.memory_space<vmem>>, vector<1x16xf32>,
            %parallel_loop3A_4538 = vector.shape_cast %parallel_loop3A_4537 : vector<1x16xf32> to vector<16xf32>
            %parallel_loop3A_4539 = vector.shape_cast %parallel_loop3A_4534 : vector<16xf32> to vector<1x16xf32>
            tpu.vector_store %arg16[%parallel_loop3A_4535, %parallel_loop3A_4536], %parallel_loop3A_4539 {strides = array<i32>} : memref<64x128xf32, #tpu.memory_space<vmem>>, vector<1x16xf32>,
          } {sc.loop_unroll_factor = 1 : i64, sc.parallel_access}
          %mul3A_173 = arith.constant 32 : i32
          %mul3A_174 = arith.muli %scan3A_165, %mul3A_173 : i32
          %mul3A_175 = arith.constant 2 : i32
          %mul3A_176 = arith.muli %mul3A_175, %scan3A_122 : i32
          %add3A_177 = arith.addi %mul3A_176, %scan3A_165 : i32
          %dma_start3A_178 = arith.constant 0 : i32
          %dma_start3A_179 = tpu.memref_slice %arg16[%mul3A_174, %dma_start3A_178] : memref<64x128xf32, #tpu.memory_space<vmem>> -> memref<32x128xf32, #tpu.memory_space<vmem>>
          %dma_start3A_180 = arith.constant 0 : i32
          %dma_start3A_181 = tpu.memref_slice %arg12[%add3A_177, %dma_start3A_180] : memref<80x32xi32, #tpu.memory_space<vmem>> -> memref<1x32xi32, #tpu.memory_space<vmem>>
          %dma_start3A_182 = tpu.memref_squeeze %dma_start3A_181 : memref<1x32xi32, #tpu.memory_space<vmem>> -> memref<32xi32, #tpu.memory_space<vmem>>
          %dma_start3A_183 = arith.constant 0 : i32
          %dma_start3A_184 = arith.constant 0 : i32
          %dma_start3A_185 = tpu.memref_slice %arg18[%dma_start3A_183, %dma_start3A_184] : memref<10112x128xf32, #tpu.memory_space<vmem_shared>> -> memref<10112x128xf32, #tpu.memory_space<vmem_shared>>
          %dma_start3A_186 = tpu.memref_slice %arg21[%scan3A_165] : memref<2x!tpu.dma_semaphore, #tpu.memory_space<semaphore_mem>> -> memref<1x!tpu.dma_semaphore, #tpu.memory_space<semaphore_mem>>
          %dma_start3A_187 = tpu.memref_squeeze %dma_start3A_186 : memref<1x!tpu.dma_semaphore, #tpu.memory_space<semaphore_mem>> -> memref<!tpu.dma_semaphore, #tpu.memory_space<semaphore_mem>>
          tpu.enqueue_indirect_dma source(%dma_start3A_179 : memref<32x128xf32, #tpu.memory_space<vmem>>) target(%dma_start3A_185 : memref<10112x128xf32, #tpu.memory_space<vmem_shared>>) offsets(%dma_start3A_182 : memref<32xi32, #tpu.memory_space<vmem>>) semaphore(%dma_start3A_187 : memref<!tpu.dma_semaphore, #tpu.memory_space<semaphore_mem>>) {add = true}
        }
        %scan3A_164 = arith.constant 2 : i32
      }
      %scan3A_121 = arith.constant 40 : i32
    }
    %scan3A_7 = arith.constant 4 : i32
    %dma_wait3A = arith.constant 78 : i32
    %dma_wait3A_8 = arith.constant 0 : i32
    %dma_wait3A_9 = arith.constant 0 : i32
    %dma_wait3A_10 = arith.constant 0 : i32
    %dma_wait3A_11 = tpu.memref_slice %arg16[%dma_wait3A_9, %dma_wait3A_10] : memref<64x128xf32, #tpu.memory_space<vmem>> -> memref<32x128xf32, #tpu.memory_space<vmem>>
    %dma_wait3A_12 = arith.constant 0 : i32
    %dma_wait3A_13 = tpu.memref_slice %arg12[%dma_wait3A, %dma_wait3A_12] : memref<80x32xi32, #tpu.memory_space<vmem>> -> memref<1x32xi32, #tpu.memory_space<vmem>>
    %dma_wait3A_14 = tpu.memref_squeeze %dma_wait3A_13 : memref<1x32xi32, #tpu.memory_space<vmem>> -> memref<32xi32, #tpu.memory_space<vmem>>
    %dma_wait3A_15 = arith.constant 0 : i32
    %dma_wait3A_16 = arith.constant 0 : i32
    %dma_wait3A_17 = tpu.memref_slice %arg18[%dma_wait3A_15, %dma_wait3A_16] : memref<10112x128xf32, #tpu.memory_space<vmem_shared>> -> memref<10112x128xf32, #tpu.memory_space<vmem_shared>>
    %dma_wait3A_18 = tpu.memref_slice %arg21[%dma_wait3A_8] : memref<2x!tpu.dma_semaphore, #tpu.memory_space<semaphore_mem>> -> memref<1x!tpu.dma_semaphore, #tpu.memory_space<semaphore_mem>>
    %dma_wait3A_19 = tpu.memref_squeeze %dma_wait3A_18 : memref<1x!tpu.dma_semaphore, #tpu.memory_space<semaphore_mem>> -> memref<!tpu.dma_semaphore, #tpu.memory_space<semaphore_mem>>
    tpu.wait_indirect_dma semaphore(%dma_wait3A_19 : memref<!tpu.dma_semaphore, #tpu.memory_space<semaphore_mem>>) src(%dma_wait3A_11 : memref<32x128xf32, #tpu.memory_space<vmem>>) dst(%dma_wait3A_17 : memref<10112x128xf32, #tpu.memory_space<vmem_shared>>)
    %dma_wait3A_20 = arith.constant 79 : i32
    %dma_wait3A_21 = arith.constant 1 : i32
    %dma_wait3A_22 = arith.constant 32 : i32
    %dma_wait3A_23 = arith.constant 0 : i32
    %dma_wait3A_24 = tpu.memref_slice %arg16[%dma_wait3A_22, %dma_wait3A_23] : memref<64x128xf32, #tpu.memory_space<vmem>> -> memref<32x128xf32, #tpu.memory_space<vmem>>
    %dma_wait3A_25 = arith.constant 0 : i32
    %dma_wait3A_26 = tpu.memref_slice %arg12[%dma_wait3A_20, %dma_wait3A_25] : memref<80x32xi32, #tpu.memory_space<vmem>> -> memref<1x32xi32, #tpu.memory_space<vmem>>
    %dma_wait3A_27 = tpu.memref_squeeze %dma_wait3A_26 : memref<1x32xi32, #tpu.memory_space<vmem>> -> memref<32xi32, #tpu.memory_space<vmem>>
    %dma_wait3A_28 = arith.constant 0 : i32
    %dma_wait3A_29 = arith.constant 0 : i32
    %dma_wait3A_30 = tpu.memref_slice %arg18[%dma_wait3A_28, %dma_wait3A_29] : memref<10112x128xf32, #tpu.memory_space<vmem_shared>> -> memref<10112x128xf32, #tpu.memory_space<vmem_shared>>
    %dma_wait3A_31 = tpu.memref_slice %arg21[%dma_wait3A_21] : memref<2x!tpu.dma_semaphore, #tpu.memory_space<semaphore_mem>> -> memref<1x!tpu.dma_semaphore, #tpu.memory_space<semaphore_mem>>
    %dma_wait3A_32 = tpu.memref_squeeze %dma_wait3A_31 : memref<1x!tpu.dma_semaphore, #tpu.memory_space<semaphore_mem>> -> memref<!tpu.dma_semaphore, #tpu.memory_space<semaphore_mem>>
    tpu.wait_indirect_dma semaphore(%dma_wait3A_32 : memref<!tpu.dma_semaphore, #tpu.memory_space<semaphore_mem>>) src(%dma_wait3A_24 : memref<32x128xf32, #tpu.memory_space<vmem>>) dst(%dma_wait3A_30 : memref<10112x128xf32, #tpu.memory_space<vmem_shared>>)
    %barrier3A_33 = arith.constant 0 : index
    tpu.barrier barrier_id(%barrier3A_33)
    %mul3A_34 = arith.constant 632 : i32
    %mul3A_35 = arith.muli %arg1, %mul3A_34 : i32
    %mul3A_36 = arith.constant 632 : i32
    %mul3A_37 = arith.muli %arg1, %mul3A_36 : i32
    "tpu.region"() ({
      %run_scoped3A = tpu.sem_alloc : memref<!tpu.dma_semaphore, #tpu.memory_space<semaphore_mem>>
      %dma_start3A = arith.constant 0 : i32
      %dma_start3A_38 = tpu.memref_slice %arg9[%arg0, %mul3A_37, %dma_start3A] : memref<2x10112x128xf32, #tpu.memory_space<hbm>> -> memref<1x632x128xf32, #tpu.memory_space<hbm>>
      %dma_start3A_39 = tpu.memref_squeeze %dma_start3A_38 : memref<1x632x128xf32, #tpu.memory_space<hbm>> -> memref<632x128xf32, #tpu.memory_space<hbm>>
      %dma_start3A_40 = arith.constant 0 : i32
      %dma_start3A_41 = tpu.memref_slice %arg18[%mul3A_35, %dma_start3A_40] : memref<10112x128xf32, #tpu.memory_space<vmem_shared>> -> memref<632x128xf32, #tpu.memory_space<vmem_shared>>
      tpu.enqueue_dma source(%dma_start3A_41 : memref<632x128xf32, #tpu.memory_space<vmem_shared>>) target(%dma_start3A_39 : memref<632x128xf32, #tpu.memory_space<hbm>>) target_semaphore(%run_scoped3A : memref<!tpu.dma_semaphore, #tpu.memory_space<semaphore_mem>>)
      %dma_wait3A_42 = arith.constant 0 : i32
      %dma_wait3A_43 = tpu.memref_slice %arg9[%arg0, %mul3A_37, %dma_wait3A_42] : memref<2x10112x128xf32, #tpu.memory_space<hbm>> -> memref<1x632x128xf32, #tpu.memory_space<hbm>>
      %dma_wait3A_44 = tpu.memref_squeeze %dma_wait3A_43 : memref<1x632x128xf32, #tpu.memory_space<hbm>> -> memref<632x128xf32, #tpu.memory_space<hbm>>
      %dma_wait3A_45 = arith.constant 0 : i32
      %dma_wait3A_46 = tpu.memref_slice %arg18[%mul3A_35, %dma_wait3A_45] : memref<10112x128xf32, #tpu.memory_space<vmem_shared>> -> memref<632x128xf32, #tpu.memory_space<vmem_shared>>
      tpu.wait_dma2 semaphore(%run_scoped3A : memref<!tpu.dma_semaphore, #tpu.memory_space<semaphore_mem>>) src(%dma_wait3A_46 : memref<632x128xf32, #tpu.memory_space<vmem_shared>>) dst(%dma_wait3A_44 : memref<632x128xf32, #tpu.memory_space<hbm>>)
      tpu.yield
    }) : () -> ()
    return
  }
}

module attributes {stable_mosaic.version = 14 : i64} {
  func.func @_mm_body(%arg0: memref<10000x128xf32, #tpu.memory_space<vmem>>, %arg1: memref<128x128xf32, #tpu.memory_space<vmem>>, %arg2: memref<1x128xf32, #tpu.memory_space<vmem>>, %arg3: memref<128x128xf32, #tpu.memory_space<vmem>>, %arg4: memref<1x128xf32, #tpu.memory_space<vmem>>, %arg5: memref<10000x128xf32, #tpu.memory_space<vmem>>, %arg6: memref<10000x128xbf16, #tpu.memory_space<vmem>>) attributes {dimension_semantics = [], scalar_prefetch = 0 : i64, scratch_operands = 0 : i64, tpu.core_type = #tpu.core_type<tc>} {
    %get3A = arith.constant 0 : index
    %get3A_0 = arith.constant 0 : index
    %get3A_1 = vector.load %arg0[%get3A, %get3A_0] : memref<10000x128xf32, #tpu.memory_space<vmem>>, vector<10000x128xf32>
    %get3A_2 = arith.constant 0 : index
    %get3A_3 = arith.constant 0 : index
    %get3A_4 = vector.load %arg1[%get3A_2, %get3A_3] : memref<128x128xf32, #tpu.memory_space<vmem>>, vector<128x128xf32>
    %dot_general3A = arith.constant dense<0.000000e+00> : vector<10000x128xf32>
    %dot_general3A_5 = tpu.matmul %get3A_1, %get3A_4, %dot_general3A {dimension_numbers = #tpu.dot_dimension_numbers<[1], [0], [0], [1], [0, 0, 1, 1], [], []>, transpose_lhs_hint = false} : vector<10000x128xf32>, vector<128x128xf32>, vector<10000x128xf32> -> vector<10000x128xf32>
    %get3A_6 = arith.constant 0 : index
    %get3A_7 = arith.constant 0 : index
    %get3A_8 = vector.load %arg2[%get3A_6, %get3A_7] : memref<1x128xf32, #tpu.memory_space<vmem>>, vector<1x128xf32>
    %add3A = vector.broadcast %get3A_8 : vector<1x128xf32> to vector<10000x128xf32>
    %add3A_9 = arith.addf %dot_general3A_5, %add3A : vector<10000x128xf32>
    %swap3A = arith.constant 0 : index
    %swap3A_10 = arith.constant 0 : index
    %swap3A_11 = vector.load %arg5[%swap3A, %swap3A_10] : memref<10000x128xf32, #tpu.memory_space<vmem>>, vector<10000x128xf32>
    tpu.vector_store %arg5[%swap3A, %swap3A_10], %add3A_9 {strides = array<i32>} : memref<10000x128xf32, #tpu.memory_space<vmem>>, vector<10000x128xf32>,
    %get3A_12 = arith.constant 0 : index
    %get3A_13 = arith.constant 0 : index
    %get3A_14 = vector.load %arg3[%get3A_12, %get3A_13] : memref<128x128xf32, #tpu.memory_space<vmem>>, vector<128x128xf32>
    %dot_general3A_15 = arith.constant dense<0.000000e+00> : vector<10000x128xf32>
    %dot_general3A_16 = tpu.matmul %get3A_1, %get3A_14, %dot_general3A_15 {dimension_numbers = #tpu.dot_dimension_numbers<[1], [0], [0], [1], [0, 0, 1, 1], [], []>, transpose_lhs_hint = false} : vector<10000x128xf32>, vector<128x128xf32>, vector<10000x128xf32> -> vector<10000x128xf32>
    %get3A_17 = arith.constant 0 : index
    %get3A_18 = arith.constant 0 : index
    %get3A_19 = vector.load %arg4[%get3A_17, %get3A_18] : memref<1x128xf32, #tpu.memory_space<vmem>>, vector<1x128xf32>
    %add3A_20 = vector.broadcast %get3A_19 : vector<1x128xf32> to vector<10000x128xf32>
    %add3A_21 = arith.addf %dot_general3A_16, %add3A_20 : vector<10000x128xf32>
    %convert_element_type3A = arith.truncf %add3A_21 : vector<10000x128xf32> to vector<10000x128xbf16>
    %swap3A_22 = arith.constant 0 : index
    %swap3A_23 = arith.constant 0 : index
    %swap3A_24 = vector.load %arg6[%swap3A_22, %swap3A_23] : memref<10000x128xbf16, #tpu.memory_space<vmem>>, vector<10000x128xbf16>
    tpu.vector_store %arg6[%swap3A_22, %swap3A_23], %convert_element_type3A {strides = array<i32>} : memref<10000x128xbf16, #tpu.memory_space<vmem>>, vector<10000x128xbf16>,
    return
  }
}

module attributes {stable_mosaic.version = 14 : i64} {
  func.func @_combine_body(%arg0: memref<10000x128xf32, #tpu.memory_space<vmem>>, %arg1: memref<2x10112x128xf32, #tpu.memory_space<vmem>>, %arg2: memref<1xf32, #tpu.memory_space<smem>>, %arg3: memref<10000x128xf32, #tpu.memory_space<vmem>>) attributes {dimension_semantics = [], scalar_prefetch = 0 : i64, scratch_operands = 0 : i64, tpu.core_type = #tpu.core_type<tc>} {
    %get3A = arith.constant 0 : index
    %get3A_0 = memref.load %arg2[%get3A] : memref<1xf32, #tpu.memory_space<smem>>
    %add3A = arith.constant 1.000000e+00 : f32
    %add3A_1 = arith.addf %add3A, %get3A_0 : f32
    %get3A_2 = arith.constant 0 : index
    %get3A_3 = arith.constant 0 : index
    %get3A_4 = vector.load %arg0[%get3A_2, %get3A_3] : memref<10000x128xf32, #tpu.memory_space<vmem>>, vector<10000x128xf32>
    %get3A_5 = arith.constant 0 : index
    %get3A_6 = arith.constant 0 : index
    %get3A_7 = arith.constant 0 : index
    %get3A_8 = vector.load %arg1[%get3A_5, %get3A_6, %get3A_7] : memref<2x10112x128xf32, #tpu.memory_space<vmem>>, vector<1x10000x128xf32>
    %get3A_9 = vector.shape_cast %get3A_8 : vector<1x10000x128xf32> to vector<10000x128xf32>
    %get3A_10 = arith.constant 1 : index
    %get3A_11 = arith.constant 0 : index
    %get3A_12 = arith.constant 0 : index
    %get3A_13 = vector.load %arg1[%get3A_10, %get3A_11, %get3A_12] : memref<2x10112x128xf32, #tpu.memory_space<vmem>>, vector<1x10000x128xf32>
    %get3A_14 = vector.shape_cast %get3A_13 : vector<1x10000x128xf32> to vector<10000x128xf32>
    %add3A_15 = arith.addf %get3A_9, %get3A_14 : vector<10000x128xf32>
    %mul3A = vector.broadcast %add3A_1 : f32 to vector<10000x128xf32>
    %mul3A_16 = arith.mulf %mul3A, %add3A_15 : vector<10000x128xf32>
    %add3A_17 = arith.addf %get3A_4, %mul3A_16 : vector<10000x128xf32>
    %swap3A = arith.constant 0 : index
    %swap3A_18 = arith.constant 0 : index
    %swap3A_19 = vector.load %arg3[%swap3A, %swap3A_18] : memref<10000x128xf32, #tpu.memory_space<vmem>>, vector<10000x128xf32>
    tpu.vector_store %arg3[%swap3A, %swap3A_18], %add3A_17 {strides = array<i32>} : memref<10000x128xf32, #tpu.memory_space<vmem>>, vector<10000x128xf32>,
    return
  }
}

</mosaic_0001>

<sc_bundles>
// kernel: kernel.5.cloned.1.call-start
scs
__scs_entry_jumppad:
0x0: {  	(pc) =	sbr.rel $0x88, $3  }
0x1: {  	(tag) =	ssettag $0x0;
	lr =	simm.s32 $0x1  }
0x2: {  	[smem:$0x3F96] =	sst lr;
	_ =	strace $0xD0000000  }
0x3: {  	_ = 	snop  }
0x4: {  	_ = 	snop  }
0x5: {  	_ = 	snop  }
0x6: {  	_ = 	snop  }
0x7: {  	_ = 	snop  }
__scs_overlays_trampoline_lowered:
0x8: {  	[smem:$0x3FA5] =	sst s0  }
0x9: {  	[smem:$0x3FA6] =	sst s1  }
0xa: {  	[smem:$0x3FA7] =	sst s2  }
0xb: {  	[smem:$0x3FA8] =	sst s3  }
0xc: {  	[smem:$0x3FA9] =	sst s4  }
0xd: {  	[smem:$0x3FAA] =	sst s5  }
0xe: {  	[smem:$0x3FAB] =	sst s6  }
0xf: {  	[smem:$0x3FAC] =	sst s7  }
0x10: {  	[smem:$0x3FAD] =	sst s8  }
0x11: {  	[smem:$0x3FAE] =	sst s9;
	s0 =	simm.s32 @!p0 $0x0  }
0x12: {  	s1 =	sld [smem:$0x3F94];
	s0 =	simm.s32 @p0 $0x1  }
0x13: {  	[smem:$0x3FAF] =	sst s0;
	s0 =	simm.s32 @!p1 $0x0  }
0x14: {  	s2 =	sld [smem:$0x3F93];
	s0 =	simm.s32 @p1 $0x1  }
0x15: {  	[smem:$0x3FB0] =	sst s0;
	s0 =	simm.s32 @!p2 $0x0  }
0x16: {  	s3 =	sld [smem:$0x3FDB];
	s0 =	simm.s32 @p2 $0x1  }
0x17: {  	s4 =	simm.s32 $0x1BF5;
	[smem:$0x3FB2] =	sst s0  }
0x18: {  	s0 =	sld [smem:$0x3F95];
	_ =	swait.ge [sflag:s4], $0x0  }
0x19: {  	s7 =	sld [smem:$0x3F96]  }
0x1a: {  	s8 =	sadd.s32 $0xFFFFE003, lr  }
0x1b: {  	s9 =	sadd.s32 $0xFFFFFEF7, lr;
	s5 =	simm.s32 $0xFFFFFFFF;
	p2 =	slt.u32 s8, $0xFFFFF086  }
0x1c: {  	p1 =	slt.u32 s9, $0xF7A;
	s5 =	simm.s32 @!p2 $0x0  }
0x1d: {  	s5 =	simm.s32 @p1 $0x1;
	p0 =	seq.s32 s7, s2  }
0x1e: {  	s7 =	smul.u32 @!p0 $0xF7A, s2;
	p2 =	seq.s32 @!p0 s5, $0x0  }
0x1f: {  	s9 =	smul.u32 $0xF7A, s1;
	s8 =	simm.s32 @!p0 $0x1BF5;
	p2 =	por !p2, p0  }
0x20: {  	[sflag:s8] =	ssyncset.s32 @!p0 $0xFFFFF086;
	s6 =	sadd.s32 @!p0 s3, s7;
	s7 =	simm.s32 @!p0 $0x108  }
0x21: {  	s3 =	sadd.s32 s3, s9;
	s6 =	sadd.s32 @!p0 $0x88, s6;
	s7 =	simm.s32 @p2 $0x1082  }
0x22: {  	[simem:s7], [sflag:s8] =	dma.local @!p0 [hbm:s6], $0xF7A  }
0x23: {  	s9 =	sor.u32 $0xD0000000, s2;
	s6 =	simm.s32 $0x108;
	_ =	swait.ge @!p0 [sflag:s8], $0x0  }
0x24: {  	s3 =	sadd.s32 $0x88, s3;
	s6 =	simm.s32 @!p1 $0x1082;
	[sflag:s4] =	ssyncset.s32 $0xFFFFF086  }
0x25: {  	[simem:s6], [sflag:s4] =	dma.local [hbm:s3], $0xF7A  }
0x26: {  	[smem:$0x3F96] =	sst s1;
	(tag) =	ssettag s2;
	_ =	strace s9  }
0x27: {  	s1 =	sld [smem:$0x3FA6]  }
0x28: {  	s2 =	sld [smem:$0x3FA7]  }
0x29: {  	s4 =	sld [smem:$0x3FA9]  }
0x2a: {  	p0 =	seq.s32 s5, $0x0;
	s5 =	sld [smem:$0x3FAA]  }
0x2b: {  	s6 =	sld [smem:$0x3FAB]  }
0x2c: {  	s7 =	sld [smem:$0x3FAC]  }
0x2d: {  	s3 =	simm.s32 $0x108;
	s8 =	sld [smem:$0x3FAD]  }
0x2e: {  	s3 =	simm.s32 @!p0 $0x1082;
	s9 =	sld [smem:$0x3FAE]  }
0x2f: {  	lr =	sadd.s32 s0, s3;
	s0 =	sld [smem:$0x3FA5]  }
0x30: {  	s3 =	sld [smem:$0x3FA8]  }
0x31: {  	[smem:$0x3FB1] =	sst s10  }
0x32: {  	s10 =	sld [smem:$0x3FAF];
	_ =	sdelay $0x3  }
0x33: {  	p0 =	seq.s32 s10, $0x1;
	s10 =	sld [smem:$0x3FB1];
	_ =	sdelay $0x3  }
0x34: {  	[smem:$0x3FB1] =	sst s10  }
0x35: {  	s10 =	sld [smem:$0x3FB0];
	_ =	sdelay $0x3  }
0x36: {  	p1 =	seq.s32 s10, $0x1;
	s10 =	sld [smem:$0x3FB1];
	_ =	sdelay $0x3  }
0x37: {  	[smem:$0x3FB1] =	sst s10  }
0x38: {  	s10 =	sld [smem:$0x3FB2]  }
0x39: {  	_ = 	snop;
	(pc) =	sbr.ind lr, $3  }
0x3a: {  	_ = 	snop  }
0x3b: {  	_ = 	snop  }
0x3c: {  	p2 =	seq.s32 s10, $0x1;
	s10 =	sld [smem:$0x3FB1]  }
0x3d: {  	_ =	shalt  }
0x3e: {  	_ =	shalt  }
0x3f: {  	_ =	shalt  }
0x40: {  	_ =	shalt  }
0x41: {  	_ =	shalt  }
0x42: {  	_ =	shalt  }
0x43: {  	_ =	shalt  }
0x44: {  	_ =	shalt  }
0x45: {  	_ =	shalt  }
0x46: {  	_ =	shalt  }
0x47: {  	_ =	shalt  }
0x48: {  	_ =	shalt  }
0x49: {  	_ =	shalt  }
0x4a: {  	_ =	shalt  }
0x4b: {  	_ =	shalt  }
0x4c: {  	_ =	shalt  }
0x4d: {  	_ =	shalt  }
0x4e: {  	_ =	shalt  }
0x4f: {  	_ =	shalt  }
0x50: {  	_ =	shalt  }
0x51: {  	_ =	shalt  }
0x52: {  	_ =	shalt  }
0x53: {  	_ =	shalt  }
0x54: {  	_ =	shalt  }
0x55: {  	_ =	shalt  }
0x56: {  	_ =	shalt  }
0x57: {  	_ =	shalt  }
0x58: {  	_ =	shalt  }
0x59: {  	_ =	shalt  }
0x5a: {  	_ =	shalt  }
0x5b: {  	_ =	shalt  }
0x5c: {  	_ =	shalt  }
0x5d: {  	_ =	shalt  }
0x5e: {  	_ =	shalt  }
0x5f: {  	_ =	shalt  }
0x60: {  	_ =	shalt  }
0x61: {  	_ =	shalt  }
0x62: {  	_ =	shalt  }
0x63: {  	_ =	shalt  }
0x64: {  	_ =	shalt  }
0x65: {  	_ =	shalt  }
0x66: {  	_ =	shalt  }
0x67: {  	_ =	shalt  }
0x68: {  	_ =	shalt  }
0x69: {  	_ =	shalt  }
0x6a: {  	_ =	shalt  }
0x6b: {  	_ =	shalt  }
0x6c: {  	_ =	shalt  }
0x6d: {  	_ =	shalt  }
0x6e: {  	_ =	shalt  }
0x6f: {  	_ =	shalt  }
0x70: {  	_ =	shalt  }
0x71: {  	_ =	shalt  }
0x72: {  	_ =	shalt  }
0x73: {  	_ =	shalt  }
0x74: {  	_ =	shalt  }
0x75: {  	_ =	shalt  }
0x76: {  	_ =	shalt  }
0x77: {  	_ =	shalt  }
0x78: {  	_ =	shalt  }
0x79: {  	_ =	shalt  }
0x7a: {  	_ =	shalt  }
0x7b: {  	_ =	shalt  }
0x7c: {  	_ =	shalt  }
0x7d: {  	_ =	shalt  }
0x7e: {  	_ =	shalt  }
0x7f: {  	_ =	shalt  }
0x80: {  	_ =	shalt  }
0x81: {  	_ =	shalt  }
0x82: {  	_ =	shalt  }
0x83: {  	_ =	shalt  }
0x84: {  	_ =	shalt  }
0x85: {  	_ =	shalt  }
0x86: {  	_ =	shalt  }
0x87: {  	_ =	shalt  }
.Lfunc_end0:
.L_simem_size_0:
called_computation_lowered:
.L_overlay_start_0:
0x88: {  	s2 =	sld [smem:$0x3FD9]  }
0x89: {  	s3 =	sld [smem:$0x3FFE];
	_ =	sdelay $0x1  }
0x8a: {  	s1 =	srdreg.scid  }
0x8b: {  	s0 =	sand.u32 $0x1, s1  }
0x8c: {  	s17 =	sshll.u32 s0, $0xA;
	s2 =	sadd.s32 s3, s2  }
0x8d: {  	s2 =	sadd.s32 s2, s17  }
0x8e: {  	[smem:$0x3FBD] =	sst s2  }
0x8f: {  	_ = 	snop  }
0x90: {  	s2 =	sld [smem:$0x3FD0];
	(tm) =	ssettm $0x1  }
0x91: {  	s18 =	sld [smem:$0x3FFB];
	_ =	sdelay $0x3  }
0x92: {  	_ =	strace s18  }
0x93: {  	s3 =	sld [smem:$0x3FFC];
	_ =	sdelay $0x3  }
0x94: {  	_ =	strace s3  }
0x95: {  	s3 =	sld [smem:$0x3FFD];
	_ =	sdelay $0x3  }
0x96: {  	_ =	strace s3  }
0x97: {  	_ =	strace $0x8FFFFFFF  }
0x98: {  	s19 =	sld [smem:$0x3FDB];
	_ =	sdelay $0x1  }
0x99: {  	s4 =	simm.s32 $_scs_section_size  }
0x9a: {  	s5 =	simm.s32 $_size__tile_overlayer_lowered;
	s6 =	simm.s32 $_tile_overlayer_lowered  }
0x9b: {  	s22 =	simm.s32 $0x1BFF;
	s21 =	sshll.u32 s6, $0x1;
	s3 =	sadd.s32 s4, s19  }
0x9c: {  	s7 =	simm.s32 $0x0;
	s20 =	sshll.u32 s5, $0x1;
	s5 =	sadd.s32 s21, s3  }
0x9d: {  	[timem:s7], [sflag:s22] =	dma.local [hbm:s5], s20  }
0x9e: {  	_ =	swait.ge [sflag:s22], s20  }
0x9f: {  	s4 =	ssub.s32 $0x0, s20;
	[sflag:s22] =	ssyncset.done $0x0  }
0xa0: {  	[sflag:s22] =	ssyncadd.s32 s4;
	_ =	sdelay $0x1  }
0xa1: {  	s23 =	simm.s32 $0x1B8B  }
0xa2: {  	_ =	swait.ge [sflag:s23], $0x1  }
0xa3: {  	[sflag:s23] =	ssyncset.done $0x0  }
0xa4: {  	s25 =	simm.s32 $0x1B8E;
	s24 =	sld [smem:$0x3FFE];
	[sflag:s23] =	ssyncadd.s32 $0xFFFFFFFF  }
0xa5: {  	s26 =	simm.s32 $execute0_lowered;
	[smem:$0x3FD2] =	sst s25  }
0xa6: {  	s5 =	sshll.u32 s26, $0x1;
	_ =	strace $0x80000046;
	[dreg:$0x1] =	wrdreg $0xFFFFFFFF  }
0xa7: {  	s28 =	simm.s32 $_size_execute0_lowered;
	s3 =	sadd.s32 s3, s5;
	[dreg:$0x0] =	wrdreg $0x0  }
0xa8: {  	s5 =	sshll.u32 s28, $0x1;
	[dreg:$0x2] =	wrdreg s3  }
0xa9: {  	[dreg:$0x3] =	wrdreg s5  }
0xaa: {  	[dreg:$0x4] =	wrdreg $0xC0  }
0xab: {  	_ =	task [dreg:s7], $0x5FFFF  }
0xac: {  	[dreg:$0x1] =	wrdreg $0xFFFFFFFF  }
0xad: {  	[dreg:$0x0] =	wrdreg $0x60  }
0xae: {  	[dreg:$0x2] =	wrdreg s24  }
0xaf: {  	[dreg:$0x3] =	wrdreg s2  }
0xb0: {  	[dreg:$0x4] =	wrdreg $0x9D800  }
0xb1: {  	[dreg:$0x5] =	wrdreg $0x9  }
0xb2: {  	_ =	task.clear_ibuf [dreg:s7], $0x6FFFF;
	_ =	strace $0x90000046  }
0xb3: {  	s29 =	simm.s32 $0x9;
	_ =	strace $0x80000048  }
0xb4: {  	_ =	swait.ge [sflag:s29], $0x1  }
0xb5: {  	[sflag:s29] =	ssyncadd.s32 $0xFFFFFFFF  }
0xb6: {  	_ =	strace $0x90000048  }
0xb7: {  	_ =	sfence  }
0xb8: {  	s30 =	sld [smem:$0x0];
	_ =	sdelay $0x2  }
0xb9: {  	s31 =	sshll.u32 s1, $0xD;
	s1 =	sshrl.u32 s1, $0x2  }
0xba: {  	s3 =	sand.u32 $0x4000, s31;
	s1 =	sadd.s32 s1, s30  }
0xbb: {  	s0 =	sor.u32 s3, s0;
	s1 =	sshll.u32 s1, $0x11  }
0xbc: {  	s0 =	sor.u32 s1, s0  }
0xbd: {  	s0 =	sadd.s32 $0x8F2B, s0  }
0xbe: {  	[sflag:s0] =	ssyncadd.remote.s32 $0x1  }
0xbf: {  	_ =	sfence.sel $0xFFFF  }
0xc0: {  	[dreg:$0x0] =	wrdreg $0xFFFFFFFF;
	(pc) =	sbr.abs _section_cstart, $3  }
0xc1: {  	[dreg:$0x1] =	wrdreg $0xFFFFFFFF  }
0xc2: {  	_ =	task.clear_ibuf [dreg:s7], $0x2FFFF;
	_ =	strace $0x9FFFFFFF  }
0xc3: {  	(tm) =	ssettm $0x7FFFFFFF  }
tec
execute0_lowered:
.L_overlay_start_1:
0x0: {  	(tag) =	ssettag $0x1  }
0x1: {  	s0 =	rddreg [dreg:$0x0]  }
0x2: {  	s2 =	rddreg [dreg:$0x1]  }
0x3: {  	s3 =	rddreg [dreg:$0x2]  }
0x4: {  	s1 =	srdreg.scid;
	s11 =	stileid.u32;
	s5 =	simm.s32 $0x0  }
0x5: {  	s17 =	simm.s32 $0x6;
	s19 =	simm.s32 $0xA00;
	s20 =	simm.s32 $0x1400  }
0x6: {  	s21 =	simm.s32 $0x1E00;
	s22 =	simm.s32 $0x1;
	s23 =	simm.s32 $0x40  }
0x7: {  	s24 =	simm.s32 $0x3C00;
	s29 =	simm.s32 $0x5;
	s30 =	simm.s32 $0x0  }
0x8: {  	s1 =	sand.u32 $0x1, s1;
	s4 =	smul.u32 $0x13C00, s11;
	[smem:$0x7FF] =	sst s5  }
0x9: {  	s5 =	sadd.s32 $0x2200, s0;
	s6 =	sadd.s32 $0x15C00, s0;
	s7 =	sadd.s32 $0x1FC00, s0  }
0xa: {  	s8 =	sadd.s32 $0x29C00, s0;
	s10 =	sadd.s32 $0x2000, s0;
	s12 =	sadd.s32 $0x33C00, s0  }
0xb: {  	s9 =	smul.u32 $0x13C000, s1;
	_ =	strace $0x80000047;
	[dreg:$0x4] =	wrdreg s10  }
0xc: {  	s28 =	sshll.u32 s11, $0x6;
	s25 =	ssub.s32 $0x2, s1;
	[dreg:$0x5] =	wrdreg s12  }
0xd: {  	s1 =	sshll.u32 s1, $0x4;
	s26 =	sshrl.u32 s25, $0x1;
	s9 =	sadd.s32 s4, s9  }
0xe: {  	s1 =	sor.u32 s11, s1;
	s11 =	sor.u32 $0x1C06, s28;
	s9 =	sshrl.u32 s9, $0x3  }
0xf: {  	s4 =	sadd.s32 s4, s3;
	s12 =	smul.u32 $0xA0, s1;
	s0 =	sadd.s32 s9, s0  }
0x10: {  	s13 =	sshll.u32 s1, $0x2;
	s9 =	ssub.s32 s25, s26;
	s0 =	sadd.s32 $0x36400, s0  }
0x11: {  	s16 =	sshrl.u32 s4, $0x3;
	s31 =	smax.u32 s9, $0x1;
	[dreg:$0x6] =	wrdreg s0  }
0x12: {  	s25 =	simm.s32 $0x5C00;
	s26 =	simm.s32 $0x20;
	[dreg:$0x7] =	wrdreg s31  }
.LBB2_1:
0x13: {  	s0 =	rddreg [dreg:$0x5]  }
0x14: {  	[spmem:s16], [sflag:s11] =	dma.local [hbm:s0], $0x2780  }
0x15: {  	_ =	swait.ge [sflag:s17], $0x2780  }
0x16: {  	s28 =	simm.s32 $0x0;
	[sflag:s17] =	ssyncset.done $0x0  }
0x17: {  	s4 =	simm.s32 $0x9C00;
	s1 =	rddreg [dreg:$0x4];
	[sflag:s17] =	ssyncadd.s32 $0xFFFFD880  }
0x18: {  	[tilespmem:s4], [sflag:$0x6] =	stream.linear.gather [hbm4b:s1+s28], $0x180, $0x38;
	[tilespmem:$0x1D980] =	vst v63  }
0x19: {  	_ =	swait.ge [sflag:s17], $0x180  }
0x1a: {  	[sflag:s17] =	ssyncset.done $0x0  }
0x1b: {  	[sflag:s17] =	ssyncadd.s32 $0xFFFFFE80  }
0x1c: {  	s31 =	simm.s32 $0x0;
	[bflag:$0x0] =	sbarrier.arrive $0xFFFF  }
.LBB2_2:
0x1d: {  	p0 =	seq.s32 s31, $0x0  }
0x1e: {  	s0 =	simm.s32 @!p0 $0x4  }
0x1f: {  	_ =	swait.ge @!p0 [sflag:s0], $0x1000  }
0x20: {  	s1 =	smul.u32 $0x28, s31;
	[sflag:s0] =	ssyncset.done @!p0 $0x0  }
0x21: {  	[sflag:s0] =	ssyncadd.s32 @!p0 $0xFFFFF000;
	s0 =	simm.s32 @!p0 $0x5  }
0x22: {  	s1 =	sadd.s32 s12, s1;
	_ =	swait.ge @!p0 [sflag:s0], $0x1000  }
0x23: {  	s1 =	sshll.u32 s1, $0x3;
	[sflag:s0] =	ssyncset.done @!p0 $0x0  }
0x24: {  	s4 =	sadd.s32 s6, s1;
	[sflag:s0] =	ssyncadd.s32 @!p0 $0xFFFFF000;
	s0 =	simm.s32 $0x0  }
0x25: {  	[tilespmem:s0], [sflag:$0x1] =	stream.linear.gather [hbm4b:s4+s0], $0xA00, $0x38;
	[tilespmem:$0x1D980] =	vst v63  }
0x26: {  	s18 =	sadd.s32 s13, s31;
	s9 =	sadd.s32 s7, s1  }
0x27: {  	[tilespmem:s19], [sflag:$0x1] =	stream.linear.gather [hbm4b:s9+s0], $0xA00, $0x38;
	[tilespmem:$0x1D980] =	vst v63  }
0x28: {  	s1 =	sadd.s32 s8, s1;
	s4 =	smul.u32 $0x3C0, s18  }
0x29: {  	[tilespmem:s20], [sflag:$0x1] =	stream.linear.gather [hbm4b:s1+s0], $0xA00, $0x38;
	[tilespmem:$0x1D980] =	vst v63  }
0x2a: {  	s28 =	sadd.s32 s2, s4  }
0x2b: {  	[tilespmem:s21], [sflag:$0x1] =	stream.linear.gather [hbm4b:s28+s0], $0x1E00, $0x38;
	[tilespmem:$0x1D980] =	vst v63  }
0x2c: {  	_ =	swait.ge [sflag:s22], $0xA00  }
0x2d: {  	[sflag:s22] =	ssyncset.done $0x0  }
0x2e: {  	[sflag:s22] =	ssyncadd.s32 $0xFFFFF600  }
0x2f: {  	_ =	swait.ge [sflag:s22], $0xA00  }
0x30: {  	[sflag:s22] =	ssyncset.done $0x0  }
0x31: {  	[sflag:s22] =	ssyncadd.s32 $0xFFFFF600  }
0x32: {  	_ =	swait.ge [sflag:s22], $0xA00  }
0x33: {  	[sflag:s22] =	ssyncset.done $0x0  }
0x34: {  	[sflag:s22] =	ssyncadd.s32 $0xFFFFF600  }
0x35: {  	_ =	swait.ge [sflag:s22], $0x1E00  }
0x36: {  	[sflag:s22] =	ssyncset.done $0x0  }
0x37: {  	[sflag:s22] =	ssyncadd.s32 $0xFFFFE200  }
0x38: {  	[tilespmem:s24], [sflag:$0x2] =	stream.indirect.gather [hbm4b:s5+s23], $0x40, s0, s23, $0xb8;
	[tilespmem:$0x1D980] =	vst v63  }
0x39: {  	_ = 	snop  }
0x3a: {  	[tilespmem:s25], [sflag:$0x2] =	stream.indirect.gather [hbm4b:s5+s23], $0x40, s19, s23, $0xb8;
	[tilespmem:$0x1D980] =	vst v63  }
.LBB2_3:
0x3b: {  	s1 =	sand.u32 $0x1, s0;
	p0 =	seq.s32 s0, $0x27  }
0x3c: {  	s4 =	sxor.u32 @!p0 $0x1, s1  }
0x3d: {  	s14 =	sshll.u32 @!p0 s0, $0x6;
	s18 =	simm.s32 @!p0 $0x40;
	s9 =	sshll.u32 @!p0 s4, $0xC  }
0x3e: {  	s15 =	sadd.s32 @!p0 $0x40, s14;
	s4 =	sor.u32 @!p0 $0x2, s4;
	s10 =	sadd.s32 @!p0 $0x3C00, s9  }
0x3f: {  	[tilespmem:s10], [sflag:s4] =	stream.indirect.gather @!p0 [hbm4b:s5+s18], $0x40, s15, s18, $0xb8;
	[tilespmem:$0x1D980] =	vst v63  }
0x40: {  	s9 =	sadd.s32 @!p0 $0x5C00, s9;
	s10 =	sadd.s32 @!p0 $0xA40, s14  }
0x41: {  	[tilespmem:s9], [sflag:s4] =	stream.indirect.gather @!p0 [hbm4b:s5+s18], $0x40, s10, s18, $0xb8;
	[tilespmem:$0x1D980] =	vst v63  }
0x42: {  	s18 =	sor.u32 $0x2, s1  }
0x43: {  	_ =	swait.ge [sflag:s18], $0x1000  }
0x44: {  	[sflag:s18] =	ssyncset.done $0x0  }
0x45: {  	s28 =	sshll.u32 s0, $0x6;
	p2 =	por $0x1, $0x1;
	[sflag:s18] =	ssyncadd.s32 $0xFFFFF000  }
0x46: {  	s1 =	sshll.u32 s1, $0x6;
	s9 =	sand.u32 $0x3FFFFFC0, s28;
	_ =	swait.ge [sflag:s18], $0x1000  }
0x47: {  	p0 =	seq.s32 s0, $0x0;
	s4 =	sadd.s32 $0x1400, s9;
	[sflag:s18] =	ssyncset.done $0x0  }
0x48: {  	[sflag:s18] =	ssyncadd.s32 $0xFFFFF000;
	s18 =	sadd.s32 $0x1E00, s9;
	s9 =	simm.s32 $0x0  }
.LBB2_4:
0x49: {  	s14 =	sadd.s32 @!p0 $0x4, s9  }
0x4a: {  	s10 =	sshll.u32 s9, $0x5;
	p1 =	por p2, p2;
	_ =	swait.ge @!p0 [sflag:s14], $0x1000  }
0x4b: {  	s28 =	simm.s32 $0x0;
	s15 =	sadd.s32 s10, s18;
	[sflag:s14] =	ssyncset.done @!p0 $0x0  }
0x4c: {  	p2 =	por $0x1, $0x1;
	v0 =	vmov s15;
	[sflag:s14] =	ssyncadd.s32 @!p0 $0xFFFFF000;
	s14 =	sor.u32 s1, s10  }
.LBB2_5:
0x4d: {  	v18 =	vld [tilespmem:$0x9C00]  }
0x4e: {  	v17 =	vld [tilespmem:$0x9C10]  }
0x4f: {  	v12 =	vld [tilespmem:$0x9C20]  }
0x50: {  	v11 =	vld [tilespmem:$0x9C30]  }
0x51: {  	v5 =	vld [tilespmem:$0x9C40]  }
0x52: {  	v3 =	vld [tilespmem:$0x9C50]  }
0x53: {  	v2 =	vld [tilespmem:$0x9C60]  }
0x54: {  	v1 =	vld [tilespmem:$0x9C70]  }
0x55: {  	v20 =	vld [tilespmem:$0x9C80]  }
0x56: {  	v19 =	vld [tilespmem:$0x9C90]  }
0x57: {  	s15 =	sor.u32 s14, s28;
	v27 =	vld.idx.msk [tilespmem:v0+s28+$0x0 ss:$0x1], $0xffff  }
0x58: {  	v26 =	vld.idx.msk [tilespmem:v0+s28+$0xA00 ss:$0x1], $0xffff;
	s15 =	sshll.u32 s15, $0x6  }
0x59: {  	v4 =	vld [tilespmem:s15+$0x3C00]  }
0x5a: {  	v6 =	vld [tilespmem:s15+$0x5C00]  }
0x5b: {  	v14 =	vld [tilespmem:$0x9CA0]  }
0x5c: {  	v13 =	vld [tilespmem:$0x9CB0]  }
0x5d: {  	v24 =	vld.idx.msk [tilespmem:v0+s28+$0x1400 ss:$0x1], $0xffff  }
0x5e: {  	v7 =	vld [tilespmem:$0x9CC0];
	v28 =	vbroadcast v27, $0x0;
	v29 =	vbroadcast v26, $0x0  }
0x5f: {  	v23 =	vld [tilespmem:$0x9D00];
	v9 =	vshll.u32 v4, $0x10;
	v10 =	vand.u32 $0xFFFF0000, v4;
	v53 =	vshll.u32 v6, $0x10  }
0x60: {  	v25 =	vld [tilespmem:$0x9D10];
	v6 =	vand.u32 $0xFFFF0000, v6;
	v15 =	vmul.f32 v28, v18;
	v9 =	vadd.f32 v53, v9  }
0x61: {  	v8 =	vld [tilespmem:$0x9CD0];
	v16 =	vmul.f32 v28, v17;
	v10 =	vadd.f32 v6, v10  }
0x62: {  	v21 =	vld [tilespmem:$0x9D20];
	v30 =	vbroadcast v24, $0x0;
	v54 =	vmul.f32 v29, v20;
	v9 =	vadd.f32 v9, v15  }
0x63: {  	v22 =	vld [tilespmem:$0x9D30];
	v55 =	vmul.f32 v29, v19;
	v10 =	vadd.f32 v10, v16  }
0x64: {  	v4 =	vld [tilespmem:$0x9CE0];
	v31 =	vmul.f32 v30, v23;
	v9 =	vadd.f32 v9, v54  }
0x65: {  	v32 =	vmul.f32 v30, v25;
	v6 =	vld [tilespmem:$0x9CF0];
	v10 =	vadd.f32 v10, v55  }
0x66: {  	s28 =	sor.u32 s10, s28;
	v15 =	vld [tilespmem:$0x9D40];
	v31 =	vadd.f32 v9, v31  }
0x67: {  	s28 =	sshll.u32 s28, $0x7;
	v16 =	vld [tilespmem:$0x9D50];
	v32 =	vadd.f32 v10, v32  }
0x68: {  	s28 =	sand.u32 $0x3FFFFF80, s28;
	v9 =	vld [tilespmem:$0x9D60];
	v31 =	vmax.f32 v31, $0.0e+00  }
0x69: {  	v10 =	vld [tilespmem:$0x9D70];
	v56 =	vmax.f32 v32, $0.0e+00;
	[tilespmem:s28+$0x7C00] =	vst v31  }
0x6a: {  	[tilespmem:s28+$0x7C10] =	vst v56  }
0x6b: {  	v31 =	vld [tilespmem:s15+$0x3C10]  }
0x6c: {  	v57 =	vld [tilespmem:s15+$0x5C10];
	_ =	sdelay $0x4  }
0x6d: {  	v58 =	vmul.f32 v28, v12;
	v33 =	vshll.u32 v31, $0x10;
	v34 =	vshll.u32 v57, $0x10  }
0x6e: {  	v31 =	vand.u32 $0xFFFF0000, v31;
	v32 =	vand.u32 $0xFFFF0000, v57;
	v33 =	vadd.f32 v34, v33  }
0x6f: {  	v59 =	vmul.f32 v28, v11;
	v31 =	vadd.f32 v32, v31  }
0x70: {  	v60 =	vmul.f32 v29, v14;
	v33 =	vadd.f32 v33, v58  }
0x71: {  	v61 =	vmul.f32 v29, v13;
	v31 =	vadd.f32 v31, v59  }
0x72: {  	v62 =	vmul.f32 v30, v21;
	v33 =	vadd.f32 v33, v60  }
0x73: {  	v63 =	vmul.f32 v30, v22;
	v31 =	vadd.f32 v31, v61  }
0x74: {  	v33 =	vadd.f32 v33, v62  }
0x75: {  	v31 =	vadd.f32 v31, v63  }
0x76: {  	v36 =	vmax.f32 v33, $0.0e+00  }
0x77: {  	v31 =	vmax.f32 v31, $0.0e+00;
	[tilespmem:s28+$0x7C20] =	vst v36  }
0x78: {  	[tilespmem:s28+$0x7C30] =	vst v31  }
0x79: {  	v31 =	vld [tilespmem:s15+$0x3C20]  }
0x7a: {  	v32 =	vld [tilespmem:s15+$0x5C20];
	_ =	sdelay $0x4  }
0x7b: {  	v39 =	vmul.f32 v28, v5;
	v37 =	vshll.u32 v31, $0x10;
	v38 =	vshll.u32 v32, $0x10  }
0x7c: {  	v31 =	vand.u32 $0xFFFF0000, v31;
	v32 =	vand.u32 $0xFFFF0000, v32;
	v33 =	vadd.f32 v38, v37  }
0x7d: {  	v40 =	vmul.f32 v28, v3;
	v31 =	vadd.f32 v32, v31  }
0x7e: {  	v41 =	vmul.f32 v29, v7;
	v33 =	vadd.f32 v33, v39  }
0x7f: {  	v42 =	vmul.f32 v29, v8;
	v31 =	vadd.f32 v31, v40  }
0x80: {  	v43 =	vmul.f32 v30, v15;
	v33 =	vadd.f32 v33, v41  }
0x81: {  	v44 =	vmul.f32 v30, v16;
	v31 =	vadd.f32 v31, v42  }
0x82: {  	v33 =	vadd.f32 v33, v43  }
0x83: {  	v31 =	vadd.f32 v31, v44  }
0x84: {  	v45 =	vmax.f32 v33, $0.0e+00  }
0x85: {  	v31 =	vmax.f32 v31, $0.0e+00;
	[tilespmem:s28+$0x7C40] =	vst v45  }
0x86: {  	[tilespmem:s28+$0x7C50] =	vst v31  }
0x87: {  	v31 =	vld [tilespmem:s15+$0x3C30]  }
0x88: {  	v32 =	vld [tilespmem:s15+$0x5C30];
	_ =	sdelay $0x4  }
0x89: {  	v48 =	vmul.f32 v28, v2;
	v46 =	vshll.u32 v31, $0x10;
	v47 =	vshll.u32 v32, $0x10  }
0x8a: {  	v31 =	vand.u32 $0xFFFF0000, v31;
	v32 =	vand.u32 $0xFFFF0000, v32;
	v33 =	vadd.f32 v47, v46  }
0x8b: {  	v28 =	vmul.f32 v28, v1;
	v31 =	vadd.f32 v32, v31  }
0x8c: {  	v50 =	vmul.f32 v29, v4;
	v49 =	vadd.f32 v33, v48  }
0x8d: {  	v29 =	vmul.f32 v29, v6;
	v28 =	vadd.f32 v31, v28  }
0x8e: {  	v52 =	vmul.f32 v30, v9;
	v51 =	vadd.f32 v49, v50  }
0x8f: {  	v53 =	vmul.f32 v30, v10;
	v28 =	vadd.f32 v28, v29  }
0x90: {  	v54 =	vadd.f32 v51, v52  }
0x91: {  	v28 =	vadd.f32 v28, v53  }
0x92: {  	v55 =	vmax.f32 v54, $0.0e+00  }
0x93: {  	v28 =	vmax.f32 v28, $0.0e+00;
	[tilespmem:s28+$0x7C60] =	vst v55  }
0x94: {  	[tilespmem:s28+$0x7C70] =	vst v28  }
0x95: {  	v28 =	vld [tilespmem:s15+$0x3C40]  }
0x96: {  	v29 =	vld [tilespmem:s15+$0x5C40];
	_ =	sdelay $0x2  }
0x97: {  	v31 =	vbroadcast v27, $0x1  }
0x98: {  	v33 =	vbroadcast v26, $0x1  }
0x99: {  	v58 =	vmul.f32 v31, v18;
	v56 =	vshll.u32 v28, $0x10;
	v57 =	vshll.u32 v29, $0x10  }
0x9a: {  	v28 =	vand.u32 $0xFFFF0000, v28;
	v29 =	vand.u32 $0xFFFF0000, v29;
	v30 =	vadd.f32 v57, v56  }
0x9b: {  	v59 =	vmul.f32 v31, v17;
	v28 =	vadd.f32 v29, v28  }
0x9c: {  	v34 =	vbroadcast v24, $0x1;
	v60 =	vmul.f32 v33, v20;
	v30 =	vadd.f32 v30, v58  }
0x9d: {  	v61 =	vmul.f32 v33, v19;
	v28 =	vadd.f32 v28, v59  }
0x9e: {  	v62 =	vmul.f32 v34, v23;
	v30 =	vadd.f32 v30, v60  }
0x9f: {  	v63 =	vmul.f32 v34, v25;
	v28 =	vadd.f32 v28, v61  }
0xa0: {  	v30 =	vadd.f32 v30, v62  }
0xa1: {  	v28 =	vadd.f32 v28, v63  }
0xa2: {  	v35 =	vmax.f32 v30, $0.0e+00  }
0xa3: {  	v28 =	vmax.f32 v28, $0.0e+00;
	[tilespmem:s28+$0x7C80] =	vst v35  }
0xa4: {  	[tilespmem:s28+$0x7C90] =	vst v28  }
0xa5: {  	v28 =	vld [tilespmem:s15+$0x3C50]  }
0xa6: {  	v29 =	vld [tilespmem:s15+$0x5C50];
	_ =	sdelay $0x4  }
0xa7: {  	v38 =	vmul.f32 v31, v12;
	v36 =	vshll.u32 v28, $0x10;
	v37 =	vshll.u32 v29, $0x10  }
0xa8: {  	v28 =	vand.u32 $0xFFFF0000, v28;
	v29 =	vand.u32 $0xFFFF0000, v29;
	v30 =	vadd.f32 v37, v36  }
0xa9: {  	v39 =	vmul.f32 v31, v11;
	v28 =	vadd.f32 v29, v28  }
0xaa: {  	v40 =	vmul.f32 v33, v14;
	v30 =	vadd.f32 v30, v38  }
0xab: {  	v41 =	vmul.f32 v33, v13;
	v28 =	vadd.f32 v28, v39  }
0xac: {  	v42 =	vmul.f32 v34, v21;
	v30 =	vadd.f32 v30, v40  }
0xad: {  	v43 =	vmul.f32 v34, v22;
	v28 =	vadd.f32 v28, v41  }
0xae: {  	v30 =	vadd.f32 v30, v42  }
0xaf: {  	v28 =	vadd.f32 v28, v43  }
0xb0: {  	v44 =	vmax.f32 v30, $0.0e+00  }
0xb1: {  	v28 =	vmax.f32 v28, $0.0e+00;
	[tilespmem:s28+$0x7CA0] =	vst v44  }
0xb2: {  	[tilespmem:s28+$0x7CB0] =	vst v28  }
0xb3: {  	v28 =	vld [tilespmem:s15+$0x3C60]  }
0xb4: {  	v29 =	vld [tilespmem:s15+$0x5C60];
	_ =	sdelay $0x4  }
0xb5: {  	v47 =	vmul.f32 v31, v5;
	v45 =	vshll.u32 v28, $0x10;
	v46 =	vshll.u32 v29, $0x10  }
0xb6: {  	v28 =	vand.u32 $0xFFFF0000, v28;
	v29 =	vand.u32 $0xFFFF0000, v29;
	v30 =	vadd.f32 v46, v45  }
0xb7: {  	v48 =	vmul.f32 v31, v3;
	v28 =	vadd.f32 v29, v28  }
0xb8: {  	v49 =	vmul.f32 v33, v7;
	v30 =	vadd.f32 v30, v47  }
0xb9: {  	v50 =	vmul.f32 v33, v8;
	v28 =	vadd.f32 v28, v48  }
0xba: {  	v51 =	vmul.f32 v34, v15;
	v30 =	vadd.f32 v30, v49  }
0xbb: {  	v52 =	vmul.f32 v34, v16;
	v28 =	vadd.f32 v28, v50  }
0xbc: {  	v30 =	vadd.f32 v30, v51  }
0xbd: {  	v28 =	vadd.f32 v28, v52  }
0xbe: {  	v53 =	vmax.f32 v30, $0.0e+00  }
0xbf: {  	v28 =	vmax.f32 v28, $0.0e+00;
	[tilespmem:s28+$0x7CC0] =	vst v53  }
0xc0: {  	[tilespmem:s28+$0x7CD0] =	vst v28  }
0xc1: {  	v28 =	vld [tilespmem:s15+$0x3C70]  }
0xc2: {  	v29 =	vld [tilespmem:s15+$0x5C70];
	_ =	sdelay $0x4  }
0xc3: {  	v56 =	vmul.f32 v31, v2;
	v54 =	vshll.u32 v28, $0x10;
	v55 =	vshll.u32 v29, $0x10  }
0xc4: {  	v28 =	vand.u32 $0xFFFF0000, v28;
	v29 =	vand.u32 $0xFFFF0000, v29;
	v30 =	vadd.f32 v55, v54  }
0xc5: {  	v57 =	vmul.f32 v31, v1;
	v28 =	vadd.f32 v29, v28  }
0xc6: {  	v58 =	vmul.f32 v33, v4;
	v30 =	vadd.f32 v30, v56  }
0xc7: {  	v59 =	vmul.f32 v33, v6;
	v28 =	vadd.f32 v28, v57  }
0xc8: {  	v60 =	vmul.f32 v34, v9;
	v30 =	vadd.f32 v30, v58  }
0xc9: {  	v61 =	vmul.f32 v34, v10;
	v28 =	vadd.f32 v28, v59  }
0xca: {  	v30 =	vadd.f32 v30, v60  }
0xcb: {  	v28 =	vadd.f32 v28, v61  }
0xcc: {  	v62 =	vmax.f32 v30, $0.0e+00  }
0xcd: {  	v28 =	vmax.f32 v28, $0.0e+00;
	[tilespmem:s28+$0x7CE0] =	vst v62  }
0xce: {  	[tilespmem:s28+$0x7CF0] =	vst v28  }
0xcf: {  	v28 =	vld [tilespmem:s15+$0x3C80]  }
0xd0: {  	v29 =	vld [tilespmem:s15+$0x5C80];
	_ =	sdelay $0x2  }
0xd1: {  	v31 =	vbroadcast v27, $0x2  }
0xd2: {  	v33 =	vbroadcast v26, $0x2  }
0xd3: {  	v37 =	vmul.f32 v31, v18;
	v63 =	vshll.u32 v28, $0x10;
	v36 =	vshll.u32 v29, $0x10  }
0xd4: {  	v28 =	vand.u32 $0xFFFF0000, v28;
	v29 =	vand.u32 $0xFFFF0000, v29;
	v30 =	vadd.f32 v36, v63  }
0xd5: {  	v38 =	vmul.f32 v31, v17;
	v28 =	vadd.f32 v29, v28  }
0xd6: {  	v34 =	vbroadcast v24, $0x2;
	v39 =	vmul.f32 v33, v20;
	v30 =	vadd.f32 v30, v37  }
0xd7: {  	v40 =	vmul.f32 v33, v19;
	v28 =	vadd.f32 v28, v38  }
0xd8: {  	v41 =	vmul.f32 v34, v23;
	v30 =	vadd.f32 v30, v39  }
0xd9: {  	v42 =	vmul.f32 v34, v25;
	v28 =	vadd.f32 v28, v40  }
0xda: {  	v30 =	vadd.f32 v30, v41  }
0xdb: {  	v28 =	vadd.f32 v28, v42  }
0xdc: {  	v43 =	vmax.f32 v30, $0.0e+00  }
0xdd: {  	v28 =	vmax.f32 v28, $0.0e+00;
	[tilespmem:s28+$0x7D00] =	vst v43  }
0xde: {  	[tilespmem:s28+$0x7D10] =	vst v28  }
0xdf: {  	v28 =	vld [tilespmem:s15+$0x3C90]  }
0xe0: {  	v29 =	vld [tilespmem:s15+$0x5C90];
	_ =	sdelay $0x4  }
0xe1: {  	v46 =	vmul.f32 v31, v12;
	v44 =	vshll.u32 v28, $0x10;
	v45 =	vshll.u32 v29, $0x10  }
0xe2: {  	v28 =	vand.u32 $0xFFFF0000, v28;
	v29 =	vand.u32 $0xFFFF0000, v29;
	v30 =	vadd.f32 v45, v44  }
0xe3: {  	v47 =	vmul.f32 v31, v11;
	v28 =	vadd.f32 v29, v28  }
0xe4: {  	v48 =	vmul.f32 v33, v14;
	v30 =	vadd.f32 v30, v46  }
0xe5: {  	v49 =	vmul.f32 v33, v13;
	v28 =	vadd.f32 v28, v47  }
0xe6: {  	v50 =	vmul.f32 v34, v21;
	v30 =	vadd.f32 v30, v48  }
0xe7: {  	v51 =	vmul.f32 v34, v22;
	v28 =	vadd.f32 v28, v49  }
0xe8: {  	v30 =	vadd.f32 v30, v50  }
0xe9: {  	v28 =	vadd.f32 v28, v51  }
0xea: {  	v52 =	vmax.f32 v30, $0.0e+00  }
0xeb: {  	v28 =	vmax.f32 v28, $0.0e+00;
	[tilespmem:s28+$0x7D20] =	vst v52  }
0xec: {  	[tilespmem:s28+$0x7D30] =	vst v28  }
0xed: {  	v28 =	vld [tilespmem:s15+$0x3CA0]  }
0xee: {  	v29 =	vld [tilespmem:s15+$0x5CA0];
	_ =	sdelay $0x4  }
0xef: {  	v55 =	vmul.f32 v31, v5;
	v53 =	vshll.u32 v28, $0x10;
	v54 =	vshll.u32 v29, $0x10  }
0xf0: {  	v28 =	vand.u32 $0xFFFF0000, v28;
	v29 =	vand.u32 $0xFFFF0000, v29;
	v30 =	vadd.f32 v54, v53  }
0xf1: {  	v56 =	vmul.f32 v31, v3;
	v28 =	vadd.f32 v29, v28  }
0xf2: {  	v57 =	vmul.f32 v33, v7;
	v30 =	vadd.f32 v30, v55  }
0xf3: {  	v58 =	vmul.f32 v33, v8;
	v28 =	vadd.f32 v28, v56  }
0xf4: {  	v59 =	vmul.f32 v34, v15;
	v30 =	vadd.f32 v30, v57  }
0xf5: {  	v60 =	vmul.f32 v34, v16;
	v28 =	vadd.f32 v28, v58  }
0xf6: {  	v30 =	vadd.f32 v30, v59  }
0xf7: {  	v28 =	vadd.f32 v28, v60  }
0xf8: {  	v61 =	vmax.f32 v30, $0.0e+00  }
0xf9: {  	v28 =	vmax.f32 v28, $0.0e+00;
	[tilespmem:s28+$0x7D40] =	vst v61  }
0xfa: {  	[tilespmem:s28+$0x7D50] =	vst v28  }
0xfb: {  	v28 =	vld [tilespmem:s15+$0x3CB0]  }
0xfc: {  	v29 =	vld [tilespmem:s15+$0x5CB0];
	_ =	sdelay $0x4  }
0xfd: {  	v36 =	vmul.f32 v31, v2;
	v62 =	vshll.u32 v28, $0x10;
	v63 =	vshll.u32 v29, $0x10  }
0xfe: {  	v28 =	vand.u32 $0xFFFF0000, v28;
	v29 =	vand.u32 $0xFFFF0000, v29;
	v30 =	vadd.f32 v63, v62  }
0xff: {  	v37 =	vmul.f32 v31, v1;
	v28 =	vadd.f32 v29, v28  }
0x100: {  	v38 =	vmul.f32 v33, v4;
	v30 =	vadd.f32 v30, v36  }
0x101: {  	v39 =	vmul.f32 v33, v6;
	v28 =	vadd.f32 v28, v37  }
0x102: {  	v40 =	vmul.f32 v34, v9;
	v30 =	vadd.f32 v30, v38  }
0x103: {  	v41 =	vmul.f32 v34, v10;
	v28 =	vadd.f32 v28, v39  }
0x104: {  	v30 =	vadd.f32 v30, v40  }
0x105: {  	v28 =	vadd.f32 v28, v41  }
0x106: {  	v42 =	vmax.f32 v30, $0.0e+00  }
0x107: {  	v28 =	vmax.f32 v28, $0.0e+00;
	[tilespmem:s28+$0x7D60] =	vst v42  }
0x108: {  	[tilespmem:s28+$0x7D70] =	vst v28  }
0x109: {  	v28 =	vld [tilespmem:s15+$0x3CC0]  }
0x10a: {  	v29 =	vld [tilespmem:s15+$0x5CC0];
	_ =	sdelay $0x2  }
0x10b: {  	v31 =	vbroadcast v27, $0x3  }
0x10c: {  	v33 =	vbroadcast v26, $0x3  }
0x10d: {  	v45 =	vmul.f32 v31, v18;
	v43 =	vshll.u32 v28, $0x10;
	v44 =	vshll.u32 v29, $0x10  }
0x10e: {  	v28 =	vand.u32 $0xFFFF0000, v28;
	v29 =	vand.u32 $0xFFFF0000, v29;
	v30 =	vadd.f32 v44, v43  }
0x10f: {  	v46 =	vmul.f32 v31, v17;
	v28 =	vadd.f32 v29, v28  }
0x110: {  	v34 =	vbroadcast v24, $0x3;
	v47 =	vmul.f32 v33, v20;
	v30 =	vadd.f32 v30, v45  }
0x111: {  	v48 =	vmul.f32 v33, v19;
	v28 =	vadd.f32 v28, v46  }
0x112: {  	v49 =	vmul.f32 v34, v23;
	v30 =	vadd.f32 v30, v47  }
0x113: {  	v50 =	vmul.f32 v34, v25;
	v28 =	vadd.f32 v28, v48  }
0x114: {  	v30 =	vadd.f32 v30, v49  }
0x115: {  	v28 =	vadd.f32 v28, v50  }
0x116: {  	v51 =	vmax.f32 v30, $0.0e+00  }
0x117: {  	v28 =	vmax.f32 v28, $0.0e+00;
	[tilespmem:s28+$0x7D80] =	vst v51  }
0x118: {  	[tilespmem:s28+$0x7D90] =	vst v28  }
0x119: {  	v28 =	vld [tilespmem:s15+$0x3CD0]  }
0x11a: {  	v29 =	vld [tilespmem:s15+$0x5CD0];
	_ =	sdelay $0x4  }
0x11b: {  	v54 =	vmul.f32 v31, v12;
	v52 =	vshll.u32 v28, $0x10;
	v53 =	vshll.u32 v29, $0x10  }
0x11c: {  	v28 =	vand.u32 $0xFFFF0000, v28;
	v29 =	vand.u32 $0xFFFF0000, v29;
	v30 =	vadd.f32 v53, v52  }
0x11d: {  	v55 =	vmul.f32 v31, v11;
	v28 =	vadd.f32 v29, v28  }
0x11e: {  	v56 =	vmul.f32 v33, v14;
	v30 =	vadd.f32 v30, v54  }
0x11f: {  	v57 =	vmul.f32 v33, v13;
	v28 =	vadd.f32 v28, v55  }
0x120: {  	v58 =	vmul.f32 v34, v21;
	v30 =	vadd.f32 v30, v56  }
0x121: {  	v59 =	vmul.f32 v34, v22;
	v28 =	vadd.f32 v28, v57  }
0x122: {  	v30 =	vadd.f32 v30, v58  }
0x123: {  	v28 =	vadd.f32 v28, v59  }
0x124: {  	v60 =	vmax.f32 v30, $0.0e+00  }
0x125: {  	v28 =	vmax.f32 v28, $0.0e+00;
	[tilespmem:s28+$0x7DA0] =	vst v60  }
0x126: {  	[tilespmem:s28+$0x7DB0] =	vst v28  }
0x127: {  	v28 =	vld [tilespmem:s15+$0x3CE0]  }
0x128: {  	v29 =	vld [tilespmem:s15+$0x5CE0];
	_ =	sdelay $0x4  }
0x129: {  	v63 =	vmul.f32 v31, v5;
	v61 =	vshll.u32 v28, $0x10;
	v62 =	vshll.u32 v29, $0x10  }
0x12a: {  	v28 =	vand.u32 $0xFFFF0000, v28;
	v29 =	vand.u32 $0xFFFF0000, v29;
	v30 =	vadd.f32 v62, v61  }
0x12b: {  	v36 =	vmul.f32 v31, v3;
	v28 =	vadd.f32 v29, v28  }
0x12c: {  	v37 =	vmul.f32 v33, v7;
	v30 =	vadd.f32 v30, v63  }
0x12d: {  	v38 =	vmul.f32 v33, v8;
	v28 =	vadd.f32 v28, v36  }
0x12e: {  	v39 =	vmul.f32 v34, v15;
	v30 =	vadd.f32 v30, v37  }
0x12f: {  	v40 =	vmul.f32 v34, v16;
	v28 =	vadd.f32 v28, v38  }
0x130: {  	v30 =	vadd.f32 v30, v39  }
0x131: {  	v28 =	vadd.f32 v28, v40  }
0x132: {  	v41 =	vmax.f32 v30, $0.0e+00  }
0x133: {  	v28 =	vmax.f32 v28, $0.0e+00;
	[tilespmem:s28+$0x7DC0] =	vst v41  }
0x134: {  	[tilespmem:s28+$0x7DD0] =	vst v28  }
0x135: {  	v28 =	vld [tilespmem:s15+$0x3CF0]  }
0x136: {  	v29 =	vld [tilespmem:s15+$0x5CF0];
	_ =	sdelay $0x4  }
0x137: {  	v44 =	vmul.f32 v31, v2;
	v42 =	vshll.u32 v28, $0x10;
	v43 =	vshll.u32 v29, $0x10  }
0x138: {  	v28 =	vand.u32 $0xFFFF0000, v28;
	v29 =	vand.u32 $0xFFFF0000, v29;
	v30 =	vadd.f32 v43, v42  }
0x139: {  	v45 =	vmul.f32 v31, v1;
	v28 =	vadd.f32 v29, v28  }
0x13a: {  	v46 =	vmul.f32 v33, v4;
	v30 =	vadd.f32 v30, v44  }
0x13b: {  	v47 =	vmul.f32 v33, v6;
	v28 =	vadd.f32 v28, v45  }
0x13c: {  	v48 =	vmul.f32 v34, v9;
	v30 =	vadd.f32 v30, v46  }
0x13d: {  	v49 =	vmul.f32 v34, v10;
	v28 =	vadd.f32 v28, v47  }
0x13e: {  	v30 =	vadd.f32 v30, v48  }
0x13f: {  	v28 =	vadd.f32 v28, v49  }
0x140: {  	v50 =	vmax.f32 v30, $0.0e+00  }
0x141: {  	v28 =	vmax.f32 v28, $0.0e+00;
	[tilespmem:s28+$0x7DE0] =	vst v50  }
0x142: {  	[tilespmem:s28+$0x7DF0] =	vst v28  }
0x143: {  	v28 =	vld [tilespmem:s15+$0x3D00]  }
0x144: {  	v29 =	vld [tilespmem:s15+$0x5D00];
	_ =	sdelay $0x2  }
0x145: {  	v31 =	vbroadcast v27, $0x4  }
0x146: {  	v33 =	vbroadcast v26, $0x4  }
0x147: {  	v53 =	vmul.f32 v31, v18;
	v51 =	vshll.u32 v28, $0x10;
	v52 =	vshll.u32 v29, $0x10  }
0x148: {  	v28 =	vand.u32 $0xFFFF0000, v28;
	v29 =	vand.u32 $0xFFFF0000, v29;
	v30 =	vadd.f32 v52, v51  }
0x149: {  	v54 =	vmul.f32 v31, v17;
	v28 =	vadd.f32 v29, v28  }
0x14a: {  	v34 =	vbroadcast v24, $0x4;
	v55 =	vmul.f32 v33, v20;
	v30 =	vadd.f32 v30, v53  }
0x14b: {  	v56 =	vmul.f32 v33, v19;
	v28 =	vadd.f32 v28, v54  }
0x14c: {  	v57 =	vmul.f32 v34, v23;
	v30 =	vadd.f32 v30, v55  }
0x14d: {  	v58 =	vmul.f32 v34, v25;
	v28 =	vadd.f32 v28, v56  }
0x14e: {  	v30 =	vadd.f32 v30, v57  }
0x14f: {  	v28 =	vadd.f32 v28, v58  }
0x150: {  	v59 =	vmax.f32 v30, $0.0e+00  }
0x151: {  	v28 =	vmax.f32 v28, $0.0e+00;
	[tilespmem:s28+$0x7E00] =	vst v59  }
0x152: {  	[tilespmem:s28+$0x7E10] =	vst v28  }
0x153: {  	v28 =	vld [tilespmem:s15+$0x3D10]  }
0x154: {  	v29 =	vld [tilespmem:s15+$0x5D10];
	_ =	sdelay $0x4  }
0x155: {  	v62 =	vmul.f32 v31, v12;
	v60 =	vshll.u32 v28, $0x10;
	v61 =	vshll.u32 v29, $0x10  }
0x156: {  	v28 =	vand.u32 $0xFFFF0000, v28;
	v29 =	vand.u32 $0xFFFF0000, v29;
	v30 =	vadd.f32 v61, v60  }
0x157: {  	v63 =	vmul.f32 v31, v11;
	v28 =	vadd.f32 v29, v28  }
0x158: {  	v36 =	vmul.f32 v33, v14;
	v30 =	vadd.f32 v30, v62  }
0x159: {  	v37 =	vmul.f32 v33, v13;
	v28 =	vadd.f32 v28, v63  }
0x15a: {  	v38 =	vmul.f32 v34, v21;
	v30 =	vadd.f32 v30, v36  }
0x15b: {  	v39 =	vmul.f32 v34, v22;
	v28 =	vadd.f32 v28, v37  }
0x15c: {  	v30 =	vadd.f32 v30, v38  }
0x15d: {  	v28 =	vadd.f32 v28, v39  }
0x15e: {  	v40 =	vmax.f32 v30, $0.0e+00  }
0x15f: {  	v28 =	vmax.f32 v28, $0.0e+00;
	[tilespmem:s28+$0x7E20] =	vst v40  }
0x160: {  	[tilespmem:s28+$0x7E30] =	vst v28  }
0x161: {  	v28 =	vld [tilespmem:s15+$0x3D20]  }
0x162: {  	v29 =	vld [tilespmem:s15+$0x5D20];
	_ =	sdelay $0x4  }
0x163: {  	v43 =	vmul.f32 v31, v5;
	v41 =	vshll.u32 v28, $0x10;
	v42 =	vshll.u32 v29, $0x10  }
0x164: {  	v28 =	vand.u32 $0xFFFF0000, v28;
	v29 =	vand.u32 $0xFFFF0000, v29;
	v30 =	vadd.f32 v42, v41  }
0x165: {  	v44 =	vmul.f32 v31, v3;
	v28 =	vadd.f32 v29, v28  }
0x166: {  	v45 =	vmul.f32 v33, v7;
	v30 =	vadd.f32 v30, v43  }
0x167: {  	v46 =	vmul.f32 v33, v8;
	v28 =	vadd.f32 v28, v44  }
0x168: {  	v47 =	vmul.f32 v34, v15;
	v30 =	vadd.f32 v30, v45  }
0x169: {  	v48 =	vmul.f32 v34, v16;
	v28 =	vadd.f32 v28, v46  }
0x16a: {  	v30 =	vadd.f32 v30, v47  }
0x16b: {  	v28 =	vadd.f32 v28, v48  }
0x16c: {  	v49 =	vmax.f32 v30, $0.0e+00  }
0x16d: {  	v28 =	vmax.f32 v28, $0.0e+00;
	[tilespmem:s28+$0x7E40] =	vst v49  }
0x16e: {  	[tilespmem:s28+$0x7E50] =	vst v28  }
0x16f: {  	v28 =	vld [tilespmem:s15+$0x3D30]  }
0x170: {  	v29 =	vld [tilespmem:s15+$0x5D30];
	_ =	sdelay $0x4  }
0x171: {  	v52 =	vmul.f32 v31, v2;
	v50 =	vshll.u32 v28, $0x10;
	v51 =	vshll.u32 v29, $0x10  }
0x172: {  	v28 =	vand.u32 $0xFFFF0000, v28;
	v29 =	vand.u32 $0xFFFF0000, v29;
	v30 =	vadd.f32 v51, v50  }
0x173: {  	v53 =	vmul.f32 v31, v1;
	v28 =	vadd.f32 v29, v28  }
0x174: {  	v54 =	vmul.f32 v33, v4;
	v30 =	vadd.f32 v30, v52  }
0x175: {  	v55 =	vmul.f32 v33, v6;
	v28 =	vadd.f32 v28, v53  }
0x176: {  	v56 =	vmul.f32 v34, v9;
	v30 =	vadd.f32 v30, v54  }
0x177: {  	v57 =	vmul.f32 v34, v10;
	v28 =	vadd.f32 v28, v55  }
0x178: {  	v30 =	vadd.f32 v30, v56  }
0x179: {  	v28 =	vadd.f32 v28, v57  }
0x17a: {  	v58 =	vmax.f32 v30, $0.0e+00  }
0x17b: {  	v28 =	vmax.f32 v28, $0.0e+00;
	[tilespmem:s28+$0x7E60] =	vst v58  }
0x17c: {  	[tilespmem:s28+$0x7E70] =	vst v28  }
0x17d: {  	v28 =	vld [tilespmem:s15+$0x3D40]  }
0x17e: {  	v29 =	vld [tilespmem:s15+$0x5D40];
	_ =	sdelay $0x2  }
0x17f: {  	v31 =	vbroadcast v27, $0x5  }
0x180: {  	v33 =	vbroadcast v26, $0x5  }
0x181: {  	v61 =	vmul.f32 v31, v18;
	v59 =	vshll.u32 v28, $0x10;
	v60 =	vshll.u32 v29, $0x10  }
0x182: {  	v28 =	vand.u32 $0xFFFF0000, v28;
	v29 =	vand.u32 $0xFFFF0000, v29;
	v30 =	vadd.f32 v60, v59  }
0x183: {  	v62 =	vmul.f32 v31, v17;
	v28 =	vadd.f32 v29, v28  }
0x184: {  	v34 =	vbroadcast v24, $0x5;
	v63 =	vmul.f32 v33, v20;
	v30 =	vadd.f32 v30, v61  }
0x185: {  	v36 =	vmul.f32 v33, v19;
	v28 =	vadd.f32 v28, v62  }
0x186: {  	v37 =	vmul.f32 v34, v23;
	v30 =	vadd.f32 v30, v63  }
0x187: {  	v38 =	vmul.f32 v34, v25;
	v28 =	vadd.f32 v28, v36  }
0x188: {  	v30 =	vadd.f32 v30, v37  }
0x189: {  	v28 =	vadd.f32 v28, v38  }
0x18a: {  	v39 =	vmax.f32 v30, $0.0e+00  }
0x18b: {  	v28 =	vmax.f32 v28, $0.0e+00;
	[tilespmem:s28+$0x7E80] =	vst v39  }
0x18c: {  	[tilespmem:s28+$0x7E90] =	vst v28  }
0x18d: {  	v28 =	vld [tilespmem:s15+$0x3D50]  }
0x18e: {  	v29 =	vld [tilespmem:s15+$0x5D50];
	_ =	sdelay $0x4  }
0x18f: {  	v42 =	vmul.f32 v31, v12;
	v40 =	vshll.u32 v28, $0x10;
	v41 =	vshll.u32 v29, $0x10  }
0x190: {  	v28 =	vand.u32 $0xFFFF0000, v28;
	v29 =	vand.u32 $0xFFFF0000, v29;
	v30 =	vadd.f32 v41, v40  }
0x191: {  	v43 =	vmul.f32 v31, v11;
	v28 =	vadd.f32 v29, v28  }
0x192: {  	v44 =	vmul.f32 v33, v14;
	v30 =	vadd.f32 v30, v42  }
0x193: {  	v45 =	vmul.f32 v33, v13;
	v28 =	vadd.f32 v28, v43  }
0x194: {  	v46 =	vmul.f32 v34, v21;
	v30 =	vadd.f32 v30, v44  }
0x195: {  	v47 =	vmul.f32 v34, v22;
	v28 =	vadd.f32 v28, v45  }
0x196: {  	v30 =	vadd.f32 v30, v46  }
0x197: {  	v28 =	vadd.f32 v28, v47  }
0x198: {  	v48 =	vmax.f32 v30, $0.0e+00  }
0x199: {  	v28 =	vmax.f32 v28, $0.0e+00;
	[tilespmem:s28+$0x7EA0] =	vst v48  }
0x19a: {  	[tilespmem:s28+$0x7EB0] =	vst v28  }
0x19b: {  	v28 =	vld [tilespmem:s15+$0x3D60]  }
0x19c: {  	v29 =	vld [tilespmem:s15+$0x5D60];
	_ =	sdelay $0x4  }
0x19d: {  	v51 =	vmul.f32 v31, v5;
	v49 =	vshll.u32 v28, $0x10;
	v50 =	vshll.u32 v29, $0x10  }
0x19e: {  	v28 =	vand.u32 $0xFFFF0000, v28;
	v29 =	vand.u32 $0xFFFF0000, v29;
	v30 =	vadd.f32 v50, v49  }
0x19f: {  	v52 =	vmul.f32 v31, v3;
	v28 =	vadd.f32 v29, v28  }
0x1a0: {  	v53 =	vmul.f32 v33, v7;
	v30 =	vadd.f32 v30, v51  }
0x1a1: {  	v54 =	vmul.f32 v33, v8;
	v28 =	vadd.f32 v28, v52  }
0x1a2: {  	v55 =	vmul.f32 v34, v15;
	v30 =	vadd.f32 v30, v53  }
0x1a3: {  	v56 =	vmul.f32 v34, v16;
	v28 =	vadd.f32 v28, v54  }
0x1a4: {  	v30 =	vadd.f32 v30, v55  }
0x1a5: {  	v28 =	vadd.f32 v28, v56  }
0x1a6: {  	v57 =	vmax.f32 v30, $0.0e+00  }
0x1a7: {  	v28 =	vmax.f32 v28, $0.0e+00;
	[tilespmem:s28+$0x7EC0] =	vst v57  }
0x1a8: {  	[tilespmem:s28+$0x7ED0] =	vst v28  }
0x1a9: {  	v28 =	vld [tilespmem:s15+$0x3D70]  }
0x1aa: {  	v29 =	vld [tilespmem:s15+$0x5D70];
	_ =	sdelay $0x4  }
0x1ab: {  	v60 =	vmul.f32 v31, v2;
	v58 =	vshll.u32 v28, $0x10;
	v59 =	vshll.u32 v29, $0x10  }
0x1ac: {  	v28 =	vand.u32 $0xFFFF0000, v28;
	v29 =	vand.u32 $0xFFFF0000, v29;
	v30 =	vadd.f32 v59, v58  }
0x1ad: {  	v61 =	vmul.f32 v31, v1;
	v28 =	vadd.f32 v29, v28  }
0x1ae: {  	v62 =	vmul.f32 v33, v4;
	v30 =	vadd.f32 v30, v60  }
0x1af: {  	v63 =	vmul.f32 v33, v6;
	v28 =	vadd.f32 v28, v61  }
0x1b0: {  	v33 =	vmul.f32 v34, v9;
	v30 =	vadd.f32 v30, v62  }
0x1b1: {  	v34 =	vmul.f32 v34, v10;
	v28 =	vadd.f32 v28, v63  }
0x1b2: {  	v30 =	vadd.f32 v30, v33  }
0x1b3: {  	v28 =	vadd.f32 v28, v34  }
0x1b4: {  	v35 =	vmax.f32 v30, $0.0e+00  }
0x1b5: {  	v28 =	vmax.f32 v28, $0.0e+00;
	[tilespmem:s28+$0x7EE0] =	vst v35  }
0x1b6: {  	[tilespmem:s28+$0x7EF0] =	vst v28  }
0x1b7: {  	v28 =	vld [tilespmem:s15+$0x3D80]  }
0x1b8: {  	v29 =	vld [tilespmem:s15+$0x5D80];
	_ =	sdelay $0x1  }
0x1b9: {  	v31 =	vbroadcast v27, $0x6;
	_ =	sdelay $0x1  }
0x1ba: {  	v38 =	vmul.f32 v31, v18  }
0x1bb: {  	v33 =	vbroadcast v26, $0x6;
	v36 =	vshll.u32 v28, $0x10;
	v37 =	vshll.u32 v29, $0x10  }
0x1bc: {  	v28 =	vand.u32 $0xFFFF0000, v28;
	v29 =	vand.u32 $0xFFFF0000, v29;
	v30 =	vadd.f32 v37, v36  }
0x1bd: {  	v39 =	vmul.f32 v31, v17;
	v28 =	vadd.f32 v29, v28  }
0x1be: {  	v34 =	vbroadcast v24, $0x6;
	v40 =	vmul.f32 v33, v20;
	v30 =	vadd.f32 v30, v38  }
0x1bf: {  	v41 =	vmul.f32 v33, v19;
	v28 =	vadd.f32 v28, v39  }
0x1c0: {  	v42 =	vmul.f32 v34, v23;
	v30 =	vadd.f32 v30, v40  }
0x1c1: {  	v43 =	vmul.f32 v34, v25;
	v28 =	vadd.f32 v28, v41  }
0x1c2: {  	v30 =	vadd.f32 v30, v42  }
0x1c3: {  	v28 =	vadd.f32 v28, v43  }
0x1c4: {  	v44 =	vmax.f32 v30, $0.0e+00  }
0x1c5: {  	v28 =	vmax.f32 v28, $0.0e+00;
	[tilespmem:s28+$0x7F00] =	vst v44  }
0x1c6: {  	[tilespmem:s28+$0x7F10] =	vst v28  }
0x1c7: {  	v28 =	vld [tilespmem:s15+$0x3D90]  }
0x1c8: {  	v29 =	vld [tilespmem:s15+$0x5D90];
	_ =	sdelay $0x4  }
0x1c9: {  	v47 =	vmul.f32 v31, v12;
	v45 =	vshll.u32 v28, $0x10;
	v46 =	vshll.u32 v29, $0x10  }
0x1ca: {  	v28 =	vand.u32 $0xFFFF0000, v28;
	v29 =	vand.u32 $0xFFFF0000, v29;
	v30 =	vadd.f32 v46, v45  }
0x1cb: {  	v48 =	vmul.f32 v31, v11;
	v28 =	vadd.f32 v29, v28  }
0x1cc: {  	v49 =	vmul.f32 v33, v14;
	v30 =	vadd.f32 v30, v47  }
0x1cd: {  	v50 =	vmul.f32 v33, v13;
	v28 =	vadd.f32 v28, v48  }
0x1ce: {  	v51 =	vmul.f32 v34, v21;
	v30 =	vadd.f32 v30, v49  }
0x1cf: {  	v52 =	vmul.f32 v34, v22;
	v28 =	vadd.f32 v28, v50  }
0x1d0: {  	v30 =	vadd.f32 v30, v51  }
0x1d1: {  	v28 =	vadd.f32 v28, v52  }
0x1d2: {  	v53 =	vmax.f32 v30, $0.0e+00  }
0x1d3: {  	v28 =	vmax.f32 v28, $0.0e+00;
	[tilespmem:s28+$0x7F20] =	vst v53  }
0x1d4: {  	[tilespmem:s28+$0x7F30] =	vst v28  }
0x1d5: {  	v28 =	vld [tilespmem:s15+$0x3DA0]  }
0x1d6: {  	v29 =	vld [tilespmem:s15+$0x5DA0];
	_ =	sdelay $0x4  }
0x1d7: {  	v56 =	vmul.f32 v31, v5;
	v54 =	vshll.u32 v28, $0x10;
	v55 =	vshll.u32 v29, $0x10  }
0x1d8: {  	v28 =	vand.u32 $0xFFFF0000, v28;
	v29 =	vand.u32 $0xFFFF0000, v29;
	v30 =	vadd.f32 v55, v54  }
0x1d9: {  	v57 =	vmul.f32 v31, v3;
	v28 =	vadd.f32 v29, v28  }
0x1da: {  	v58 =	vmul.f32 v33, v7;
	v30 =	vadd.f32 v30, v56  }
0x1db: {  	v59 =	vmul.f32 v33, v8;
	v28 =	vadd.f32 v28, v57  }
0x1dc: {  	v60 =	vmul.f32 v34, v15;
	v30 =	vadd.f32 v30, v58  }
0x1dd: {  	v61 =	vmul.f32 v34, v16;
	v28 =	vadd.f32 v28, v59  }
0x1de: {  	v30 =	vadd.f32 v30, v60  }
0x1df: {  	v28 =	vadd.f32 v28, v61  }
0x1e0: {  	v62 =	vmax.f32 v30, $0.0e+00  }
0x1e1: {  	v28 =	vmax.f32 v28, $0.0e+00;
	[tilespmem:s28+$0x7F40] =	vst v62  }
0x1e2: {  	[tilespmem:s28+$0x7F50] =	vst v28  }
0x1e3: {  	v28 =	vld [tilespmem:s15+$0x3DB0]  }
0x1e4: {  	v29 =	vld [tilespmem:s15+$0x5DB0];
	_ =	sdelay $0x4  }
0x1e5: {  	v37 =	vmul.f32 v31, v2;
	v63 =	vshll.u32 v28, $0x10;
	v36 =	vshll.u32 v29, $0x10  }
0x1e6: {  	v28 =	vand.u32 $0xFFFF0000, v28;
	v29 =	vand.u32 $0xFFFF0000, v29;
	v30 =	vadd.f32 v36, v63  }
0x1e7: {  	v38 =	vmul.f32 v31, v1;
	v28 =	vadd.f32 v29, v28  }
0x1e8: {  	v39 =	vmul.f32 v33, v4;
	v30 =	vadd.f32 v30, v37  }
0x1e9: {  	v40 =	vmul.f32 v33, v6;
	v28 =	vadd.f32 v28, v38  }
0x1ea: {  	v41 =	vmul.f32 v34, v9;
	v30 =	vadd.f32 v30, v39  }
0x1eb: {  	v42 =	vmul.f32 v34, v10;
	v28 =	vadd.f32 v28, v40  }
0x1ec: {  	v30 =	vadd.f32 v30, v41  }
0x1ed: {  	v28 =	vadd.f32 v28, v42  }
0x1ee: {  	v43 =	vmax.f32 v30, $0.0e+00  }
0x1ef: {  	v28 =	vmax.f32 v28, $0.0e+00;
	[tilespmem:s28+$0x7F60] =	vst v43  }
0x1f0: {  	[tilespmem:s28+$0x7F70] =	vst v28  }
0x1f1: {  	v28 =	vld [tilespmem:s15+$0x3DC0]  }
0x1f2: {  	v29 =	vld [tilespmem:s15+$0x5DC0];
	_ =	sdelay $0x2  }
0x1f3: {  	v31 =	vbroadcast v27, $0x7  }
0x1f4: {  	v33 =	vbroadcast v26, $0x7  }
0x1f5: {  	v46 =	vmul.f32 v31, v18;
	v44 =	vshll.u32 v28, $0x10;
	v45 =	vshll.u32 v29, $0x10  }
0x1f6: {  	v28 =	vand.u32 $0xFFFF0000, v28;
	v29 =	vand.u32 $0xFFFF0000, v29;
	v30 =	vadd.f32 v45, v44  }
0x1f7: {  	v47 =	vmul.f32 v31, v17;
	v28 =	vadd.f32 v29, v28  }
0x1f8: {  	v34 =	vbroadcast v24, $0x7;
	v48 =	vmul.f32 v33, v20;
	v30 =	vadd.f32 v30, v46  }
0x1f9: {  	v49 =	vmul.f32 v33, v19;
	v28 =	vadd.f32 v28, v47  }
0x1fa: {  	v50 =	vmul.f32 v34, v23;
	v30 =	vadd.f32 v30, v48  }
0x1fb: {  	v51 =	vmul.f32 v34, v25;
	v28 =	vadd.f32 v28, v49  }
0x1fc: {  	v30 =	vadd.f32 v30, v50  }
0x1fd: {  	v28 =	vadd.f32 v28, v51  }
0x1fe: {  	v52 =	vmax.f32 v30, $0.0e+00  }
0x1ff: {  	v28 =	vmax.f32 v28, $0.0e+00;
	[tilespmem:s28+$0x7F80] =	vst v52  }
0x200: {  	[tilespmem:s28+$0x7F90] =	vst v28  }
0x201: {  	v28 =	vld [tilespmem:s15+$0x3DD0]  }
0x202: {  	v29 =	vld [tilespmem:s15+$0x5DD0];
	_ =	sdelay $0x4  }
0x203: {  	v55 =	vmul.f32 v31, v12;
	v53 =	vshll.u32 v28, $0x10;
	v54 =	vshll.u32 v29, $0x10  }
0x204: {  	v28 =	vand.u32 $0xFFFF0000, v28;
	v29 =	vand.u32 $0xFFFF0000, v29;
	v30 =	vadd.f32 v54, v53  }
0x205: {  	v56 =	vmul.f32 v31, v11;
	v28 =	vadd.f32 v29, v28  }
0x206: {  	v57 =	vmul.f32 v33, v14;
	v30 =	vadd.f32 v30, v55  }
0x207: {  	v58 =	vmul.f32 v33, v13;
	v28 =	vadd.f32 v28, v56  }
0x208: {  	v59 =	vmul.f32 v34, v21;
	v30 =	vadd.f32 v30, v57  }
0x209: {  	v60 =	vmul.f32 v34, v22;
	v28 =	vadd.f32 v28, v58  }
0x20a: {  	v30 =	vadd.f32 v30, v59  }
0x20b: {  	v28 =	vadd.f32 v28, v60  }
0x20c: {  	v61 =	vmax.f32 v30, $0.0e+00  }
0x20d: {  	v28 =	vmax.f32 v28, $0.0e+00;
	[tilespmem:s28+$0x7FA0] =	vst v61  }
0x20e: {  	[tilespmem:s28+$0x7FB0] =	vst v28  }
0x20f: {  	v28 =	vld [tilespmem:s15+$0x3DE0]  }
0x210: {  	v29 =	vld [tilespmem:s15+$0x5DE0];
	_ =	sdelay $0x4  }
0x211: {  	v36 =	vmul.f32 v31, v5;
	v62 =	vshll.u32 v28, $0x10;
	v63 =	vshll.u32 v29, $0x10  }
0x212: {  	v28 =	vand.u32 $0xFFFF0000, v28;
	v29 =	vand.u32 $0xFFFF0000, v29;
	v30 =	vadd.f32 v63, v62  }
0x213: {  	v37 =	vmul.f32 v31, v3;
	v28 =	vadd.f32 v29, v28  }
0x214: {  	v38 =	vmul.f32 v33, v7;
	v30 =	vadd.f32 v30, v36  }
0x215: {  	v39 =	vmul.f32 v33, v8;
	v28 =	vadd.f32 v28, v37  }
0x216: {  	v40 =	vmul.f32 v34, v15;
	v30 =	vadd.f32 v30, v38  }
0x217: {  	v41 =	vmul.f32 v34, v16;
	v28 =	vadd.f32 v28, v39  }
0x218: {  	v30 =	vadd.f32 v30, v40  }
0x219: {  	v28 =	vadd.f32 v28, v41  }
0x21a: {  	v42 =	vmax.f32 v30, $0.0e+00  }
0x21b: {  	v28 =	vmax.f32 v28, $0.0e+00;
	[tilespmem:s28+$0x7FC0] =	vst v42  }
0x21c: {  	[tilespmem:s28+$0x7FD0] =	vst v28  }
0x21d: {  	v28 =	vld [tilespmem:s15+$0x3DF0]  }
0x21e: {  	v29 =	vld [tilespmem:s15+$0x5DF0];
	_ =	sdelay $0x4  }
0x21f: {  	v45 =	vmul.f32 v31, v2;
	v43 =	vshll.u32 v28, $0x10;
	v44 =	vshll.u32 v29, $0x10  }
0x220: {  	v28 =	vand.u32 $0xFFFF0000, v28;
	v29 =	vand.u32 $0xFFFF0000, v29;
	v30 =	vadd.f32 v44, v43  }
0x221: {  	v46 =	vmul.f32 v31, v1;
	v28 =	vadd.f32 v29, v28  }
0x222: {  	v47 =	vmul.f32 v33, v4;
	v30 =	vadd.f32 v30, v45  }
0x223: {  	v48 =	vmul.f32 v33, v6;
	v28 =	vadd.f32 v28, v46  }
0x224: {  	v49 =	vmul.f32 v34, v9;
	v30 =	vadd.f32 v30, v47  }
0x225: {  	v50 =	vmul.f32 v34, v10;
	v28 =	vadd.f32 v28, v48  }
0x226: {  	v30 =	vadd.f32 v30, v49  }
0x227: {  	v28 =	vadd.f32 v28, v50  }
0x228: {  	v51 =	vmax.f32 v30, $0.0e+00  }
0x229: {  	v28 =	vmax.f32 v28, $0.0e+00;
	[tilespmem:s28+$0x7FE0] =	vst v51  }
0x22a: {  	[tilespmem:s28+$0x7FF0] =	vst v28  }
0x22b: {  	v28 =	vld [tilespmem:s15+$0x3E00]  }
0x22c: {  	v29 =	vld [tilespmem:s15+$0x5E00];
	_ =	sdelay $0x2  }
0x22d: {  	v31 =	vbroadcast v27, $0x8  }
0x22e: {  	v33 =	vbroadcast v26, $0x8  }
0x22f: {  	v54 =	vmul.f32 v31, v18;
	v52 =	vshll.u32 v28, $0x10;
	v53 =	vshll.u32 v29, $0x10  }
0x230: {  	v28 =	vand.u32 $0xFFFF0000, v28;
	v29 =	vand.u32 $0xFFFF0000, v29;
	v30 =	vadd.f32 v53, v52  }
0x231: {  	v55 =	vmul.f32 v31, v17;
	v28 =	vadd.f32 v29, v28  }
0x232: {  	v34 =	vbroadcast v24, $0x8;
	v56 =	vmul.f32 v33, v20;
	v30 =	vadd.f32 v30, v54  }
0x233: {  	v57 =	vmul.f32 v33, v19;
	v28 =	vadd.f32 v28, v55  }
0x234: {  	v58 =	vmul.f32 v34, v23;
	v30 =	vadd.f32 v30, v56  }
0x235: {  	v59 =	vmul.f32 v34, v25;
	v28 =	vadd.f32 v28, v57  }
0x236: {  	v30 =	vadd.f32 v30, v58  }
0x237: {  	v28 =	vadd.f32 v28, v59  }
0x238: {  	v60 =	vmax.f32 v30, $0.0e+00  }
0x239: {  	v28 =	vmax.f32 v28, $0.0e+00;
	[tilespmem:s28+$0x8000] =	vst v60  }
0x23a: {  	[tilespmem:s28+$0x8010] =	vst v28  }
0x23b: {  	v28 =	vld [tilespmem:s15+$0x3E10]  }
0x23c: {  	v29 =	vld [tilespmem:s15+$0x5E10];
	_ =	sdelay $0x4  }
0x23d: {  	v63 =	vmul.f32 v31, v12;
	v61 =	vshll.u32 v28, $0x10;
	v62 =	vshll.u32 v29, $0x10  }
0x23e: {  	v28 =	vand.u32 $0xFFFF0000, v28;
	v29 =	vand.u32 $0xFFFF0000, v29;
	v30 =	vadd.f32 v62, v61  }
0x23f: {  	v36 =	vmul.f32 v31, v11;
	v28 =	vadd.f32 v29, v28  }
0x240: {  	v37 =	vmul.f32 v33, v14;
	v30 =	vadd.f32 v30, v63  }
0x241: {  	v38 =	vmul.f32 v33, v13;
	v28 =	vadd.f32 v28, v36  }
0x242: {  	v39 =	vmul.f32 v34, v21;
	v30 =	vadd.f32 v30, v37  }
0x243: {  	v40 =	vmul.f32 v34, v22;
	v28 =	vadd.f32 v28, v38  }
0x244: {  	v30 =	vadd.f32 v30, v39  }
0x245: {  	v28 =	vadd.f32 v28, v40  }
0x246: {  	v41 =	vmax.f32 v30, $0.0e+00  }
0x247: {  	v28 =	vmax.f32 v28, $0.0e+00;
	[tilespmem:s28+$0x8020] =	vst v41  }
0x248: {  	[tilespmem:s28+$0x8030] =	vst v28  }
0x249: {  	v28 =	vld [tilespmem:s15+$0x3E20]  }
0x24a: {  	v29 =	vld [tilespmem:s15+$0x5E20];
	_ =	sdelay $0x4  }
0x24b: {  	v44 =	vmul.f32 v31, v5;
	v42 =	vshll.u32 v28, $0x10;
	v43 =	vshll.u32 v29, $0x10  }
0x24c: {  	v28 =	vand.u32 $0xFFFF0000, v28;
	v29 =	vand.u32 $0xFFFF0000, v29;
	v30 =	vadd.f32 v43, v42  }
0x24d: {  	v45 =	vmul.f32 v31, v3;
	v28 =	vadd.f32 v29, v28  }
0x24e: {  	v46 =	vmul.f32 v33, v7;
	v30 =	vadd.f32 v30, v44  }
0x24f: {  	v47 =	vmul.f32 v33, v8;
	v28 =	vadd.f32 v28, v45  }
0x250: {  	v48 =	vmul.f32 v34, v15;
	v30 =	vadd.f32 v30, v46  }
0x251: {  	v49 =	vmul.f32 v34, v16;
	v28 =	vadd.f32 v28, v47  }
0x252: {  	v30 =	vadd.f32 v30, v48  }
0x253: {  	v28 =	vadd.f32 v28, v49  }
0x254: {  	v50 =	vmax.f32 v30, $0.0e+00  }
0x255: {  	v28 =	vmax.f32 v28, $0.0e+00;
	[tilespmem:s28+$0x8040] =	vst v50  }
0x256: {  	[tilespmem:s28+$0x8050] =	vst v28  }
0x257: {  	v28 =	vld [tilespmem:s15+$0x3E30]  }
0x258: {  	v29 =	vld [tilespmem:s15+$0x5E30];
	_ =	sdelay $0x4  }
0x259: {  	v53 =	vmul.f32 v31, v2;
	v51 =	vshll.u32 v28, $0x10;
	v52 =	vshll.u32 v29, $0x10  }
0x25a: {  	v28 =	vand.u32 $0xFFFF0000, v28;
	v29 =	vand.u32 $0xFFFF0000, v29;
	v30 =	vadd.f32 v52, v51  }
0x25b: {  	v54 =	vmul.f32 v31, v1;
	v28 =	vadd.f32 v29, v28  }
0x25c: {  	v55 =	vmul.f32 v33, v4;
	v30 =	vadd.f32 v30, v53  }
0x25d: {  	v56 =	vmul.f32 v33, v6;
	v28 =	vadd.f32 v28, v54  }
0x25e: {  	v57 =	vmul.f32 v34, v9;
	v30 =	vadd.f32 v30, v55  }
0x25f: {  	v58 =	vmul.f32 v34, v10;
	v28 =	vadd.f32 v28, v56  }
0x260: {  	v30 =	vadd.f32 v30, v57  }
0x261: {  	v28 =	vadd.f32 v28, v58  }
0x262: {  	v59 =	vmax.f32 v30, $0.0e+00  }
0x263: {  	v28 =	vmax.f32 v28, $0.0e+00;
	[tilespmem:s28+$0x8060] =	vst v59  }
0x264: {  	[tilespmem:s28+$0x8070] =	vst v28  }
0x265: {  	v28 =	vld [tilespmem:s15+$0x3E40]  }
0x266: {  	v29 =	vld [tilespmem:s15+$0x5E40];
	_ =	sdelay $0x2  }
0x267: {  	v31 =	vbroadcast v27, $0x9  }
0x268: {  	v33 =	vbroadcast v26, $0x9  }
0x269: {  	v62 =	vmul.f32 v31, v18;
	v60 =	vshll.u32 v28, $0x10;
	v61 =	vshll.u32 v29, $0x10  }
0x26a: {  	v28 =	vand.u32 $0xFFFF0000, v28;
	v29 =	vand.u32 $0xFFFF0000, v29;
	v30 =	vadd.f32 v61, v60  }
0x26b: {  	v63 =	vmul.f32 v31, v17;
	v28 =	vadd.f32 v29, v28  }
0x26c: {  	v34 =	vbroadcast v24, $0x9;
	v36 =	vmul.f32 v33, v20;
	v30 =	vadd.f32 v30, v62  }
0x26d: {  	v37 =	vmul.f32 v33, v19;
	v28 =	vadd.f32 v28, v63  }
0x26e: {  	v38 =	vmul.f32 v34, v23;
	v30 =	vadd.f32 v30, v36  }
0x26f: {  	v39 =	vmul.f32 v34, v25;
	v28 =	vadd.f32 v28, v37  }
0x270: {  	v30 =	vadd.f32 v30, v38  }
0x271: {  	v28 =	vadd.f32 v28, v39  }
0x272: {  	v40 =	vmax.f32 v30, $0.0e+00  }
0x273: {  	v28 =	vmax.f32 v28, $0.0e+00;
	[tilespmem:s28+$0x8080] =	vst v40  }
0x274: {  	[tilespmem:s28+$0x8090] =	vst v28  }
0x275: {  	v28 =	vld [tilespmem:s15+$0x3E50]  }
0x276: {  	v29 =	vld [tilespmem:s15+$0x5E50];
	_ =	sdelay $0x4  }
0x277: {  	v43 =	vmul.f32 v31, v12;
	v41 =	vshll.u32 v28, $0x10;
	v42 =	vshll.u32 v29, $0x10  }
0x278: {  	v28 =	vand.u32 $0xFFFF0000, v28;
	v29 =	vand.u32 $0xFFFF0000, v29;
	v30 =	vadd.f32 v42, v41  }
0x279: {  	v44 =	vmul.f32 v31, v11;
	v28 =	vadd.f32 v29, v28  }
0x27a: {  	v45 =	vmul.f32 v33, v14;
	v30 =	vadd.f32 v30, v43  }
0x27b: {  	v46 =	vmul.f32 v33, v13;
	v28 =	vadd.f32 v28, v44  }
0x27c: {  	v47 =	vmul.f32 v34, v21;
	v30 =	vadd.f32 v30, v45  }
0x27d: {  	v48 =	vmul.f32 v34, v22;
	v28 =	vadd.f32 v28, v46  }
0x27e: {  	v30 =	vadd.f32 v30, v47  }
0x27f: {  	v28 =	vadd.f32 v28, v48  }
0x280: {  	v49 =	vmax.f32 v30, $0.0e+00  }
0x281: {  	v28 =	vmax.f32 v28, $0.0e+00;
	[tilespmem:s28+$0x80A0] =	vst v49  }
0x282: {  	[tilespmem:s28+$0x80B0] =	vst v28  }
0x283: {  	v28 =	vld [tilespmem:s15+$0x3E60]  }
0x284: {  	v29 =	vld [tilespmem:s15+$0x5E60];
	_ =	sdelay $0x4  }
0x285: {  	v52 =	vmul.f32 v31, v5;
	v50 =	vshll.u32 v28, $0x10;
	v51 =	vshll.u32 v29, $0x10  }
0x286: {  	v28 =	vand.u32 $0xFFFF0000, v28;
	v29 =	vand.u32 $0xFFFF0000, v29;
	v30 =	vadd.f32 v51, v50  }
0x287: {  	v53 =	vmul.f32 v31, v3;
	v28 =	vadd.f32 v29, v28  }
0x288: {  	v54 =	vmul.f32 v33, v7;
	v30 =	vadd.f32 v30, v52  }
0x289: {  	v55 =	vmul.f32 v33, v8;
	v28 =	vadd.f32 v28, v53  }
0x28a: {  	v56 =	vmul.f32 v34, v15;
	v30 =	vadd.f32 v30, v54  }
0x28b: {  	v57 =	vmul.f32 v34, v16;
	v28 =	vadd.f32 v28, v55  }
0x28c: {  	v30 =	vadd.f32 v30, v56  }
0x28d: {  	v28 =	vadd.f32 v28, v57  }
0x28e: {  	v58 =	vmax.f32 v30, $0.0e+00  }
0x28f: {  	v28 =	vmax.f32 v28, $0.0e+00;
	[tilespmem:s28+$0x80C0] =	vst v58  }
0x290: {  	[tilespmem:s28+$0x80D0] =	vst v28  }
0x291: {  	v28 =	vld [tilespmem:s15+$0x3E70]  }
0x292: {  	v29 =	vld [tilespmem:s15+$0x5E70];
	_ =	sdelay $0x4  }
0x293: {  	v61 =	vmul.f32 v31, v2;
	v59 =	vshll.u32 v28, $0x10;
	v60 =	vshll.u32 v29, $0x10  }
0x294: {  	v28 =	vand.u32 $0xFFFF0000, v28;
	v29 =	vand.u32 $0xFFFF0000, v29;
	v30 =	vadd.f32 v60, v59  }
0x295: {  	v62 =	vmul.f32 v31, v1;
	v28 =	vadd.f32 v29, v28  }
0x296: {  	v63 =	vmul.f32 v33, v4;
	v30 =	vadd.f32 v30, v61  }
0x297: {  	v35 =	vmul.f32 v33, v6;
	v28 =	vadd.f32 v28, v62  }
0x298: {  	v36 =	vmul.f32 v34, v9;
	v30 =	vadd.f32 v30, v63  }
0x299: {  	v37 =	vmul.f32 v34, v10;
	v28 =	vadd.f32 v28, v35  }
0x29a: {  	v30 =	vadd.f32 v30, v36  }
0x29b: {  	v28 =	vadd.f32 v28, v37  }
0x29c: {  	v38 =	vmax.f32 v30, $0.0e+00  }
0x29d: {  	v28 =	vmax.f32 v28, $0.0e+00;
	[tilespmem:s28+$0x80E0] =	vst v38  }
0x29e: {  	[tilespmem:s28+$0x80F0] =	vst v28  }
0x29f: {  	v28 =	vld [tilespmem:s15+$0x3E80]  }
0x2a0: {  	v29 =	vld [tilespmem:s15+$0x5E80];
	_ =	sdelay $0x2  }
0x2a1: {  	v31 =	vbroadcast v27, $0xA  }
0x2a2: {  	v33 =	vbroadcast v26, $0xA  }
0x2a3: {  	v41 =	vmul.f32 v31, v18;
	v39 =	vshll.u32 v28, $0x10;
	v40 =	vshll.u32 v29, $0x10  }
0x2a4: {  	v28 =	vand.u32 $0xFFFF0000, v28;
	v29 =	vand.u32 $0xFFFF0000, v29;
	v30 =	vadd.f32 v40, v39  }
0x2a5: {  	v42 =	vmul.f32 v31, v17;
	v28 =	vadd.f32 v29, v28  }
0x2a6: {  	v34 =	vbroadcast v24, $0xA;
	v43 =	vmul.f32 v33, v20;
	v30 =	vadd.f32 v30, v41  }
0x2a7: {  	v44 =	vmul.f32 v33, v19;
	v28 =	vadd.f32 v28, v42  }
0x2a8: {  	v45 =	vmul.f32 v34, v23;
	v30 =	vadd.f32 v30, v43  }
0x2a9: {  	v46 =	vmul.f32 v34, v25;
	v28 =	vadd.f32 v28, v44  }
0x2aa: {  	v30 =	vadd.f32 v30, v45  }
0x2ab: {  	v28 =	vadd.f32 v28, v46  }
0x2ac: {  	v47 =	vmax.f32 v30, $0.0e+00  }
0x2ad: {  	v28 =	vmax.f32 v28, $0.0e+00;
	[tilespmem:s28+$0x8100] =	vst v47  }
0x2ae: {  	[tilespmem:s28+$0x8110] =	vst v28  }
0x2af: {  	v28 =	vld [tilespmem:s15+$0x3E90]  }
0x2b0: {  	v29 =	vld [tilespmem:s15+$0x5E90];
	_ =	sdelay $0x4  }
0x2b1: {  	v50 =	vmul.f32 v31, v12;
	v48 =	vshll.u32 v28, $0x10;
	v49 =	vshll.u32 v29, $0x10  }
0x2b2: {  	v28 =	vand.u32 $0xFFFF0000, v28;
	v29 =	vand.u32 $0xFFFF0000, v29;
	v30 =	vadd.f32 v49, v48  }
0x2b3: {  	v51 =	vmul.f32 v31, v11;
	v28 =	vadd.f32 v29, v28  }
0x2b4: {  	v52 =	vmul.f32 v33, v14;
	v30 =	vadd.f32 v30, v50  }
0x2b5: {  	v53 =	vmul.f32 v33, v13;
	v28 =	vadd.f32 v28, v51  }
0x2b6: {  	v54 =	vmul.f32 v34, v21;
	v30 =	vadd.f32 v30, v52  }
0x2b7: {  	v55 =	vmul.f32 v34, v22;
	v28 =	vadd.f32 v28, v53  }
0x2b8: {  	v30 =	vadd.f32 v30, v54  }
0x2b9: {  	v28 =	vadd.f32 v28, v55  }
0x2ba: {  	v56 =	vmax.f32 v30, $0.0e+00  }
0x2bb: {  	v28 =	vmax.f32 v28, $0.0e+00;
	[tilespmem:s28+$0x8120] =	vst v56  }
0x2bc: {  	[tilespmem:s28+$0x8130] =	vst v28  }
0x2bd: {  	v28 =	vld [tilespmem:s15+$0x3EA0]  }
0x2be: {  	v29 =	vld [tilespmem:s15+$0x5EA0];
	_ =	sdelay $0x4  }
0x2bf: {  	v59 =	vmul.f32 v31, v5;
	v57 =	vshll.u32 v28, $0x10;
	v58 =	vshll.u32 v29, $0x10  }
0x2c0: {  	v28 =	vand.u32 $0xFFFF0000, v28;
	v29 =	vand.u32 $0xFFFF0000, v29;
	v30 =	vadd.f32 v58, v57  }
0x2c1: {  	v60 =	vmul.f32 v31, v3;
	v28 =	vadd.f32 v29, v28  }
0x2c2: {  	v61 =	vmul.f32 v33, v7;
	v30 =	vadd.f32 v30, v59  }
0x2c3: {  	v62 =	vmul.f32 v33, v8;
	v28 =	vadd.f32 v28, v60  }
0x2c4: {  	v63 =	vmul.f32 v34, v15;
	v30 =	vadd.f32 v30, v61  }
0x2c5: {  	v36 =	vmul.f32 v34, v16;
	v28 =	vadd.f32 v28, v62  }
0x2c6: {  	v30 =	vadd.f32 v30, v63  }
0x2c7: {  	v28 =	vadd.f32 v28, v36  }
0x2c8: {  	v37 =	vmax.f32 v30, $0.0e+00  }
0x2c9: {  	v28 =	vmax.f32 v28, $0.0e+00;
	[tilespmem:s28+$0x8140] =	vst v37  }
0x2ca: {  	[tilespmem:s28+$0x8150] =	vst v28  }
0x2cb: {  	v28 =	vld [tilespmem:s15+$0x3EB0]  }
0x2cc: {  	v29 =	vld [tilespmem:s15+$0x5EB0];
	_ =	sdelay $0x4  }
0x2cd: {  	v40 =	vmul.f32 v31, v2;
	v38 =	vshll.u32 v28, $0x10;
	v39 =	vshll.u32 v29, $0x10  }
0x2ce: {  	v28 =	vand.u32 $0xFFFF0000, v28;
	v29 =	vand.u32 $0xFFFF0000, v29;
	v30 =	vadd.f32 v39, v38  }
0x2cf: {  	v41 =	vmul.f32 v31, v1;
	v28 =	vadd.f32 v29, v28  }
0x2d0: {  	v42 =	vmul.f32 v33, v4;
	v30 =	vadd.f32 v30, v40  }
0x2d1: {  	v43 =	vmul.f32 v33, v6;
	v28 =	vadd.f32 v28, v41  }
0x2d2: {  	v44 =	vmul.f32 v34, v9;
	v30 =	vadd.f32 v30, v42  }
0x2d3: {  	v45 =	vmul.f32 v34, v10;
	v28 =	vadd.f32 v28, v43  }
0x2d4: {  	v30 =	vadd.f32 v30, v44  }
0x2d5: {  	v28 =	vadd.f32 v28, v45  }
0x2d6: {  	v46 =	vmax.f32 v30, $0.0e+00  }
0x2d7: {  	v28 =	vmax.f32 v28, $0.0e+00;
	[tilespmem:s28+$0x8160] =	vst v46  }
0x2d8: {  	[tilespmem:s28+$0x8170] =	vst v28  }
0x2d9: {  	v28 =	vld [tilespmem:s15+$0x3EC0]  }
0x2da: {  	v29 =	vld [tilespmem:s15+$0x5EC0];
	_ =	sdelay $0x2  }
0x2db: {  	v31 =	vbroadcast v27, $0xB  }
0x2dc: {  	v33 =	vbroadcast v26, $0xB  }
0x2dd: {  	v49 =	vmul.f32 v31, v18;
	v47 =	vshll.u32 v28, $0x10;
	v48 =	vshll.u32 v29, $0x10  }
0x2de: {  	v28 =	vand.u32 $0xFFFF0000, v28;
	v29 =	vand.u32 $0xFFFF0000, v29;
	v30 =	vadd.f32 v48, v47  }
0x2df: {  	v50 =	vmul.f32 v31, v17;
	v28 =	vadd.f32 v29, v28  }
0x2e0: {  	v34 =	vbroadcast v24, $0xB;
	v51 =	vmul.f32 v33, v20;
	v30 =	vadd.f32 v30, v49  }
0x2e1: {  	v52 =	vmul.f32 v33, v19;
	v28 =	vadd.f32 v28, v50  }
0x2e2: {  	v53 =	vmul.f32 v34, v23;
	v30 =	vadd.f32 v30, v51  }
0x2e3: {  	v54 =	vmul.f32 v34, v25;
	v28 =	vadd.f32 v28, v52  }
0x2e4: {  	v30 =	vadd.f32 v30, v53  }
0x2e5: {  	v28 =	vadd.f32 v28, v54  }
0x2e6: {  	v55 =	vmax.f32 v30, $0.0e+00  }
0x2e7: {  	v28 =	vmax.f32 v28, $0.0e+00;
	[tilespmem:s28+$0x8180] =	vst v55  }
0x2e8: {  	[tilespmem:s28+$0x8190] =	vst v28  }
0x2e9: {  	v28 =	vld [tilespmem:s15+$0x3ED0]  }
0x2ea: {  	v29 =	vld [tilespmem:s15+$0x5ED0];
	_ =	sdelay $0x4  }
0x2eb: {  	v58 =	vmul.f32 v31, v12;
	v56 =	vshll.u32 v28, $0x10;
	v57 =	vshll.u32 v29, $0x10  }
0x2ec: {  	v28 =	vand.u32 $0xFFFF0000, v28;
	v29 =	vand.u32 $0xFFFF0000, v29;
	v30 =	vadd.f32 v57, v56  }
0x2ed: {  	v59 =	vmul.f32 v31, v11;
	v28 =	vadd.f32 v29, v28  }
0x2ee: {  	v60 =	vmul.f32 v33, v14;
	v30 =	vadd.f32 v30, v58  }
0x2ef: {  	v61 =	vmul.f32 v33, v13;
	v28 =	vadd.f32 v28, v59  }
0x2f0: {  	v62 =	vmul.f32 v34, v21;
	v30 =	vadd.f32 v30, v60  }
0x2f1: {  	v63 =	vmul.f32 v34, v22;
	v28 =	vadd.f32 v28, v61  }
0x2f2: {  	v30 =	vadd.f32 v30, v62  }
0x2f3: {  	v28 =	vadd.f32 v28, v63  }
0x2f4: {  	v35 =	vmax.f32 v30, $0.0e+00  }
0x2f5: {  	v28 =	vmax.f32 v28, $0.0e+00;
	[tilespmem:s28+$0x81A0] =	vst v35  }
0x2f6: {  	[tilespmem:s28+$0x81B0] =	vst v28  }
0x2f7: {  	v28 =	vld [tilespmem:s15+$0x3EE0]  }
0x2f8: {  	v29 =	vld [tilespmem:s15+$0x5EE0];
	_ =	sdelay $0x4  }
0x2f9: {  	v38 =	vmul.f32 v31, v5;
	v36 =	vshll.u32 v28, $0x10;
	v37 =	vshll.u32 v29, $0x10  }
0x2fa: {  	v28 =	vand.u32 $0xFFFF0000, v28;
	v29 =	vand.u32 $0xFFFF0000, v29;
	v30 =	vadd.f32 v37, v36  }
0x2fb: {  	v39 =	vmul.f32 v31, v3;
	v28 =	vadd.f32 v29, v28  }
0x2fc: {  	v40 =	vmul.f32 v33, v7;
	v30 =	vadd.f32 v30, v38  }
0x2fd: {  	v41 =	vmul.f32 v33, v8;
	v28 =	vadd.f32 v28, v39  }
0x2fe: {  	v42 =	vmul.f32 v34, v15;
	v30 =	vadd.f32 v30, v40  }
0x2ff: {  	v43 =	vmul.f32 v34, v16;
	v28 =	vadd.f32 v28, v41  }
0x300: {  	v30 =	vadd.f32 v30, v42  }
0x301: {  	v28 =	vadd.f32 v28, v43  }
0x302: {  	v44 =	vmax.f32 v30, $0.0e+00  }
0x303: {  	v28 =	vmax.f32 v28, $0.0e+00;
	[tilespmem:s28+$0x81C0] =	vst v44  }
0x304: {  	[tilespmem:s28+$0x81D0] =	vst v28  }
0x305: {  	v28 =	vld [tilespmem:s15+$0x3EF0]  }
0x306: {  	v29 =	vld [tilespmem:s15+$0x5EF0];
	_ =	sdelay $0x4  }
0x307: {  	v47 =	vmul.f32 v31, v2;
	v45 =	vshll.u32 v28, $0x10;
	v46 =	vshll.u32 v29, $0x10  }
0x308: {  	v28 =	vand.u32 $0xFFFF0000, v28;
	v29 =	vand.u32 $0xFFFF0000, v29;
	v30 =	vadd.f32 v46, v45  }
0x309: {  	v48 =	vmul.f32 v31, v1;
	v28 =	vadd.f32 v29, v28  }
0x30a: {  	v49 =	vmul.f32 v33, v4;
	v30 =	vadd.f32 v30, v47  }
0x30b: {  	v50 =	vmul.f32 v33, v6;
	v28 =	vadd.f32 v28, v48  }
0x30c: {  	v51 =	vmul.f32 v34, v9;
	v30 =	vadd.f32 v30, v49  }
0x30d: {  	v52 =	vmul.f32 v34, v10;
	v28 =	vadd.f32 v28, v50  }
0x30e: {  	v30 =	vadd.f32 v30, v51  }
0x30f: {  	v28 =	vadd.f32 v28, v52  }
0x310: {  	v53 =	vmax.f32 v30, $0.0e+00  }
0x311: {  	v28 =	vmax.f32 v28, $0.0e+00;
	[tilespmem:s28+$0x81E0] =	vst v53  }
0x312: {  	[tilespmem:s28+$0x81F0] =	vst v28  }
0x313: {  	v28 =	vld [tilespmem:s15+$0x3F00]  }
0x314: {  	v29 =	vld [tilespmem:s15+$0x5F00];
	_ =	sdelay $0x2  }
0x315: {  	v31 =	vbroadcast v27, $0xC  }
0x316: {  	v33 =	vbroadcast v26, $0xC  }
0x317: {  	v56 =	vmul.f32 v31, v18;
	v54 =	vshll.u32 v28, $0x10;
	v55 =	vshll.u32 v29, $0x10  }
0x318: {  	v28 =	vand.u32 $0xFFFF0000, v28;
	v29 =	vand.u32 $0xFFFF0000, v29;
	v30 =	vadd.f32 v55, v54  }
0x319: {  	v57 =	vmul.f32 v31, v17;
	v28 =	vadd.f32 v29, v28  }
0x31a: {  	v34 =	vbroadcast v24, $0xC;
	v58 =	vmul.f32 v33, v20;
	v30 =	vadd.f32 v30, v56  }
0x31b: {  	v59 =	vmul.f32 v33, v19;
	v28 =	vadd.f32 v28, v57  }
0x31c: {  	v60 =	vmul.f32 v34, v23;
	v30 =	vadd.f32 v30, v58  }
0x31d: {  	v61 =	vmul.f32 v34, v25;
	v28 =	vadd.f32 v28, v59  }
0x31e: {  	v30 =	vadd.f32 v30, v60  }
0x31f: {  	v28 =	vadd.f32 v28, v61  }
0x320: {  	v62 =	vmax.f32 v30, $0.0e+00  }
0x321: {  	v28 =	vmax.f32 v28, $0.0e+00;
	[tilespmem:s28+$0x8200] =	vst v62  }
0x322: {  	[tilespmem:s28+$0x8210] =	vst v28  }
0x323: {  	v28 =	vld [tilespmem:s15+$0x3F10]  }
0x324: {  	v29 =	vld [tilespmem:s15+$0x5F10];
	_ =	sdelay $0x4  }
0x325: {  	v37 =	vmul.f32 v31, v12;
	v63 =	vshll.u32 v28, $0x10;
	v36 =	vshll.u32 v29, $0x10  }
0x326: {  	v28 =	vand.u32 $0xFFFF0000, v28;
	v29 =	vand.u32 $0xFFFF0000, v29;
	v30 =	vadd.f32 v36, v63  }
0x327: {  	v38 =	vmul.f32 v31, v11;
	v28 =	vadd.f32 v29, v28  }
0x328: {  	v39 =	vmul.f32 v33, v14;
	v30 =	vadd.f32 v30, v37  }
0x329: {  	v40 =	vmul.f32 v33, v13;
	v28 =	vadd.f32 v28, v38  }
0x32a: {  	v41 =	vmul.f32 v34, v21;
	v30 =	vadd.f32 v30, v39  }
0x32b: {  	v42 =	vmul.f32 v34, v22;
	v28 =	vadd.f32 v28, v40  }
0x32c: {  	v30 =	vadd.f32 v30, v41  }
0x32d: {  	v28 =	vadd.f32 v28, v42  }
0x32e: {  	v43 =	vmax.f32 v30, $0.0e+00  }
0x32f: {  	v28 =	vmax.f32 v28, $0.0e+00;
	[tilespmem:s28+$0x8220] =	vst v43  }
0x330: {  	[tilespmem:s28+$0x8230] =	vst v28  }
0x331: {  	v28 =	vld [tilespmem:s15+$0x3F20]  }
0x332: {  	v29 =	vld [tilespmem:s15+$0x5F20];
	_ =	sdelay $0x4  }
0x333: {  	v46 =	vmul.f32 v31, v5;
	v44 =	vshll.u32 v28, $0x10;
	v45 =	vshll.u32 v29, $0x10  }
0x334: {  	v28 =	vand.u32 $0xFFFF0000, v28;
	v29 =	vand.u32 $0xFFFF0000, v29;
	v30 =	vadd.f32 v45, v44  }
0x335: {  	v47 =	vmul.f32 v31, v3;
	v28 =	vadd.f32 v29, v28  }
0x336: {  	v48 =	vmul.f32 v33, v7;
	v30 =	vadd.f32 v30, v46  }
0x337: {  	v49 =	vmul.f32 v33, v8;
	v28 =	vadd.f32 v28, v47  }
0x338: {  	v50 =	vmul.f32 v34, v15;
	v30 =	vadd.f32 v30, v48  }
0x339: {  	v51 =	vmul.f32 v34, v16;
	v28 =	vadd.f32 v28, v49  }
0x33a: {  	v30 =	vadd.f32 v30, v50  }
0x33b: {  	v28 =	vadd.f32 v28, v51  }
0x33c: {  	v52 =	vmax.f32 v30, $0.0e+00  }
0x33d: {  	v28 =	vmax.f32 v28, $0.0e+00;
	[tilespmem:s28+$0x8240] =	vst v52  }
0x33e: {  	[tilespmem:s28+$0x8250] =	vst v28  }
0x33f: {  	v28 =	vld [tilespmem:s15+$0x3F30]  }
0x340: {  	v29 =	vld [tilespmem:s15+$0x5F30];
	_ =	sdelay $0x4  }
0x341: {  	v55 =	vmul.f32 v31, v2;
	v53 =	vshll.u32 v28, $0x10;
	v54 =	vshll.u32 v29, $0x10  }
0x342: {  	v28 =	vand.u32 $0xFFFF0000, v28;
	v29 =	vand.u32 $0xFFFF0000, v29;
	v30 =	vadd.f32 v54, v53  }
0x343: {  	v56 =	vmul.f32 v31, v1;
	v28 =	vadd.f32 v29, v28  }
0x344: {  	v57 =	vmul.f32 v33, v4;
	v30 =	vadd.f32 v30, v55  }
0x345: {  	v58 =	vmul.f32 v33, v6;
	v28 =	vadd.f32 v28, v56  }
0x346: {  	v59 =	vmul.f32 v34, v9;
	v30 =	vadd.f32 v30, v57  }
0x347: {  	v60 =	vmul.f32 v34, v10;
	v28 =	vadd.f32 v28, v58  }
0x348: {  	v30 =	vadd.f32 v30, v59  }
0x349: {  	v28 =	vadd.f32 v28, v60  }
0x34a: {  	v61 =	vmax.f32 v30, $0.0e+00  }
0x34b: {  	v28 =	vmax.f32 v28, $0.0e+00;
	[tilespmem:s28+$0x8260] =	vst v61  }
0x34c: {  	[tilespmem:s28+$0x8270] =	vst v28  }
0x34d: {  	v28 =	vld [tilespmem:s15+$0x3F40]  }
0x34e: {  	v29 =	vld [tilespmem:s15+$0x5F40];
	_ =	sdelay $0x2  }
0x34f: {  	v31 =	vbroadcast v27, $0xD  }
0x350: {  	v33 =	vbroadcast v26, $0xD  }
0x351: {  	v36 =	vmul.f32 v31, v18;
	v62 =	vshll.u32 v28, $0x10;
	v63 =	vshll.u32 v29, $0x10  }
0x352: {  	v28 =	vand.u32 $0xFFFF0000, v28;
	v29 =	vand.u32 $0xFFFF0000, v29;
	v30 =	vadd.f32 v63, v62  }
0x353: {  	v37 =	vmul.f32 v31, v17;
	v28 =	vadd.f32 v29, v28  }
0x354: {  	v34 =	vbroadcast v24, $0xD;
	v38 =	vmul.f32 v33, v20;
	v30 =	vadd.f32 v30, v36  }
0x355: {  	v39 =	vmul.f32 v33, v19;
	v28 =	vadd.f32 v28, v37  }
0x356: {  	v40 =	vmul.f32 v34, v23;
	v30 =	vadd.f32 v30, v38  }
0x357: {  	v41 =	vmul.f32 v34, v25;
	v28 =	vadd.f32 v28, v39  }
0x358: {  	v30 =	vadd.f32 v30, v40  }
0x359: {  	v28 =	vadd.f32 v28, v41  }
0x35a: {  	v42 =	vmax.f32 v30, $0.0e+00  }
0x35b: {  	v28 =	vmax.f32 v28, $0.0e+00;
	[tilespmem:s28+$0x8280] =	vst v42  }
0x35c: {  	[tilespmem:s28+$0x8290] =	vst v28  }
0x35d: {  	v28 =	vld [tilespmem:s15+$0x3F50]  }
0x35e: {  	v29 =	vld [tilespmem:s15+$0x5F50];
	_ =	sdelay $0x4  }
0x35f: {  	v45 =	vmul.f32 v31, v12;
	v43 =	vshll.u32 v28, $0x10;
	v44 =	vshll.u32 v29, $0x10  }
0x360: {  	v28 =	vand.u32 $0xFFFF0000, v28;
	v29 =	vand.u32 $0xFFFF0000, v29;
	v30 =	vadd.f32 v44, v43  }
0x361: {  	v46 =	vmul.f32 v31, v11;
	v28 =	vadd.f32 v29, v28  }
0x362: {  	v47 =	vmul.f32 v33, v14;
	v30 =	vadd.f32 v30, v45  }
0x363: {  	v48 =	vmul.f32 v33, v13;
	v28 =	vadd.f32 v28, v46  }
0x364: {  	v49 =	vmul.f32 v34, v21;
	v30 =	vadd.f32 v30, v47  }
0x365: {  	v50 =	vmul.f32 v34, v22;
	v28 =	vadd.f32 v28, v48  }
0x366: {  	v30 =	vadd.f32 v30, v49  }
0x367: {  	v28 =	vadd.f32 v28, v50  }
0x368: {  	v51 =	vmax.f32 v30, $0.0e+00  }
0x369: {  	v28 =	vmax.f32 v28, $0.0e+00;
	[tilespmem:s28+$0x82A0] =	vst v51  }
0x36a: {  	[tilespmem:s28+$0x82B0] =	vst v28  }
0x36b: {  	v28 =	vld [tilespmem:s15+$0x3F60]  }
0x36c: {  	v29 =	vld [tilespmem:s15+$0x5F60];
	_ =	sdelay $0x4  }
0x36d: {  	v54 =	vmul.f32 v31, v5;
	v52 =	vshll.u32 v28, $0x10;
	v53 =	vshll.u32 v29, $0x10  }
0x36e: {  	v28 =	vand.u32 $0xFFFF0000, v28;
	v29 =	vand.u32 $0xFFFF0000, v29;
	v30 =	vadd.f32 v53, v52  }
0x36f: {  	v55 =	vmul.f32 v31, v3;
	v28 =	vadd.f32 v29, v28  }
0x370: {  	v56 =	vmul.f32 v33, v7;
	v30 =	vadd.f32 v30, v54  }
0x371: {  	v57 =	vmul.f32 v33, v8;
	v28 =	vadd.f32 v28, v55  }
0x372: {  	v58 =	vmul.f32 v34, v15;
	v30 =	vadd.f32 v30, v56  }
0x373: {  	v59 =	vmul.f32 v34, v16;
	v28 =	vadd.f32 v28, v57  }
0x374: {  	v30 =	vadd.f32 v30, v58  }
0x375: {  	v28 =	vadd.f32 v28, v59  }
0x376: {  	v60 =	vmax.f32 v30, $0.0e+00  }
0x377: {  	v28 =	vmax.f32 v28, $0.0e+00;
	[tilespmem:s28+$0x82C0] =	vst v60  }
0x378: {  	[tilespmem:s28+$0x82D0] =	vst v28  }
0x379: {  	v28 =	vld [tilespmem:s15+$0x3F70]  }
0x37a: {  	v29 =	vld [tilespmem:s15+$0x5F70];
	_ =	sdelay $0x4  }
0x37b: {  	v63 =	vmul.f32 v31, v2;
	v61 =	vshll.u32 v28, $0x10;
	v62 =	vshll.u32 v29, $0x10  }
0x37c: {  	v28 =	vand.u32 $0xFFFF0000, v28;
	v29 =	vand.u32 $0xFFFF0000, v29;
	v30 =	vadd.f32 v62, v61  }
0x37d: {  	v35 =	vmul.f32 v31, v1;
	v28 =	vadd.f32 v29, v28  }
0x37e: {  	v36 =	vmul.f32 v33, v4;
	v30 =	vadd.f32 v30, v63  }
0x37f: {  	v37 =	vmul.f32 v33, v6;
	v28 =	vadd.f32 v28, v35  }
0x380: {  	v38 =	vmul.f32 v34, v9;
	v30 =	vadd.f32 v30, v36  }
0x381: {  	v39 =	vmul.f32 v34, v10;
	v28 =	vadd.f32 v28, v37  }
0x382: {  	v30 =	vadd.f32 v30, v38  }
0x383: {  	v28 =	vadd.f32 v28, v39  }
0x384: {  	v40 =	vmax.f32 v30, $0.0e+00  }
0x385: {  	v28 =	vmax.f32 v28, $0.0e+00;
	[tilespmem:s28+$0x82E0] =	vst v40  }
0x386: {  	[tilespmem:s28+$0x82F0] =	vst v28  }
0x387: {  	v28 =	vld [tilespmem:s15+$0x3F80]  }
0x388: {  	v29 =	vld [tilespmem:s15+$0x5F80];
	_ =	sdelay $0x2  }
0x389: {  	v31 =	vbroadcast v27, $0xE  }
0x38a: {  	v33 =	vbroadcast v26, $0xE  }
0x38b: {  	v43 =	vmul.f32 v31, v18;
	v41 =	vshll.u32 v28, $0x10;
	v42 =	vshll.u32 v29, $0x10  }
0x38c: {  	v28 =	vand.u32 $0xFFFF0000, v28;
	v29 =	vand.u32 $0xFFFF0000, v29;
	v30 =	vadd.f32 v42, v41  }
0x38d: {  	v44 =	vmul.f32 v31, v17;
	v28 =	vadd.f32 v29, v28  }
0x38e: {  	v34 =	vbroadcast v24, $0xE;
	v45 =	vmul.f32 v33, v20;
	v30 =	vadd.f32 v30, v43  }
0x38f: {  	v46 =	vmul.f32 v33, v19;
	v28 =	vadd.f32 v28, v44  }
0x390: {  	v47 =	vmul.f32 v34, v23;
	v30 =	vadd.f32 v30, v45  }
0x391: {  	v48 =	vmul.f32 v34, v25;
	v28 =	vadd.f32 v28, v46  }
0x392: {  	v30 =	vadd.f32 v30, v47  }
0x393: {  	v28 =	vadd.f32 v28, v48  }
0x394: {  	v49 =	vmax.f32 v30, $0.0e+00  }
0x395: {  	v28 =	vmax.f32 v28, $0.0e+00;
	[tilespmem:s28+$0x8300] =	vst v49  }
0x396: {  	[tilespmem:s28+$0x8310] =	vst v28  }
0x397: {  	v28 =	vld [tilespmem:s15+$0x3F90]  }
0x398: {  	v29 =	vld [tilespmem:s15+$0x5F90];
	_ =	sdelay $0x4  }
0x399: {  	v52 =	vmul.f32 v31, v12;
	v50 =	vshll.u32 v28, $0x10;
	v51 =	vshll.u32 v29, $0x10  }
0x39a: {  	v28 =	vand.u32 $0xFFFF0000, v28;
	v29 =	vand.u32 $0xFFFF0000, v29;
	v30 =	vadd.f32 v51, v50  }
0x39b: {  	v53 =	vmul.f32 v31, v11;
	v28 =	vadd.f32 v29, v28  }
0x39c: {  	v54 =	vmul.f32 v33, v14;
	v30 =	vadd.f32 v30, v52  }
0x39d: {  	v55 =	vmul.f32 v33, v13;
	v28 =	vadd.f32 v28, v53  }
0x39e: {  	v56 =	vmul.f32 v34, v21;
	v30 =	vadd.f32 v30, v54  }
0x39f: {  	v57 =	vmul.f32 v34, v22;
	v28 =	vadd.f32 v28, v55  }
0x3a0: {  	v30 =	vadd.f32 v30, v56  }
0x3a1: {  	v28 =	vadd.f32 v28, v57  }
0x3a2: {  	v58 =	vmax.f32 v30, $0.0e+00  }
0x3a3: {  	v28 =	vmax.f32 v28, $0.0e+00;
	[tilespmem:s28+$0x8320] =	vst v58  }
0x3a4: {  	[tilespmem:s28+$0x8330] =	vst v28  }
0x3a5: {  	v28 =	vld [tilespmem:s15+$0x3FA0]  }
0x3a6: {  	v29 =	vld [tilespmem:s15+$0x5FA0];
	_ =	sdelay $0x4  }
0x3a7: {  	v61 =	vmul.f32 v31, v5;
	v59 =	vshll.u32 v28, $0x10;
	v60 =	vshll.u32 v29, $0x10  }
0x3a8: {  	v28 =	vand.u32 $0xFFFF0000, v28;
	v29 =	vand.u32 $0xFFFF0000, v29;
	v30 =	vadd.f32 v60, v59  }
0x3a9: {  	v62 =	vmul.f32 v31, v3;
	v28 =	vadd.f32 v29, v28  }
0x3aa: {  	v63 =	vmul.f32 v33, v7;
	v30 =	vadd.f32 v30, v61  }
0x3ab: {  	v36 =	vmul.f32 v33, v8;
	v28 =	vadd.f32 v28, v62  }
0x3ac: {  	v37 =	vmul.f32 v34, v15;
	v30 =	vadd.f32 v30, v63  }
0x3ad: {  	v38 =	vmul.f32 v34, v16;
	v28 =	vadd.f32 v28, v36  }
0x3ae: {  	v30 =	vadd.f32 v30, v37  }
0x3af: {  	v28 =	vadd.f32 v28, v38  }
0x3b0: {  	v39 =	vmax.f32 v30, $0.0e+00  }
0x3b1: {  	v28 =	vmax.f32 v28, $0.0e+00;
	[tilespmem:s28+$0x8340] =	vst v39  }
0x3b2: {  	[tilespmem:s28+$0x8350] =	vst v28  }
0x3b3: {  	v28 =	vld [tilespmem:s15+$0x3FB0]  }
0x3b4: {  	v29 =	vld [tilespmem:s15+$0x5FB0];
	_ =	sdelay $0x4  }
0x3b5: {  	v42 =	vmul.f32 v31, v2;
	v40 =	vshll.u32 v28, $0x10;
	v41 =	vshll.u32 v29, $0x10  }
0x3b6: {  	v28 =	vand.u32 $0xFFFF0000, v28;
	v29 =	vand.u32 $0xFFFF0000, v29;
	v30 =	vadd.f32 v41, v40  }
0x3b7: {  	v43 =	vmul.f32 v31, v1;
	v28 =	vadd.f32 v29, v28  }
0x3b8: {  	v44 =	vmul.f32 v33, v4;
	v30 =	vadd.f32 v30, v42  }
0x3b9: {  	v45 =	vmul.f32 v33, v6;
	v28 =	vadd.f32 v28, v43  }
0x3ba: {  	v46 =	vmul.f32 v34, v9;
	v30 =	vadd.f32 v30, v44  }
0x3bb: {  	v47 =	vmul.f32 v34, v10;
	v28 =	vadd.f32 v28, v45  }
0x3bc: {  	v30 =	vadd.f32 v30, v46  }
0x3bd: {  	v28 =	vadd.f32 v28, v47  }
0x3be: {  	v48 =	vmax.f32 v30, $0.0e+00  }
0x3bf: {  	v28 =	vmax.f32 v28, $0.0e+00;
	[tilespmem:s28+$0x8360] =	vst v48  }
0x3c0: {  	[tilespmem:s28+$0x8370] =	vst v28  }
0x3c1: {  	v28 =	vld [tilespmem:s15+$0x3FC0]  }
0x3c2: {  	v29 =	vld [tilespmem:s15+$0x5FC0];
	_ =	sdelay $0x2  }
0x3c3: {  	v27 =	vbroadcast v27, $0xF  }
0x3c4: {  	v26 =	vbroadcast v26, $0xF  }
0x3c5: {  	v18 =	vmul.f32 v27, v18;
	v49 =	vshll.u32 v28, $0x10;
	v50 =	vshll.u32 v29, $0x10  }
0x3c6: {  	v28 =	vand.u32 $0xFFFF0000, v28;
	v29 =	vand.u32 $0xFFFF0000, v29;
	v30 =	vadd.f32 v50, v49  }
0x3c7: {  	v17 =	vmul.f32 v27, v17;
	v28 =	vadd.f32 v29, v28  }
0x3c8: {  	v24 =	vbroadcast v24, $0xF;
	v20 =	vmul.f32 v26, v20;
	v18 =	vadd.f32 v30, v18  }
0x3c9: {  	v19 =	vmul.f32 v26, v19;
	v17 =	vadd.f32 v28, v17  }
0x3ca: {  	v51 =	vmul.f32 v24, v23;
	v18 =	vadd.f32 v18, v20  }
0x3cb: {  	v52 =	vmul.f32 v24, v25;
	v17 =	vadd.f32 v17, v19  }
0x3cc: {  	v18 =	vadd.f32 v18, v51  }
0x3cd: {  	v17 =	vadd.f32 v17, v52  }
0x3ce: {  	v18 =	vmax.f32 v18, $0.0e+00  }
0x3cf: {  	v17 =	vmax.f32 v17, $0.0e+00;
	[tilespmem:s28+$0x8380] =	vst v18  }
0x3d0: {  	[tilespmem:s28+$0x8390] =	vst v17  }
0x3d1: {  	v17 =	vld [tilespmem:s15+$0x3FD0]  }
0x3d2: {  	v18 =	vld [tilespmem:s15+$0x5FD0];
	_ =	sdelay $0x4  }
0x3d3: {  	v12 =	vmul.f32 v27, v12;
	v53 =	vshll.u32 v17, $0x10;
	v54 =	vshll.u32 v18, $0x10  }
0x3d4: {  	v17 =	vand.u32 $0xFFFF0000, v17;
	v18 =	vand.u32 $0xFFFF0000, v18;
	v19 =	vadd.f32 v54, v53  }
0x3d5: {  	v11 =	vmul.f32 v27, v11;
	v17 =	vadd.f32 v18, v17  }
0x3d6: {  	v14 =	vmul.f32 v26, v14;
	v12 =	vadd.f32 v19, v12  }
0x3d7: {  	v13 =	vmul.f32 v26, v13;
	v11 =	vadd.f32 v17, v11  }
0x3d8: {  	v55 =	vmul.f32 v24, v21;
	v12 =	vadd.f32 v12, v14  }
0x3d9: {  	v56 =	vmul.f32 v24, v22;
	v11 =	vadd.f32 v11, v13  }
0x3da: {  	v12 =	vadd.f32 v12, v55  }
0x3db: {  	v11 =	vadd.f32 v11, v56  }
0x3dc: {  	v12 =	vmax.f32 v12, $0.0e+00  }
0x3dd: {  	v11 =	vmax.f32 v11, $0.0e+00;
	[tilespmem:s28+$0x83A0] =	vst v12  }
0x3de: {  	[tilespmem:s28+$0x83B0] =	vst v11  }
0x3df: {  	v11 =	vld [tilespmem:s15+$0x3FE0]  }
0x3e0: {  	v12 =	vld [tilespmem:s15+$0x5FE0];
	_ =	sdelay $0x4  }
0x3e1: {  	v5 =	vmul.f32 v27, v5;
	v57 =	vshll.u32 v11, $0x10;
	v58 =	vshll.u32 v12, $0x10  }
0x3e2: {  	v11 =	vand.u32 $0xFFFF0000, v11;
	v12 =	vand.u32 $0xFFFF0000, v12;
	v13 =	vadd.f32 v58, v57  }
0x3e3: {  	v3 =	vmul.f32 v27, v3;
	v11 =	vadd.f32 v12, v11  }
0x3e4: {  	v7 =	vmul.f32 v26, v7;
	v5 =	vadd.f32 v13, v5  }
0x3e5: {  	v8 =	vmul.f32 v26, v8;
	v3 =	vadd.f32 v11, v3  }
0x3e6: {  	v59 =	vmul.f32 v24, v15;
	v5 =	vadd.f32 v5, v7  }
0x3e7: {  	v60 =	vmul.f32 v24, v16;
	v3 =	vadd.f32 v3, v8  }
0x3e8: {  	v5 =	vadd.f32 v5, v59  }
0x3e9: {  	v3 =	vadd.f32 v3, v60  }
0x3ea: {  	v5 =	vmax.f32 v5, $0.0e+00  }
0x3eb: {  	v3 =	vmax.f32 v3, $0.0e+00;
	[tilespmem:s28+$0x83C0] =	vst v5  }
0x3ec: {  	[tilespmem:s28+$0x83D0] =	vst v3  }
0x3ed: {  	v3 =	vld [tilespmem:s15+$0x3FF0]  }
0x3ee: {  	v5 =	vld [tilespmem:s15+$0x5FF0];
	_ =	sdelay $0x4  }
0x3ef: {  	v2 =	vmul.f32 v27, v2;
	v61 =	vshll.u32 v3, $0x10;
	v62 =	vshll.u32 v5, $0x10  }
0x3f0: {  	v3 =	vand.u32 $0xFFFF0000, v3;
	v5 =	vand.u32 $0xFFFF0000, v5;
	v7 =	vadd.f32 v62, v61  }
0x3f1: {  	v1 =	vmul.f32 v27, v1;
	v3 =	vadd.f32 v5, v3  }
0x3f2: {  	v4 =	vmul.f32 v26, v4;
	v2 =	vadd.f32 v7, v2  }
0x3f3: {  	v1 =	vadd.f32 v3, v1;
	v3 =	vmul.f32 v26, v6  }
0x3f4: {  	v63 =	vmul.f32 v24, v9;
	v2 =	vadd.f32 v2, v4  }
0x3f5: {  	p3 =	por p2, p2;
	v1 =	vadd.f32 v1, v3;
	v3 =	vmul.f32 v24, v10  }
.Ltmp0:
0x3f6: {  	v2 =	vadd.f32 v2, v63;
	(pc) =	sbr.rel @p3 .LBB2_5-.Ltmp0, $4  }
0x3f7: {  	v1 =	vadd.f32 v1, v3  }
0x3f8: {  	v2 =	vmax.f32 v2, $0.0e+00  }
0x3f9: {  	v1 =	vmax.f32 v1, $0.0e+00;
	[tilespmem:s28+$0x83E0] =	vst v2  }
0x3fa: {  	p2 =	por $0x0, $0x0;
	[tilespmem:s28+$0x83F0] =	vst v1;
	s28 =	simm.s32 $0x10  }
.Ltmp1:
0x3fb: {  	(pc) =	sbr.rel @p1 .LBB2_4-.Ltmp1, $4  }
0x3fc: {  	s14 =	sshll.u32 s9, $0xC;
	s10 =	sand.u32 $0x3FFFFFE0, s10  }
0x3fd: {  	s28 =	sadd.s32 $0x4, s9;
	s9 =	simm.s32 $0x1;
	s14 =	sand.u32 $0x3FFFF000, s14  }
0x3fe: {  	p2 =	por $0x0, $0x0;
	s10 =	sadd.s32 s10, s4;
	s14 =	sadd.s32 $0x7C00, s14  }
0x3ff: {  	[spmem:s3] =	stream.indirect.scatter.add.f32 [tilespmem:s14], [sflag:s28], $0x80, s10, s26, $0xb8;
	[tilespmem:$0x1D980] =	vst v63  }
0x400: {  	s0 =	sadd.s32 $0x1, s0  }
0x401: {  	p0 =	sne.s32 s0, $0x28  }
.Ltmp2:
0x402: {  	_ = 	snop;
	(pc) =	sbr.rel @p0 .LBB2_3-.Ltmp2, $1  }
0x403: {  	_ =	sdelay $0x3  }
0x404: {  	s31 =	sadd.s32 $0x1, s31  }
0x405: {  	p0 =	sne.s32 s31, $0x4  }
.Ltmp3:
0x406: {  	_ = 	snop;
	(pc) =	sbr.rel @p0 .LBB2_2-.Ltmp3, $1  }
0x407: {  	_ =	sdelay $0x3  }
0x408: {  	s0 =	simm.s32 $0x4  }
0x409: {  	_ =	swait.ge [sflag:s0], $0x1000  }
0x40a: {  	[sflag:s0] =	ssyncset.done $0x0  }
0x40b: {  	[sflag:s0] =	ssyncadd.s32 $0xFFFFF000  }
0x40c: {  	_ =	swait.ge [sflag:s29], $0x1000  }
0x40d: {  	[sflag:s29] =	ssyncset.done $0x0  }
0x40e: {  	[sflag:s29] =	ssyncadd.s32 $0xFFFFF000  }
0x40f: {  	[bflag:$0x0] =	sbarrier.arrive $0xFFFF  }
0x410: {  	s28 =	rddreg [dreg:$0x6]  }
0x411: {  	[hbm:s28], [sflag:s11] =	dma.local [spmem:s16], $0x2780  }
0x412: {  	_ =	swait.ge [sflag:s17], $0x2780  }
0x413: {  	s30 =	sadd.s32 $0x1, s30;
	s31 =	rddreg [dreg:$0x7]  }
0x414: {  	p0 =	sne.s32 s30, s31  }
.Ltmp4:
0x415: {  	_ = 	snop;
	(pc) =	sbr.rel @p0 .LBB2_1-.Ltmp4, $3  }
0x416: {  	_ =	sdelay $0x1  }
0x417: {  	[sflag:s17] =	ssyncset.done $0x0  }
0x418: {  	[sflag:s17] =	ssyncadd.s32 $0xFFFFD880  }
0x419: {  	_ =	sfence.sel $0x180000  }
0x41a: {  	[bflag:$0x0] =	sbarrier.arrive $0xFFFF  }
0x41b: {  	_ =	strace $0x90000047  }
0x41c: {  	s0 =	stileid.u32;
	[bflag:$0x2] =	sbarrier.arrive $0xFFFF  }
0x41d: {  	p0 =	sne.s32 s0, $0x0;
	s0 =	rddreg [dreg:$0x3]  }
0x41e: {  	s0 =	sadd.s32 @!p0 $0x100000, s0  }
0x41f: {  	[sflag:s0] =	ssyncadd.tile.s32 @!p0 $0x1;
	_ =	shalt  }
.Lfunc_end2:
_tile_overlayer_lowered:
.L_overlay_start_2:
0x420: {  	(tag) =	ssettag $0x2  }
0x421: {  	s0 =	rddreg [dreg:$0x0];
	s2 =	stileid.u32  }
0x422: {  	s1 =	rddreg [dreg:$0x1];
	p0 =	sne.s32 s2, $0x0  }
0x423: {  	s3 =	rddreg [dreg:$0x2];
	[bflag:$0x3] =	sbarrier.arrive $0xFFFF;
	s2 =	simm.s32 @!p0 $0x1C06  }
0x424: {  	[timem:s3], [sflag:s2] =	dma.local @!p0 [hbm:s0], s1  }
0x425: {  	s0 =	simm.s32 @!p0 $0x6  }
0x426: {  	_ =	swait.ge @!p0 [sflag:s0], s1  }
0x427: {  	s1 =	ssub.s32 @!p0 $0x0, s1;
	[sflag:s0] =	ssyncset.done @!p0 $0x0  }
0x428: {  	[sflag:s0] =	ssyncadd.s32 @!p0 s1  }
0x429: {  	[bflag:$0x3] =	sbarrier.arrive $0xFFFF  }
0x42a: {  	_ =	shalt  }

</sc_bundles>
